<compile_context>
chip_gen: v7x
topology: tpu7x:2x2x1
jax: 0.10.2.dev20260603
libtpu: 0.0.44.dev20260713+nightly
codegen_flags: <defaults>
</compile_context>

<pallas_src>
import functools
import math

import jax
import jax.numpy as jnp
from jax import lax
from jax.experimental import pallas as pl
from jax.experimental.pallas import tpu as pltpu
from jax.experimental.pallas import tpu_sc as plsc

N = 10000
E = 320000
D = 128
ALPHA = 0.1
THETA = 0.5
EPS = 1e-5

NC = 2
NS = 16
NW = NC * NS
EPT = E // NW
K2 = 128
EPW = 10240
CH = EPW // K2
PADN = EPW - EPT
NPAD = 10240
RPT = NPAD // NS
DG = 16

RB = 400
GRID = N // RB

_mesh = plsc.VectorSubcoreMesh(core_axis_name="c", subcore_axis_name="s")


def _fill_vmem(buf, rows, width, value):
    def _row(i, carry):
        r = buf.at[i]
        for j in range(width // 16):
            r[pl.ds(16 * j, 16)] = jnp.full((16,), value, jnp.float32)
        return carry
    lax.fori_loop(0, rows, _row, 0)


def _zero_acc_slice(buf, acc, base):
    _fill_vmem(buf, K2, buf.shape[1], 0.0)
    for t in range(RPT // K2):
        pltpu.sync_copy(buf, acc.at[pl.ds(base + t * K2, K2)])


@functools.partial(
    pl.kernel,
    mesh=_mesh,
    out_type=jax.ShapeDtypeStruct((NC, NPAD, D), jnp.float32),
    scratch_types=[
        pltpu.VMEM((CH, K2), jnp.int32),
        pltpu.VMEM((K2,), jnp.int32),
        pltpu.VMEM((K2,), jnp.int32),
        pltpu.VMEM((K2,), jnp.int32),
        pltpu.VMEM((K2,), jnp.int32),
        pltpu.VMEM((K2, D), jnp.float32),
        pltpu.VMEM((K2, D), jnp.float32),
        pltpu.VMEM_SHARED((NPAD, D), jnp.float32),
        pltpu.SemaphoreType.DMA,
        pltpu.SemaphoreType.DMA,
        pltpu.SemaphoreType.DMA,
        pltpu.SemaphoreType.DMA,
        pltpu.SemaphoreType.DMA,
        pltpu.SemaphoreType.DMA,
    ],
)
def _sc_scatter_rows(x_hbm, srcf_hbm, dstp_hbm, out_hbm, didxp, si0, si1,
                     si2, si3, rows0, rows1, acc, sg0, sg1, sa0, sa1, sa2,
                     sa3):
    c = lax.axis_index("c")
    s = lax.axis_index("s")
    wid = c * NS + s
    base = s * RPT
    ebase = wid * EPW

    sidx = [si0, si1, si2, si3]
    sems = [sa0, sa1, sa2, sa3]
    rows = [rows0, rows1]
    gsem = [sg0, sg1]

    def icopy(n, b):
        pltpu.async_copy(srcf_hbm.at[pl.ds(ebase + n * K2, K2)], sidx[b],
                         sems[b])

    def iwait(n, b):
        pltpu.make_async_copy(srcf_hbm.at[pl.ds(ebase + n * K2, K2)],
                              sidx[b], sems[b]).wait()

    def gstart(n, ib, rb):
        pltpu.async_copy(x_hbm.at[sidx[ib]], rows[rb], gsem[rb])

    def gwait(n, ib, rb):
        pltpu.make_async_copy(x_hbm.at[sidx[ib]], rows[rb], gsem[rb]).wait()

    def scat(n, rb):
        pltpu.sync_copy(rows[rb], acc.at[didxp.at[n]], add=True)

    _zero_acc_slice(rows0, acc, base)

    pltpu.sync_copy(dstp_hbm.at[wid], didxp)

    plsc.subcore_barrier()

    icopy(0, 0)
    icopy(1, 1)
    icopy(2, 2)
    icopy(3, 3)
    iwait(0, 0)
    gstart(0, 0, 0)

    def _quad(j, carry):
        q = 4 * j
        gwait(q, 0, 0)
        iwait(q + 1, 1)
        gstart(q + 1, 1, 1)
        scat(q, 0)

        @pl.when(q + 4 < CH)
        def _():
            icopy(q + 4, 0)

        gwait(q + 1, 1, 1)
        iwait(q + 2, 2)
        gstart(q + 2, 2, 0)
        scat(q + 1, 1)

        @pl.when(q + 5 < CH)
        def _():
            icopy(q + 5, 1)

        gwait(q + 2, 2, 0)
        iwait(q + 3, 3)
        gstart(q + 3, 3, 1)
        scat(q + 2, 0)

        @pl.when(q + 6 < CH)
        def _():
            icopy(q + 6, 2)

        gwait(q + 3, 3, 1)

        @pl.when(q + 4 < CH)
        def _():
            iwait(q + 4, 0)
            gstart(q + 4, 0, 0)

        scat(q + 3, 1)

        @pl.when(q + 7 < CH)
        def _():
            icopy(q + 7, 3)

        return carry
    lax.fori_loop(0, CH // 4, _quad, 0)

    plsc.subcore_barrier()
    pltpu.sync_copy(acc.at[pl.ds(base, RPT)], out_hbm.at[c, pl.ds(base, RPT)])


@functools.partial(
    pl.kernel,
    mesh=_mesh,
    out_type=jax.ShapeDtypeStruct((NC, NPAD, DG), jnp.float32),
    scratch_types=[
        pltpu.VMEM((CH, K2), jnp.int32),
        pltpu.VMEM((K2, DG), jnp.float32),
        pltpu.VMEM_SHARED((NPAD, DG), jnp.float32),
    ],
)
def _sc_degree(dstp_hbm, out_hbm, didxp, ones_v, acc):
    c = lax.axis_index("c")
    s = lax.axis_index("s")
    wid = c * NS + s
    base = s * RPT

    _zero_acc_slice(ones_v, acc, base)
    _fill_vmem(ones_v, K2, DG, 1.0)

    pltpu.sync_copy(dstp_hbm.at[wid], didxp)

    plsc.subcore_barrier()

    def _step(i, carry):
        pltpu.sync_copy(ones_v, acc.at[didxp.at[i]], add=True)
        return carry
    lax.fori_loop(0, CH, _step, 0)

    plsc.subcore_barrier()
    pltpu.sync_copy(acc.at[pl.ds(base, RPT)], out_hbm.at[c, pl.ds(base, RPT)])



def _ka_body(x_ref, w_ref, degp_ref, h_ref, hp_ref):
    deg = degp_ref[0, :, 0:1] + degp_ref[1, :, 0:1] + 1.0
    dinv = lax.rsqrt(deg)
    h = jnp.dot(x_ref[...], w_ref[...], preferred_element_type=jnp.float32)
    h_ref[...] = h
    hp_ref[...] = h * dinv


def _kb_body(aggp_ref, hp_ref, degp_ref, b0_ref, x0_ref):
    deg = degp_ref[0, :, 0:1] + degp_ref[1, :, 0:1] + 1.0
    dinv = lax.rsqrt(deg)
    agg = aggp_ref[0] + aggp_ref[1] + hp_ref[...]
    x0_ref[...] = agg * dinv + b0_ref[...]


def _kc_body(beta, aggp_ref, x0_ref, w_ref, wjk_ref, jkin_ref, bias_ref,
             jkout_ref, z_ref, stats_ref):
    agg = aggp_ref[0] + aggp_ref[1]
    h = (1.0 - ALPHA) * agg + ALPHA * x0_ref[...]
    z = (1.0 - beta) * h + beta * jnp.dot(
        h, w_ref[...], preferred_element_type=jnp.float32)
    z_ref[...] = z
    jkout_ref[...] = jkin_ref[...] + bias_ref[...] + jnp.dot(
        z, wjk_ref[...], preferred_element_type=jnp.float32)

    @pl.when(pl.program_id(0) == 0)
    def _():
        stats_ref[...] = jnp.zeros_like(stats_ref)

    su = jnp.sum(z, axis=0, keepdims=True)
    sq = jnp.sum(z * z, axis=0, keepdims=True)
    upd = jnp.concatenate([su, sq, jnp.zeros((6, D), jnp.float32)], axis=0)
    stats_ref[...] = stats_ref[...] + upd


def _kbn_body(z_ref, stats_ref, g_ref, b_ref, out_ref):
    mu = stats_ref[0:1, :] * (1.0 / N)
    ms = stats_ref[1:2, :] * (1.0 / N)
    rstd = lax.rsqrt(ms - mu * mu + EPS)
    zn = (z_ref[...] - mu) * rstd * g_ref[...] + b_ref[...]
    out_ref[...] = jnp.maximum(zn, 0.0)


def _kcbn_body(beta, aggp_ref, x0_ref, w_ref, wjk_ref, jkin_ref, bias_ref,
               g_ref, b_ref, jkout_ref, xn_ref, zbuf, stats):
    p = pl.program_id(0)
    i = pl.program_id(1)

    @pl.when(p == 0)
    def _():
        agg = aggp_ref[0] + aggp_ref[1]
        h = (1.0 - ALPHA) * agg + ALPHA * x0_ref[...]
        z = (1.0 - beta) * h + beta * jnp.dot(
            h, w_ref[...], preferred_element_type=jnp.float32)
        zbuf[pl.ds(i * RB, RB), :] = z

        @pl.when(i == 0)
        def _():
            stats[...] = jnp.zeros_like(stats)

        su = jnp.sum(z, axis=0, keepdims=True)
        sq = jnp.sum(z * z, axis=0, keepdims=True)
        upd = jnp.concatenate([su, sq, jnp.zeros((6, D), jnp.float32)],
                              axis=0)
        stats[...] = stats[...] + upd

    @pl.when(p == 1)
    def _():
        z = zbuf[pl.ds(i * RB, RB), :]
        jkout_ref[...] = jkin_ref[...] + bias_ref[...] + jnp.dot(
            z, wjk_ref[...], preferred_element_type=jnp.float32)
        mu = stats[0:1, :] * (1.0 / N)
        ms = stats[1:2, :] * (1.0 / N)
        rstd = lax.rsqrt(ms - mu * mu + EPS)
        zn = (z - mu) * rstd * g_ref[...] + b_ref[...]
        xn_ref[...] = jnp.maximum(zn, 0.0)


_row = pl.BlockSpec((RB, D), lambda i: (i, 0))
_full = pl.BlockSpec((D, D), lambda i: (0, 0))
_brow = pl.BlockSpec((1, D), lambda i: (0, 0))
_degs = pl.BlockSpec((2, RB, DG), lambda i: (0, i, 0))
_aggs = pl.BlockSpec((2, RB, D), lambda i: (0, i, 0))
_stat = pl.BlockSpec((8, D), lambda i: (0, 0))
_rowD = jax.ShapeDtypeStruct((N, D), jnp.float32)

_call_a = pl.pallas_call(
    _ka_body, grid=(GRID,),
    in_specs=[_row, _full, _degs],
    out_specs=[_row, _row],
    out_shape=[_rowD, _rowD],
)

_call_b = pl.pallas_call(
    _kb_body, grid=(GRID,),
    in_specs=[_aggs, _row, _degs, _brow],
    out_specs=_row,
    out_shape=_rowD,
)

_call_c = [
    pl.pallas_call(
        functools.partial(_kc_body, float(math.log(THETA / (i + 1) + 1.0))),
        grid=(GRID,),
        in_specs=[_aggs, _row, _full, _full, _row, _brow],
        out_specs=[_row, _row, _stat],
        out_shape=[_rowD, _rowD, jax.ShapeDtypeStruct((8, D), jnp.float32)],
    )
    for i in range(4)
]

_call_bn = pl.pallas_call(
    _kbn_body, grid=(GRID,),
    in_specs=[_row, _stat, _brow, _brow],
    out_specs=_row,
    out_shape=_rowD,
)

_row2 = pl.BlockSpec((RB, D), lambda p, i: (i, 0))
_full2 = pl.BlockSpec((D, D), lambda p, i: (0, 0))
_brow2 = pl.BlockSpec((1, D), lambda p, i: (0, 0))
_aggs2 = pl.BlockSpec((2, RB, D), lambda p, i: (0, i, 0))

_call_cbn = [
    pl.pallas_call(
        functools.partial(_kcbn_body, float(math.log(THETA / (i + 1) + 1.0))),
        grid=(2, GRID),
        in_specs=[_aggs2, _row2, _full2, _full2, _row2, _brow2, _brow2,
                  _brow2],
        out_specs=[_row2, _row2],
        out_shape=[_rowD, _rowD],
        scratch_shapes=[pltpu.VMEM((N, D), jnp.float32),
                        pltpu.VMEM((8, D), jnp.float32)],
    )
    for i in range(3)
]


def kernel(x, edge_index, W0, b0, W1, W2, W3, W4, Wjk, bjk, gamma, beta):
    pada = jnp.arange(PADN, dtype=jnp.int32)
    s2 = edge_index[0].reshape(NW, EPT)
    d2 = edge_index[1].reshape(NW, EPT)
    sp = jnp.concatenate(
        [s2, jnp.broadcast_to(pada[None, :], (NW, PADN))], axis=1)
    dp = jnp.concatenate(
        [d2, jnp.broadcast_to((N + pada)[None, :], (NW, PADN))], axis=1)
    src = sp.reshape(NW * EPW)
    dst = dp.reshape(NW, CH, K2)

    degp = _sc_degree(dst)
    h, hp = _call_a(x, W0, degp)

    aggp = _sc_scatter_rows(hp, src, dst)
    x0 = _call_b(aggp, hp, degp, b0.reshape(1, D))

    zrow = jnp.zeros((1, D), jnp.float32)
    jk = jnp.zeros((N, D), jnp.float32)
    Ws = [W1, W2, W3, W4]
    z_in = x0
    for i in range(3):
        aggp = _sc_scatter_rows(z_in, src, dst)
        jk, z_in = _call_cbn[i](aggp, x0, Ws[i], Wjk[i * D:(i + 1) * D],
                                jk, zrow, gamma[i].reshape(1, D),
                                beta[i].reshape(1, D))
    aggp = _sc_scatter_rows(z_in, src, dst)
    jk, _z, _stats = _call_c[3](aggp, x0, Ws[3], Wjk[3 * D:4 * D], jk,
                                bjk.reshape(1, D))
    return jk

# --- scband reference (transcript-rebuilt; emitter-appended) ---
"""Pipeline reference for scband-gcniiwith-jk-58480274703251 (READ-ONLY COPY).

The authoritative reference and input builder live on the scoring server;
editing this copy changes nothing except your own understanding.
"""

import jax, jax.numpy as jnp
import numpy as np

N = 10000
E = 320000
D = 128
ALPHA = 0.1
THETA = 0.5
EPS = 1e-5


def setup_inputs(seed: int = 0):
    key = jax.random.key(seed)
    ks = jax.random.split(key, 16)
    s = float(1.0 / np.sqrt(D))
    sj = float(1.0 / np.sqrt(4 * D))
    inp = {}
    inp["x"] = jax.random.normal(ks[0], (N, D), dtype=jnp.float32)
    inp["edge_index"] = jax.random.randint(ks[1], (2, E), 0, N, dtype=jnp.int32)
    inp["W0"] = jax.random.uniform(ks[2], (D, D), jnp.float32, -s, s)
    inp["b0"] = jnp.zeros((D,), jnp.float32)
    inp["W1"] = jax.random.uniform(ks[3], (D, D), jnp.float32, -s, s)
    inp["W2"] = jax.random.uniform(ks[4], (D, D), jnp.float32, -s, s)
    inp["W3"] = jax.random.uniform(ks[5], (D, D), jnp.float32, -s, s)
    inp["W4"] = jax.random.uniform(ks[6], (D, D), jnp.float32, -s, s)
    inp["Wjk"] = jax.random.uniform(ks[7], (4 * D, D), jnp.float32, -sj, sj)
    inp["bjk"] = jnp.zeros((D,), jnp.float32)
    inp["gamma"] = jnp.ones((4, D), jnp.float32)
    inp["beta"] = jnp.zeros((4, D), jnp.float32)
    return inp


def _gcn_conv(x, edge_index, W, b):
    # PyG GCNConv: h = x @ W; add self loops; symmetric gcn_norm; scatter-add to dst; + bias
    h = x @ W
    src = edge_index[0]
    dst = edge_index[1]
    loop = jnp.arange(N, dtype=src.dtype)
    src2 = jnp.concatenate([src, loop])
    dst2 = jnp.concatenate([dst, loop])
    deg = jnp.zeros((N,), jnp.float32).at[dst2].add(1.0)
    dinv = jnp.where(deg > 0, 1.0 / jnp.sqrt(deg), 0.0)
    norm = dinv[src2] * dinv[dst2]
    out = jnp.zeros((N, h.shape[1]), jnp.float32).at[dst2].add(norm[:, None] * h[src2])
    return out + b


def _gcn2_conv(x, x0, edge_index, W, layer):
    # PyG GCN2Conv with normalize=False, shared_weights=True (weight2 is None):
    # agg[dst] += x[src]; h = (1-alpha)*agg + alpha*x0; out = (1-beta)*h + beta*(h @ W1)
    src = edge_index[0]
    dst = edge_index[1]
    agg = jnp.zeros_like(x).at[dst].add(x[src])
    h = agg * (1.0 - ALPHA) + ALPHA * x0
    bta = float(np.log(THETA / layer + 1.0))
    return (1.0 - bta) * h + bta * (h @ W)


def _bn_relu(z, g, b):
    # BatchNorm1d in training mode (fresh module, biased variance) followed by relu
    mean = jnp.mean(z, axis=0)
    var = jnp.mean((z - mean) ** 2, axis=0)
    z = (z - mean) / jnp.sqrt(var + EPS) * g + b
    return jax.nn.relu(z)


def reference(x, edge_index, W0, b0, W1, W2, W3, W4, Wjk, bjk, gamma, beta):
    z = _gcn_conv(x, edge_index, W0, b0)
    x0 = z
    zs = []
    Ws = [W1, W2, W3, W4]
    for i in range(4):
        # dropout p=0.0 is a no-op
        z = _gcn2_conv(z, x0, edge_index, Ws[i], i + 1)
        zs.append(z)
        z = _bn_relu(z, gamma[i], beta[i])
    # i == 3 triggers JumpingKnowledge('cat') over zs[0:4] (pre-batchnorm outputs),
    # overwriting the batchnormed z, followed by the final Linear(4*D -> D)
    z = jnp.concatenate(zs, axis=1)
    z = z @ Wjk + bjk
    return z

if __name__ == "__main__":
    import jax
    _d = setup_inputs()
    print(jax.jit(kernel)(*tuple(_d.values())))

</pallas_src>

<mosaic_0001>
#map = affine_map<(d0, d1) -> (0, 0)>
#map1 = affine_map<(d0, d1) -> (0)>
#map2 = affine_map<(d0, d1) -> (0, 0, 0)>
module attributes {stable_mosaic.version = 14 : i64} {
  func.func @_sc_scatter_rows(%arg0: i32, %arg1: i32, %arg2: memref<10000x128xf32, #tpu.memory_space<hbm>>, %arg3: memref<327680xi32, #tpu.memory_space<hbm>>, %arg4: memref<32x80x128xi32, #tpu.memory_space<hbm>>, %arg5: memref<2x10240x128xf32, #tpu.memory_space<hbm>>, %arg6: memref<80x128xi32, #tpu.memory_space<vmem>>, %arg7: memref<128xi32, #tpu.memory_space<vmem>>, %arg8: memref<128xi32, #tpu.memory_space<vmem>>, %arg9: memref<128xi32, #tpu.memory_space<vmem>>, %arg10: memref<128xi32, #tpu.memory_space<vmem>>, %arg11: memref<128x128xf32, #tpu.memory_space<vmem>>, %arg12: memref<128x128xf32, #tpu.memory_space<vmem>>, %arg13: memref<10240x128xf32, #tpu.memory_space<vmem_shared>>, %arg14: memref<!tpu.dma_semaphore, #tpu.memory_space<semaphore_mem>>, %arg15: memref<!tpu.dma_semaphore, #tpu.memory_space<semaphore_mem>>, %arg16: memref<!tpu.dma_semaphore, #tpu.memory_space<semaphore_mem>>, %arg17: memref<!tpu.dma_semaphore, #tpu.memory_space<semaphore_mem>>, %arg18: memref<!tpu.dma_semaphore, #tpu.memory_space<semaphore_mem>>, %arg19: memref<!tpu.dma_semaphore, #tpu.memory_space<semaphore_mem>>) attributes {dimension_semantics = [#tpu.dimension_semantics<core_parallel>, #tpu.dimension_semantics<subcore_parallel>], iteration_bounds = array<i64: 2, 16>, scalar_prefetch = 0 : i64, scratch_operands = 14 : i64, tpu.core_type = #tpu.core_type<sc_vector_subcore>, window_params = [{transform_indices = #map}, {transform_indices = #map1}, {transform_indices = #map2}, {transform_indices = #map2}]} {
    %mul3A = arith.constant 16 : i32
    %mul3A_0 = arith.muli %arg0, %mul3A : i32
    %add3A = arith.addi %mul3A_0, %arg1 : i32
    %mul3A_1 = arith.constant 640 : i32
    %mul3A_2 = arith.muli %arg1, %mul3A_1 : i32
    %mul3A_3 = arith.constant 10240 : i32
    %mul3A_4 = arith.muli %add3A, %mul3A_3 : i32
    %scan3A = arith.constant 0 : i32
    %scan3A_5 = arith.constant 0 : i32
    %scan3A_6 = arith.constant 128 : i32
    %scan3A_7 = arith.addi %scan3A_5, %scan3A_6 : i32
    %scan3A_8 = arith.constant 1 : i32
    scf.for %scan3A_48 = %scan3A_5 to %scan3A_7 step %scan3A_8  : i32 {
      %broadcast_in_dim3A = arith.constant 0.000000e+00 : f32
      %broadcast_in_dim3A_49 = vector.broadcast %broadcast_in_dim3A : f32 to vector<16xf32>
      %swap3A = arith.constant 0 : i32
      %swap3A_50 = tpu.memref_slice %arg11[%scan3A_48, %swap3A] : memref<128x128xf32, #tpu.memory_space<vmem>> -> memref<1x128xf32, #tpu.memory_space<vmem>>
      %swap3A_51 = tpu.memref_squeeze %swap3A_50 : memref<1x128xf32, #tpu.memory_space<vmem>> -> memref<128xf32, #tpu.memory_space<vmem>>
      %swap3A_52 = arith.constant 0 : index
      %swap3A_53 = tpu.vector_load %swap3A_51[%swap3A_52] {strides = array<i32>} : memref<128xf32, #tpu.memory_space<vmem>>, vector<16xf32>,
      %swap3A_54 = vector.shape_cast %swap3A_53 : vector<16xf32> to vector<16xf32>
      %swap3A_55 = vector.shape_cast %broadcast_in_dim3A_49 : vector<16xf32> to vector<16xf32>
      tpu.vector_store %swap3A_51[%swap3A_52], %swap3A_55 {strides = array<i32>} : memref<128xf32, #tpu.memory_space<vmem>>, vector<16xf32>,
      %broadcast_in_dim3A_56 = arith.constant 0.000000e+00 : f32
      %broadcast_in_dim3A_57 = vector.broadcast %broadcast_in_dim3A_56 : f32 to vector<16xf32>
      %swap3A_58 = arith.constant 0 : i32
      %swap3A_59 = tpu.memref_slice %arg11[%scan3A_48, %swap3A_58] : memref<128x128xf32, #tpu.memory_space<vmem>> -> memref<1x128xf32, #tpu.memory_space<vmem>>
      %swap3A_60 = tpu.memref_squeeze %swap3A_59 : memref<1x128xf32, #tpu.memory_space<vmem>> -> memref<128xf32, #tpu.memory_space<vmem>>
      %swap3A_61 = arith.constant 16 : index
      %swap3A_62 = tpu.vector_load %swap3A_60[%swap3A_61] {strides = array<i32>} : memref<128xf32, #tpu.memory_space<vmem>>, vector<16xf32>,
      %swap3A_63 = vector.shape_cast %swap3A_62 : vector<16xf32> to vector<16xf32>
      %swap3A_64 = vector.shape_cast %broadcast_in_dim3A_57 : vector<16xf32> to vector<16xf32>
      tpu.vector_store %swap3A_60[%swap3A_61], %swap3A_64 {strides = array<i32>} : memref<128xf32, #tpu.memory_space<vmem>>, vector<16xf32>,
      %broadcast_in_dim3A_65 = arith.constant 0.000000e+00 : f32
      %broadcast_in_dim3A_66 = vector.broadcast %broadcast_in_dim3A_65 : f32 to vector<16xf32>
      %swap3A_67 = arith.constant 0 : i32
      %swap3A_68 = tpu.memref_slice %arg11[%scan3A_48, %swap3A_67] : memref<128x128xf32, #tpu.memory_space<vmem>> -> memref<1x128xf32, #tpu.memory_space<vmem>>
      %swap3A_69 = tpu.memref_squeeze %swap3A_68 : memref<1x128xf32, #tpu.memory_space<vmem>> -> memref<128xf32, #tpu.memory_space<vmem>>
      %swap3A_70 = arith.constant 32 : index
      %swap3A_71 = tpu.vector_load %swap3A_69[%swap3A_70] {strides = array<i32>} : memref<128xf32, #tpu.memory_space<vmem>>, vector<16xf32>,
      %swap3A_72 = vector.shape_cast %swap3A_71 : vector<16xf32> to vector<16xf32>
      %swap3A_73 = vector.shape_cast %broadcast_in_dim3A_66 : vector<16xf32> to vector<16xf32>
      tpu.vector_store %swap3A_69[%swap3A_70], %swap3A_73 {strides = array<i32>} : memref<128xf32, #tpu.memory_space<vmem>>, vector<16xf32>,
      %broadcast_in_dim3A_74 = arith.constant 0.000000e+00 : f32
      %broadcast_in_dim3A_75 = vector.broadcast %broadcast_in_dim3A_74 : f32 to vector<16xf32>
      %swap3A_76 = arith.constant 0 : i32
      %swap3A_77 = tpu.memref_slice %arg11[%scan3A_48, %swap3A_76] : memref<128x128xf32, #tpu.memory_space<vmem>> -> memref<1x128xf32, #tpu.memory_space<vmem>>
      %swap3A_78 = tpu.memref_squeeze %swap3A_77 : memref<1x128xf32, #tpu.memory_space<vmem>> -> memref<128xf32, #tpu.memory_space<vmem>>
      %swap3A_79 = arith.constant 48 : index
      %swap3A_80 = tpu.vector_load %swap3A_78[%swap3A_79] {strides = array<i32>} : memref<128xf32, #tpu.memory_space<vmem>>, vector<16xf32>,
      %swap3A_81 = vector.shape_cast %swap3A_80 : vector<16xf32> to vector<16xf32>
      %swap3A_82 = vector.shape_cast %broadcast_in_dim3A_75 : vector<16xf32> to vector<16xf32>
      tpu.vector_store %swap3A_78[%swap3A_79], %swap3A_82 {strides = array<i32>} : memref<128xf32, #tpu.memory_space<vmem>>, vector<16xf32>,
      %broadcast_in_dim3A_83 = arith.constant 0.000000e+00 : f32
      %broadcast_in_dim3A_84 = vector.broadcast %broadcast_in_dim3A_83 : f32 to vector<16xf32>
      %swap3A_85 = arith.constant 0 : i32
      %swap3A_86 = tpu.memref_slice %arg11[%scan3A_48, %swap3A_85] : memref<128x128xf32, #tpu.memory_space<vmem>> -> memref<1x128xf32, #tpu.memory_space<vmem>>
      %swap3A_87 = tpu.memref_squeeze %swap3A_86 : memref<1x128xf32, #tpu.memory_space<vmem>> -> memref<128xf32, #tpu.memory_space<vmem>>
      %swap3A_88 = arith.constant 64 : index
      %swap3A_89 = tpu.vector_load %swap3A_87[%swap3A_88] {strides = array<i32>} : memref<128xf32, #tpu.memory_space<vmem>>, vector<16xf32>,
      %swap3A_90 = vector.shape_cast %swap3A_89 : vector<16xf32> to vector<16xf32>
      %swap3A_91 = vector.shape_cast %broadcast_in_dim3A_84 : vector<16xf32> to vector<16xf32>
      tpu.vector_store %swap3A_87[%swap3A_88], %swap3A_91 {strides = array<i32>} : memref<128xf32, #tpu.memory_space<vmem>>, vector<16xf32>,
      %broadcast_in_dim3A_92 = arith.constant 0.000000e+00 : f32
      %broadcast_in_dim3A_93 = vector.broadcast %broadcast_in_dim3A_92 : f32 to vector<16xf32>
      %swap3A_94 = arith.constant 0 : i32
      %swap3A_95 = tpu.memref_slice %arg11[%scan3A_48, %swap3A_94] : memref<128x128xf32, #tpu.memory_space<vmem>> -> memref<1x128xf32, #tpu.memory_space<vmem>>
      %swap3A_96 = tpu.memref_squeeze %swap3A_95 : memref<1x128xf32, #tpu.memory_space<vmem>> -> memref<128xf32, #tpu.memory_space<vmem>>
      %swap3A_97 = arith.constant 80 : index
      %swap3A_98 = tpu.vector_load %swap3A_96[%swap3A_97] {strides = array<i32>} : memref<128xf32, #tpu.memory_space<vmem>>, vector<16xf32>,
      %swap3A_99 = vector.shape_cast %swap3A_98 : vector<16xf32> to vector<16xf32>
      %swap3A_100 = vector.shape_cast %broadcast_in_dim3A_93 : vector<16xf32> to vector<16xf32>
      tpu.vector_store %swap3A_96[%swap3A_97], %swap3A_100 {strides = array<i32>} : memref<128xf32, #tpu.memory_space<vmem>>, vector<16xf32>,
      %broadcast_in_dim3A_101 = arith.constant 0.000000e+00 : f32
      %broadcast_in_dim3A_102 = vector.broadcast %broadcast_in_dim3A_101 : f32 to vector<16xf32>
      %swap3A_103 = arith.constant 0 : i32
      %swap3A_104 = tpu.memref_slice %arg11[%scan3A_48, %swap3A_103] : memref<128x128xf32, #tpu.memory_space<vmem>> -> memref<1x128xf32, #tpu.memory_space<vmem>>
      %swap3A_105 = tpu.memref_squeeze %swap3A_104 : memref<1x128xf32, #tpu.memory_space<vmem>> -> memref<128xf32, #tpu.memory_space<vmem>>
      %swap3A_106 = arith.constant 96 : index
      %swap3A_107 = tpu.vector_load %swap3A_105[%swap3A_106] {strides = array<i32>} : memref<128xf32, #tpu.memory_space<vmem>>, vector<16xf32>,
      %swap3A_108 = vector.shape_cast %swap3A_107 : vector<16xf32> to vector<16xf32>
      %swap3A_109 = vector.shape_cast %broadcast_in_dim3A_102 : vector<16xf32> to vector<16xf32>
      tpu.vector_store %swap3A_105[%swap3A_106], %swap3A_109 {strides = array<i32>} : memref<128xf32, #tpu.memory_space<vmem>>, vector<16xf32>,
      %broadcast_in_dim3A_110 = arith.constant 0.000000e+00 : f32
      %broadcast_in_dim3A_111 = vector.broadcast %broadcast_in_dim3A_110 : f32 to vector<16xf32>
      %swap3A_112 = arith.constant 0 : i32
      %swap3A_113 = tpu.memref_slice %arg11[%scan3A_48, %swap3A_112] : memref<128x128xf32, #tpu.memory_space<vmem>> -> memref<1x128xf32, #tpu.memory_space<vmem>>
      %swap3A_114 = tpu.memref_squeeze %swap3A_113 : memref<1x128xf32, #tpu.memory_space<vmem>> -> memref<128xf32, #tpu.memory_space<vmem>>
      %swap3A_115 = arith.constant 112 : index
      %swap3A_116 = tpu.vector_load %swap3A_114[%swap3A_115] {strides = array<i32>} : memref<128xf32, #tpu.memory_space<vmem>>, vector<16xf32>,
      %swap3A_117 = vector.shape_cast %swap3A_116 : vector<16xf32> to vector<16xf32>
      %swap3A_118 = vector.shape_cast %broadcast_in_dim3A_111 : vector<16xf32> to vector<16xf32>
      tpu.vector_store %swap3A_114[%swap3A_115], %swap3A_118 {strides = array<i32>} : memref<128xf32, #tpu.memory_space<vmem>>, vector<16xf32>,
    }
    %scan3A_9 = arith.constant 128 : i32
    %add3A_10 = arith.constant 0 : i32
    %add3A_11 = arith.addi %mul3A_2, %add3A_10 : i32
    "tpu.region"() ({
      %run_scoped3A = tpu.sem_alloc : memref<!tpu.dma_semaphore, #tpu.memory_space<semaphore_mem>>
      %dma_start3A_48 = arith.constant 0 : i32
      %dma_start3A_49 = tpu.memref_slice %arg13[%add3A_11, %dma_start3A_48] : memref<10240x128xf32, #tpu.memory_space<vmem_shared>> -> memref<128x128xf32, #tpu.memory_space<vmem_shared>>
      %dma_start3A_50 = arith.constant 0 : i32
      %dma_start3A_51 = tpu.memref_slice %arg13[%add3A_11, %dma_start3A_50] : memref<10240x128xf32, #tpu.memory_space<vmem_shared>> -> memref<128x128xf32, #tpu.memory_space<vmem_shared>>
      tpu.enqueue_dma source(%arg11 : memref<128x128xf32, #tpu.memory_space<vmem>>) target(%dma_start3A_51 : memref<128x128xf32, #tpu.memory_space<vmem_shared>>) target_semaphore(%run_scoped3A : memref<!tpu.dma_semaphore, #tpu.memory_space<semaphore_mem>>)
      %dma_wait3A_52 = arith.constant 0 : i32
      %dma_wait3A_53 = tpu.memref_slice %arg13[%add3A_11, %dma_wait3A_52] : memref<10240x128xf32, #tpu.memory_space<vmem_shared>> -> memref<128x128xf32, #tpu.memory_space<vmem_shared>>
      %dma_wait3A_54 = arith.constant 0 : i32
      %dma_wait3A_55 = tpu.memref_slice %arg13[%add3A_11, %dma_wait3A_54] : memref<10240x128xf32, #tpu.memory_space<vmem_shared>> -> memref<128x128xf32, #tpu.memory_space<vmem_shared>>
      tpu.wait_dma2 semaphore(%run_scoped3A : memref<!tpu.dma_semaphore, #tpu.memory_space<semaphore_mem>>) src(%arg11 : memref<128x128xf32, #tpu.memory_space<vmem>>) dst(%dma_wait3A_55 : memref<128x128xf32, #tpu.memory_space<vmem_shared>>)
      tpu.yield
    }) : () -> ()
    %add3A_12 = arith.constant 128 : i32
    %add3A_13 = arith.addi %mul3A_2, %add3A_12 : i32
    "tpu.region"() ({
      %run_scoped3A = tpu.sem_alloc : memref<!tpu.dma_semaphore, #tpu.memory_space<semaphore_mem>>
      %dma_start3A_48 = arith.constant 0 : i32
      %dma_start3A_49 = tpu.memref_slice %arg13[%add3A_13, %dma_start3A_48] : memref<10240x128xf32, #tpu.memory_space<vmem_shared>> -> memref<128x128xf32, #tpu.memory_space<vmem_shared>>
      %dma_start3A_50 = arith.constant 0 : i32
      %dma_start3A_51 = tpu.memref_slice %arg13[%add3A_13, %dma_start3A_50] : memref<10240x128xf32, #tpu.memory_space<vmem_shared>> -> memref<128x128xf32, #tpu.memory_space<vmem_shared>>
      tpu.enqueue_dma source(%arg11 : memref<128x128xf32, #tpu.memory_space<vmem>>) target(%dma_start3A_51 : memref<128x128xf32, #tpu.memory_space<vmem_shared>>) target_semaphore(%run_scoped3A : memref<!tpu.dma_semaphore, #tpu.memory_space<semaphore_mem>>)
      %dma_wait3A_52 = arith.constant 0 : i32
      %dma_wait3A_53 = tpu.memref_slice %arg13[%add3A_13, %dma_wait3A_52] : memref<10240x128xf32, #tpu.memory_space<vmem_shared>> -> memref<128x128xf32, #tpu.memory_space<vmem_shared>>
      %dma_wait3A_54 = arith.constant 0 : i32
      %dma_wait3A_55 = tpu.memref_slice %arg13[%add3A_13, %dma_wait3A_54] : memref<10240x128xf32, #tpu.memory_space<vmem_shared>> -> memref<128x128xf32, #tpu.memory_space<vmem_shared>>
      tpu.wait_dma2 semaphore(%run_scoped3A : memref<!tpu.dma_semaphore, #tpu.memory_space<semaphore_mem>>) src(%arg11 : memref<128x128xf32, #tpu.memory_space<vmem>>) dst(%dma_wait3A_55 : memref<128x128xf32, #tpu.memory_space<vmem_shared>>)
      tpu.yield
    }) : () -> ()
    %add3A_14 = arith.constant 256 : i32
    %add3A_15 = arith.addi %mul3A_2, %add3A_14 : i32
    "tpu.region"() ({
      %run_scoped3A = tpu.sem_alloc : memref<!tpu.dma_semaphore, #tpu.memory_space<semaphore_mem>>
      %dma_start3A_48 = arith.constant 0 : i32
      %dma_start3A_49 = tpu.memref_slice %arg13[%add3A_15, %dma_start3A_48] : memref<10240x128xf32, #tpu.memory_space<vmem_shared>> -> memref<128x128xf32, #tpu.memory_space<vmem_shared>>
      %dma_start3A_50 = arith.constant 0 : i32
      %dma_start3A_51 = tpu.memref_slice %arg13[%add3A_15, %dma_start3A_50] : memref<10240x128xf32, #tpu.memory_space<vmem_shared>> -> memref<128x128xf32, #tpu.memory_space<vmem_shared>>
      tpu.enqueue_dma source(%arg11 : memref<128x128xf32, #tpu.memory_space<vmem>>) target(%dma_start3A_51 : memref<128x128xf32, #tpu.memory_space<vmem_shared>>) target_semaphore(%run_scoped3A : memref<!tpu.dma_semaphore, #tpu.memory_space<semaphore_mem>>)
      %dma_wait3A_52 = arith.constant 0 : i32
      %dma_wait3A_53 = tpu.memref_slice %arg13[%add3A_15, %dma_wait3A_52] : memref<10240x128xf32, #tpu.memory_space<vmem_shared>> -> memref<128x128xf32, #tpu.memory_space<vmem_shared>>
      %dma_wait3A_54 = arith.constant 0 : i32
      %dma_wait3A_55 = tpu.memref_slice %arg13[%add3A_15, %dma_wait3A_54] : memref<10240x128xf32, #tpu.memory_space<vmem_shared>> -> memref<128x128xf32, #tpu.memory_space<vmem_shared>>
      tpu.wait_dma2 semaphore(%run_scoped3A : memref<!tpu.dma_semaphore, #tpu.memory_space<semaphore_mem>>) src(%arg11 : memref<128x128xf32, #tpu.memory_space<vmem>>) dst(%dma_wait3A_55 : memref<128x128xf32, #tpu.memory_space<vmem_shared>>)
      tpu.yield
    }) : () -> ()
    %add3A_16 = arith.constant 384 : i32
    %add3A_17 = arith.addi %mul3A_2, %add3A_16 : i32
    "tpu.region"() ({
      %run_scoped3A = tpu.sem_alloc : memref<!tpu.dma_semaphore, #tpu.memory_space<semaphore_mem>>
      %dma_start3A_48 = arith.constant 0 : i32
      %dma_start3A_49 = tpu.memref_slice %arg13[%add3A_17, %dma_start3A_48] : memref<10240x128xf32, #tpu.memory_space<vmem_shared>> -> memref<128x128xf32, #tpu.memory_space<vmem_shared>>
      %dma_start3A_50 = arith.constant 0 : i32
      %dma_start3A_51 = tpu.memref_slice %arg13[%add3A_17, %dma_start3A_50] : memref<10240x128xf32, #tpu.memory_space<vmem_shared>> -> memref<128x128xf32, #tpu.memory_space<vmem_shared>>
      tpu.enqueue_dma source(%arg11 : memref<128x128xf32, #tpu.memory_space<vmem>>) target(%dma_start3A_51 : memref<128x128xf32, #tpu.memory_space<vmem_shared>>) target_semaphore(%run_scoped3A : memref<!tpu.dma_semaphore, #tpu.memory_space<semaphore_mem>>)
      %dma_wait3A_52 = arith.constant 0 : i32
      %dma_wait3A_53 = tpu.memref_slice %arg13[%add3A_17, %dma_wait3A_52] : memref<10240x128xf32, #tpu.memory_space<vmem_shared>> -> memref<128x128xf32, #tpu.memory_space<vmem_shared>>
      %dma_wait3A_54 = arith.constant 0 : i32
      %dma_wait3A_55 = tpu.memref_slice %arg13[%add3A_17, %dma_wait3A_54] : memref<10240x128xf32, #tpu.memory_space<vmem_shared>> -> memref<128x128xf32, #tpu.memory_space<vmem_shared>>
      tpu.wait_dma2 semaphore(%run_scoped3A : memref<!tpu.dma_semaphore, #tpu.memory_space<semaphore_mem>>) src(%arg11 : memref<128x128xf32, #tpu.memory_space<vmem>>) dst(%dma_wait3A_55 : memref<128x128xf32, #tpu.memory_space<vmem_shared>>)
      tpu.yield
    }) : () -> ()
    %add3A_18 = arith.constant 512 : i32
    %add3A_19 = arith.addi %mul3A_2, %add3A_18 : i32
    "tpu.region"() ({
      %run_scoped3A = tpu.sem_alloc : memref<!tpu.dma_semaphore, #tpu.memory_space<semaphore_mem>>
      %dma_start3A_48 = arith.constant 0 : i32
      %dma_start3A_49 = tpu.memref_slice %arg13[%add3A_19, %dma_start3A_48] : memref<10240x128xf32, #tpu.memory_space<vmem_shared>> -> memref<128x128xf32, #tpu.memory_space<vmem_shared>>
      %dma_start3A_50 = arith.constant 0 : i32
      %dma_start3A_51 = tpu.memref_slice %arg13[%add3A_19, %dma_start3A_50] : memref<10240x128xf32, #tpu.memory_space<vmem_shared>> -> memref<128x128xf32, #tpu.memory_space<vmem_shared>>
      tpu.enqueue_dma source(%arg11 : memref<128x128xf32, #tpu.memory_space<vmem>>) target(%dma_start3A_51 : memref<128x128xf32, #tpu.memory_space<vmem_shared>>) target_semaphore(%run_scoped3A : memref<!tpu.dma_semaphore, #tpu.memory_space<semaphore_mem>>)
      %dma_wait3A_52 = arith.constant 0 : i32
      %dma_wait3A_53 = tpu.memref_slice %arg13[%add3A_19, %dma_wait3A_52] : memref<10240x128xf32, #tpu.memory_space<vmem_shared>> -> memref<128x128xf32, #tpu.memory_space<vmem_shared>>
      %dma_wait3A_54 = arith.constant 0 : i32
      %dma_wait3A_55 = tpu.memref_slice %arg13[%add3A_19, %dma_wait3A_54] : memref<10240x128xf32, #tpu.memory_space<vmem_shared>> -> memref<128x128xf32, #tpu.memory_space<vmem_shared>>
      tpu.wait_dma2 semaphore(%run_scoped3A : memref<!tpu.dma_semaphore, #tpu.memory_space<semaphore_mem>>) src(%arg11 : memref<128x128xf32, #tpu.memory_space<vmem>>) dst(%dma_wait3A_55 : memref<128x128xf32, #tpu.memory_space<vmem_shared>>)
      tpu.yield
    }) : () -> ()
    "tpu.region"() ({
      %run_scoped3A = tpu.sem_alloc : memref<!tpu.dma_semaphore, #tpu.memory_space<semaphore_mem>>
      %dma_start3A_48 = arith.constant 0 : i32
      %dma_start3A_49 = arith.constant 0 : i32
      %dma_start3A_50 = tpu.memref_slice %arg4[%add3A, %dma_start3A_48, %dma_start3A_49] : memref<32x80x128xi32, #tpu.memory_space<hbm>> -> memref<1x80x128xi32, #tpu.memory_space<hbm>>
      %dma_start3A_51 = tpu.memref_squeeze %dma_start3A_50 : memref<1x80x128xi32, #tpu.memory_space<hbm>> -> memref<80x128xi32, #tpu.memory_space<hbm>>
      %dma_start3A_52 = arith.constant 0 : i32
      %dma_start3A_53 = arith.constant 0 : i32
      %dma_start3A_54 = tpu.memref_slice %arg4[%add3A, %dma_start3A_52, %dma_start3A_53] : memref<32x80x128xi32, #tpu.memory_space<hbm>> -> memref<1x80x128xi32, #tpu.memory_space<hbm>>
      %dma_start3A_55 = tpu.memref_squeeze %dma_start3A_54 : memref<1x80x128xi32, #tpu.memory_space<hbm>> -> memref<80x128xi32, #tpu.memory_space<hbm>>
      tpu.enqueue_dma source(%dma_start3A_55 : memref<80x128xi32, #tpu.memory_space<hbm>>) target(%arg6 : memref<80x128xi32, #tpu.memory_space<vmem>>) target_semaphore(%run_scoped3A : memref<!tpu.dma_semaphore, #tpu.memory_space<semaphore_mem>>)
      %dma_wait3A_56 = arith.constant 0 : i32
      %dma_wait3A_57 = arith.constant 0 : i32
      %dma_wait3A_58 = tpu.memref_slice %arg4[%add3A, %dma_wait3A_56, %dma_wait3A_57] : memref<32x80x128xi32, #tpu.memory_space<hbm>> -> memref<1x80x128xi32, #tpu.memory_space<hbm>>
      %dma_wait3A_59 = tpu.memref_squeeze %dma_wait3A_58 : memref<1x80x128xi32, #tpu.memory_space<hbm>> -> memref<80x128xi32, #tpu.memory_space<hbm>>
      %dma_wait3A_60 = arith.constant 0 : i32
      %dma_wait3A_61 = arith.constant 0 : i32
      %dma_wait3A_62 = tpu.memref_slice %arg4[%add3A, %dma_wait3A_60, %dma_wait3A_61] : memref<32x80x128xi32, #tpu.memory_space<hbm>> -> memref<1x80x128xi32, #tpu.memory_space<hbm>>
      %dma_wait3A_63 = tpu.memref_squeeze %dma_wait3A_62 : memref<1x80x128xi32, #tpu.memory_space<hbm>> -> memref<80x128xi32, #tpu.memory_space<hbm>>
      tpu.wait_dma2 semaphore(%run_scoped3A : memref<!tpu.dma_semaphore, #tpu.memory_space<semaphore_mem>>) src(%dma_wait3A_63 : memref<80x128xi32, #tpu.memory_space<hbm>>) dst(%arg6 : memref<80x128xi32, #tpu.memory_space<vmem>>)
      tpu.yield
    }) : () -> ()
    %barrier3A = arith.constant 0 : index
    tpu.barrier barrier_id(%barrier3A)
    %add3A_20 = arith.constant 0 : i32
    %add3A_21 = arith.addi %mul3A_4, %add3A_20 : i32
    %dma_start3A = tpu.memref_slice %arg3[%add3A_21] : memref<327680xi32, #tpu.memory_space<hbm>> -> memref<128xi32, #tpu.memory_space<hbm>>
    %dma_start3A_22 = tpu.memref_slice %arg3[%add3A_21] : memref<327680xi32, #tpu.memory_space<hbm>> -> memref<128xi32, #tpu.memory_space<hbm>>
    tpu.enqueue_dma source(%dma_start3A_22 : memref<128xi32, #tpu.memory_space<hbm>>) target(%arg7 : memref<128xi32, #tpu.memory_space<vmem>>) target_semaphore(%arg16 : memref<!tpu.dma_semaphore, #tpu.memory_space<semaphore_mem>>)
    %add3A_23 = arith.constant 128 : i32
    %add3A_24 = arith.addi %mul3A_4, %add3A_23 : i32
    %dma_start3A_25 = tpu.memref_slice %arg3[%add3A_24] : memref<327680xi32, #tpu.memory_space<hbm>> -> memref<128xi32, #tpu.memory_space<hbm>>
    %dma_start3A_26 = tpu.memref_slice %arg3[%add3A_24] : memref<327680xi32, #tpu.memory_space<hbm>> -> memref<128xi32, #tpu.memory_space<hbm>>
    tpu.enqueue_dma source(%dma_start3A_26 : memref<128xi32, #tpu.memory_space<hbm>>) target(%arg8 : memref<128xi32, #tpu.memory_space<vmem>>) target_semaphore(%arg17 : memref<!tpu.dma_semaphore, #tpu.memory_space<semaphore_mem>>)
    %add3A_27 = arith.constant 256 : i32
    %add3A_28 = arith.addi %mul3A_4, %add3A_27 : i32
    %dma_start3A_29 = tpu.memref_slice %arg3[%add3A_28] : memref<327680xi32, #tpu.memory_space<hbm>> -> memref<128xi32, #tpu.memory_space<hbm>>
    %dma_start3A_30 = tpu.memref_slice %arg3[%add3A_28] : memref<327680xi32, #tpu.memory_space<hbm>> -> memref<128xi32, #tpu.memory_space<hbm>>
    tpu.enqueue_dma source(%dma_start3A_30 : memref<128xi32, #tpu.memory_space<hbm>>) target(%arg9 : memref<128xi32, #tpu.memory_space<vmem>>) target_semaphore(%arg18 : memref<!tpu.dma_semaphore, #tpu.memory_space<semaphore_mem>>)
    %add3A_31 = arith.constant 384 : i32
    %add3A_32 = arith.addi %mul3A_4, %add3A_31 : i32
    %dma_start3A_33 = tpu.memref_slice %arg3[%add3A_32] : memref<327680xi32, #tpu.memory_space<hbm>> -> memref<128xi32, #tpu.memory_space<hbm>>
    %dma_start3A_34 = tpu.memref_slice %arg3[%add3A_32] : memref<327680xi32, #tpu.memory_space<hbm>> -> memref<128xi32, #tpu.memory_space<hbm>>
    tpu.enqueue_dma source(%dma_start3A_34 : memref<128xi32, #tpu.memory_space<hbm>>) target(%arg10 : memref<128xi32, #tpu.memory_space<vmem>>) target_semaphore(%arg19 : memref<!tpu.dma_semaphore, #tpu.memory_space<semaphore_mem>>)
    %add3A_35 = arith.constant 0 : i32
    %add3A_36 = arith.addi %mul3A_4, %add3A_35 : i32
    %dma_wait3A = tpu.memref_slice %arg3[%add3A_36] : memref<327680xi32, #tpu.memory_space<hbm>> -> memref<128xi32, #tpu.memory_space<hbm>>
    %dma_wait3A_37 = tpu.memref_slice %arg3[%add3A_36] : memref<327680xi32, #tpu.memory_space<hbm>> -> memref<128xi32, #tpu.memory_space<hbm>>
    tpu.wait_dma2 semaphore(%arg16 : memref<!tpu.dma_semaphore, #tpu.memory_space<semaphore_mem>>) src(%dma_wait3A_37 : memref<128xi32, #tpu.memory_space<hbm>>) dst(%arg7 : memref<128xi32, #tpu.memory_space<vmem>>)
    %dma_start3A_38 = arith.constant 0 : i32
    %dma_start3A_39 = arith.constant 0 : i32
    %dma_start3A_40 = tpu.memref_slice %arg2[%dma_start3A_38, %dma_start3A_39] : memref<10000x128xf32, #tpu.memory_space<hbm>> -> memref<10000x128xf32, #tpu.memory_space<hbm>>
    tpu.enqueue_indirect_dma source(%dma_start3A_40 : memref<10000x128xf32, #tpu.memory_space<hbm>>) target(%arg11 : memref<128x128xf32, #tpu.memory_space<vmem>>) offsets(%arg7 : memref<128xi32, #tpu.memory_space<vmem>>) semaphore(%arg14 : memref<!tpu.dma_semaphore, #tpu.memory_space<semaphore_mem>>)
    %scan3A_41 = arith.constant 0 : i32
    %scan3A_42 = arith.constant 0 : i32
    %scan3A_43 = arith.constant 20 : i32
    %scan3A_44 = arith.addi %scan3A_42, %scan3A_43 : i32
    %scan3A_45 = arith.constant 1 : i32
    scf.for %scan3A_48 = %scan3A_42 to %scan3A_44 step %scan3A_45  : i32 {
      %mul3A_49 = arith.constant 4 : i32
      %mul3A_50 = arith.muli %mul3A_49, %scan3A_48 : i32
      %dma_wait3A_51 = arith.constant 0 : i32
      %dma_wait3A_52 = arith.constant 0 : i32
      %dma_wait3A_53 = tpu.memref_slice %arg2[%dma_wait3A_51, %dma_wait3A_52] : memref<10000x128xf32, #tpu.memory_space<hbm>> -> memref<10000x128xf32, #tpu.memory_space<hbm>>
      tpu.wait_indirect_dma semaphore(%arg14 : memref<!tpu.dma_semaphore, #tpu.memory_space<semaphore_mem>>) src(%dma_wait3A_53 : memref<10000x128xf32, #tpu.memory_space<hbm>>) dst(%arg11 : memref<128x128xf32, #tpu.memory_space<vmem>>)
      %add3A_54 = arith.constant 1 : i32
      %add3A_55 = arith.addi %mul3A_50, %add3A_54 : i32
      %mul3A_56 = arith.constant 128 : i32
      %mul3A_57 = arith.muli %add3A_55, %mul3A_56 : i32
      %add3A_58 = arith.addi %mul3A_4, %mul3A_57 : i32
      %dma_wait3A_59 = tpu.memref_slice %arg3[%add3A_58] : memref<327680xi32, #tpu.memory_space<hbm>> -> memref<128xi32, #tpu.memory_space<hbm>>
      %dma_wait3A_60 = tpu.memref_slice %arg3[%add3A_58] : memref<327680xi32, #tpu.memory_space<hbm>> -> memref<128xi32, #tpu.memory_space<hbm>>
      tpu.wait_dma2 semaphore(%arg17 : memref<!tpu.dma_semaphore, #tpu.memory_space<semaphore_mem>>) src(%dma_wait3A_60 : memref<128xi32, #tpu.memory_space<hbm>>) dst(%arg8 : memref<128xi32, #tpu.memory_space<vmem>>)
      %add3A_61 = arith.constant 1 : i32
      %add3A_62 = arith.addi %mul3A_50, %add3A_61 : i32
      %dma_start3A_63 = arith.constant 0 : i32
      %dma_start3A_64 = arith.constant 0 : i32
      %dma_start3A_65 = tpu.memref_slice %arg2[%dma_start3A_63, %dma_start3A_64] : memref<10000x128xf32, #tpu.memory_space<hbm>> -> memref<10000x128xf32, #tpu.memory_space<hbm>>
      tpu.enqueue_indirect_dma source(%dma_start3A_65 : memref<10000x128xf32, #tpu.memory_space<hbm>>) target(%arg12 : memref<128x128xf32, #tpu.memory_space<vmem>>) offsets(%arg8 : memref<128xi32, #tpu.memory_space<vmem>>) semaphore(%arg15 : memref<!tpu.dma_semaphore, #tpu.memory_space<semaphore_mem>>)
      "tpu.region"() ({
        %run_scoped3A = tpu.sem_alloc : memref<!tpu.dma_semaphore, #tpu.memory_space<semaphore_mem>>
        %dma_start3A_143 = arith.constant 0 : i32
        %dma_start3A_144 = tpu.memref_slice %arg6[%mul3A_50, %dma_start3A_143] : memref<80x128xi32, #tpu.memory_space<vmem>> -> memref<1x128xi32, #tpu.memory_space<vmem>>
        %dma_start3A_145 = tpu.memref_squeeze %dma_start3A_144 : memref<1x128xi32, #tpu.memory_space<vmem>> -> memref<128xi32, #tpu.memory_space<vmem>>
        %dma_start3A_146 = arith.constant 0 : i32
        %dma_start3A_147 = arith.constant 0 : i32
        %dma_start3A_148 = tpu.memref_slice %arg13[%dma_start3A_146, %dma_start3A_147] : memref<10240x128xf32, #tpu.memory_space<vmem_shared>> -> memref<10240x128xf32, #tpu.memory_space<vmem_shared>>
        tpu.enqueue_indirect_dma source(%arg11 : memref<128x128xf32, #tpu.memory_space<vmem>>) target(%dma_start3A_148 : memref<10240x128xf32, #tpu.memory_space<vmem_shared>>) offsets(%dma_start3A_145 : memref<128xi32, #tpu.memory_space<vmem>>) semaphore(%run_scoped3A : memref<!tpu.dma_semaphore, #tpu.memory_space<semaphore_mem>>) {add = true}
        %dma_wait3A_149 = arith.constant 0 : i32
        %dma_wait3A_150 = tpu.memref_slice %arg6[%mul3A_50, %dma_wait3A_149] : memref<80x128xi32, #tpu.memory_space<vmem>> -> memref<1x128xi32, #tpu.memory_space<vmem>>
        %dma_wait3A_151 = tpu.memref_squeeze %dma_wait3A_150 : memref<1x128xi32, #tpu.memory_space<vmem>> -> memref<128xi32, #tpu.memory_space<vmem>>
        %dma_wait3A_152 = arith.constant 0 : i32
        %dma_wait3A_153 = arith.constant 0 : i32
        %dma_wait3A_154 = tpu.memref_slice %arg13[%dma_wait3A_152, %dma_wait3A_153] : memref<10240x128xf32, #tpu.memory_space<vmem_shared>> -> memref<10240x128xf32, #tpu.memory_space<vmem_shared>>
        tpu.wait_indirect_dma semaphore(%run_scoped3A : memref<!tpu.dma_semaphore, #tpu.memory_space<semaphore_mem>>) src(%arg11 : memref<128x128xf32, #tpu.memory_space<vmem>>) dst(%dma_wait3A_154 : memref<10240x128xf32, #tpu.memory_space<vmem_shared>>)
        tpu.yield
      }) : () -> ()
      %add3A_66 = arith.constant 4 : i32
      %add3A_67 = arith.addi %mul3A_50, %add3A_66 : i32
      %lt3A = arith.constant 80 : i32
      %lt3A_68 = arith.cmpi slt, %add3A_67, %lt3A : i32
      %convert_element_type3A = arith.extui %lt3A_68 : i1 to i32
      %cond3A = arith.constant 0 : i32
      %cond3A_69 = arith.cmpi ne, %convert_element_type3A, %cond3A : i32
      scf.if %cond3A_69 {
        %add3A_143 = arith.constant 4 : i32
        %add3A_144 = arith.addi %mul3A_50, %add3A_143 : i32
        %mul3A_145 = arith.constant 128 : i32
        %mul3A_146 = arith.muli %add3A_144, %mul3A_145 : i32
        %add3A_147 = arith.addi %mul3A_4, %mul3A_146 : i32
        %dma_start3A_148 = tpu.memref_slice %arg3[%add3A_147] : memref<327680xi32, #tpu.memory_space<hbm>> -> memref<128xi32, #tpu.memory_space<hbm>>
        %dma_start3A_149 = tpu.memref_slice %arg3[%add3A_147] : memref<327680xi32, #tpu.memory_space<hbm>> -> memref<128xi32, #tpu.memory_space<hbm>>
        tpu.enqueue_dma source(%dma_start3A_149 : memref<128xi32, #tpu.memory_space<hbm>>) target(%arg7 : memref<128xi32, #tpu.memory_space<vmem>>) target_semaphore(%arg16 : memref<!tpu.dma_semaphore, #tpu.memory_space<semaphore_mem>>)
      } else {
      }
      %add3A_70 = arith.constant 1 : i32
      %add3A_71 = arith.addi %mul3A_50, %add3A_70 : i32
      %dma_wait3A_72 = arith.constant 0 : i32
      %dma_wait3A_73 = arith.constant 0 : i32
      %dma_wait3A_74 = tpu.memref_slice %arg2[%dma_wait3A_72, %dma_wait3A_73] : memref<10000x128xf32, #tpu.memory_space<hbm>> -> memref<10000x128xf32, #tpu.memory_space<hbm>>
      tpu.wait_indirect_dma semaphore(%arg15 : memref<!tpu.dma_semaphore, #tpu.memory_space<semaphore_mem>>) src(%dma_wait3A_74 : memref<10000x128xf32, #tpu.memory_space<hbm>>) dst(%arg12 : memref<128x128xf32, #tpu.memory_space<vmem>>)
      %add3A_75 = arith.constant 2 : i32
      %add3A_76 = arith.addi %mul3A_50, %add3A_75 : i32
      %mul3A_77 = arith.constant 128 : i32
      %mul3A_78 = arith.muli %add3A_76, %mul3A_77 : i32
      %add3A_79 = arith.addi %mul3A_4, %mul3A_78 : i32
      %dma_wait3A_80 = tpu.memref_slice %arg3[%add3A_79] : memref<327680xi32, #tpu.memory_space<hbm>> -> memref<128xi32, #tpu.memory_space<hbm>>
      %dma_wait3A_81 = tpu.memref_slice %arg3[%add3A_79] : memref<327680xi32, #tpu.memory_space<hbm>> -> memref<128xi32, #tpu.memory_space<hbm>>
      tpu.wait_dma2 semaphore(%arg18 : memref<!tpu.dma_semaphore, #tpu.memory_space<semaphore_mem>>) src(%dma_wait3A_81 : memref<128xi32, #tpu.memory_space<hbm>>) dst(%arg9 : memref<128xi32, #tpu.memory_space<vmem>>)
      %add3A_82 = arith.constant 2 : i32
      %add3A_83 = arith.addi %mul3A_50, %add3A_82 : i32
      %dma_start3A_84 = arith.constant 0 : i32
      %dma_start3A_85 = arith.constant 0 : i32
      %dma_start3A_86 = tpu.memref_slice %arg2[%dma_start3A_84, %dma_start3A_85] : memref<10000x128xf32, #tpu.memory_space<hbm>> -> memref<10000x128xf32, #tpu.memory_space<hbm>>
      tpu.enqueue_indirect_dma source(%dma_start3A_86 : memref<10000x128xf32, #tpu.memory_space<hbm>>) target(%arg11 : memref<128x128xf32, #tpu.memory_space<vmem>>) offsets(%arg9 : memref<128xi32, #tpu.memory_space<vmem>>) semaphore(%arg14 : memref<!tpu.dma_semaphore, #tpu.memory_space<semaphore_mem>>)
      %add3A_87 = arith.constant 1 : i32
      %add3A_88 = arith.addi %mul3A_50, %add3A_87 : i32
      "tpu.region"() ({
        %run_scoped3A = tpu.sem_alloc : memref<!tpu.dma_semaphore, #tpu.memory_space<semaphore_mem>>
        %dma_start3A_143 = arith.constant 0 : i32
        %dma_start3A_144 = tpu.memref_slice %arg6[%add3A_88, %dma_start3A_143] : memref<80x128xi32, #tpu.memory_space<vmem>> -> memref<1x128xi32, #tpu.memory_space<vmem>>
        %dma_start3A_145 = tpu.memref_squeeze %dma_start3A_144 : memref<1x128xi32, #tpu.memory_space<vmem>> -> memref<128xi32, #tpu.memory_space<vmem>>
        %dma_start3A_146 = arith.constant 0 : i32
        %dma_start3A_147 = arith.constant 0 : i32
        %dma_start3A_148 = tpu.memref_slice %arg13[%dma_start3A_146, %dma_start3A_147] : memref<10240x128xf32, #tpu.memory_space<vmem_shared>> -> memref<10240x128xf32, #tpu.memory_space<vmem_shared>>
        tpu.enqueue_indirect_dma source(%arg12 : memref<128x128xf32, #tpu.memory_space<vmem>>) target(%dma_start3A_148 : memref<10240x128xf32, #tpu.memory_space<vmem_shared>>) offsets(%dma_start3A_145 : memref<128xi32, #tpu.memory_space<vmem>>) semaphore(%run_scoped3A : memref<!tpu.dma_semaphore, #tpu.memory_space<semaphore_mem>>) {add = true}
        %dma_wait3A_149 = arith.constant 0 : i32
        %dma_wait3A_150 = tpu.memref_slice %arg6[%add3A_88, %dma_wait3A_149] : memref<80x128xi32, #tpu.memory_space<vmem>> -> memref<1x128xi32, #tpu.memory_space<vmem>>
        %dma_wait3A_151 = tpu.memref_squeeze %dma_wait3A_150 : memref<1x128xi32, #tpu.memory_space<vmem>> -> memref<128xi32, #tpu.memory_space<vmem>>
        %dma_wait3A_152 = arith.constant 0 : i32
        %dma_wait3A_153 = arith.constant 0 : i32
        %dma_wait3A_154 = tpu.memref_slice %arg13[%dma_wait3A_152, %dma_wait3A_153] : memref<10240x128xf32, #tpu.memory_space<vmem_shared>> -> memref<10240x128xf32, #tpu.memory_space<vmem_shared>>
        tpu.wait_indirect_dma semaphore(%run_scoped3A : memref<!tpu.dma_semaphore, #tpu.memory_space<semaphore_mem>>) src(%arg12 : memref<128x128xf32, #tpu.memory_space<vmem>>) dst(%dma_wait3A_154 : memref<10240x128xf32, #tpu.memory_space<vmem_shared>>)
        tpu.yield
      }) : () -> ()
      %add3A_89 = arith.constant 5 : i32
      %add3A_90 = arith.addi %mul3A_50, %add3A_89 : i32
      %lt3A_91 = arith.constant 80 : i32
      %lt3A_92 = arith.cmpi slt, %add3A_90, %lt3A_91 : i32
      %convert_element_type3A_93 = arith.extui %lt3A_92 : i1 to i32
      %cond3A_94 = arith.constant 0 : i32
      %cond3A_95 = arith.cmpi ne, %convert_element_type3A_93, %cond3A_94 : i32
      scf.if %cond3A_95 {
        %add3A_143 = arith.constant 5 : i32
        %add3A_144 = arith.addi %mul3A_50, %add3A_143 : i32
        %mul3A_145 = arith.constant 128 : i32
        %mul3A_146 = arith.muli %add3A_144, %mul3A_145 : i32
        %add3A_147 = arith.addi %mul3A_4, %mul3A_146 : i32
        %dma_start3A_148 = tpu.memref_slice %arg3[%add3A_147] : memref<327680xi32, #tpu.memory_space<hbm>> -> memref<128xi32, #tpu.memory_space<hbm>>
        %dma_start3A_149 = tpu.memref_slice %arg3[%add3A_147] : memref<327680xi32, #tpu.memory_space<hbm>> -> memref<128xi32, #tpu.memory_space<hbm>>
        tpu.enqueue_dma source(%dma_start3A_149 : memref<128xi32, #tpu.memory_space<hbm>>) target(%arg8 : memref<128xi32, #tpu.memory_space<vmem>>) target_semaphore(%arg17 : memref<!tpu.dma_semaphore, #tpu.memory_space<semaphore_mem>>)
      } else {
      }
      %add3A_96 = arith.constant 2 : i32
      %add3A_97 = arith.addi %mul3A_50, %add3A_96 : i32
      %dma_wait3A_98 = arith.constant 0 : i32
      %dma_wait3A_99 = arith.constant 0 : i32
      %dma_wait3A_100 = tpu.memref_slice %arg2[%dma_wait3A_98, %dma_wait3A_99] : memref<10000x128xf32, #tpu.memory_space<hbm>> -> memref<10000x128xf32, #tpu.memory_space<hbm>>
      tpu.wait_indirect_dma semaphore(%arg14 : memref<!tpu.dma_semaphore, #tpu.memory_space<semaphore_mem>>) src(%dma_wait3A_100 : memref<10000x128xf32, #tpu.memory_space<hbm>>) dst(%arg11 : memref<128x128xf32, #tpu.memory_space<vmem>>)
      %add3A_101 = arith.constant 3 : i32
      %add3A_102 = arith.addi %mul3A_50, %add3A_101 : i32
      %mul3A_103 = arith.constant 128 : i32
      %mul3A_104 = arith.muli %add3A_102, %mul3A_103 : i32
      %add3A_105 = arith.addi %mul3A_4, %mul3A_104 : i32
      %dma_wait3A_106 = tpu.memref_slice %arg3[%add3A_105] : memref<327680xi32, #tpu.memory_space<hbm>> -> memref<128xi32, #tpu.memory_space<hbm>>
      %dma_wait3A_107 = tpu.memref_slice %arg3[%add3A_105] : memref<327680xi32, #tpu.memory_space<hbm>> -> memref<128xi32, #tpu.memory_space<hbm>>
      tpu.wait_dma2 semaphore(%arg19 : memref<!tpu.dma_semaphore, #tpu.memory_space<semaphore_mem>>) src(%dma_wait3A_107 : memref<128xi32, #tpu.memory_space<hbm>>) dst(%arg10 : memref<128xi32, #tpu.memory_space<vmem>>)
      %add3A_108 = arith.constant 3 : i32
      %add3A_109 = arith.addi %mul3A_50, %add3A_108 : i32
      %dma_start3A_110 = arith.constant 0 : i32
      %dma_start3A_111 = arith.constant 0 : i32
      %dma_start3A_112 = tpu.memref_slice %arg2[%dma_start3A_110, %dma_start3A_111] : memref<10000x128xf32, #tpu.memory_space<hbm>> -> memref<10000x128xf32, #tpu.memory_space<hbm>>
      tpu.enqueue_indirect_dma source(%dma_start3A_112 : memref<10000x128xf32, #tpu.memory_space<hbm>>) target(%arg12 : memref<128x128xf32, #tpu.memory_space<vmem>>) offsets(%arg10 : memref<128xi32, #tpu.memory_space<vmem>>) semaphore(%arg15 : memref<!tpu.dma_semaphore, #tpu.memory_space<semaphore_mem>>)
      %add3A_113 = arith.constant 2 : i32
      %add3A_114 = arith.addi %mul3A_50, %add3A_113 : i32
      "tpu.region"() ({
        %run_scoped3A = tpu.sem_alloc : memref<!tpu.dma_semaphore, #tpu.memory_space<semaphore_mem>>
        %dma_start3A_143 = arith.constant 0 : i32
        %dma_start3A_144 = tpu.memref_slice %arg6[%add3A_114, %dma_start3A_143] : memref<80x128xi32, #tpu.memory_space<vmem>> -> memref<1x128xi32, #tpu.memory_space<vmem>>
        %dma_start3A_145 = tpu.memref_squeeze %dma_start3A_144 : memref<1x128xi32, #tpu.memory_space<vmem>> -> memref<128xi32, #tpu.memory_space<vmem>>
        %dma_start3A_146 = arith.constant 0 : i32
        %dma_start3A_147 = arith.constant 0 : i32
        %dma_start3A_148 = tpu.memref_slice %arg13[%dma_start3A_146, %dma_start3A_147] : memref<10240x128xf32, #tpu.memory_space<vmem_shared>> -> memref<10240x128xf32, #tpu.memory_space<vmem_shared>>
        tpu.enqueue_indirect_dma source(%arg11 : memref<128x128xf32, #tpu.memory_space<vmem>>) target(%dma_start3A_148 : memref<10240x128xf32, #tpu.memory_space<vmem_shared>>) offsets(%dma_start3A_145 : memref<128xi32, #tpu.memory_space<vmem>>) semaphore(%run_scoped3A : memref<!tpu.dma_semaphore, #tpu.memory_space<semaphore_mem>>) {add = true}
        %dma_wait3A_149 = arith.constant 0 : i32
        %dma_wait3A_150 = tpu.memref_slice %arg6[%add3A_114, %dma_wait3A_149] : memref<80x128xi32, #tpu.memory_space<vmem>> -> memref<1x128xi32, #tpu.memory_space<vmem>>
        %dma_wait3A_151 = tpu.memref_squeeze %dma_wait3A_150 : memref<1x128xi32, #tpu.memory_space<vmem>> -> memref<128xi32, #tpu.memory_space<vmem>>
        %dma_wait3A_152 = arith.constant 0 : i32
        %dma_wait3A_153 = arith.constant 0 : i32
        %dma_wait3A_154 = tpu.memref_slice %arg13[%dma_wait3A_152, %dma_wait3A_153] : memref<10240x128xf32, #tpu.memory_space<vmem_shared>> -> memref<10240x128xf32, #tpu.memory_space<vmem_shared>>
        tpu.wait_indirect_dma semaphore(%run_scoped3A : memref<!tpu.dma_semaphore, #tpu.memory_space<semaphore_mem>>) src(%arg11 : memref<128x128xf32, #tpu.memory_space<vmem>>) dst(%dma_wait3A_154 : memref<10240x128xf32, #tpu.memory_space<vmem_shared>>)
        tpu.yield
      }) : () -> ()
      %add3A_115 = arith.constant 6 : i32
      %add3A_116 = arith.addi %mul3A_50, %add3A_115 : i32
      %lt3A_117 = arith.constant 80 : i32
      %lt3A_118 = arith.cmpi slt, %add3A_116, %lt3A_117 : i32
      %convert_element_type3A_119 = arith.extui %lt3A_118 : i1 to i32
      %cond3A_120 = arith.constant 0 : i32
      %cond3A_121 = arith.cmpi ne, %convert_element_type3A_119, %cond3A_120 : i32
      scf.if %cond3A_121 {
        %add3A_143 = arith.constant 6 : i32
        %add3A_144 = arith.addi %mul3A_50, %add3A_143 : i32
        %mul3A_145 = arith.constant 128 : i32
        %mul3A_146 = arith.muli %add3A_144, %mul3A_145 : i32
        %add3A_147 = arith.addi %mul3A_4, %mul3A_146 : i32
        %dma_start3A_148 = tpu.memref_slice %arg3[%add3A_147] : memref<327680xi32, #tpu.memory_space<hbm>> -> memref<128xi32, #tpu.memory_space<hbm>>
        %dma_start3A_149 = tpu.memref_slice %arg3[%add3A_147] : memref<327680xi32, #tpu.memory_space<hbm>> -> memref<128xi32, #tpu.memory_space<hbm>>
        tpu.enqueue_dma source(%dma_start3A_149 : memref<128xi32, #tpu.memory_space<hbm>>) target(%arg9 : memref<128xi32, #tpu.memory_space<vmem>>) target_semaphore(%arg18 : memref<!tpu.dma_semaphore, #tpu.memory_space<semaphore_mem>>)
      } else {
      }
      %add3A_122 = arith.constant 3 : i32
      %add3A_123 = arith.addi %mul3A_50, %add3A_122 : i32
      %dma_wait3A_124 = arith.constant 0 : i32
      %dma_wait3A_125 = arith.constant 0 : i32
      %dma_wait3A_126 = tpu.memref_slice %arg2[%dma_wait3A_124, %dma_wait3A_125] : memref<10000x128xf32, #tpu.memory_space<hbm>> -> memref<10000x128xf32, #tpu.memory_space<hbm>>
      tpu.wait_indirect_dma semaphore(%arg15 : memref<!tpu.dma_semaphore, #tpu.memory_space<semaphore_mem>>) src(%dma_wait3A_126 : memref<10000x128xf32, #tpu.memory_space<hbm>>) dst(%arg12 : memref<128x128xf32, #tpu.memory_space<vmem>>)
      %add3A_127 = arith.constant 4 : i32
      %add3A_128 = arith.addi %mul3A_50, %add3A_127 : i32
      %lt3A_129 = arith.constant 80 : i32
      %lt3A_130 = arith.cmpi slt, %add3A_128, %lt3A_129 : i32
      %convert_element_type3A_131 = arith.extui %lt3A_130 : i1 to i32
      %cond3A_132 = arith.constant 0 : i32
      %cond3A_133 = arith.cmpi ne, %convert_element_type3A_131, %cond3A_132 : i32
      scf.if %cond3A_133 {
        %add3A_143 = arith.constant 4 : i32
        %add3A_144 = arith.addi %mul3A_50, %add3A_143 : i32
        %mul3A_145 = arith.constant 128 : i32
        %mul3A_146 = arith.muli %add3A_144, %mul3A_145 : i32
        %add3A_147 = arith.addi %mul3A_4, %mul3A_146 : i32
        %dma_wait3A_148 = tpu.memref_slice %arg3[%add3A_147] : memref<327680xi32, #tpu.memory_space<hbm>> -> memref<128xi32, #tpu.memory_space<hbm>>
        %dma_wait3A_149 = tpu.memref_slice %arg3[%add3A_147] : memref<327680xi32, #tpu.memory_space<hbm>> -> memref<128xi32, #tpu.memory_space<hbm>>
        tpu.wait_dma2 semaphore(%arg16 : memref<!tpu.dma_semaphore, #tpu.memory_space<semaphore_mem>>) src(%dma_wait3A_149 : memref<128xi32, #tpu.memory_space<hbm>>) dst(%arg7 : memref<128xi32, #tpu.memory_space<vmem>>)
        %add3A_150 = arith.constant 4 : i32
        %add3A_151 = arith.addi %mul3A_50, %add3A_150 : i32
        %dma_start3A_152 = arith.constant 0 : i32
        %dma_start3A_153 = arith.constant 0 : i32
        %dma_start3A_154 = tpu.memref_slice %arg2[%dma_start3A_152, %dma_start3A_153] : memref<10000x128xf32, #tpu.memory_space<hbm>> -> memref<10000x128xf32, #tpu.memory_space<hbm>>
        tpu.enqueue_indirect_dma source(%dma_start3A_154 : memref<10000x128xf32, #tpu.memory_space<hbm>>) target(%arg11 : memref<128x128xf32, #tpu.memory_space<vmem>>) offsets(%arg7 : memref<128xi32, #tpu.memory_space<vmem>>) semaphore(%arg14 : memref<!tpu.dma_semaphore, #tpu.memory_space<semaphore_mem>>)
      } else {
      }
      %add3A_134 = arith.constant 3 : i32
      %add3A_135 = arith.addi %mul3A_50, %add3A_134 : i32
      "tpu.region"() ({
        %run_scoped3A = tpu.sem_alloc : memref<!tpu.dma_semaphore, #tpu.memory_space<semaphore_mem>>
        %dma_start3A_143 = arith.constant 0 : i32
        %dma_start3A_144 = tpu.memref_slice %arg6[%add3A_135, %dma_start3A_143] : memref<80x128xi32, #tpu.memory_space<vmem>> -> memref<1x128xi32, #tpu.memory_space<vmem>>
        %dma_start3A_145 = tpu.memref_squeeze %dma_start3A_144 : memref<1x128xi32, #tpu.memory_space<vmem>> -> memref<128xi32, #tpu.memory_space<vmem>>
        %dma_start3A_146 = arith.constant 0 : i32
        %dma_start3A_147 = arith.constant 0 : i32
        %dma_start3A_148 = tpu.memref_slice %arg13[%dma_start3A_146, %dma_start3A_147] : memref<10240x128xf32, #tpu.memory_space<vmem_shared>> -> memref<10240x128xf32, #tpu.memory_space<vmem_shared>>
        tpu.enqueue_indirect_dma source(%arg12 : memref<128x128xf32, #tpu.memory_space<vmem>>) target(%dma_start3A_148 : memref<10240x128xf32, #tpu.memory_space<vmem_shared>>) offsets(%dma_start3A_145 : memref<128xi32, #tpu.memory_space<vmem>>) semaphore(%run_scoped3A : memref<!tpu.dma_semaphore, #tpu.memory_space<semaphore_mem>>) {add = true}
        %dma_wait3A_149 = arith.constant 0 : i32
        %dma_wait3A_150 = tpu.memref_slice %arg6[%add3A_135, %dma_wait3A_149] : memref<80x128xi32, #tpu.memory_space<vmem>> -> memref<1x128xi32, #tpu.memory_space<vmem>>
        %dma_wait3A_151 = tpu.memref_squeeze %dma_wait3A_150 : memref<1x128xi32, #tpu.memory_space<vmem>> -> memref<128xi32, #tpu.memory_space<vmem>>
        %dma_wait3A_152 = arith.constant 0 : i32
        %dma_wait3A_153 = arith.constant 0 : i32
        %dma_wait3A_154 = tpu.memref_slice %arg13[%dma_wait3A_152, %dma_wait3A_153] : memref<10240x128xf32, #tpu.memory_space<vmem_shared>> -> memref<10240x128xf32, #tpu.memory_space<vmem_shared>>
        tpu.wait_indirect_dma semaphore(%run_scoped3A : memref<!tpu.dma_semaphore, #tpu.memory_space<semaphore_mem>>) src(%arg12 : memref<128x128xf32, #tpu.memory_space<vmem>>) dst(%dma_wait3A_154 : memref<10240x128xf32, #tpu.memory_space<vmem_shared>>)
        tpu.yield
      }) : () -> ()
      %add3A_136 = arith.constant 7 : i32
      %add3A_137 = arith.addi %mul3A_50, %add3A_136 : i32
      %lt3A_138 = arith.constant 80 : i32
      %lt3A_139 = arith.cmpi slt, %add3A_137, %lt3A_138 : i32
      %convert_element_type3A_140 = arith.extui %lt3A_139 : i1 to i32
      %cond3A_141 = arith.constant 0 : i32
      %cond3A_142 = arith.cmpi ne, %convert_element_type3A_140, %cond3A_141 : i32
      scf.if %cond3A_142 {
        %add3A_143 = arith.constant 7 : i32
        %add3A_144 = arith.addi %mul3A_50, %add3A_143 : i32
        %mul3A_145 = arith.constant 128 : i32
        %mul3A_146 = arith.muli %add3A_144, %mul3A_145 : i32
        %add3A_147 = arith.addi %mul3A_4, %mul3A_146 : i32
        %dma_start3A_148 = tpu.memref_slice %arg3[%add3A_147] : memref<327680xi32, #tpu.memory_space<hbm>> -> memref<128xi32, #tpu.memory_space<hbm>>
        %dma_start3A_149 = tpu.memref_slice %arg3[%add3A_147] : memref<327680xi32, #tpu.memory_space<hbm>> -> memref<128xi32, #tpu.memory_space<hbm>>
        tpu.enqueue_dma source(%dma_start3A_149 : memref<128xi32, #tpu.memory_space<hbm>>) target(%arg10 : memref<128xi32, #tpu.memory_space<vmem>>) target_semaphore(%arg19 : memref<!tpu.dma_semaphore, #tpu.memory_space<semaphore_mem>>)
      } else {
      }
    }
    %scan3A_46 = arith.constant 20 : i32
    %barrier3A_47 = arith.constant 0 : index
    tpu.barrier barrier_id(%barrier3A_47)
    "tpu.region"() ({
      %run_scoped3A = tpu.sem_alloc : memref<!tpu.dma_semaphore, #tpu.memory_space<semaphore_mem>>
      %dma_start3A_48 = arith.constant 0 : i32
      %dma_start3A_49 = tpu.memref_slice %arg5[%arg0, %mul3A_2, %dma_start3A_48] : memref<2x10240x128xf32, #tpu.memory_space<hbm>> -> memref<1x640x128xf32, #tpu.memory_space<hbm>>
      %dma_start3A_50 = tpu.memref_squeeze %dma_start3A_49 : memref<1x640x128xf32, #tpu.memory_space<hbm>> -> memref<640x128xf32, #tpu.memory_space<hbm>>
      %dma_start3A_51 = arith.constant 0 : i32
      %dma_start3A_52 = tpu.memref_slice %arg13[%mul3A_2, %dma_start3A_51] : memref<10240x128xf32, #tpu.memory_space<vmem_shared>> -> memref<640x128xf32, #tpu.memory_space<vmem_shared>>
      tpu.enqueue_dma source(%dma_start3A_52 : memref<640x128xf32, #tpu.memory_space<vmem_shared>>) target(%dma_start3A_50 : memref<640x128xf32, #tpu.memory_space<hbm>>) target_semaphore(%run_scoped3A : memref<!tpu.dma_semaphore, #tpu.memory_space<semaphore_mem>>)
      %dma_wait3A_53 = arith.constant 0 : i32
      %dma_wait3A_54 = tpu.memref_slice %arg5[%arg0, %mul3A_2, %dma_wait3A_53] : memref<2x10240x128xf32, #tpu.memory_space<hbm>> -> memref<1x640x128xf32, #tpu.memory_space<hbm>>
      %dma_wait3A_55 = tpu.memref_squeeze %dma_wait3A_54 : memref<1x640x128xf32, #tpu.memory_space<hbm>> -> memref<640x128xf32, #tpu.memory_space<hbm>>
      %dma_wait3A_56 = arith.constant 0 : i32
      %dma_wait3A_57 = tpu.memref_slice %arg13[%mul3A_2, %dma_wait3A_56] : memref<10240x128xf32, #tpu.memory_space<vmem_shared>> -> memref<640x128xf32, #tpu.memory_space<vmem_shared>>
      tpu.wait_dma2 semaphore(%run_scoped3A : memref<!tpu.dma_semaphore, #tpu.memory_space<semaphore_mem>>) src(%dma_wait3A_57 : memref<640x128xf32, #tpu.memory_space<vmem_shared>>) dst(%dma_wait3A_55 : memref<640x128xf32, #tpu.memory_space<hbm>>)
      tpu.yield
    }) : () -> ()
    return
  }
}

#map = affine_map<(d0, d1) -> (0, 0)>
#map1 = affine_map<(d0, d1) -> (0)>
#map2 = affine_map<(d0, d1) -> (0, 0, 0)>
module attributes {stable_mosaic.version = 14 : i64} {
  func.func @_sc_scatter_rows(%arg0: i32, %arg1: i32, %arg2: memref<10000x128xf32, #tpu.memory_space<hbm>>, %arg3: memref<327680xi32, #tpu.memory_space<hbm>>, %arg4: memref<32x80x128xi32, #tpu.memory_space<hbm>>, %arg5: memref<2x10240x128xf32, #tpu.memory_space<hbm>>, %arg6: memref<80x128xi32, #tpu.memory_space<vmem>>, %arg7: memref<128xi32, #tpu.memory_space<vmem>>, %arg8: memref<128xi32, #tpu.memory_space<vmem>>, %arg9: memref<128xi32, #tpu.memory_space<vmem>>, %arg10: memref<128xi32, #tpu.memory_space<vmem>>, %arg11: memref<128x128xf32, #tpu.memory_space<vmem>>, %arg12: memref<128x128xf32, #tpu.memory_space<vmem>>, %arg13: memref<10240x128xf32, #tpu.memory_space<vmem_shared>>, %arg14: memref<!tpu.dma_semaphore, #tpu.memory_space<semaphore_mem>>, %arg15: memref<!tpu.dma_semaphore, #tpu.memory_space<semaphore_mem>>, %arg16: memref<!tpu.dma_semaphore, #tpu.memory_space<semaphore_mem>>, %arg17: memref<!tpu.dma_semaphore, #tpu.memory_space<semaphore_mem>>, %arg18: memref<!tpu.dma_semaphore, #tpu.memory_space<semaphore_mem>>, %arg19: memref<!tpu.dma_semaphore, #tpu.memory_space<semaphore_mem>>) attributes {dimension_semantics = [#tpu.dimension_semantics<core_parallel>, #tpu.dimension_semantics<subcore_parallel>], iteration_bounds = array<i64: 2, 16>, scalar_prefetch = 0 : i64, scratch_operands = 14 : i64, tpu.core_type = #tpu.core_type<sc_vector_subcore>, window_params = [{transform_indices = #map}, {transform_indices = #map1}, {transform_indices = #map2}, {transform_indices = #map2}]} {
    %mul3A = arith.constant 16 : i32
    %mul3A_0 = arith.muli %arg0, %mul3A : i32
    %add3A = arith.addi %mul3A_0, %arg1 : i32
    %mul3A_1 = arith.constant 640 : i32
    %mul3A_2 = arith.muli %arg1, %mul3A_1 : i32
    %mul3A_3 = arith.constant 10240 : i32
    %mul3A_4 = arith.muli %add3A, %mul3A_3 : i32
    %scan3A = arith.constant 0 : i32
    %scan3A_5 = arith.constant 0 : i32
    %scan3A_6 = arith.constant 128 : i32
    %scan3A_7 = arith.addi %scan3A_5, %scan3A_6 : i32
    %scan3A_8 = arith.constant 1 : i32
    scf.for %scan3A_48 = %scan3A_5 to %scan3A_7 step %scan3A_8  : i32 {
      %broadcast_in_dim3A = arith.constant 0.000000e+00 : f32
      %broadcast_in_dim3A_49 = vector.broadcast %broadcast_in_dim3A : f32 to vector<16xf32>
      %swap3A = arith.constant 0 : i32
      %swap3A_50 = tpu.memref_slice %arg11[%scan3A_48, %swap3A] : memref<128x128xf32, #tpu.memory_space<vmem>> -> memref<1x128xf32, #tpu.memory_space<vmem>>
      %swap3A_51 = tpu.memref_squeeze %swap3A_50 : memref<1x128xf32, #tpu.memory_space<vmem>> -> memref<128xf32, #tpu.memory_space<vmem>>
      %swap3A_52 = arith.constant 0 : index
      %swap3A_53 = tpu.vector_load %swap3A_51[%swap3A_52] {strides = array<i32>} : memref<128xf32, #tpu.memory_space<vmem>>, vector<16xf32>,
      %swap3A_54 = vector.shape_cast %swap3A_53 : vector<16xf32> to vector<16xf32>
      %swap3A_55 = vector.shape_cast %broadcast_in_dim3A_49 : vector<16xf32> to vector<16xf32>
      tpu.vector_store %swap3A_51[%swap3A_52], %swap3A_55 {strides = array<i32>} : memref<128xf32, #tpu.memory_space<vmem>>, vector<16xf32>,
      %broadcast_in_dim3A_56 = arith.constant 0.000000e+00 : f32
      %broadcast_in_dim3A_57 = vector.broadcast %broadcast_in_dim3A_56 : f32 to vector<16xf32>
      %swap3A_58 = arith.constant 0 : i32
      %swap3A_59 = tpu.memref_slice %arg11[%scan3A_48, %swap3A_58] : memref<128x128xf32, #tpu.memory_space<vmem>> -> memref<1x128xf32, #tpu.memory_space<vmem>>
      %swap3A_60 = tpu.memref_squeeze %swap3A_59 : memref<1x128xf32, #tpu.memory_space<vmem>> -> memref<128xf32, #tpu.memory_space<vmem>>
      %swap3A_61 = arith.constant 16 : index
      %swap3A_62 = tpu.vector_load %swap3A_60[%swap3A_61] {strides = array<i32>} : memref<128xf32, #tpu.memory_space<vmem>>, vector<16xf32>,
      %swap3A_63 = vector.shape_cast %swap3A_62 : vector<16xf32> to vector<16xf32>
      %swap3A_64 = vector.shape_cast %broadcast_in_dim3A_57 : vector<16xf32> to vector<16xf32>
      tpu.vector_store %swap3A_60[%swap3A_61], %swap3A_64 {strides = array<i32>} : memref<128xf32, #tpu.memory_space<vmem>>, vector<16xf32>,
      %broadcast_in_dim3A_65 = arith.constant 0.000000e+00 : f32
      %broadcast_in_dim3A_66 = vector.broadcast %broadcast_in_dim3A_65 : f32 to vector<16xf32>
      %swap3A_67 = arith.constant 0 : i32
      %swap3A_68 = tpu.memref_slice %arg11[%scan3A_48, %swap3A_67] : memref<128x128xf32, #tpu.memory_space<vmem>> -> memref<1x128xf32, #tpu.memory_space<vmem>>
      %swap3A_69 = tpu.memref_squeeze %swap3A_68 : memref<1x128xf32, #tpu.memory_space<vmem>> -> memref<128xf32, #tpu.memory_space<vmem>>
      %swap3A_70 = arith.constant 32 : index
      %swap3A_71 = tpu.vector_load %swap3A_69[%swap3A_70] {strides = array<i32>} : memref<128xf32, #tpu.memory_space<vmem>>, vector<16xf32>,
      %swap3A_72 = vector.shape_cast %swap3A_71 : vector<16xf32> to vector<16xf32>
      %swap3A_73 = vector.shape_cast %broadcast_in_dim3A_66 : vector<16xf32> to vector<16xf32>
      tpu.vector_store %swap3A_69[%swap3A_70], %swap3A_73 {strides = array<i32>} : memref<128xf32, #tpu.memory_space<vmem>>, vector<16xf32>,
      %broadcast_in_dim3A_74 = arith.constant 0.000000e+00 : f32
      %broadcast_in_dim3A_75 = vector.broadcast %broadcast_in_dim3A_74 : f32 to vector<16xf32>
      %swap3A_76 = arith.constant 0 : i32
      %swap3A_77 = tpu.memref_slice %arg11[%scan3A_48, %swap3A_76] : memref<128x128xf32, #tpu.memory_space<vmem>> -> memref<1x128xf32, #tpu.memory_space<vmem>>
      %swap3A_78 = tpu.memref_squeeze %swap3A_77 : memref<1x128xf32, #tpu.memory_space<vmem>> -> memref<128xf32, #tpu.memory_space<vmem>>
      %swap3A_79 = arith.constant 48 : index
      %swap3A_80 = tpu.vector_load %swap3A_78[%swap3A_79] {strides = array<i32>} : memref<128xf32, #tpu.memory_space<vmem>>, vector<16xf32>,
      %swap3A_81 = vector.shape_cast %swap3A_80 : vector<16xf32> to vector<16xf32>
      %swap3A_82 = vector.shape_cast %broadcast_in_dim3A_75 : vector<16xf32> to vector<16xf32>
      tpu.vector_store %swap3A_78[%swap3A_79], %swap3A_82 {strides = array<i32>} : memref<128xf32, #tpu.memory_space<vmem>>, vector<16xf32>,
      %broadcast_in_dim3A_83 = arith.constant 0.000000e+00 : f32
      %broadcast_in_dim3A_84 = vector.broadcast %broadcast_in_dim3A_83 : f32 to vector<16xf32>
      %swap3A_85 = arith.constant 0 : i32
      %swap3A_86 = tpu.memref_slice %arg11[%scan3A_48, %swap3A_85] : memref<128x128xf32, #tpu.memory_space<vmem>> -> memref<1x128xf32, #tpu.memory_space<vmem>>
      %swap3A_87 = tpu.memref_squeeze %swap3A_86 : memref<1x128xf32, #tpu.memory_space<vmem>> -> memref<128xf32, #tpu.memory_space<vmem>>
      %swap3A_88 = arith.constant 64 : index
      %swap3A_89 = tpu.vector_load %swap3A_87[%swap3A_88] {strides = array<i32>} : memref<128xf32, #tpu.memory_space<vmem>>, vector<16xf32>,
      %swap3A_90 = vector.shape_cast %swap3A_89 : vector<16xf32> to vector<16xf32>
      %swap3A_91 = vector.shape_cast %broadcast_in_dim3A_84 : vector<16xf32> to vector<16xf32>
      tpu.vector_store %swap3A_87[%swap3A_88], %swap3A_91 {strides = array<i32>} : memref<128xf32, #tpu.memory_space<vmem>>, vector<16xf32>,
      %broadcast_in_dim3A_92 = arith.constant 0.000000e+00 : f32
      %broadcast_in_dim3A_93 = vector.broadcast %broadcast_in_dim3A_92 : f32 to vector<16xf32>
      %swap3A_94 = arith.constant 0 : i32
      %swap3A_95 = tpu.memref_slice %arg11[%scan3A_48, %swap3A_94] : memref<128x128xf32, #tpu.memory_space<vmem>> -> memref<1x128xf32, #tpu.memory_space<vmem>>
      %swap3A_96 = tpu.memref_squeeze %swap3A_95 : memref<1x128xf32, #tpu.memory_space<vmem>> -> memref<128xf32, #tpu.memory_space<vmem>>
      %swap3A_97 = arith.constant 80 : index
      %swap3A_98 = tpu.vector_load %swap3A_96[%swap3A_97] {strides = array<i32>} : memref<128xf32, #tpu.memory_space<vmem>>, vector<16xf32>,
      %swap3A_99 = vector.shape_cast %swap3A_98 : vector<16xf32> to vector<16xf32>
      %swap3A_100 = vector.shape_cast %broadcast_in_dim3A_93 : vector<16xf32> to vector<16xf32>
      tpu.vector_store %swap3A_96[%swap3A_97], %swap3A_100 {strides = array<i32>} : memref<128xf32, #tpu.memory_space<vmem>>, vector<16xf32>,
      %broadcast_in_dim3A_101 = arith.constant 0.000000e+00 : f32
      %broadcast_in_dim3A_102 = vector.broadcast %broadcast_in_dim3A_101 : f32 to vector<16xf32>
      %swap3A_103 = arith.constant 0 : i32
      %swap3A_104 = tpu.memref_slice %arg11[%scan3A_48, %swap3A_103] : memref<128x128xf32, #tpu.memory_space<vmem>> -> memref<1x128xf32, #tpu.memory_space<vmem>>
      %swap3A_105 = tpu.memref_squeeze %swap3A_104 : memref<1x128xf32, #tpu.memory_space<vmem>> -> memref<128xf32, #tpu.memory_space<vmem>>
      %swap3A_106 = arith.constant 96 : index
      %swap3A_107 = tpu.vector_load %swap3A_105[%swap3A_106] {strides = array<i32>} : memref<128xf32, #tpu.memory_space<vmem>>, vector<16xf32>,
      %swap3A_108 = vector.shape_cast %swap3A_107 : vector<16xf32> to vector<16xf32>
      %swap3A_109 = vector.shape_cast %broadcast_in_dim3A_102 : vector<16xf32> to vector<16xf32>
      tpu.vector_store %swap3A_105[%swap3A_106], %swap3A_109 {strides = array<i32>} : memref<128xf32, #tpu.memory_space<vmem>>, vector<16xf32>,
      %broadcast_in_dim3A_110 = arith.constant 0.000000e+00 : f32
      %broadcast_in_dim3A_111 = vector.broadcast %broadcast_in_dim3A_110 : f32 to vector<16xf32>
      %swap3A_112 = arith.constant 0 : i32
      %swap3A_113 = tpu.memref_slice %arg11[%scan3A_48, %swap3A_112] : memref<128x128xf32, #tpu.memory_space<vmem>> -> memref<1x128xf32, #tpu.memory_space<vmem>>
      %swap3A_114 = tpu.memref_squeeze %swap3A_113 : memref<1x128xf32, #tpu.memory_space<vmem>> -> memref<128xf32, #tpu.memory_space<vmem>>
      %swap3A_115 = arith.constant 112 : index
      %swap3A_116 = tpu.vector_load %swap3A_114[%swap3A_115] {strides = array<i32>} : memref<128xf32, #tpu.memory_space<vmem>>, vector<16xf32>,
      %swap3A_117 = vector.shape_cast %swap3A_116 : vector<16xf32> to vector<16xf32>
      %swap3A_118 = vector.shape_cast %broadcast_in_dim3A_111 : vector<16xf32> to vector<16xf32>
      tpu.vector_store %swap3A_114[%swap3A_115], %swap3A_118 {strides = array<i32>} : memref<128xf32, #tpu.memory_space<vmem>>, vector<16xf32>,
    }
    %scan3A_9 = arith.constant 128 : i32
    %add3A_10 = arith.constant 0 : i32
    %add3A_11 = arith.addi %mul3A_2, %add3A_10 : i32
    "tpu.region"() ({
      %run_scoped3A = tpu.sem_alloc : memref<!tpu.dma_semaphore, #tpu.memory_space<semaphore_mem>>
      %dma_start3A_48 = arith.constant 0 : i32
      %dma_start3A_49 = tpu.memref_slice %arg13[%add3A_11, %dma_start3A_48] : memref<10240x128xf32, #tpu.memory_space<vmem_shared>> -> memref<128x128xf32, #tpu.memory_space<vmem_shared>>
      %dma_start3A_50 = arith.constant 0 : i32
      %dma_start3A_51 = tpu.memref_slice %arg13[%add3A_11, %dma_start3A_50] : memref<10240x128xf32, #tpu.memory_space<vmem_shared>> -> memref<128x128xf32, #tpu.memory_space<vmem_shared>>
      tpu.enqueue_dma source(%arg11 : memref<128x128xf32, #tpu.memory_space<vmem>>) target(%dma_start3A_51 : memref<128x128xf32, #tpu.memory_space<vmem_shared>>) target_semaphore(%run_scoped3A : memref<!tpu.dma_semaphore, #tpu.memory_space<semaphore_mem>>)
      %dma_wait3A_52 = arith.constant 0 : i32
      %dma_wait3A_53 = tpu.memref_slice %arg13[%add3A_11, %dma_wait3A_52] : memref<10240x128xf32, #tpu.memory_space<vmem_shared>> -> memref<128x128xf32, #tpu.memory_space<vmem_shared>>
      %dma_wait3A_54 = arith.constant 0 : i32
      %dma_wait3A_55 = tpu.memref_slice %arg13[%add3A_11, %dma_wait3A_54] : memref<10240x128xf32, #tpu.memory_space<vmem_shared>> -> memref<128x128xf32, #tpu.memory_space<vmem_shared>>
      tpu.wait_dma2 semaphore(%run_scoped3A : memref<!tpu.dma_semaphore, #tpu.memory_space<semaphore_mem>>) src(%arg11 : memref<128x128xf32, #tpu.memory_space<vmem>>) dst(%dma_wait3A_55 : memref<128x128xf32, #tpu.memory_space<vmem_shared>>)
      tpu.yield
    }) : () -> ()
    %add3A_12 = arith.constant 128 : i32
    %add3A_13 = arith.addi %mul3A_2, %add3A_12 : i32
    "tpu.region"() ({
      %run_scoped3A = tpu.sem_alloc : memref<!tpu.dma_semaphore, #tpu.memory_space<semaphore_mem>>
      %dma_start3A_48 = arith.constant 0 : i32
      %dma_start3A_49 = tpu.memref_slice %arg13[%add3A_13, %dma_start3A_48] : memref<10240x128xf32, #tpu.memory_space<vmem_shared>> -> memref<128x128xf32, #tpu.memory_space<vmem_shared>>
      %dma_start3A_50 = arith.constant 0 : i32
      %dma_start3A_51 = tpu.memref_slice %arg13[%add3A_13, %dma_start3A_50] : memref<10240x128xf32, #tpu.memory_space<vmem_shared>> -> memref<128x128xf32, #tpu.memory_space<vmem_shared>>
      tpu.enqueue_dma source(%arg11 : memref<128x128xf32, #tpu.memory_space<vmem>>) target(%dma_start3A_51 : memref<128x128xf32, #tpu.memory_space<vmem_shared>>) target_semaphore(%run_scoped3A : memref<!tpu.dma_semaphore, #tpu.memory_space<semaphore_mem>>)
      %dma_wait3A_52 = arith.constant 0 : i32
      %dma_wait3A_53 = tpu.memref_slice %arg13[%add3A_13, %dma_wait3A_52] : memref<10240x128xf32, #tpu.memory_space<vmem_shared>> -> memref<128x128xf32, #tpu.memory_space<vmem_shared>>
      %dma_wait3A_54 = arith.constant 0 : i32
      %dma_wait3A_55 = tpu.memref_slice %arg13[%add3A_13, %dma_wait3A_54] : memref<10240x128xf32, #tpu.memory_space<vmem_shared>> -> memref<128x128xf32, #tpu.memory_space<vmem_shared>>
      tpu.wait_dma2 semaphore(%run_scoped3A : memref<!tpu.dma_semaphore, #tpu.memory_space<semaphore_mem>>) src(%arg11 : memref<128x128xf32, #tpu.memory_space<vmem>>) dst(%dma_wait3A_55 : memref<128x128xf32, #tpu.memory_space<vmem_shared>>)
      tpu.yield
    }) : () -> ()
    %add3A_14 = arith.constant 256 : i32
    %add3A_15 = arith.addi %mul3A_2, %add3A_14 : i32
    "tpu.region"() ({
      %run_scoped3A = tpu.sem_alloc : memref<!tpu.dma_semaphore, #tpu.memory_space<semaphore_mem>>
      %dma_start3A_48 = arith.constant 0 : i32
      %dma_start3A_49 = tpu.memref_slice %arg13[%add3A_15, %dma_start3A_48] : memref<10240x128xf32, #tpu.memory_space<vmem_shared>> -> memref<128x128xf32, #tpu.memory_space<vmem_shared>>
      %dma_start3A_50 = arith.constant 0 : i32
      %dma_start3A_51 = tpu.memref_slice %arg13[%add3A_15, %dma_start3A_50] : memref<10240x128xf32, #tpu.memory_space<vmem_shared>> -> memref<128x128xf32, #tpu.memory_space<vmem_shared>>
      tpu.enqueue_dma source(%arg11 : memref<128x128xf32, #tpu.memory_space<vmem>>) target(%dma_start3A_51 : memref<128x128xf32, #tpu.memory_space<vmem_shared>>) target_semaphore(%run_scoped3A : memref<!tpu.dma_semaphore, #tpu.memory_space<semaphore_mem>>)
      %dma_wait3A_52 = arith.constant 0 : i32
      %dma_wait3A_53 = tpu.memref_slice %arg13[%add3A_15, %dma_wait3A_52] : memref<10240x128xf32, #tpu.memory_space<vmem_shared>> -> memref<128x128xf32, #tpu.memory_space<vmem_shared>>
      %dma_wait3A_54 = arith.constant 0 : i32
      %dma_wait3A_55 = tpu.memref_slice %arg13[%add3A_15, %dma_wait3A_54] : memref<10240x128xf32, #tpu.memory_space<vmem_shared>> -> memref<128x128xf32, #tpu.memory_space<vmem_shared>>
      tpu.wait_dma2 semaphore(%run_scoped3A : memref<!tpu.dma_semaphore, #tpu.memory_space<semaphore_mem>>) src(%arg11 : memref<128x128xf32, #tpu.memory_space<vmem>>) dst(%dma_wait3A_55 : memref<128x128xf32, #tpu.memory_space<vmem_shared>>)
      tpu.yield
    }) : () -> ()
    %add3A_16 = arith.constant 384 : i32
    %add3A_17 = arith.addi %mul3A_2, %add3A_16 : i32
    "tpu.region"() ({
      %run_scoped3A = tpu.sem_alloc : memref<!tpu.dma_semaphore, #tpu.memory_space<semaphore_mem>>
      %dma_start3A_48 = arith.constant 0 : i32
      %dma_start3A_49 = tpu.memref_slice %arg13[%add3A_17, %dma_start3A_48] : memref<10240x128xf32, #tpu.memory_space<vmem_shared>> -> memref<128x128xf32, #tpu.memory_space<vmem_shared>>
      %dma_start3A_50 = arith.constant 0 : i32
      %dma_start3A_51 = tpu.memref_slice %arg13[%add3A_17, %dma_start3A_50] : memref<10240x128xf32, #tpu.memory_space<vmem_shared>> -> memref<128x128xf32, #tpu.memory_space<vmem_shared>>
      tpu.enqueue_dma source(%arg11 : memref<128x128xf32, #tpu.memory_space<vmem>>) target(%dma_start3A_51 : memref<128x128xf32, #tpu.memory_space<vmem_shared>>) target_semaphore(%run_scoped3A : memref<!tpu.dma_semaphore, #tpu.memory_space<semaphore_mem>>)
      %dma_wait3A_52 = arith.constant 0 : i32
      %dma_wait3A_53 = tpu.memref_slice %arg13[%add3A_17, %dma_wait3A_52] : memref<10240x128xf32, #tpu.memory_space<vmem_shared>> -> memref<128x128xf32, #tpu.memory_space<vmem_shared>>
      %dma_wait3A_54 = arith.constant 0 : i32
      %dma_wait3A_55 = tpu.memref_slice %arg13[%add3A_17, %dma_wait3A_54] : memref<10240x128xf32, #tpu.memory_space<vmem_shared>> -> memref<128x128xf32, #tpu.memory_space<vmem_shared>>
      tpu.wait_dma2 semaphore(%run_scoped3A : memref<!tpu.dma_semaphore, #tpu.memory_space<semaphore_mem>>) src(%arg11 : memref<128x128xf32, #tpu.memory_space<vmem>>) dst(%dma_wait3A_55 : memref<128x128xf32, #tpu.memory_space<vmem_shared>>)
      tpu.yield
    }) : () -> ()
    %add3A_18 = arith.constant 512 : i32
    %add3A_19 = arith.addi %mul3A_2, %add3A_18 : i32
    "tpu.region"() ({
      %run_scoped3A = tpu.sem_alloc : memref<!tpu.dma_semaphore, #tpu.memory_space<semaphore_mem>>
      %dma_start3A_48 = arith.constant 0 : i32
      %dma_start3A_49 = tpu.memref_slice %arg13[%add3A_19, %dma_start3A_48] : memref<10240x128xf32, #tpu.memory_space<vmem_shared>> -> memref<128x128xf32, #tpu.memory_space<vmem_shared>>
      %dma_start3A_50 = arith.constant 0 : i32
      %dma_start3A_51 = tpu.memref_slice %arg13[%add3A_19, %dma_start3A_50] : memref<10240x128xf32, #tpu.memory_space<vmem_shared>> -> memref<128x128xf32, #tpu.memory_space<vmem_shared>>
      tpu.enqueue_dma source(%arg11 : memref<128x128xf32, #tpu.memory_space<vmem>>) target(%dma_start3A_51 : memref<128x128xf32, #tpu.memory_space<vmem_shared>>) target_semaphore(%run_scoped3A : memref<!tpu.dma_semaphore, #tpu.memory_space<semaphore_mem>>)
      %dma_wait3A_52 = arith.constant 0 : i32
      %dma_wait3A_53 = tpu.memref_slice %arg13[%add3A_19, %dma_wait3A_52] : memref<10240x128xf32, #tpu.memory_space<vmem_shared>> -> memref<128x128xf32, #tpu.memory_space<vmem_shared>>
      %dma_wait3A_54 = arith.constant 0 : i32
      %dma_wait3A_55 = tpu.memref_slice %arg13[%add3A_19, %dma_wait3A_54] : memref<10240x128xf32, #tpu.memory_space<vmem_shared>> -> memref<128x128xf32, #tpu.memory_space<vmem_shared>>
      tpu.wait_dma2 semaphore(%run_scoped3A : memref<!tpu.dma_semaphore, #tpu.memory_space<semaphore_mem>>) src(%arg11 : memref<128x128xf32, #tpu.memory_space<vmem>>) dst(%dma_wait3A_55 : memref<128x128xf32, #tpu.memory_space<vmem_shared>>)
      tpu.yield
    }) : () -> ()
    "tpu.region"() ({
      %run_scoped3A = tpu.sem_alloc : memref<!tpu.dma_semaphore, #tpu.memory_space<semaphore_mem>>
      %dma_start3A_48 = arith.constant 0 : i32
      %dma_start3A_49 = arith.constant 0 : i32
      %dma_start3A_50 = tpu.memref_slice %arg4[%add3A, %dma_start3A_48, %dma_start3A_49] : memref<32x80x128xi32, #tpu.memory_space<hbm>> -> memref<1x80x128xi32, #tpu.memory_space<hbm>>
      %dma_start3A_51 = tpu.memref_squeeze %dma_start3A_50 : memref<1x80x128xi32, #tpu.memory_space<hbm>> -> memref<80x128xi32, #tpu.memory_space<hbm>>
      %dma_start3A_52 = arith.constant 0 : i32
      %dma_start3A_53 = arith.constant 0 : i32
      %dma_start3A_54 = tpu.memref_slice %arg4[%add3A, %dma_start3A_52, %dma_start3A_53] : memref<32x80x128xi32, #tpu.memory_space<hbm>> -> memref<1x80x128xi32, #tpu.memory_space<hbm>>
      %dma_start3A_55 = tpu.memref_squeeze %dma_start3A_54 : memref<1x80x128xi32, #tpu.memory_space<hbm>> -> memref<80x128xi32, #tpu.memory_space<hbm>>
      tpu.enqueue_dma source(%dma_start3A_55 : memref<80x128xi32, #tpu.memory_space<hbm>>) target(%arg6 : memref<80x128xi32, #tpu.memory_space<vmem>>) target_semaphore(%run_scoped3A : memref<!tpu.dma_semaphore, #tpu.memory_space<semaphore_mem>>)
      %dma_wait3A_56 = arith.constant 0 : i32
      %dma_wait3A_57 = arith.constant 0 : i32
      %dma_wait3A_58 = tpu.memref_slice %arg4[%add3A, %dma_wait3A_56, %dma_wait3A_57] : memref<32x80x128xi32, #tpu.memory_space<hbm>> -> memref<1x80x128xi32, #tpu.memory_space<hbm>>
      %dma_wait3A_59 = tpu.memref_squeeze %dma_wait3A_58 : memref<1x80x128xi32, #tpu.memory_space<hbm>> -> memref<80x128xi32, #tpu.memory_space<hbm>>
      %dma_wait3A_60 = arith.constant 0 : i32
      %dma_wait3A_61 = arith.constant 0 : i32
      %dma_wait3A_62 = tpu.memref_slice %arg4[%add3A, %dma_wait3A_60, %dma_wait3A_61] : memref<32x80x128xi32, #tpu.memory_space<hbm>> -> memref<1x80x128xi32, #tpu.memory_space<hbm>>
      %dma_wait3A_63 = tpu.memref_squeeze %dma_wait3A_62 : memref<1x80x128xi32, #tpu.memory_space<hbm>> -> memref<80x128xi32, #tpu.memory_space<hbm>>
      tpu.wait_dma2 semaphore(%run_scoped3A : memref<!tpu.dma_semaphore, #tpu.memory_space<semaphore_mem>>) src(%dma_wait3A_63 : memref<80x128xi32, #tpu.memory_space<hbm>>) dst(%arg6 : memref<80x128xi32, #tpu.memory_space<vmem>>)
      tpu.yield
    }) : () -> ()
    %barrier3A = arith.constant 0 : index
    tpu.barrier barrier_id(%barrier3A)
    %add3A_20 = arith.constant 0 : i32
    %add3A_21 = arith.addi %mul3A_4, %add3A_20 : i32
    %dma_start3A = tpu.memref_slice %arg3[%add3A_21] : memref<327680xi32, #tpu.memory_space<hbm>> -> memref<128xi32, #tpu.memory_space<hbm>>
    %dma_start3A_22 = tpu.memref_slice %arg3[%add3A_21] : memref<327680xi32, #tpu.memory_space<hbm>> -> memref<128xi32, #tpu.memory_space<hbm>>
    tpu.enqueue_dma source(%dma_start3A_22 : memref<128xi32, #tpu.memory_space<hbm>>) target(%arg7 : memref<128xi32, #tpu.memory_space<vmem>>) target_semaphore(%arg16 : memref<!tpu.dma_semaphore, #tpu.memory_space<semaphore_mem>>)
    %add3A_23 = arith.constant 128 : i32
    %add3A_24 = arith.addi %mul3A_4, %add3A_23 : i32
    %dma_start3A_25 = tpu.memref_slice %arg3[%add3A_24] : memref<327680xi32, #tpu.memory_space<hbm>> -> memref<128xi32, #tpu.memory_space<hbm>>
    %dma_start3A_26 = tpu.memref_slice %arg3[%add3A_24] : memref<327680xi32, #tpu.memory_space<hbm>> -> memref<128xi32, #tpu.memory_space<hbm>>
    tpu.enqueue_dma source(%dma_start3A_26 : memref<128xi32, #tpu.memory_space<hbm>>) target(%arg8 : memref<128xi32, #tpu.memory_space<vmem>>) target_semaphore(%arg17 : memref<!tpu.dma_semaphore, #tpu.memory_space<semaphore_mem>>)
    %add3A_27 = arith.constant 256 : i32
    %add3A_28 = arith.addi %mul3A_4, %add3A_27 : i32
    %dma_start3A_29 = tpu.memref_slice %arg3[%add3A_28] : memref<327680xi32, #tpu.memory_space<hbm>> -> memref<128xi32, #tpu.memory_space<hbm>>
    %dma_start3A_30 = tpu.memref_slice %arg3[%add3A_28] : memref<327680xi32, #tpu.memory_space<hbm>> -> memref<128xi32, #tpu.memory_space<hbm>>
    tpu.enqueue_dma source(%dma_start3A_30 : memref<128xi32, #tpu.memory_space<hbm>>) target(%arg9 : memref<128xi32, #tpu.memory_space<vmem>>) target_semaphore(%arg18 : memref<!tpu.dma_semaphore, #tpu.memory_space<semaphore_mem>>)
    %add3A_31 = arith.constant 384 : i32
    %add3A_32 = arith.addi %mul3A_4, %add3A_31 : i32
    %dma_start3A_33 = tpu.memref_slice %arg3[%add3A_32] : memref<327680xi32, #tpu.memory_space<hbm>> -> memref<128xi32, #tpu.memory_space<hbm>>
    %dma_start3A_34 = tpu.memref_slice %arg3[%add3A_32] : memref<327680xi32, #tpu.memory_space<hbm>> -> memref<128xi32, #tpu.memory_space<hbm>>
    tpu.enqueue_dma source(%dma_start3A_34 : memref<128xi32, #tpu.memory_space<hbm>>) target(%arg10 : memref<128xi32, #tpu.memory_space<vmem>>) target_semaphore(%arg19 : memref<!tpu.dma_semaphore, #tpu.memory_space<semaphore_mem>>)
    %add3A_35 = arith.constant 0 : i32
    %add3A_36 = arith.addi %mul3A_4, %add3A_35 : i32
    %dma_wait3A = tpu.memref_slice %arg3[%add3A_36] : memref<327680xi32, #tpu.memory_space<hbm>> -> memref<128xi32, #tpu.memory_space<hbm>>
    %dma_wait3A_37 = tpu.memref_slice %arg3[%add3A_36] : memref<327680xi32, #tpu.memory_space<hbm>> -> memref<128xi32, #tpu.memory_space<hbm>>
    tpu.wait_dma2 semaphore(%arg16 : memref<!tpu.dma_semaphore, #tpu.memory_space<semaphore_mem>>) src(%dma_wait3A_37 : memref<128xi32, #tpu.memory_space<hbm>>) dst(%arg7 : memref<128xi32, #tpu.memory_space<vmem>>)
    %dma_start3A_38 = arith.constant 0 : i32
    %dma_start3A_39 = arith.constant 0 : i32
    %dma_start3A_40 = tpu.memref_slice %arg2[%dma_start3A_38, %dma_start3A_39] : memref<10000x128xf32, #tpu.memory_space<hbm>> -> memref<10000x128xf32, #tpu.memory_space<hbm>>
    tpu.enqueue_indirect_dma source(%dma_start3A_40 : memref<10000x128xf32, #tpu.memory_space<hbm>>) target(%arg11 : memref<128x128xf32, #tpu.memory_space<vmem>>) offsets(%arg7 : memref<128xi32, #tpu.memory_space<vmem>>) semaphore(%arg14 : memref<!tpu.dma_semaphore, #tpu.memory_space<semaphore_mem>>)
    %scan3A_41 = arith.constant 0 : i32
    %scan3A_42 = arith.constant 0 : i32
    %scan3A_43 = arith.constant 20 : i32
    %scan3A_44 = arith.addi %scan3A_42, %scan3A_43 : i32
    %scan3A_45 = arith.constant 1 : i32
    scf.for %scan3A_48 = %scan3A_42 to %scan3A_44 step %scan3A_45  : i32 {
      %mul3A_49 = arith.constant 4 : i32
      %mul3A_50 = arith.muli %mul3A_49, %scan3A_48 : i32
      %dma_wait3A_51 = arith.constant 0 : i32
      %dma_wait3A_52 = arith.constant 0 : i32
      %dma_wait3A_53 = tpu.memref_slice %arg2[%dma_wait3A_51, %dma_wait3A_52] : memref<10000x128xf32, #tpu.memory_space<hbm>> -> memref<10000x128xf32, #tpu.memory_space<hbm>>
      tpu.wait_indirect_dma semaphore(%arg14 : memref<!tpu.dma_semaphore, #tpu.memory_space<semaphore_mem>>) src(%dma_wait3A_53 : memref<10000x128xf32, #tpu.memory_space<hbm>>) dst(%arg11 : memref<128x128xf32, #tpu.memory_space<vmem>>)
      %add3A_54 = arith.constant 1 : i32
      %add3A_55 = arith.addi %mul3A_50, %add3A_54 : i32
      %mul3A_56 = arith.constant 128 : i32
      %mul3A_57 = arith.muli %add3A_55, %mul3A_56 : i32
      %add3A_58 = arith.addi %mul3A_4, %mul3A_57 : i32
      %dma_wait3A_59 = tpu.memref_slice %arg3[%add3A_58] : memref<327680xi32, #tpu.memory_space<hbm>> -> memref<128xi32, #tpu.memory_space<hbm>>
      %dma_wait3A_60 = tpu.memref_slice %arg3[%add3A_58] : memref<327680xi32, #tpu.memory_space<hbm>> -> memref<128xi32, #tpu.memory_space<hbm>>
      tpu.wait_dma2 semaphore(%arg17 : memref<!tpu.dma_semaphore, #tpu.memory_space<semaphore_mem>>) src(%dma_wait3A_60 : memref<128xi32, #tpu.memory_space<hbm>>) dst(%arg8 : memref<128xi32, #tpu.memory_space<vmem>>)
      %add3A_61 = arith.constant 1 : i32
      %add3A_62 = arith.addi %mul3A_50, %add3A_61 : i32
      %dma_start3A_63 = arith.constant 0 : i32
      %dma_start3A_64 = arith.constant 0 : i32
      %dma_start3A_65 = tpu.memref_slice %arg2[%dma_start3A_63, %dma_start3A_64] : memref<10000x128xf32, #tpu.memory_space<hbm>> -> memref<10000x128xf32, #tpu.memory_space<hbm>>
      tpu.enqueue_indirect_dma source(%dma_start3A_65 : memref<10000x128xf32, #tpu.memory_space<hbm>>) target(%arg12 : memref<128x128xf32, #tpu.memory_space<vmem>>) offsets(%arg8 : memref<128xi32, #tpu.memory_space<vmem>>) semaphore(%arg15 : memref<!tpu.dma_semaphore, #tpu.memory_space<semaphore_mem>>)
      "tpu.region"() ({
        %run_scoped3A = tpu.sem_alloc : memref<!tpu.dma_semaphore, #tpu.memory_space<semaphore_mem>>
        %dma_start3A_143 = arith.constant 0 : i32
        %dma_start3A_144 = tpu.memref_slice %arg6[%mul3A_50, %dma_start3A_143] : memref<80x128xi32, #tpu.memory_space<vmem>> -> memref<1x128xi32, #tpu.memory_space<vmem>>
        %dma_start3A_145 = tpu.memref_squeeze %dma_start3A_144 : memref<1x128xi32, #tpu.memory_space<vmem>> -> memref<128xi32, #tpu.memory_space<vmem>>
        %dma_start3A_146 = arith.constant 0 : i32
        %dma_start3A_147 = arith.constant 0 : i32
        %dma_start3A_148 = tpu.memref_slice %arg13[%dma_start3A_146, %dma_start3A_147] : memref<10240x128xf32, #tpu.memory_space<vmem_shared>> -> memref<10240x128xf32, #tpu.memory_space<vmem_shared>>
        tpu.enqueue_indirect_dma source(%arg11 : memref<128x128xf32, #tpu.memory_space<vmem>>) target(%dma_start3A_148 : memref<10240x128xf32, #tpu.memory_space<vmem_shared>>) offsets(%dma_start3A_145 : memref<128xi32, #tpu.memory_space<vmem>>) semaphore(%run_scoped3A : memref<!tpu.dma_semaphore, #tpu.memory_space<semaphore_mem>>) {add = true}
        %dma_wait3A_149 = arith.constant 0 : i32
        %dma_wait3A_150 = tpu.memref_slice %arg6[%mul3A_50, %dma_wait3A_149] : memref<80x128xi32, #tpu.memory_space<vmem>> -> memref<1x128xi32, #tpu.memory_space<vmem>>
        %dma_wait3A_151 = tpu.memref_squeeze %dma_wait3A_150 : memref<1x128xi32, #tpu.memory_space<vmem>> -> memref<128xi32, #tpu.memory_space<vmem>>
        %dma_wait3A_152 = arith.constant 0 : i32
        %dma_wait3A_153 = arith.constant 0 : i32
        %dma_wait3A_154 = tpu.memref_slice %arg13[%dma_wait3A_152, %dma_wait3A_153] : memref<10240x128xf32, #tpu.memory_space<vmem_shared>> -> memref<10240x128xf32, #tpu.memory_space<vmem_shared>>
        tpu.wait_indirect_dma semaphore(%run_scoped3A : memref<!tpu.dma_semaphore, #tpu.memory_space<semaphore_mem>>) src(%arg11 : memref<128x128xf32, #tpu.memory_space<vmem>>) dst(%dma_wait3A_154 : memref<10240x128xf32, #tpu.memory_space<vmem_shared>>)
        tpu.yield
      }) : () -> ()
      %add3A_66 = arith.constant 4 : i32
      %add3A_67 = arith.addi %mul3A_50, %add3A_66 : i32
      %lt3A = arith.constant 80 : i32
      %lt3A_68 = arith.cmpi slt, %add3A_67, %lt3A : i32
      %convert_element_type3A = arith.extui %lt3A_68 : i1 to i32
      %cond3A = arith.constant 0 : i32
      %cond3A_69 = arith.cmpi ne, %convert_element_type3A, %cond3A : i32
      scf.if %cond3A_69 {
        %add3A_143 = arith.constant 4 : i32
        %add3A_144 = arith.addi %mul3A_50, %add3A_143 : i32
        %mul3A_145 = arith.constant 128 : i32
        %mul3A_146 = arith.muli %add3A_144, %mul3A_145 : i32
        %add3A_147 = arith.addi %mul3A_4, %mul3A_146 : i32
        %dma_start3A_148 = tpu.memref_slice %arg3[%add3A_147] : memref<327680xi32, #tpu.memory_space<hbm>> -> memref<128xi32, #tpu.memory_space<hbm>>
        %dma_start3A_149 = tpu.memref_slice %arg3[%add3A_147] : memref<327680xi32, #tpu.memory_space<hbm>> -> memref<128xi32, #tpu.memory_space<hbm>>
        tpu.enqueue_dma source(%dma_start3A_149 : memref<128xi32, #tpu.memory_space<hbm>>) target(%arg7 : memref<128xi32, #tpu.memory_space<vmem>>) target_semaphore(%arg16 : memref<!tpu.dma_semaphore, #tpu.memory_space<semaphore_mem>>)
      } else {
      }
      %add3A_70 = arith.constant 1 : i32
      %add3A_71 = arith.addi %mul3A_50, %add3A_70 : i32
      %dma_wait3A_72 = arith.constant 0 : i32
      %dma_wait3A_73 = arith.constant 0 : i32
      %dma_wait3A_74 = tpu.memref_slice %arg2[%dma_wait3A_72, %dma_wait3A_73] : memref<10000x128xf32, #tpu.memory_space<hbm>> -> memref<10000x128xf32, #tpu.memory_space<hbm>>
      tpu.wait_indirect_dma semaphore(%arg15 : memref<!tpu.dma_semaphore, #tpu.memory_space<semaphore_mem>>) src(%dma_wait3A_74 : memref<10000x128xf32, #tpu.memory_space<hbm>>) dst(%arg12 : memref<128x128xf32, #tpu.memory_space<vmem>>)
      %add3A_75 = arith.constant 2 : i32
      %add3A_76 = arith.addi %mul3A_50, %add3A_75 : i32
      %mul3A_77 = arith.constant 128 : i32
      %mul3A_78 = arith.muli %add3A_76, %mul3A_77 : i32
      %add3A_79 = arith.addi %mul3A_4, %mul3A_78 : i32
      %dma_wait3A_80 = tpu.memref_slice %arg3[%add3A_79] : memref<327680xi32, #tpu.memory_space<hbm>> -> memref<128xi32, #tpu.memory_space<hbm>>
      %dma_wait3A_81 = tpu.memref_slice %arg3[%add3A_79] : memref<327680xi32, #tpu.memory_space<hbm>> -> memref<128xi32, #tpu.memory_space<hbm>>
      tpu.wait_dma2 semaphore(%arg18 : memref<!tpu.dma_semaphore, #tpu.memory_space<semaphore_mem>>) src(%dma_wait3A_81 : memref<128xi32, #tpu.memory_space<hbm>>) dst(%arg9 : memref<128xi32, #tpu.memory_space<vmem>>)
      %add3A_82 = arith.constant 2 : i32
      %add3A_83 = arith.addi %mul3A_50, %add3A_82 : i32
      %dma_start3A_84 = arith.constant 0 : i32
      %dma_start3A_85 = arith.constant 0 : i32
      %dma_start3A_86 = tpu.memref_slice %arg2[%dma_start3A_84, %dma_start3A_85] : memref<10000x128xf32, #tpu.memory_space<hbm>> -> memref<10000x128xf32, #tpu.memory_space<hbm>>
      tpu.enqueue_indirect_dma source(%dma_start3A_86 : memref<10000x128xf32, #tpu.memory_space<hbm>>) target(%arg11 : memref<128x128xf32, #tpu.memory_space<vmem>>) offsets(%arg9 : memref<128xi32, #tpu.memory_space<vmem>>) semaphore(%arg14 : memref<!tpu.dma_semaphore, #tpu.memory_space<semaphore_mem>>)
      %add3A_87 = arith.constant 1 : i32
      %add3A_88 = arith.addi %mul3A_50, %add3A_87 : i32
      "tpu.region"() ({
        %run_scoped3A = tpu.sem_alloc : memref<!tpu.dma_semaphore, #tpu.memory_space<semaphore_mem>>
        %dma_start3A_143 = arith.constant 0 : i32
        %dma_start3A_144 = tpu.memref_slice %arg6[%add3A_88, %dma_start3A_143] : memref<80x128xi32, #tpu.memory_space<vmem>> -> memref<1x128xi32, #tpu.memory_space<vmem>>
        %dma_start3A_145 = tpu.memref_squeeze %dma_start3A_144 : memref<1x128xi32, #tpu.memory_space<vmem>> -> memref<128xi32, #tpu.memory_space<vmem>>
        %dma_start3A_146 = arith.constant 0 : i32
        %dma_start3A_147 = arith.constant 0 : i32
        %dma_start3A_148 = tpu.memref_slice %arg13[%dma_start3A_146, %dma_start3A_147] : memref<10240x128xf32, #tpu.memory_space<vmem_shared>> -> memref<10240x128xf32, #tpu.memory_space<vmem_shared>>
        tpu.enqueue_indirect_dma source(%arg12 : memref<128x128xf32, #tpu.memory_space<vmem>>) target(%dma_start3A_148 : memref<10240x128xf32, #tpu.memory_space<vmem_shared>>) offsets(%dma_start3A_145 : memref<128xi32, #tpu.memory_space<vmem>>) semaphore(%run_scoped3A : memref<!tpu.dma_semaphore, #tpu.memory_space<semaphore_mem>>) {add = true}
        %dma_wait3A_149 = arith.constant 0 : i32
        %dma_wait3A_150 = tpu.memref_slice %arg6[%add3A_88, %dma_wait3A_149] : memref<80x128xi32, #tpu.memory_space<vmem>> -> memref<1x128xi32, #tpu.memory_space<vmem>>
        %dma_wait3A_151 = tpu.memref_squeeze %dma_wait3A_150 : memref<1x128xi32, #tpu.memory_space<vmem>> -> memref<128xi32, #tpu.memory_space<vmem>>
        %dma_wait3A_152 = arith.constant 0 : i32
        %dma_wait3A_153 = arith.constant 0 : i32
        %dma_wait3A_154 = tpu.memref_slice %arg13[%dma_wait3A_152, %dma_wait3A_153] : memref<10240x128xf32, #tpu.memory_space<vmem_shared>> -> memref<10240x128xf32, #tpu.memory_space<vmem_shared>>
        tpu.wait_indirect_dma semaphore(%run_scoped3A : memref<!tpu.dma_semaphore, #tpu.memory_space<semaphore_mem>>) src(%arg12 : memref<128x128xf32, #tpu.memory_space<vmem>>) dst(%dma_wait3A_154 : memref<10240x128xf32, #tpu.memory_space<vmem_shared>>)
        tpu.yield
      }) : () -> ()
      %add3A_89 = arith.constant 5 : i32
      %add3A_90 = arith.addi %mul3A_50, %add3A_89 : i32
      %lt3A_91 = arith.constant 80 : i32
      %lt3A_92 = arith.cmpi slt, %add3A_90, %lt3A_91 : i32
      %convert_element_type3A_93 = arith.extui %lt3A_92 : i1 to i32
      %cond3A_94 = arith.constant 0 : i32
      %cond3A_95 = arith.cmpi ne, %convert_element_type3A_93, %cond3A_94 : i32
      scf.if %cond3A_95 {
        %add3A_143 = arith.constant 5 : i32
        %add3A_144 = arith.addi %mul3A_50, %add3A_143 : i32
        %mul3A_145 = arith.constant 128 : i32
        %mul3A_146 = arith.muli %add3A_144, %mul3A_145 : i32
        %add3A_147 = arith.addi %mul3A_4, %mul3A_146 : i32
        %dma_start3A_148 = tpu.memref_slice %arg3[%add3A_147] : memref<327680xi32, #tpu.memory_space<hbm>> -> memref<128xi32, #tpu.memory_space<hbm>>
        %dma_start3A_149 = tpu.memref_slice %arg3[%add3A_147] : memref<327680xi32, #tpu.memory_space<hbm>> -> memref<128xi32, #tpu.memory_space<hbm>>
        tpu.enqueue_dma source(%dma_start3A_149 : memref<128xi32, #tpu.memory_space<hbm>>) target(%arg8 : memref<128xi32, #tpu.memory_space<vmem>>) target_semaphore(%arg17 : memref<!tpu.dma_semaphore, #tpu.memory_space<semaphore_mem>>)
      } else {
      }
      %add3A_96 = arith.constant 2 : i32
      %add3A_97 = arith.addi %mul3A_50, %add3A_96 : i32
      %dma_wait3A_98 = arith.constant 0 : i32
      %dma_wait3A_99 = arith.constant 0 : i32
      %dma_wait3A_100 = tpu.memref_slice %arg2[%dma_wait3A_98, %dma_wait3A_99] : memref<10000x128xf32, #tpu.memory_space<hbm>> -> memref<10000x128xf32, #tpu.memory_space<hbm>>
      tpu.wait_indirect_dma semaphore(%arg14 : memref<!tpu.dma_semaphore, #tpu.memory_space<semaphore_mem>>) src(%dma_wait3A_100 : memref<10000x128xf32, #tpu.memory_space<hbm>>) dst(%arg11 : memref<128x128xf32, #tpu.memory_space<vmem>>)
      %add3A_101 = arith.constant 3 : i32
      %add3A_102 = arith.addi %mul3A_50, %add3A_101 : i32
      %mul3A_103 = arith.constant 128 : i32
      %mul3A_104 = arith.muli %add3A_102, %mul3A_103 : i32
      %add3A_105 = arith.addi %mul3A_4, %mul3A_104 : i32
      %dma_wait3A_106 = tpu.memref_slice %arg3[%add3A_105] : memref<327680xi32, #tpu.memory_space<hbm>> -> memref<128xi32, #tpu.memory_space<hbm>>
      %dma_wait3A_107 = tpu.memref_slice %arg3[%add3A_105] : memref<327680xi32, #tpu.memory_space<hbm>> -> memref<128xi32, #tpu.memory_space<hbm>>
      tpu.wait_dma2 semaphore(%arg19 : memref<!tpu.dma_semaphore, #tpu.memory_space<semaphore_mem>>) src(%dma_wait3A_107 : memref<128xi32, #tpu.memory_space<hbm>>) dst(%arg10 : memref<128xi32, #tpu.memory_space<vmem>>)
      %add3A_108 = arith.constant 3 : i32
      %add3A_109 = arith.addi %mul3A_50, %add3A_108 : i32
      %dma_start3A_110 = arith.constant 0 : i32
      %dma_start3A_111 = arith.constant 0 : i32
      %dma_start3A_112 = tpu.memref_slice %arg2[%dma_start3A_110, %dma_start3A_111] : memref<10000x128xf32, #tpu.memory_space<hbm>> -> memref<10000x128xf32, #tpu.memory_space<hbm>>
      tpu.enqueue_indirect_dma source(%dma_start3A_112 : memref<10000x128xf32, #tpu.memory_space<hbm>>) target(%arg12 : memref<128x128xf32, #tpu.memory_space<vmem>>) offsets(%arg10 : memref<128xi32, #tpu.memory_space<vmem>>) semaphore(%arg15 : memref<!tpu.dma_semaphore, #tpu.memory_space<semaphore_mem>>)
      %add3A_113 = arith.constant 2 : i32
      %add3A_114 = arith.addi %mul3A_50, %add3A_113 : i32
      "tpu.region"() ({
        %run_scoped3A = tpu.sem_alloc : memref<!tpu.dma_semaphore, #tpu.memory_space<semaphore_mem>>
        %dma_start3A_143 = arith.constant 0 : i32
        %dma_start3A_144 = tpu.memref_slice %arg6[%add3A_114, %dma_start3A_143] : memref<80x128xi32, #tpu.memory_space<vmem>> -> memref<1x128xi32, #tpu.memory_space<vmem>>
        %dma_start3A_145 = tpu.memref_squeeze %dma_start3A_144 : memref<1x128xi32, #tpu.memory_space<vmem>> -> memref<128xi32, #tpu.memory_space<vmem>>
        %dma_start3A_146 = arith.constant 0 : i32
        %dma_start3A_147 = arith.constant 0 : i32
        %dma_start3A_148 = tpu.memref_slice %arg13[%dma_start3A_146, %dma_start3A_147] : memref<10240x128xf32, #tpu.memory_space<vmem_shared>> -> memref<10240x128xf32, #tpu.memory_space<vmem_shared>>
        tpu.enqueue_indirect_dma source(%arg11 : memref<128x128xf32, #tpu.memory_space<vmem>>) target(%dma_start3A_148 : memref<10240x128xf32, #tpu.memory_space<vmem_shared>>) offsets(%dma_start3A_145 : memref<128xi32, #tpu.memory_space<vmem>>) semaphore(%run_scoped3A : memref<!tpu.dma_semaphore, #tpu.memory_space<semaphore_mem>>) {add = true}
        %dma_wait3A_149 = arith.constant 0 : i32
        %dma_wait3A_150 = tpu.memref_slice %arg6[%add3A_114, %dma_wait3A_149] : memref<80x128xi32, #tpu.memory_space<vmem>> -> memref<1x128xi32, #tpu.memory_space<vmem>>
        %dma_wait3A_151 = tpu.memref_squeeze %dma_wait3A_150 : memref<1x128xi32, #tpu.memory_space<vmem>> -> memref<128xi32, #tpu.memory_space<vmem>>
        %dma_wait3A_152 = arith.constant 0 : i32
        %dma_wait3A_153 = arith.constant 0 : i32
        %dma_wait3A_154 = tpu.memref_slice %arg13[%dma_wait3A_152, %dma_wait3A_153] : memref<10240x128xf32, #tpu.memory_space<vmem_shared>> -> memref<10240x128xf32, #tpu.memory_space<vmem_shared>>
        tpu.wait_indirect_dma semaphore(%run_scoped3A : memref<!tpu.dma_semaphore, #tpu.memory_space<semaphore_mem>>) src(%arg11 : memref<128x128xf32, #tpu.memory_space<vmem>>) dst(%dma_wait3A_154 : memref<10240x128xf32, #tpu.memory_space<vmem_shared>>)
        tpu.yield
      }) : () -> ()
      %add3A_115 = arith.constant 6 : i32
      %add3A_116 = arith.addi %mul3A_50, %add3A_115 : i32
      %lt3A_117 = arith.constant 80 : i32
      %lt3A_118 = arith.cmpi slt, %add3A_116, %lt3A_117 : i32
      %convert_element_type3A_119 = arith.extui %lt3A_118 : i1 to i32
      %cond3A_120 = arith.constant 0 : i32
      %cond3A_121 = arith.cmpi ne, %convert_element_type3A_119, %cond3A_120 : i32
      scf.if %cond3A_121 {
        %add3A_143 = arith.constant 6 : i32
        %add3A_144 = arith.addi %mul3A_50, %add3A_143 : i32
        %mul3A_145 = arith.constant 128 : i32
        %mul3A_146 = arith.muli %add3A_144, %mul3A_145 : i32
        %add3A_147 = arith.addi %mul3A_4, %mul3A_146 : i32
        %dma_start3A_148 = tpu.memref_slice %arg3[%add3A_147] : memref<327680xi32, #tpu.memory_space<hbm>> -> memref<128xi32, #tpu.memory_space<hbm>>
        %dma_start3A_149 = tpu.memref_slice %arg3[%add3A_147] : memref<327680xi32, #tpu.memory_space<hbm>> -> memref<128xi32, #tpu.memory_space<hbm>>
        tpu.enqueue_dma source(%dma_start3A_149 : memref<128xi32, #tpu.memory_space<hbm>>) target(%arg9 : memref<128xi32, #tpu.memory_space<vmem>>) target_semaphore(%arg18 : memref<!tpu.dma_semaphore, #tpu.memory_space<semaphore_mem>>)
      } else {
      }
      %add3A_122 = arith.constant 3 : i32
      %add3A_123 = arith.addi %mul3A_50, %add3A_122 : i32
      %dma_wait3A_124 = arith.constant 0 : i32
      %dma_wait3A_125 = arith.constant 0 : i32
      %dma_wait3A_126 = tpu.memref_slice %arg2[%dma_wait3A_124, %dma_wait3A_125] : memref<10000x128xf32, #tpu.memory_space<hbm>> -> memref<10000x128xf32, #tpu.memory_space<hbm>>
      tpu.wait_indirect_dma semaphore(%arg15 : memref<!tpu.dma_semaphore, #tpu.memory_space<semaphore_mem>>) src(%dma_wait3A_126 : memref<10000x128xf32, #tpu.memory_space<hbm>>) dst(%arg12 : memref<128x128xf32, #tpu.memory_space<vmem>>)
      %add3A_127 = arith.constant 4 : i32
      %add3A_128 = arith.addi %mul3A_50, %add3A_127 : i32
      %lt3A_129 = arith.constant 80 : i32
      %lt3A_130 = arith.cmpi slt, %add3A_128, %lt3A_129 : i32
      %convert_element_type3A_131 = arith.extui %lt3A_130 : i1 to i32
      %cond3A_132 = arith.constant 0 : i32
      %cond3A_133 = arith.cmpi ne, %convert_element_type3A_131, %cond3A_132 : i32
      scf.if %cond3A_133 {
        %add3A_143 = arith.constant 4 : i32
        %add3A_144 = arith.addi %mul3A_50, %add3A_143 : i32
        %mul3A_145 = arith.constant 128 : i32
        %mul3A_146 = arith.muli %add3A_144, %mul3A_145 : i32
        %add3A_147 = arith.addi %mul3A_4, %mul3A_146 : i32
        %dma_wait3A_148 = tpu.memref_slice %arg3[%add3A_147] : memref<327680xi32, #tpu.memory_space<hbm>> -> memref<128xi32, #tpu.memory_space<hbm>>
        %dma_wait3A_149 = tpu.memref_slice %arg3[%add3A_147] : memref<327680xi32, #tpu.memory_space<hbm>> -> memref<128xi32, #tpu.memory_space<hbm>>
        tpu.wait_dma2 semaphore(%arg16 : memref<!tpu.dma_semaphore, #tpu.memory_space<semaphore_mem>>) src(%dma_wait3A_149 : memref<128xi32, #tpu.memory_space<hbm>>) dst(%arg7 : memref<128xi32, #tpu.memory_space<vmem>>)
        %add3A_150 = arith.constant 4 : i32
        %add3A_151 = arith.addi %mul3A_50, %add3A_150 : i32
        %dma_start3A_152 = arith.constant 0 : i32
        %dma_start3A_153 = arith.constant 0 : i32
        %dma_start3A_154 = tpu.memref_slice %arg2[%dma_start3A_152, %dma_start3A_153] : memref<10000x128xf32, #tpu.memory_space<hbm>> -> memref<10000x128xf32, #tpu.memory_space<hbm>>
        tpu.enqueue_indirect_dma source(%dma_start3A_154 : memref<10000x128xf32, #tpu.memory_space<hbm>>) target(%arg11 : memref<128x128xf32, #tpu.memory_space<vmem>>) offsets(%arg7 : memref<128xi32, #tpu.memory_space<vmem>>) semaphore(%arg14 : memref<!tpu.dma_semaphore, #tpu.memory_space<semaphore_mem>>)
      } else {
      }
      %add3A_134 = arith.constant 3 : i32
      %add3A_135 = arith.addi %mul3A_50, %add3A_134 : i32
      "tpu.region"() ({
        %run_scoped3A = tpu.sem_alloc : memref<!tpu.dma_semaphore, #tpu.memory_space<semaphore_mem>>
        %dma_start3A_143 = arith.constant 0 : i32
        %dma_start3A_144 = tpu.memref_slice %arg6[%add3A_135, %dma_start3A_143] : memref<80x128xi32, #tpu.memory_space<vmem>> -> memref<1x128xi32, #tpu.memory_space<vmem>>
        %dma_start3A_145 = tpu.memref_squeeze %dma_start3A_144 : memref<1x128xi32, #tpu.memory_space<vmem>> -> memref<128xi32, #tpu.memory_space<vmem>>
        %dma_start3A_146 = arith.constant 0 : i32
        %dma_start3A_147 = arith.constant 0 : i32
        %dma_start3A_148 = tpu.memref_slice %arg13[%dma_start3A_146, %dma_start3A_147] : memref<10240x128xf32, #tpu.memory_space<vmem_shared>> -> memref<10240x128xf32, #tpu.memory_space<vmem_shared>>
        tpu.enqueue_indirect_dma source(%arg12 : memref<128x128xf32, #tpu.memory_space<vmem>>) target(%dma_start3A_148 : memref<10240x128xf32, #tpu.memory_space<vmem_shared>>) offsets(%dma_start3A_145 : memref<128xi32, #tpu.memory_space<vmem>>) semaphore(%run_scoped3A : memref<!tpu.dma_semaphore, #tpu.memory_space<semaphore_mem>>) {add = true}
        %dma_wait3A_149 = arith.constant 0 : i32
        %dma_wait3A_150 = tpu.memref_slice %arg6[%add3A_135, %dma_wait3A_149] : memref<80x128xi32, #tpu.memory_space<vmem>> -> memref<1x128xi32, #tpu.memory_space<vmem>>
        %dma_wait3A_151 = tpu.memref_squeeze %dma_wait3A_150 : memref<1x128xi32, #tpu.memory_space<vmem>> -> memref<128xi32, #tpu.memory_space<vmem>>
        %dma_wait3A_152 = arith.constant 0 : i32
        %dma_wait3A_153 = arith.constant 0 : i32
        %dma_wait3A_154 = tpu.memref_slice %arg13[%dma_wait3A_152, %dma_wait3A_153] : memref<10240x128xf32, #tpu.memory_space<vmem_shared>> -> memref<10240x128xf32, #tpu.memory_space<vmem_shared>>
        tpu.wait_indirect_dma semaphore(%run_scoped3A : memref<!tpu.dma_semaphore, #tpu.memory_space<semaphore_mem>>) src(%arg12 : memref<128x128xf32, #tpu.memory_space<vmem>>) dst(%dma_wait3A_154 : memref<10240x128xf32, #tpu.memory_space<vmem_shared>>)
        tpu.yield
      }) : () -> ()
      %add3A_136 = arith.constant 7 : i32
      %add3A_137 = arith.addi %mul3A_50, %add3A_136 : i32
      %lt3A_138 = arith.constant 80 : i32
      %lt3A_139 = arith.cmpi slt, %add3A_137, %lt3A_138 : i32
      %convert_element_type3A_140 = arith.extui %lt3A_139 : i1 to i32
      %cond3A_141 = arith.constant 0 : i32
      %cond3A_142 = arith.cmpi ne, %convert_element_type3A_140, %cond3A_141 : i32
      scf.if %cond3A_142 {
        %add3A_143 = arith.constant 7 : i32
        %add3A_144 = arith.addi %mul3A_50, %add3A_143 : i32
        %mul3A_145 = arith.constant 128 : i32
        %mul3A_146 = arith.muli %add3A_144, %mul3A_145 : i32
        %add3A_147 = arith.addi %mul3A_4, %mul3A_146 : i32
        %dma_start3A_148 = tpu.memref_slice %arg3[%add3A_147] : memref<327680xi32, #tpu.memory_space<hbm>> -> memref<128xi32, #tpu.memory_space<hbm>>
        %dma_start3A_149 = tpu.memref_slice %arg3[%add3A_147] : memref<327680xi32, #tpu.memory_space<hbm>> -> memref<128xi32, #tpu.memory_space<hbm>>
        tpu.enqueue_dma source(%dma_start3A_149 : memref<128xi32, #tpu.memory_space<hbm>>) target(%arg10 : memref<128xi32, #tpu.memory_space<vmem>>) target_semaphore(%arg19 : memref<!tpu.dma_semaphore, #tpu.memory_space<semaphore_mem>>)
      } else {
      }
    }
    %scan3A_46 = arith.constant 20 : i32
    %barrier3A_47 = arith.constant 0 : index
    tpu.barrier barrier_id(%barrier3A_47)
    "tpu.region"() ({
      %run_scoped3A = tpu.sem_alloc : memref<!tpu.dma_semaphore, #tpu.memory_space<semaphore_mem>>
      %dma_start3A_48 = arith.constant 0 : i32
      %dma_start3A_49 = tpu.memref_slice %arg5[%arg0, %mul3A_2, %dma_start3A_48] : memref<2x10240x128xf32, #tpu.memory_space<hbm>> -> memref<1x640x128xf32, #tpu.memory_space<hbm>>
      %dma_start3A_50 = tpu.memref_squeeze %dma_start3A_49 : memref<1x640x128xf32, #tpu.memory_space<hbm>> -> memref<640x128xf32, #tpu.memory_space<hbm>>
      %dma_start3A_51 = arith.constant 0 : i32
      %dma_start3A_52 = tpu.memref_slice %arg13[%mul3A_2, %dma_start3A_51] : memref<10240x128xf32, #tpu.memory_space<vmem_shared>> -> memref<640x128xf32, #tpu.memory_space<vmem_shared>>
      tpu.enqueue_dma source(%dma_start3A_52 : memref<640x128xf32, #tpu.memory_space<vmem_shared>>) target(%dma_start3A_50 : memref<640x128xf32, #tpu.memory_space<hbm>>) target_semaphore(%run_scoped3A : memref<!tpu.dma_semaphore, #tpu.memory_space<semaphore_mem>>)
      %dma_wait3A_53 = arith.constant 0 : i32
      %dma_wait3A_54 = tpu.memref_slice %arg5[%arg0, %mul3A_2, %dma_wait3A_53] : memref<2x10240x128xf32, #tpu.memory_space<hbm>> -> memref<1x640x128xf32, #tpu.memory_space<hbm>>
      %dma_wait3A_55 = tpu.memref_squeeze %dma_wait3A_54 : memref<1x640x128xf32, #tpu.memory_space<hbm>> -> memref<640x128xf32, #tpu.memory_space<hbm>>
      %dma_wait3A_56 = arith.constant 0 : i32
      %dma_wait3A_57 = tpu.memref_slice %arg13[%mul3A_2, %dma_wait3A_56] : memref<10240x128xf32, #tpu.memory_space<vmem_shared>> -> memref<640x128xf32, #tpu.memory_space<vmem_shared>>
      tpu.wait_dma2 semaphore(%run_scoped3A : memref<!tpu.dma_semaphore, #tpu.memory_space<semaphore_mem>>) src(%dma_wait3A_57 : memref<640x128xf32, #tpu.memory_space<vmem_shared>>) dst(%dma_wait3A_55 : memref<640x128xf32, #tpu.memory_space<hbm>>)
      tpu.yield
    }) : () -> ()
    return
  }
}

#map = affine_map<(d0, d1) -> (0, 0, 0)>
module attributes {stable_mosaic.version = 14 : i64} {
  func.func @_sc_degree(%arg0: i32, %arg1: i32, %arg2: memref<32x80x128xi32, #tpu.memory_space<hbm>>, %arg3: memref<2x10240x16xf32, #tpu.memory_space<hbm>>, %arg4: memref<80x128xi32, #tpu.memory_space<vmem>>, %arg5: memref<128x16xf32, #tpu.memory_space<vmem>>, %arg6: memref<10240x16xf32, #tpu.memory_space<vmem_shared>>) attributes {dimension_semantics = [#tpu.dimension_semantics<core_parallel>, #tpu.dimension_semantics<subcore_parallel>], iteration_bounds = array<i64: 2, 16>, scalar_prefetch = 0 : i64, scratch_operands = 3 : i64, tpu.core_type = #tpu.core_type<sc_vector_subcore>, window_params = [{transform_indices = #map}, {transform_indices = #map}]} {
    %mul3A = arith.constant 16 : i32
    %mul3A_0 = arith.muli %arg0, %mul3A : i32
    %add3A = arith.addi %mul3A_0, %arg1 : i32
    %mul3A_1 = arith.constant 640 : i32
    %mul3A_2 = arith.muli %arg1, %mul3A_1 : i32
    %scan3A = arith.constant 0 : i32
    %scan3A_3 = arith.constant 0 : i32
    %scan3A_4 = arith.constant 128 : i32
    %scan3A_5 = arith.addi %scan3A_3, %scan3A_4 : i32
    %scan3A_6 = arith.constant 1 : i32
    scf.for %scan3A_31 = %scan3A_3 to %scan3A_5 step %scan3A_6  : i32 {
      %broadcast_in_dim3A = arith.constant 0.000000e+00 : f32
      %broadcast_in_dim3A_32 = vector.broadcast %broadcast_in_dim3A : f32 to vector<16xf32>
      %swap3A = arith.constant 0 : i32
      %swap3A_33 = tpu.memref_slice %arg5[%scan3A_31, %swap3A] : memref<128x16xf32, #tpu.memory_space<vmem>> -> memref<1x16xf32, #tpu.memory_space<vmem>>
      %swap3A_34 = tpu.memref_squeeze %swap3A_33 : memref<1x16xf32, #tpu.memory_space<vmem>> -> memref<16xf32, #tpu.memory_space<vmem>>
      %swap3A_35 = arith.constant 0 : index
      %swap3A_36 = tpu.vector_load %swap3A_34[%swap3A_35] {strides = array<i32>} : memref<16xf32, #tpu.memory_space<vmem>>, vector<16xf32>,
      %swap3A_37 = vector.shape_cast %swap3A_36 : vector<16xf32> to vector<16xf32>
      %swap3A_38 = vector.shape_cast %broadcast_in_dim3A_32 : vector<16xf32> to vector<16xf32>
      tpu.vector_store %swap3A_34[%swap3A_35], %swap3A_38 {strides = array<i32>} : memref<16xf32, #tpu.memory_space<vmem>>, vector<16xf32>,
    }
    %scan3A_7 = arith.constant 128 : i32
    %add3A_8 = arith.constant 0 : i32
    %add3A_9 = arith.addi %mul3A_2, %add3A_8 : i32
    "tpu.region"() ({
      %run_scoped3A = tpu.sem_alloc : memref<!tpu.dma_semaphore, #tpu.memory_space<semaphore_mem>>
      %dma_start3A = arith.constant 0 : i32
      %dma_start3A_31 = tpu.memref_slice %arg6[%add3A_9, %dma_start3A] : memref<10240x16xf32, #tpu.memory_space<vmem_shared>> -> memref<128x16xf32, #tpu.memory_space<vmem_shared>>
      %dma_start3A_32 = arith.constant 0 : i32
      %dma_start3A_33 = tpu.memref_slice %arg6[%add3A_9, %dma_start3A_32] : memref<10240x16xf32, #tpu.memory_space<vmem_shared>> -> memref<128x16xf32, #tpu.memory_space<vmem_shared>>
      tpu.enqueue_dma source(%arg5 : memref<128x16xf32, #tpu.memory_space<vmem>>) target(%dma_start3A_33 : memref<128x16xf32, #tpu.memory_space<vmem_shared>>) target_semaphore(%run_scoped3A : memref<!tpu.dma_semaphore, #tpu.memory_space<semaphore_mem>>)
      %dma_wait3A = arith.constant 0 : i32
      %dma_wait3A_34 = tpu.memref_slice %arg6[%add3A_9, %dma_wait3A] : memref<10240x16xf32, #tpu.memory_space<vmem_shared>> -> memref<128x16xf32, #tpu.memory_space<vmem_shared>>
      %dma_wait3A_35 = arith.constant 0 : i32
      %dma_wait3A_36 = tpu.memref_slice %arg6[%add3A_9, %dma_wait3A_35] : memref<10240x16xf32, #tpu.memory_space<vmem_shared>> -> memref<128x16xf32, #tpu.memory_space<vmem_shared>>
      tpu.wait_dma2 semaphore(%run_scoped3A : memref<!tpu.dma_semaphore, #tpu.memory_space<semaphore_mem>>) src(%arg5 : memref<128x16xf32, #tpu.memory_space<vmem>>) dst(%dma_wait3A_36 : memref<128x16xf32, #tpu.memory_space<vmem_shared>>)
      tpu.yield
    }) : () -> ()
    %add3A_10 = arith.constant 128 : i32
    %add3A_11 = arith.addi %mul3A_2, %add3A_10 : i32
    "tpu.region"() ({
      %run_scoped3A = tpu.sem_alloc : memref<!tpu.dma_semaphore, #tpu.memory_space<semaphore_mem>>
      %dma_start3A = arith.constant 0 : i32
      %dma_start3A_31 = tpu.memref_slice %arg6[%add3A_11, %dma_start3A] : memref<10240x16xf32, #tpu.memory_space<vmem_shared>> -> memref<128x16xf32, #tpu.memory_space<vmem_shared>>
      %dma_start3A_32 = arith.constant 0 : i32
      %dma_start3A_33 = tpu.memref_slice %arg6[%add3A_11, %dma_start3A_32] : memref<10240x16xf32, #tpu.memory_space<vmem_shared>> -> memref<128x16xf32, #tpu.memory_space<vmem_shared>>
      tpu.enqueue_dma source(%arg5 : memref<128x16xf32, #tpu.memory_space<vmem>>) target(%dma_start3A_33 : memref<128x16xf32, #tpu.memory_space<vmem_shared>>) target_semaphore(%run_scoped3A : memref<!tpu.dma_semaphore, #tpu.memory_space<semaphore_mem>>)
      %dma_wait3A = arith.constant 0 : i32
      %dma_wait3A_34 = tpu.memref_slice %arg6[%add3A_11, %dma_wait3A] : memref<10240x16xf32, #tpu.memory_space<vmem_shared>> -> memref<128x16xf32, #tpu.memory_space<vmem_shared>>
      %dma_wait3A_35 = arith.constant 0 : i32
      %dma_wait3A_36 = tpu.memref_slice %arg6[%add3A_11, %dma_wait3A_35] : memref<10240x16xf32, #tpu.memory_space<vmem_shared>> -> memref<128x16xf32, #tpu.memory_space<vmem_shared>>
      tpu.wait_dma2 semaphore(%run_scoped3A : memref<!tpu.dma_semaphore, #tpu.memory_space<semaphore_mem>>) src(%arg5 : memref<128x16xf32, #tpu.memory_space<vmem>>) dst(%dma_wait3A_36 : memref<128x16xf32, #tpu.memory_space<vmem_shared>>)
      tpu.yield
    }) : () -> ()
    %add3A_12 = arith.constant 256 : i32
    %add3A_13 = arith.addi %mul3A_2, %add3A_12 : i32
    "tpu.region"() ({
      %run_scoped3A = tpu.sem_alloc : memref<!tpu.dma_semaphore, #tpu.memory_space<semaphore_mem>>
      %dma_start3A = arith.constant 0 : i32
      %dma_start3A_31 = tpu.memref_slice %arg6[%add3A_13, %dma_start3A] : memref<10240x16xf32, #tpu.memory_space<vmem_shared>> -> memref<128x16xf32, #tpu.memory_space<vmem_shared>>
      %dma_start3A_32 = arith.constant 0 : i32
      %dma_start3A_33 = tpu.memref_slice %arg6[%add3A_13, %dma_start3A_32] : memref<10240x16xf32, #tpu.memory_space<vmem_shared>> -> memref<128x16xf32, #tpu.memory_space<vmem_shared>>
      tpu.enqueue_dma source(%arg5 : memref<128x16xf32, #tpu.memory_space<vmem>>) target(%dma_start3A_33 : memref<128x16xf32, #tpu.memory_space<vmem_shared>>) target_semaphore(%run_scoped3A : memref<!tpu.dma_semaphore, #tpu.memory_space<semaphore_mem>>)
      %dma_wait3A = arith.constant 0 : i32
      %dma_wait3A_34 = tpu.memref_slice %arg6[%add3A_13, %dma_wait3A] : memref<10240x16xf32, #tpu.memory_space<vmem_shared>> -> memref<128x16xf32, #tpu.memory_space<vmem_shared>>
      %dma_wait3A_35 = arith.constant 0 : i32
      %dma_wait3A_36 = tpu.memref_slice %arg6[%add3A_13, %dma_wait3A_35] : memref<10240x16xf32, #tpu.memory_space<vmem_shared>> -> memref<128x16xf32, #tpu.memory_space<vmem_shared>>
      tpu.wait_dma2 semaphore(%run_scoped3A : memref<!tpu.dma_semaphore, #tpu.memory_space<semaphore_mem>>) src(%arg5 : memref<128x16xf32, #tpu.memory_space<vmem>>) dst(%dma_wait3A_36 : memref<128x16xf32, #tpu.memory_space<vmem_shared>>)
      tpu.yield
    }) : () -> ()
    %add3A_14 = arith.constant 384 : i32
    %add3A_15 = arith.addi %mul3A_2, %add3A_14 : i32
    "tpu.region"() ({
      %run_scoped3A = tpu.sem_alloc : memref<!tpu.dma_semaphore, #tpu.memory_space<semaphore_mem>>
      %dma_start3A = arith.constant 0 : i32
      %dma_start3A_31 = tpu.memref_slice %arg6[%add3A_15, %dma_start3A] : memref<10240x16xf32, #tpu.memory_space<vmem_shared>> -> memref<128x16xf32, #tpu.memory_space<vmem_shared>>
      %dma_start3A_32 = arith.constant 0 : i32
      %dma_start3A_33 = tpu.memref_slice %arg6[%add3A_15, %dma_start3A_32] : memref<10240x16xf32, #tpu.memory_space<vmem_shared>> -> memref<128x16xf32, #tpu.memory_space<vmem_shared>>
      tpu.enqueue_dma source(%arg5 : memref<128x16xf32, #tpu.memory_space<vmem>>) target(%dma_start3A_33 : memref<128x16xf32, #tpu.memory_space<vmem_shared>>) target_semaphore(%run_scoped3A : memref<!tpu.dma_semaphore, #tpu.memory_space<semaphore_mem>>)
      %dma_wait3A = arith.constant 0 : i32
      %dma_wait3A_34 = tpu.memref_slice %arg6[%add3A_15, %dma_wait3A] : memref<10240x16xf32, #tpu.memory_space<vmem_shared>> -> memref<128x16xf32, #tpu.memory_space<vmem_shared>>
      %dma_wait3A_35 = arith.constant 0 : i32
      %dma_wait3A_36 = tpu.memref_slice %arg6[%add3A_15, %dma_wait3A_35] : memref<10240x16xf32, #tpu.memory_space<vmem_shared>> -> memref<128x16xf32, #tpu.memory_space<vmem_shared>>
      tpu.wait_dma2 semaphore(%run_scoped3A : memref<!tpu.dma_semaphore, #tpu.memory_space<semaphore_mem>>) src(%arg5 : memref<128x16xf32, #tpu.memory_space<vmem>>) dst(%dma_wait3A_36 : memref<128x16xf32, #tpu.memory_space<vmem_shared>>)
      tpu.yield
    }) : () -> ()
    %add3A_16 = arith.constant 512 : i32
    %add3A_17 = arith.addi %mul3A_2, %add3A_16 : i32
    "tpu.region"() ({
      %run_scoped3A = tpu.sem_alloc : memref<!tpu.dma_semaphore, #tpu.memory_space<semaphore_mem>>
      %dma_start3A = arith.constant 0 : i32
      %dma_start3A_31 = tpu.memref_slice %arg6[%add3A_17, %dma_start3A] : memref<10240x16xf32, #tpu.memory_space<vmem_shared>> -> memref<128x16xf32, #tpu.memory_space<vmem_shared>>
      %dma_start3A_32 = arith.constant 0 : i32
      %dma_start3A_33 = tpu.memref_slice %arg6[%add3A_17, %dma_start3A_32] : memref<10240x16xf32, #tpu.memory_space<vmem_shared>> -> memref<128x16xf32, #tpu.memory_space<vmem_shared>>
      tpu.enqueue_dma source(%arg5 : memref<128x16xf32, #tpu.memory_space<vmem>>) target(%dma_start3A_33 : memref<128x16xf32, #tpu.memory_space<vmem_shared>>) target_semaphore(%run_scoped3A : memref<!tpu.dma_semaphore, #tpu.memory_space<semaphore_mem>>)
      %dma_wait3A = arith.constant 0 : i32
      %dma_wait3A_34 = tpu.memref_slice %arg6[%add3A_17, %dma_wait3A] : memref<10240x16xf32, #tpu.memory_space<vmem_shared>> -> memref<128x16xf32, #tpu.memory_space<vmem_shared>>
      %dma_wait3A_35 = arith.constant 0 : i32
      %dma_wait3A_36 = tpu.memref_slice %arg6[%add3A_17, %dma_wait3A_35] : memref<10240x16xf32, #tpu.memory_space<vmem_shared>> -> memref<128x16xf32, #tpu.memory_space<vmem_shared>>
      tpu.wait_dma2 semaphore(%run_scoped3A : memref<!tpu.dma_semaphore, #tpu.memory_space<semaphore_mem>>) src(%arg5 : memref<128x16xf32, #tpu.memory_space<vmem>>) dst(%dma_wait3A_36 : memref<128x16xf32, #tpu.memory_space<vmem_shared>>)
      tpu.yield
    }) : () -> ()
    %scan3A_18 = arith.constant 0 : i32
    %scan3A_19 = arith.constant 0 : i32
    %scan3A_20 = arith.constant 128 : i32
    %scan3A_21 = arith.addi %scan3A_19, %scan3A_20 : i32
    %scan3A_22 = arith.constant 1 : i32
    scf.for %scan3A_31 = %scan3A_19 to %scan3A_21 step %scan3A_22  : i32 {
      %broadcast_in_dim3A = arith.constant 1.000000e+00 : f32
      %broadcast_in_dim3A_32 = vector.broadcast %broadcast_in_dim3A : f32 to vector<16xf32>
      %swap3A = arith.constant 0 : i32
      %swap3A_33 = tpu.memref_slice %arg5[%scan3A_31, %swap3A] : memref<128x16xf32, #tpu.memory_space<vmem>> -> memref<1x16xf32, #tpu.memory_space<vmem>>
      %swap3A_34 = tpu.memref_squeeze %swap3A_33 : memref<1x16xf32, #tpu.memory_space<vmem>> -> memref<16xf32, #tpu.memory_space<vmem>>
      %swap3A_35 = arith.constant 0 : index
      %swap3A_36 = tpu.vector_load %swap3A_34[%swap3A_35] {strides = array<i32>} : memref<16xf32, #tpu.memory_space<vmem>>, vector<16xf32>,
      %swap3A_37 = vector.shape_cast %swap3A_36 : vector<16xf32> to vector<16xf32>
      %swap3A_38 = vector.shape_cast %broadcast_in_dim3A_32 : vector<16xf32> to vector<16xf32>
      tpu.vector_store %swap3A_34[%swap3A_35], %swap3A_38 {strides = array<i32>} : memref<16xf32, #tpu.memory_space<vmem>>, vector<16xf32>,
    }
    %scan3A_23 = arith.constant 128 : i32
    "tpu.region"() ({
      %run_scoped3A = tpu.sem_alloc : memref<!tpu.dma_semaphore, #tpu.memory_space<semaphore_mem>>
      %dma_start3A = arith.constant 0 : i32
      %dma_start3A_31 = arith.constant 0 : i32
      %dma_start3A_32 = tpu.memref_slice %arg2[%add3A, %dma_start3A, %dma_start3A_31] : memref<32x80x128xi32, #tpu.memory_space<hbm>> -> memref<1x80x128xi32, #tpu.memory_space<hbm>>
      %dma_start3A_33 = tpu.memref_squeeze %dma_start3A_32 : memref<1x80x128xi32, #tpu.memory_space<hbm>> -> memref<80x128xi32, #tpu.memory_space<hbm>>
      %dma_start3A_34 = arith.constant 0 : i32
      %dma_start3A_35 = arith.constant 0 : i32
      %dma_start3A_36 = tpu.memref_slice %arg2[%add3A, %dma_start3A_34, %dma_start3A_35] : memref<32x80x128xi32, #tpu.memory_space<hbm>> -> memref<1x80x128xi32, #tpu.memory_space<hbm>>
      %dma_start3A_37 = tpu.memref_squeeze %dma_start3A_36 : memref<1x80x128xi32, #tpu.memory_space<hbm>> -> memref<80x128xi32, #tpu.memory_space<hbm>>
      tpu.enqueue_dma source(%dma_start3A_37 : memref<80x128xi32, #tpu.memory_space<hbm>>) target(%arg4 : memref<80x128xi32, #tpu.memory_space<vmem>>) target_semaphore(%run_scoped3A : memref<!tpu.dma_semaphore, #tpu.memory_space<semaphore_mem>>)
      %dma_wait3A = arith.constant 0 : i32
      %dma_wait3A_38 = arith.constant 0 : i32
      %dma_wait3A_39 = tpu.memref_slice %arg2[%add3A, %dma_wait3A, %dma_wait3A_38] : memref<32x80x128xi32, #tpu.memory_space<hbm>> -> memref<1x80x128xi32, #tpu.memory_space<hbm>>
      %dma_wait3A_40 = tpu.memref_squeeze %dma_wait3A_39 : memref<1x80x128xi32, #tpu.memory_space<hbm>> -> memref<80x128xi32, #tpu.memory_space<hbm>>
      %dma_wait3A_41 = arith.constant 0 : i32
      %dma_wait3A_42 = arith.constant 0 : i32
      %dma_wait3A_43 = tpu.memref_slice %arg2[%add3A, %dma_wait3A_41, %dma_wait3A_42] : memref<32x80x128xi32, #tpu.memory_space<hbm>> -> memref<1x80x128xi32, #tpu.memory_space<hbm>>
      %dma_wait3A_44 = tpu.memref_squeeze %dma_wait3A_43 : memref<1x80x128xi32, #tpu.memory_space<hbm>> -> memref<80x128xi32, #tpu.memory_space<hbm>>
      tpu.wait_dma2 semaphore(%run_scoped3A : memref<!tpu.dma_semaphore, #tpu.memory_space<semaphore_mem>>) src(%dma_wait3A_44 : memref<80x128xi32, #tpu.memory_space<hbm>>) dst(%arg4 : memref<80x128xi32, #tpu.memory_space<vmem>>)
      tpu.yield
    }) : () -> ()
    %barrier3A = arith.constant 0 : index
    tpu.barrier barrier_id(%barrier3A)
    %scan3A_24 = arith.constant 0 : i32
    %scan3A_25 = arith.constant 0 : i32
    %scan3A_26 = arith.constant 80 : i32
    %scan3A_27 = arith.addi %scan3A_25, %scan3A_26 : i32
    %scan3A_28 = arith.constant 1 : i32
    scf.for %scan3A_31 = %scan3A_25 to %scan3A_27 step %scan3A_28  : i32 {
      "tpu.region"() ({
        %run_scoped3A = tpu.sem_alloc : memref<!tpu.dma_semaphore, #tpu.memory_space<semaphore_mem>>
        %dma_start3A = arith.constant 0 : i32
        %dma_start3A_32 = tpu.memref_slice %arg4[%scan3A_31, %dma_start3A] : memref<80x128xi32, #tpu.memory_space<vmem>> -> memref<1x128xi32, #tpu.memory_space<vmem>>
        %dma_start3A_33 = tpu.memref_squeeze %dma_start3A_32 : memref<1x128xi32, #tpu.memory_space<vmem>> -> memref<128xi32, #tpu.memory_space<vmem>>
        %dma_start3A_34 = arith.constant 0 : i32
        %dma_start3A_35 = arith.constant 0 : i32
        %dma_start3A_36 = tpu.memref_slice %arg6[%dma_start3A_34, %dma_start3A_35] : memref<10240x16xf32, #tpu.memory_space<vmem_shared>> -> memref<10240x16xf32, #tpu.memory_space<vmem_shared>>
        tpu.enqueue_indirect_dma source(%arg5 : memref<128x16xf32, #tpu.memory_space<vmem>>) target(%dma_start3A_36 : memref<10240x16xf32, #tpu.memory_space<vmem_shared>>) offsets(%dma_start3A_33 : memref<128xi32, #tpu.memory_space<vmem>>) semaphore(%run_scoped3A : memref<!tpu.dma_semaphore, #tpu.memory_space<semaphore_mem>>) {add = true}
        %dma_wait3A = arith.constant 0 : i32
        %dma_wait3A_37 = tpu.memref_slice %arg4[%scan3A_31, %dma_wait3A] : memref<80x128xi32, #tpu.memory_space<vmem>> -> memref<1x128xi32, #tpu.memory_space<vmem>>
        %dma_wait3A_38 = tpu.memref_squeeze %dma_wait3A_37 : memref<1x128xi32, #tpu.memory_space<vmem>> -> memref<128xi32, #tpu.memory_space<vmem>>
        %dma_wait3A_39 = arith.constant 0 : i32
        %dma_wait3A_40 = arith.constant 0 : i32
        %dma_wait3A_41 = tpu.memref_slice %arg6[%dma_wait3A_39, %dma_wait3A_40] : memref<10240x16xf32, #tpu.memory_space<vmem_shared>> -> memref<10240x16xf32, #tpu.memory_space<vmem_shared>>
        tpu.wait_indirect_dma semaphore(%run_scoped3A : memref<!tpu.dma_semaphore, #tpu.memory_space<semaphore_mem>>) src(%arg5 : memref<128x16xf32, #tpu.memory_space<vmem>>) dst(%dma_wait3A_41 : memref<10240x16xf32, #tpu.memory_space<vmem_shared>>)
        tpu.yield
      }) : () -> ()
    }
    %scan3A_29 = arith.constant 80 : i32
    %barrier3A_30 = arith.constant 0 : index
    tpu.barrier barrier_id(%barrier3A_30)
    "tpu.region"() ({
      %run_scoped3A = tpu.sem_alloc : memref<!tpu.dma_semaphore, #tpu.memory_space<semaphore_mem>>
      %dma_start3A = arith.constant 0 : i32
      %dma_start3A_31 = tpu.memref_slice %arg3[%arg0, %mul3A_2, %dma_start3A] : memref<2x10240x16xf32, #tpu.memory_space<hbm>> -> memref<1x640x16xf32, #tpu.memory_space<hbm>>
      %dma_start3A_32 = tpu.memref_squeeze %dma_start3A_31 : memref<1x640x16xf32, #tpu.memory_space<hbm>> -> memref<640x16xf32, #tpu.memory_space<hbm>>
      %dma_start3A_33 = arith.constant 0 : i32
      %dma_start3A_34 = tpu.memref_slice %arg6[%mul3A_2, %dma_start3A_33] : memref<10240x16xf32, #tpu.memory_space<vmem_shared>> -> memref<640x16xf32, #tpu.memory_space<vmem_shared>>
      tpu.enqueue_dma source(%dma_start3A_34 : memref<640x16xf32, #tpu.memory_space<vmem_shared>>) target(%dma_start3A_32 : memref<640x16xf32, #tpu.memory_space<hbm>>) target_semaphore(%run_scoped3A : memref<!tpu.dma_semaphore, #tpu.memory_space<semaphore_mem>>)
      %dma_wait3A = arith.constant 0 : i32
      %dma_wait3A_35 = tpu.memref_slice %arg3[%arg0, %mul3A_2, %dma_wait3A] : memref<2x10240x16xf32, #tpu.memory_space<hbm>> -> memref<1x640x16xf32, #tpu.memory_space<hbm>>
      %dma_wait3A_36 = tpu.memref_squeeze %dma_wait3A_35 : memref<1x640x16xf32, #tpu.memory_space<hbm>> -> memref<640x16xf32, #tpu.memory_space<hbm>>
      %dma_wait3A_37 = arith.constant 0 : i32
      %dma_wait3A_38 = tpu.memref_slice %arg6[%mul3A_2, %dma_wait3A_37] : memref<10240x16xf32, #tpu.memory_space<vmem_shared>> -> memref<640x16xf32, #tpu.memory_space<vmem_shared>>
      tpu.wait_dma2 semaphore(%run_scoped3A : memref<!tpu.dma_semaphore, #tpu.memory_space<semaphore_mem>>) src(%dma_wait3A_38 : memref<640x16xf32, #tpu.memory_space<vmem_shared>>) dst(%dma_wait3A_36 : memref<640x16xf32, #tpu.memory_space<hbm>>)
      tpu.yield
    }) : () -> ()
    return
  }
}

#map = affine_map<(d0, d1) -> (0, 0)>
#map1 = affine_map<(d0, d1) -> (0)>
#map2 = affine_map<(d0, d1) -> (0, 0, 0)>
module attributes {stable_mosaic.version = 14 : i64} {
  func.func @_sc_scatter_rows(%arg0: i32, %arg1: i32, %arg2: memref<10000x128xf32, #tpu.memory_space<hbm>>, %arg3: memref<327680xi32, #tpu.memory_space<hbm>>, %arg4: memref<32x80x128xi32, #tpu.memory_space<hbm>>, %arg5: memref<2x10240x128xf32, #tpu.memory_space<hbm>>, %arg6: memref<80x128xi32, #tpu.memory_space<vmem>>, %arg7: memref<128xi32, #tpu.memory_space<vmem>>, %arg8: memref<128xi32, #tpu.memory_space<vmem>>, %arg9: memref<128xi32, #tpu.memory_space<vmem>>, %arg10: memref<128xi32, #tpu.memory_space<vmem>>, %arg11: memref<128x128xf32, #tpu.memory_space<vmem>>, %arg12: memref<128x128xf32, #tpu.memory_space<vmem>>, %arg13: memref<10240x128xf32, #tpu.memory_space<vmem_shared>>, %arg14: memref<!tpu.dma_semaphore, #tpu.memory_space<semaphore_mem>>, %arg15: memref<!tpu.dma_semaphore, #tpu.memory_space<semaphore_mem>>, %arg16: memref<!tpu.dma_semaphore, #tpu.memory_space<semaphore_mem>>, %arg17: memref<!tpu.dma_semaphore, #tpu.memory_space<semaphore_mem>>, %arg18: memref<!tpu.dma_semaphore, #tpu.memory_space<semaphore_mem>>, %arg19: memref<!tpu.dma_semaphore, #tpu.memory_space<semaphore_mem>>) attributes {dimension_semantics = [#tpu.dimension_semantics<core_parallel>, #tpu.dimension_semantics<subcore_parallel>], iteration_bounds = array<i64: 2, 16>, scalar_prefetch = 0 : i64, scratch_operands = 14 : i64, tpu.core_type = #tpu.core_type<sc_vector_subcore>, window_params = [{transform_indices = #map}, {transform_indices = #map1}, {transform_indices = #map2}, {transform_indices = #map2}]} {
    %mul3A = arith.constant 16 : i32
    %mul3A_0 = arith.muli %arg0, %mul3A : i32
    %add3A = arith.addi %mul3A_0, %arg1 : i32
    %mul3A_1 = arith.constant 640 : i32
    %mul3A_2 = arith.muli %arg1, %mul3A_1 : i32
    %mul3A_3 = arith.constant 10240 : i32
    %mul3A_4 = arith.muli %add3A, %mul3A_3 : i32
    %scan3A = arith.constant 0 : i32
    %scan3A_5 = arith.constant 0 : i32
    %scan3A_6 = arith.constant 128 : i32
    %scan3A_7 = arith.addi %scan3A_5, %scan3A_6 : i32
    %scan3A_8 = arith.constant 1 : i32
    scf.for %scan3A_48 = %scan3A_5 to %scan3A_7 step %scan3A_8  : i32 {
      %broadcast_in_dim3A = arith.constant 0.000000e+00 : f32
      %broadcast_in_dim3A_49 = vector.broadcast %broadcast_in_dim3A : f32 to vector<16xf32>
      %swap3A = arith.constant 0 : i32
      %swap3A_50 = tpu.memref_slice %arg11[%scan3A_48, %swap3A] : memref<128x128xf32, #tpu.memory_space<vmem>> -> memref<1x128xf32, #tpu.memory_space<vmem>>
      %swap3A_51 = tpu.memref_squeeze %swap3A_50 : memref<1x128xf32, #tpu.memory_space<vmem>> -> memref<128xf32, #tpu.memory_space<vmem>>
      %swap3A_52 = arith.constant 0 : index
      %swap3A_53 = tpu.vector_load %swap3A_51[%swap3A_52] {strides = array<i32>} : memref<128xf32, #tpu.memory_space<vmem>>, vector<16xf32>,
      %swap3A_54 = vector.shape_cast %swap3A_53 : vector<16xf32> to vector<16xf32>
      %swap3A_55 = vector.shape_cast %broadcast_in_dim3A_49 : vector<16xf32> to vector<16xf32>
      tpu.vector_store %swap3A_51[%swap3A_52], %swap3A_55 {strides = array<i32>} : memref<128xf32, #tpu.memory_space<vmem>>, vector<16xf32>,
      %broadcast_in_dim3A_56 = arith.constant 0.000000e+00 : f32
      %broadcast_in_dim3A_57 = vector.broadcast %broadcast_in_dim3A_56 : f32 to vector<16xf32>
      %swap3A_58 = arith.constant 0 : i32
      %swap3A_59 = tpu.memref_slice %arg11[%scan3A_48, %swap3A_58] : memref<128x128xf32, #tpu.memory_space<vmem>> -> memref<1x128xf32, #tpu.memory_space<vmem>>
      %swap3A_60 = tpu.memref_squeeze %swap3A_59 : memref<1x128xf32, #tpu.memory_space<vmem>> -> memref<128xf32, #tpu.memory_space<vmem>>
      %swap3A_61 = arith.constant 16 : index
      %swap3A_62 = tpu.vector_load %swap3A_60[%swap3A_61] {strides = array<i32>} : memref<128xf32, #tpu.memory_space<vmem>>, vector<16xf32>,
      %swap3A_63 = vector.shape_cast %swap3A_62 : vector<16xf32> to vector<16xf32>
      %swap3A_64 = vector.shape_cast %broadcast_in_dim3A_57 : vector<16xf32> to vector<16xf32>
      tpu.vector_store %swap3A_60[%swap3A_61], %swap3A_64 {strides = array<i32>} : memref<128xf32, #tpu.memory_space<vmem>>, vector<16xf32>,
      %broadcast_in_dim3A_65 = arith.constant 0.000000e+00 : f32
      %broadcast_in_dim3A_66 = vector.broadcast %broadcast_in_dim3A_65 : f32 to vector<16xf32>
      %swap3A_67 = arith.constant 0 : i32
      %swap3A_68 = tpu.memref_slice %arg11[%scan3A_48, %swap3A_67] : memref<128x128xf32, #tpu.memory_space<vmem>> -> memref<1x128xf32, #tpu.memory_space<vmem>>
      %swap3A_69 = tpu.memref_squeeze %swap3A_68 : memref<1x128xf32, #tpu.memory_space<vmem>> -> memref<128xf32, #tpu.memory_space<vmem>>
      %swap3A_70 = arith.constant 32 : index
      %swap3A_71 = tpu.vector_load %swap3A_69[%swap3A_70] {strides = array<i32>} : memref<128xf32, #tpu.memory_space<vmem>>, vector<16xf32>,
      %swap3A_72 = vector.shape_cast %swap3A_71 : vector<16xf32> to vector<16xf32>
      %swap3A_73 = vector.shape_cast %broadcast_in_dim3A_66 : vector<16xf32> to vector<16xf32>
      tpu.vector_store %swap3A_69[%swap3A_70], %swap3A_73 {strides = array<i32>} : memref<128xf32, #tpu.memory_space<vmem>>, vector<16xf32>,
      %broadcast_in_dim3A_74 = arith.constant 0.000000e+00 : f32
      %broadcast_in_dim3A_75 = vector.broadcast %broadcast_in_dim3A_74 : f32 to vector<16xf32>
      %swap3A_76 = arith.constant 0 : i32
      %swap3A_77 = tpu.memref_slice %arg11[%scan3A_48, %swap3A_76] : memref<128x128xf32, #tpu.memory_space<vmem>> -> memref<1x128xf32, #tpu.memory_space<vmem>>
      %swap3A_78 = tpu.memref_squeeze %swap3A_77 : memref<1x128xf32, #tpu.memory_space<vmem>> -> memref<128xf32, #tpu.memory_space<vmem>>
      %swap3A_79 = arith.constant 48 : index
      %swap3A_80 = tpu.vector_load %swap3A_78[%swap3A_79] {strides = array<i32>} : memref<128xf32, #tpu.memory_space<vmem>>, vector<16xf32>,
      %swap3A_81 = vector.shape_cast %swap3A_80 : vector<16xf32> to vector<16xf32>
      %swap3A_82 = vector.shape_cast %broadcast_in_dim3A_75 : vector<16xf32> to vector<16xf32>
      tpu.vector_store %swap3A_78[%swap3A_79], %swap3A_82 {strides = array<i32>} : memref<128xf32, #tpu.memory_space<vmem>>, vector<16xf32>,
      %broadcast_in_dim3A_83 = arith.constant 0.000000e+00 : f32
      %broadcast_in_dim3A_84 = vector.broadcast %broadcast_in_dim3A_83 : f32 to vector<16xf32>
      %swap3A_85 = arith.constant 0 : i32
      %swap3A_86 = tpu.memref_slice %arg11[%scan3A_48, %swap3A_85] : memref<128x128xf32, #tpu.memory_space<vmem>> -> memref<1x128xf32, #tpu.memory_space<vmem>>
      %swap3A_87 = tpu.memref_squeeze %swap3A_86 : memref<1x128xf32, #tpu.memory_space<vmem>> -> memref<128xf32, #tpu.memory_space<vmem>>
      %swap3A_88 = arith.constant 64 : index
      %swap3A_89 = tpu.vector_load %swap3A_87[%swap3A_88] {strides = array<i32>} : memref<128xf32, #tpu.memory_space<vmem>>, vector<16xf32>,
      %swap3A_90 = vector.shape_cast %swap3A_89 : vector<16xf32> to vector<16xf32>
      %swap3A_91 = vector.shape_cast %broadcast_in_dim3A_84 : vector<16xf32> to vector<16xf32>
      tpu.vector_store %swap3A_87[%swap3A_88], %swap3A_91 {strides = array<i32>} : memref<128xf32, #tpu.memory_space<vmem>>, vector<16xf32>,
      %broadcast_in_dim3A_92 = arith.constant 0.000000e+00 : f32
      %broadcast_in_dim3A_93 = vector.broadcast %broadcast_in_dim3A_92 : f32 to vector<16xf32>
      %swap3A_94 = arith.constant 0 : i32
      %swap3A_95 = tpu.memref_slice %arg11[%scan3A_48, %swap3A_94] : memref<128x128xf32, #tpu.memory_space<vmem>> -> memref<1x128xf32, #tpu.memory_space<vmem>>
      %swap3A_96 = tpu.memref_squeeze %swap3A_95 : memref<1x128xf32, #tpu.memory_space<vmem>> -> memref<128xf32, #tpu.memory_space<vmem>>
      %swap3A_97 = arith.constant 80 : index
      %swap3A_98 = tpu.vector_load %swap3A_96[%swap3A_97] {strides = array<i32>} : memref<128xf32, #tpu.memory_space<vmem>>, vector<16xf32>,
      %swap3A_99 = vector.shape_cast %swap3A_98 : vector<16xf32> to vector<16xf32>
      %swap3A_100 = vector.shape_cast %broadcast_in_dim3A_93 : vector<16xf32> to vector<16xf32>
      tpu.vector_store %swap3A_96[%swap3A_97], %swap3A_100 {strides = array<i32>} : memref<128xf32, #tpu.memory_space<vmem>>, vector<16xf32>,
      %broadcast_in_dim3A_101 = arith.constant 0.000000e+00 : f32
      %broadcast_in_dim3A_102 = vector.broadcast %broadcast_in_dim3A_101 : f32 to vector<16xf32>
      %swap3A_103 = arith.constant 0 : i32
      %swap3A_104 = tpu.memref_slice %arg11[%scan3A_48, %swap3A_103] : memref<128x128xf32, #tpu.memory_space<vmem>> -> memref<1x128xf32, #tpu.memory_space<vmem>>
      %swap3A_105 = tpu.memref_squeeze %swap3A_104 : memref<1x128xf32, #tpu.memory_space<vmem>> -> memref<128xf32, #tpu.memory_space<vmem>>
      %swap3A_106 = arith.constant 96 : index
      %swap3A_107 = tpu.vector_load %swap3A_105[%swap3A_106] {strides = array<i32>} : memref<128xf32, #tpu.memory_space<vmem>>, vector<16xf32>,
      %swap3A_108 = vector.shape_cast %swap3A_107 : vector<16xf32> to vector<16xf32>
      %swap3A_109 = vector.shape_cast %broadcast_in_dim3A_102 : vector<16xf32> to vector<16xf32>
      tpu.vector_store %swap3A_105[%swap3A_106], %swap3A_109 {strides = array<i32>} : memref<128xf32, #tpu.memory_space<vmem>>, vector<16xf32>,
      %broadcast_in_dim3A_110 = arith.constant 0.000000e+00 : f32
      %broadcast_in_dim3A_111 = vector.broadcast %broadcast_in_dim3A_110 : f32 to vector<16xf32>
      %swap3A_112 = arith.constant 0 : i32
      %swap3A_113 = tpu.memref_slice %arg11[%scan3A_48, %swap3A_112] : memref<128x128xf32, #tpu.memory_space<vmem>> -> memref<1x128xf32, #tpu.memory_space<vmem>>
      %swap3A_114 = tpu.memref_squeeze %swap3A_113 : memref<1x128xf32, #tpu.memory_space<vmem>> -> memref<128xf32, #tpu.memory_space<vmem>>
      %swap3A_115 = arith.constant 112 : index
      %swap3A_116 = tpu.vector_load %swap3A_114[%swap3A_115] {strides = array<i32>} : memref<128xf32, #tpu.memory_space<vmem>>, vector<16xf32>,
      %swap3A_117 = vector.shape_cast %swap3A_116 : vector<16xf32> to vector<16xf32>
      %swap3A_118 = vector.shape_cast %broadcast_in_dim3A_111 : vector<16xf32> to vector<16xf32>
      tpu.vector_store %swap3A_114[%swap3A_115], %swap3A_118 {strides = array<i32>} : memref<128xf32, #tpu.memory_space<vmem>>, vector<16xf32>,
    }
    %scan3A_9 = arith.constant 128 : i32
    %add3A_10 = arith.constant 0 : i32
    %add3A_11 = arith.addi %mul3A_2, %add3A_10 : i32
    "tpu.region"() ({
      %run_scoped3A = tpu.sem_alloc : memref<!tpu.dma_semaphore, #tpu.memory_space<semaphore_mem>>
      %dma_start3A_48 = arith.constant 0 : i32
      %dma_start3A_49 = tpu.memref_slice %arg13[%add3A_11, %dma_start3A_48] : memref<10240x128xf32, #tpu.memory_space<vmem_shared>> -> memref<128x128xf32, #tpu.memory_space<vmem_shared>>
      %dma_start3A_50 = arith.constant 0 : i32
      %dma_start3A_51 = tpu.memref_slice %arg13[%add3A_11, %dma_start3A_50] : memref<10240x128xf32, #tpu.memory_space<vmem_shared>> -> memref<128x128xf32, #tpu.memory_space<vmem_shared>>
      tpu.enqueue_dma source(%arg11 : memref<128x128xf32, #tpu.memory_space<vmem>>) target(%dma_start3A_51 : memref<128x128xf32, #tpu.memory_space<vmem_shared>>) target_semaphore(%run_scoped3A : memref<!tpu.dma_semaphore, #tpu.memory_space<semaphore_mem>>)
      %dma_wait3A_52 = arith.constant 0 : i32
      %dma_wait3A_53 = tpu.memref_slice %arg13[%add3A_11, %dma_wait3A_52] : memref<10240x128xf32, #tpu.memory_space<vmem_shared>> -> memref<128x128xf32, #tpu.memory_space<vmem_shared>>
      %dma_wait3A_54 = arith.constant 0 : i32
      %dma_wait3A_55 = tpu.memref_slice %arg13[%add3A_11, %dma_wait3A_54] : memref<10240x128xf32, #tpu.memory_space<vmem_shared>> -> memref<128x128xf32, #tpu.memory_space<vmem_shared>>
      tpu.wait_dma2 semaphore(%run_scoped3A : memref<!tpu.dma_semaphore, #tpu.memory_space<semaphore_mem>>) src(%arg11 : memref<128x128xf32, #tpu.memory_space<vmem>>) dst(%dma_wait3A_55 : memref<128x128xf32, #tpu.memory_space<vmem_shared>>)
      tpu.yield
    }) : () -> ()
    %add3A_12 = arith.constant 128 : i32
    %add3A_13 = arith.addi %mul3A_2, %add3A_12 : i32
    "tpu.region"() ({
      %run_scoped3A = tpu.sem_alloc : memref<!tpu.dma_semaphore, #tpu.memory_space<semaphore_mem>>
      %dma_start3A_48 = arith.constant 0 : i32
      %dma_start3A_49 = tpu.memref_slice %arg13[%add3A_13, %dma_start3A_48] : memref<10240x128xf32, #tpu.memory_space<vmem_shared>> -> memref<128x128xf32, #tpu.memory_space<vmem_shared>>
      %dma_start3A_50 = arith.constant 0 : i32
      %dma_start3A_51 = tpu.memref_slice %arg13[%add3A_13, %dma_start3A_50] : memref<10240x128xf32, #tpu.memory_space<vmem_shared>> -> memref<128x128xf32, #tpu.memory_space<vmem_shared>>
      tpu.enqueue_dma source(%arg11 : memref<128x128xf32, #tpu.memory_space<vmem>>) target(%dma_start3A_51 : memref<128x128xf32, #tpu.memory_space<vmem_shared>>) target_semaphore(%run_scoped3A : memref<!tpu.dma_semaphore, #tpu.memory_space<semaphore_mem>>)
      %dma_wait3A_52 = arith.constant 0 : i32
      %dma_wait3A_53 = tpu.memref_slice %arg13[%add3A_13, %dma_wait3A_52] : memref<10240x128xf32, #tpu.memory_space<vmem_shared>> -> memref<128x128xf32, #tpu.memory_space<vmem_shared>>
      %dma_wait3A_54 = arith.constant 0 : i32
      %dma_wait3A_55 = tpu.memref_slice %arg13[%add3A_13, %dma_wait3A_54] : memref<10240x128xf32, #tpu.memory_space<vmem_shared>> -> memref<128x128xf32, #tpu.memory_space<vmem_shared>>
      tpu.wait_dma2 semaphore(%run_scoped3A : memref<!tpu.dma_semaphore, #tpu.memory_space<semaphore_mem>>) src(%arg11 : memref<128x128xf32, #tpu.memory_space<vmem>>) dst(%dma_wait3A_55 : memref<128x128xf32, #tpu.memory_space<vmem_shared>>)
      tpu.yield
    }) : () -> ()
    %add3A_14 = arith.constant 256 : i32
    %add3A_15 = arith.addi %mul3A_2, %add3A_14 : i32
    "tpu.region"() ({
      %run_scoped3A = tpu.sem_alloc : memref<!tpu.dma_semaphore, #tpu.memory_space<semaphore_mem>>
      %dma_start3A_48 = arith.constant 0 : i32
      %dma_start3A_49 = tpu.memref_slice %arg13[%add3A_15, %dma_start3A_48] : memref<10240x128xf32, #tpu.memory_space<vmem_shared>> -> memref<128x128xf32, #tpu.memory_space<vmem_shared>>
      %dma_start3A_50 = arith.constant 0 : i32
      %dma_start3A_51 = tpu.memref_slice %arg13[%add3A_15, %dma_start3A_50] : memref<10240x128xf32, #tpu.memory_space<vmem_shared>> -> memref<128x128xf32, #tpu.memory_space<vmem_shared>>
      tpu.enqueue_dma source(%arg11 : memref<128x128xf32, #tpu.memory_space<vmem>>) target(%dma_start3A_51 : memref<128x128xf32, #tpu.memory_space<vmem_shared>>) target_semaphore(%run_scoped3A : memref<!tpu.dma_semaphore, #tpu.memory_space<semaphore_mem>>)
      %dma_wait3A_52 = arith.constant 0 : i32
      %dma_wait3A_53 = tpu.memref_slice %arg13[%add3A_15, %dma_wait3A_52] : memref<10240x128xf32, #tpu.memory_space<vmem_shared>> -> memref<128x128xf32, #tpu.memory_space<vmem_shared>>
      %dma_wait3A_54 = arith.constant 0 : i32
      %dma_wait3A_55 = tpu.memref_slice %arg13[%add3A_15, %dma_wait3A_54] : memref<10240x128xf32, #tpu.memory_space<vmem_shared>> -> memref<128x128xf32, #tpu.memory_space<vmem_shared>>
      tpu.wait_dma2 semaphore(%run_scoped3A : memref<!tpu.dma_semaphore, #tpu.memory_space<semaphore_mem>>) src(%arg11 : memref<128x128xf32, #tpu.memory_space<vmem>>) dst(%dma_wait3A_55 : memref<128x128xf32, #tpu.memory_space<vmem_shared>>)
      tpu.yield
    }) : () -> ()
    %add3A_16 = arith.constant 384 : i32
    %add3A_17 = arith.addi %mul3A_2, %add3A_16 : i32
    "tpu.region"() ({
      %run_scoped3A = tpu.sem_alloc : memref<!tpu.dma_semaphore, #tpu.memory_space<semaphore_mem>>
      %dma_start3A_48 = arith.constant 0 : i32
      %dma_start3A_49 = tpu.memref_slice %arg13[%add3A_17, %dma_start3A_48] : memref<10240x128xf32, #tpu.memory_space<vmem_shared>> -> memref<128x128xf32, #tpu.memory_space<vmem_shared>>
      %dma_start3A_50 = arith.constant 0 : i32
      %dma_start3A_51 = tpu.memref_slice %arg13[%add3A_17, %dma_start3A_50] : memref<10240x128xf32, #tpu.memory_space<vmem_shared>> -> memref<128x128xf32, #tpu.memory_space<vmem_shared>>
      tpu.enqueue_dma source(%arg11 : memref<128x128xf32, #tpu.memory_space<vmem>>) target(%dma_start3A_51 : memref<128x128xf32, #tpu.memory_space<vmem_shared>>) target_semaphore(%run_scoped3A : memref<!tpu.dma_semaphore, #tpu.memory_space<semaphore_mem>>)
      %dma_wait3A_52 = arith.constant 0 : i32
      %dma_wait3A_53 = tpu.memref_slice %arg13[%add3A_17, %dma_wait3A_52] : memref<10240x128xf32, #tpu.memory_space<vmem_shared>> -> memref<128x128xf32, #tpu.memory_space<vmem_shared>>
      %dma_wait3A_54 = arith.constant 0 : i32
      %dma_wait3A_55 = tpu.memref_slice %arg13[%add3A_17, %dma_wait3A_54] : memref<10240x128xf32, #tpu.memory_space<vmem_shared>> -> memref<128x128xf32, #tpu.memory_space<vmem_shared>>
      tpu.wait_dma2 semaphore(%run_scoped3A : memref<!tpu.dma_semaphore, #tpu.memory_space<semaphore_mem>>) src(%arg11 : memref<128x128xf32, #tpu.memory_space<vmem>>) dst(%dma_wait3A_55 : memref<128x128xf32, #tpu.memory_space<vmem_shared>>)
      tpu.yield
    }) : () -> ()
    %add3A_18 = arith.constant 512 : i32
    %add3A_19 = arith.addi %mul3A_2, %add3A_18 : i32
    "tpu.region"() ({
      %run_scoped3A = tpu.sem_alloc : memref<!tpu.dma_semaphore, #tpu.memory_space<semaphore_mem>>
      %dma_start3A_48 = arith.constant 0 : i32
      %dma_start3A_49 = tpu.memref_slice %arg13[%add3A_19, %dma_start3A_48] : memref<10240x128xf32, #tpu.memory_space<vmem_shared>> -> memref<128x128xf32, #tpu.memory_space<vmem_shared>>
      %dma_start3A_50 = arith.constant 0 : i32
      %dma_start3A_51 = tpu.memref_slice %arg13[%add3A_19, %dma_start3A_50] : memref<10240x128xf32, #tpu.memory_space<vmem_shared>> -> memref<128x128xf32, #tpu.memory_space<vmem_shared>>
      tpu.enqueue_dma source(%arg11 : memref<128x128xf32, #tpu.memory_space<vmem>>) target(%dma_start3A_51 : memref<128x128xf32, #tpu.memory_space<vmem_shared>>) target_semaphore(%run_scoped3A : memref<!tpu.dma_semaphore, #tpu.memory_space<semaphore_mem>>)
      %dma_wait3A_52 = arith.constant 0 : i32
      %dma_wait3A_53 = tpu.memref_slice %arg13[%add3A_19, %dma_wait3A_52] : memref<10240x128xf32, #tpu.memory_space<vmem_shared>> -> memref<128x128xf32, #tpu.memory_space<vmem_shared>>
      %dma_wait3A_54 = arith.constant 0 : i32
      %dma_wait3A_55 = tpu.memref_slice %arg13[%add3A_19, %dma_wait3A_54] : memref<10240x128xf32, #tpu.memory_space<vmem_shared>> -> memref<128x128xf32, #tpu.memory_space<vmem_shared>>
      tpu.wait_dma2 semaphore(%run_scoped3A : memref<!tpu.dma_semaphore, #tpu.memory_space<semaphore_mem>>) src(%arg11 : memref<128x128xf32, #tpu.memory_space<vmem>>) dst(%dma_wait3A_55 : memref<128x128xf32, #tpu.memory_space<vmem_shared>>)
      tpu.yield
    }) : () -> ()
    "tpu.region"() ({
      %run_scoped3A = tpu.sem_alloc : memref<!tpu.dma_semaphore, #tpu.memory_space<semaphore_mem>>
      %dma_start3A_48 = arith.constant 0 : i32
      %dma_start3A_49 = arith.constant 0 : i32
      %dma_start3A_50 = tpu.memref_slice %arg4[%add3A, %dma_start3A_48, %dma_start3A_49] : memref<32x80x128xi32, #tpu.memory_space<hbm>> -> memref<1x80x128xi32, #tpu.memory_space<hbm>>
      %dma_start3A_51 = tpu.memref_squeeze %dma_start3A_50 : memref<1x80x128xi32, #tpu.memory_space<hbm>> -> memref<80x128xi32, #tpu.memory_space<hbm>>
      %dma_start3A_52 = arith.constant 0 : i32
      %dma_start3A_53 = arith.constant 0 : i32
      %dma_start3A_54 = tpu.memref_slice %arg4[%add3A, %dma_start3A_52, %dma_start3A_53] : memref<32x80x128xi32, #tpu.memory_space<hbm>> -> memref<1x80x128xi32, #tpu.memory_space<hbm>>
      %dma_start3A_55 = tpu.memref_squeeze %dma_start3A_54 : memref<1x80x128xi32, #tpu.memory_space<hbm>> -> memref<80x128xi32, #tpu.memory_space<hbm>>
      tpu.enqueue_dma source(%dma_start3A_55 : memref<80x128xi32, #tpu.memory_space<hbm>>) target(%arg6 : memref<80x128xi32, #tpu.memory_space<vmem>>) target_semaphore(%run_scoped3A : memref<!tpu.dma_semaphore, #tpu.memory_space<semaphore_mem>>)
      %dma_wait3A_56 = arith.constant 0 : i32
      %dma_wait3A_57 = arith.constant 0 : i32
      %dma_wait3A_58 = tpu.memref_slice %arg4[%add3A, %dma_wait3A_56, %dma_wait3A_57] : memref<32x80x128xi32, #tpu.memory_space<hbm>> -> memref<1x80x128xi32, #tpu.memory_space<hbm>>
      %dma_wait3A_59 = tpu.memref_squeeze %dma_wait3A_58 : memref<1x80x128xi32, #tpu.memory_space<hbm>> -> memref<80x128xi32, #tpu.memory_space<hbm>>
      %dma_wait3A_60 = arith.constant 0 : i32
      %dma_wait3A_61 = arith.constant 0 : i32
      %dma_wait3A_62 = tpu.memref_slice %arg4[%add3A, %dma_wait3A_60, %dma_wait3A_61] : memref<32x80x128xi32, #tpu.memory_space<hbm>> -> memref<1x80x128xi32, #tpu.memory_space<hbm>>
      %dma_wait3A_63 = tpu.memref_squeeze %dma_wait3A_62 : memref<1x80x128xi32, #tpu.memory_space<hbm>> -> memref<80x128xi32, #tpu.memory_space<hbm>>
      tpu.wait_dma2 semaphore(%run_scoped3A : memref<!tpu.dma_semaphore, #tpu.memory_space<semaphore_mem>>) src(%dma_wait3A_63 : memref<80x128xi32, #tpu.memory_space<hbm>>) dst(%arg6 : memref<80x128xi32, #tpu.memory_space<vmem>>)
      tpu.yield
    }) : () -> ()
    %barrier3A = arith.constant 0 : index
    tpu.barrier barrier_id(%barrier3A)
    %add3A_20 = arith.constant 0 : i32
    %add3A_21 = arith.addi %mul3A_4, %add3A_20 : i32
    %dma_start3A = tpu.memref_slice %arg3[%add3A_21] : memref<327680xi32, #tpu.memory_space<hbm>> -> memref<128xi32, #tpu.memory_space<hbm>>
    %dma_start3A_22 = tpu.memref_slice %arg3[%add3A_21] : memref<327680xi32, #tpu.memory_space<hbm>> -> memref<128xi32, #tpu.memory_space<hbm>>
    tpu.enqueue_dma source(%dma_start3A_22 : memref<128xi32, #tpu.memory_space<hbm>>) target(%arg7 : memref<128xi32, #tpu.memory_space<vmem>>) target_semaphore(%arg16 : memref<!tpu.dma_semaphore, #tpu.memory_space<semaphore_mem>>)
    %add3A_23 = arith.constant 128 : i32
    %add3A_24 = arith.addi %mul3A_4, %add3A_23 : i32
    %dma_start3A_25 = tpu.memref_slice %arg3[%add3A_24] : memref<327680xi32, #tpu.memory_space<hbm>> -> memref<128xi32, #tpu.memory_space<hbm>>
    %dma_start3A_26 = tpu.memref_slice %arg3[%add3A_24] : memref<327680xi32, #tpu.memory_space<hbm>> -> memref<128xi32, #tpu.memory_space<hbm>>
    tpu.enqueue_dma source(%dma_start3A_26 : memref<128xi32, #tpu.memory_space<hbm>>) target(%arg8 : memref<128xi32, #tpu.memory_space<vmem>>) target_semaphore(%arg17 : memref<!tpu.dma_semaphore, #tpu.memory_space<semaphore_mem>>)
    %add3A_27 = arith.constant 256 : i32
    %add3A_28 = arith.addi %mul3A_4, %add3A_27 : i32
    %dma_start3A_29 = tpu.memref_slice %arg3[%add3A_28] : memref<327680xi32, #tpu.memory_space<hbm>> -> memref<128xi32, #tpu.memory_space<hbm>>
    %dma_start3A_30 = tpu.memref_slice %arg3[%add3A_28] : memref<327680xi32, #tpu.memory_space<hbm>> -> memref<128xi32, #tpu.memory_space<hbm>>
    tpu.enqueue_dma source(%dma_start3A_30 : memref<128xi32, #tpu.memory_space<hbm>>) target(%arg9 : memref<128xi32, #tpu.memory_space<vmem>>) target_semaphore(%arg18 : memref<!tpu.dma_semaphore, #tpu.memory_space<semaphore_mem>>)
    %add3A_31 = arith.constant 384 : i32
    %add3A_32 = arith.addi %mul3A_4, %add3A_31 : i32
    %dma_start3A_33 = tpu.memref_slice %arg3[%add3A_32] : memref<327680xi32, #tpu.memory_space<hbm>> -> memref<128xi32, #tpu.memory_space<hbm>>
    %dma_start3A_34 = tpu.memref_slice %arg3[%add3A_32] : memref<327680xi32, #tpu.memory_space<hbm>> -> memref<128xi32, #tpu.memory_space<hbm>>
    tpu.enqueue_dma source(%dma_start3A_34 : memref<128xi32, #tpu.memory_space<hbm>>) target(%arg10 : memref<128xi32, #tpu.memory_space<vmem>>) target_semaphore(%arg19 : memref<!tpu.dma_semaphore, #tpu.memory_space<semaphore_mem>>)
    %add3A_35 = arith.constant 0 : i32
    %add3A_36 = arith.addi %mul3A_4, %add3A_35 : i32
    %dma_wait3A = tpu.memref_slice %arg3[%add3A_36] : memref<327680xi32, #tpu.memory_space<hbm>> -> memref<128xi32, #tpu.memory_space<hbm>>
    %dma_wait3A_37 = tpu.memref_slice %arg3[%add3A_36] : memref<327680xi32, #tpu.memory_space<hbm>> -> memref<128xi32, #tpu.memory_space<hbm>>
    tpu.wait_dma2 semaphore(%arg16 : memref<!tpu.dma_semaphore, #tpu.memory_space<semaphore_mem>>) src(%dma_wait3A_37 : memref<128xi32, #tpu.memory_space<hbm>>) dst(%arg7 : memref<128xi32, #tpu.memory_space<vmem>>)
    %dma_start3A_38 = arith.constant 0 : i32
    %dma_start3A_39 = arith.constant 0 : i32
    %dma_start3A_40 = tpu.memref_slice %arg2[%dma_start3A_38, %dma_start3A_39] : memref<10000x128xf32, #tpu.memory_space<hbm>> -> memref<10000x128xf32, #tpu.memory_space<hbm>>
    tpu.enqueue_indirect_dma source(%dma_start3A_40 : memref<10000x128xf32, #tpu.memory_space<hbm>>) target(%arg11 : memref<128x128xf32, #tpu.memory_space<vmem>>) offsets(%arg7 : memref<128xi32, #tpu.memory_space<vmem>>) semaphore(%arg14 : memref<!tpu.dma_semaphore, #tpu.memory_space<semaphore_mem>>)
    %scan3A_41 = arith.constant 0 : i32
    %scan3A_42 = arith.constant 0 : i32
    %scan3A_43 = arith.constant 20 : i32
    %scan3A_44 = arith.addi %scan3A_42, %scan3A_43 : i32
    %scan3A_45 = arith.constant 1 : i32
    scf.for %scan3A_48 = %scan3A_42 to %scan3A_44 step %scan3A_45  : i32 {
      %mul3A_49 = arith.constant 4 : i32
      %mul3A_50 = arith.muli %mul3A_49, %scan3A_48 : i32
      %dma_wait3A_51 = arith.constant 0 : i32
      %dma_wait3A_52 = arith.constant 0 : i32
      %dma_wait3A_53 = tpu.memref_slice %arg2[%dma_wait3A_51, %dma_wait3A_52] : memref<10000x128xf32, #tpu.memory_space<hbm>> -> memref<10000x128xf32, #tpu.memory_space<hbm>>
      tpu.wait_indirect_dma semaphore(%arg14 : memref<!tpu.dma_semaphore, #tpu.memory_space<semaphore_mem>>) src(%dma_wait3A_53 : memref<10000x128xf32, #tpu.memory_space<hbm>>) dst(%arg11 : memref<128x128xf32, #tpu.memory_space<vmem>>)
      %add3A_54 = arith.constant 1 : i32
      %add3A_55 = arith.addi %mul3A_50, %add3A_54 : i32
      %mul3A_56 = arith.constant 128 : i32
      %mul3A_57 = arith.muli %add3A_55, %mul3A_56 : i32
      %add3A_58 = arith.addi %mul3A_4, %mul3A_57 : i32
      %dma_wait3A_59 = tpu.memref_slice %arg3[%add3A_58] : memref<327680xi32, #tpu.memory_space<hbm>> -> memref<128xi32, #tpu.memory_space<hbm>>
      %dma_wait3A_60 = tpu.memref_slice %arg3[%add3A_58] : memref<327680xi32, #tpu.memory_space<hbm>> -> memref<128xi32, #tpu.memory_space<hbm>>
      tpu.wait_dma2 semaphore(%arg17 : memref<!tpu.dma_semaphore, #tpu.memory_space<semaphore_mem>>) src(%dma_wait3A_60 : memref<128xi32, #tpu.memory_space<hbm>>) dst(%arg8 : memref<128xi32, #tpu.memory_space<vmem>>)
      %add3A_61 = arith.constant 1 : i32
      %add3A_62 = arith.addi %mul3A_50, %add3A_61 : i32
      %dma_start3A_63 = arith.constant 0 : i32
      %dma_start3A_64 = arith.constant 0 : i32
      %dma_start3A_65 = tpu.memref_slice %arg2[%dma_start3A_63, %dma_start3A_64] : memref<10000x128xf32, #tpu.memory_space<hbm>> -> memref<10000x128xf32, #tpu.memory_space<hbm>>
      tpu.enqueue_indirect_dma source(%dma_start3A_65 : memref<10000x128xf32, #tpu.memory_space<hbm>>) target(%arg12 : memref<128x128xf32, #tpu.memory_space<vmem>>) offsets(%arg8 : memref<128xi32, #tpu.memory_space<vmem>>) semaphore(%arg15 : memref<!tpu.dma_semaphore, #tpu.memory_space<semaphore_mem>>)
      "tpu.region"() ({
        %run_scoped3A = tpu.sem_alloc : memref<!tpu.dma_semaphore, #tpu.memory_space<semaphore_mem>>
        %dma_start3A_143 = arith.constant 0 : i32
        %dma_start3A_144 = tpu.memref_slice %arg6[%mul3A_50, %dma_start3A_143] : memref<80x128xi32, #tpu.memory_space<vmem>> -> memref<1x128xi32, #tpu.memory_space<vmem>>
        %dma_start3A_145 = tpu.memref_squeeze %dma_start3A_144 : memref<1x128xi32, #tpu.memory_space<vmem>> -> memref<128xi32, #tpu.memory_space<vmem>>
        %dma_start3A_146 = arith.constant 0 : i32
        %dma_start3A_147 = arith.constant 0 : i32
        %dma_start3A_148 = tpu.memref_slice %arg13[%dma_start3A_146, %dma_start3A_147] : memref<10240x128xf32, #tpu.memory_space<vmem_shared>> -> memref<10240x128xf32, #tpu.memory_space<vmem_shared>>
        tpu.enqueue_indirect_dma source(%arg11 : memref<128x128xf32, #tpu.memory_space<vmem>>) target(%dma_start3A_148 : memref<10240x128xf32, #tpu.memory_space<vmem_shared>>) offsets(%dma_start3A_145 : memref<128xi32, #tpu.memory_space<vmem>>) semaphore(%run_scoped3A : memref<!tpu.dma_semaphore, #tpu.memory_space<semaphore_mem>>) {add = true}
        %dma_wait3A_149 = arith.constant 0 : i32
        %dma_wait3A_150 = tpu.memref_slice %arg6[%mul3A_50, %dma_wait3A_149] : memref<80x128xi32, #tpu.memory_space<vmem>> -> memref<1x128xi32, #tpu.memory_space<vmem>>
        %dma_wait3A_151 = tpu.memref_squeeze %dma_wait3A_150 : memref<1x128xi32, #tpu.memory_space<vmem>> -> memref<128xi32, #tpu.memory_space<vmem>>
        %dma_wait3A_152 = arith.constant 0 : i32
        %dma_wait3A_153 = arith.constant 0 : i32
        %dma_wait3A_154 = tpu.memref_slice %arg13[%dma_wait3A_152, %dma_wait3A_153] : memref<10240x128xf32, #tpu.memory_space<vmem_shared>> -> memref<10240x128xf32, #tpu.memory_space<vmem_shared>>
        tpu.wait_indirect_dma semaphore(%run_scoped3A : memref<!tpu.dma_semaphore, #tpu.memory_space<semaphore_mem>>) src(%arg11 : memref<128x128xf32, #tpu.memory_space<vmem>>) dst(%dma_wait3A_154 : memref<10240x128xf32, #tpu.memory_space<vmem_shared>>)
        tpu.yield
      }) : () -> ()
      %add3A_66 = arith.constant 4 : i32
      %add3A_67 = arith.addi %mul3A_50, %add3A_66 : i32
      %lt3A = arith.constant 80 : i32
      %lt3A_68 = arith.cmpi slt, %add3A_67, %lt3A : i32
      %convert_element_type3A = arith.extui %lt3A_68 : i1 to i32
      %cond3A = arith.constant 0 : i32
      %cond3A_69 = arith.cmpi ne, %convert_element_type3A, %cond3A : i32
      scf.if %cond3A_69 {
        %add3A_143 = arith.constant 4 : i32
        %add3A_144 = arith.addi %mul3A_50, %add3A_143 : i32
        %mul3A_145 = arith.constant 128 : i32
        %mul3A_146 = arith.muli %add3A_144, %mul3A_145 : i32
        %add3A_147 = arith.addi %mul3A_4, %mul3A_146 : i32
        %dma_start3A_148 = tpu.memref_slice %arg3[%add3A_147] : memref<327680xi32, #tpu.memory_space<hbm>> -> memref<128xi32, #tpu.memory_space<hbm>>
        %dma_start3A_149 = tpu.memref_slice %arg3[%add3A_147] : memref<327680xi32, #tpu.memory_space<hbm>> -> memref<128xi32, #tpu.memory_space<hbm>>
        tpu.enqueue_dma source(%dma_start3A_149 : memref<128xi32, #tpu.memory_space<hbm>>) target(%arg7 : memref<128xi32, #tpu.memory_space<vmem>>) target_semaphore(%arg16 : memref<!tpu.dma_semaphore, #tpu.memory_space<semaphore_mem>>)
      } else {
      }
      %add3A_70 = arith.constant 1 : i32
      %add3A_71 = arith.addi %mul3A_50, %add3A_70 : i32
      %dma_wait3A_72 = arith.constant 0 : i32
      %dma_wait3A_73 = arith.constant 0 : i32
      %dma_wait3A_74 = tpu.memref_slice %arg2[%dma_wait3A_72, %dma_wait3A_73] : memref<10000x128xf32, #tpu.memory_space<hbm>> -> memref<10000x128xf32, #tpu.memory_space<hbm>>
      tpu.wait_indirect_dma semaphore(%arg15 : memref<!tpu.dma_semaphore, #tpu.memory_space<semaphore_mem>>) src(%dma_wait3A_74 : memref<10000x128xf32, #tpu.memory_space<hbm>>) dst(%arg12 : memref<128x128xf32, #tpu.memory_space<vmem>>)
      %add3A_75 = arith.constant 2 : i32
      %add3A_76 = arith.addi %mul3A_50, %add3A_75 : i32
      %mul3A_77 = arith.constant 128 : i32
      %mul3A_78 = arith.muli %add3A_76, %mul3A_77 : i32
      %add3A_79 = arith.addi %mul3A_4, %mul3A_78 : i32
      %dma_wait3A_80 = tpu.memref_slice %arg3[%add3A_79] : memref<327680xi32, #tpu.memory_space<hbm>> -> memref<128xi32, #tpu.memory_space<hbm>>
      %dma_wait3A_81 = tpu.memref_slice %arg3[%add3A_79] : memref<327680xi32, #tpu.memory_space<hbm>> -> memref<128xi32, #tpu.memory_space<hbm>>
      tpu.wait_dma2 semaphore(%arg18 : memref<!tpu.dma_semaphore, #tpu.memory_space<semaphore_mem>>) src(%dma_wait3A_81 : memref<128xi32, #tpu.memory_space<hbm>>) dst(%arg9 : memref<128xi32, #tpu.memory_space<vmem>>)
      %add3A_82 = arith.constant 2 : i32
      %add3A_83 = arith.addi %mul3A_50, %add3A_82 : i32
      %dma_start3A_84 = arith.constant 0 : i32
      %dma_start3A_85 = arith.constant 0 : i32
      %dma_start3A_86 = tpu.memref_slice %arg2[%dma_start3A_84, %dma_start3A_85] : memref<10000x128xf32, #tpu.memory_space<hbm>> -> memref<10000x128xf32, #tpu.memory_space<hbm>>
      tpu.enqueue_indirect_dma source(%dma_start3A_86 : memref<10000x128xf32, #tpu.memory_space<hbm>>) target(%arg11 : memref<128x128xf32, #tpu.memory_space<vmem>>) offsets(%arg9 : memref<128xi32, #tpu.memory_space<vmem>>) semaphore(%arg14 : memref<!tpu.dma_semaphore, #tpu.memory_space<semaphore_mem>>)
      %add3A_87 = arith.constant 1 : i32
      %add3A_88 = arith.addi %mul3A_50, %add3A_87 : i32
      "tpu.region"() ({
        %run_scoped3A = tpu.sem_alloc : memref<!tpu.dma_semaphore, #tpu.memory_space<semaphore_mem>>
        %dma_start3A_143 = arith.constant 0 : i32
        %dma_start3A_144 = tpu.memref_slice %arg6[%add3A_88, %dma_start3A_143] : memref<80x128xi32, #tpu.memory_space<vmem>> -> memref<1x128xi32, #tpu.memory_space<vmem>>
        %dma_start3A_145 = tpu.memref_squeeze %dma_start3A_144 : memref<1x128xi32, #tpu.memory_space<vmem>> -> memref<128xi32, #tpu.memory_space<vmem>>
        %dma_start3A_146 = arith.constant 0 : i32
        %dma_start3A_147 = arith.constant 0 : i32
        %dma_start3A_148 = tpu.memref_slice %arg13[%dma_start3A_146, %dma_start3A_147] : memref<10240x128xf32, #tpu.memory_space<vmem_shared>> -> memref<10240x128xf32, #tpu.memory_space<vmem_shared>>
        tpu.enqueue_indirect_dma source(%arg12 : memref<128x128xf32, #tpu.memory_space<vmem>>) target(%dma_start3A_148 : memref<10240x128xf32, #tpu.memory_space<vmem_shared>>) offsets(%dma_start3A_145 : memref<128xi32, #tpu.memory_space<vmem>>) semaphore(%run_scoped3A : memref<!tpu.dma_semaphore, #tpu.memory_space<semaphore_mem>>) {add = true}
        %dma_wait3A_149 = arith.constant 0 : i32
        %dma_wait3A_150 = tpu.memref_slice %arg6[%add3A_88, %dma_wait3A_149] : memref<80x128xi32, #tpu.memory_space<vmem>> -> memref<1x128xi32, #tpu.memory_space<vmem>>
        %dma_wait3A_151 = tpu.memref_squeeze %dma_wait3A_150 : memref<1x128xi32, #tpu.memory_space<vmem>> -> memref<128xi32, #tpu.memory_space<vmem>>
        %dma_wait3A_152 = arith.constant 0 : i32
        %dma_wait3A_153 = arith.constant 0 : i32
        %dma_wait3A_154 = tpu.memref_slice %arg13[%dma_wait3A_152, %dma_wait3A_153] : memref<10240x128xf32, #tpu.memory_space<vmem_shared>> -> memref<10240x128xf32, #tpu.memory_space<vmem_shared>>
        tpu.wait_indirect_dma semaphore(%run_scoped3A : memref<!tpu.dma_semaphore, #tpu.memory_space<semaphore_mem>>) src(%arg12 : memref<128x128xf32, #tpu.memory_space<vmem>>) dst(%dma_wait3A_154 : memref<10240x128xf32, #tpu.memory_space<vmem_shared>>)
        tpu.yield
      }) : () -> ()
      %add3A_89 = arith.constant 5 : i32
      %add3A_90 = arith.addi %mul3A_50, %add3A_89 : i32
      %lt3A_91 = arith.constant 80 : i32
      %lt3A_92 = arith.cmpi slt, %add3A_90, %lt3A_91 : i32
      %convert_element_type3A_93 = arith.extui %lt3A_92 : i1 to i32
      %cond3A_94 = arith.constant 0 : i32
      %cond3A_95 = arith.cmpi ne, %convert_element_type3A_93, %cond3A_94 : i32
      scf.if %cond3A_95 {
        %add3A_143 = arith.constant 5 : i32
        %add3A_144 = arith.addi %mul3A_50, %add3A_143 : i32
        %mul3A_145 = arith.constant 128 : i32
        %mul3A_146 = arith.muli %add3A_144, %mul3A_145 : i32
        %add3A_147 = arith.addi %mul3A_4, %mul3A_146 : i32
        %dma_start3A_148 = tpu.memref_slice %arg3[%add3A_147] : memref<327680xi32, #tpu.memory_space<hbm>> -> memref<128xi32, #tpu.memory_space<hbm>>
        %dma_start3A_149 = tpu.memref_slice %arg3[%add3A_147] : memref<327680xi32, #tpu.memory_space<hbm>> -> memref<128xi32, #tpu.memory_space<hbm>>
        tpu.enqueue_dma source(%dma_start3A_149 : memref<128xi32, #tpu.memory_space<hbm>>) target(%arg8 : memref<128xi32, #tpu.memory_space<vmem>>) target_semaphore(%arg17 : memref<!tpu.dma_semaphore, #tpu.memory_space<semaphore_mem>>)
      } else {
      }
      %add3A_96 = arith.constant 2 : i32
      %add3A_97 = arith.addi %mul3A_50, %add3A_96 : i32
      %dma_wait3A_98 = arith.constant 0 : i32
      %dma_wait3A_99 = arith.constant 0 : i32
      %dma_wait3A_100 = tpu.memref_slice %arg2[%dma_wait3A_98, %dma_wait3A_99] : memref<10000x128xf32, #tpu.memory_space<hbm>> -> memref<10000x128xf32, #tpu.memory_space<hbm>>
      tpu.wait_indirect_dma semaphore(%arg14 : memref<!tpu.dma_semaphore, #tpu.memory_space<semaphore_mem>>) src(%dma_wait3A_100 : memref<10000x128xf32, #tpu.memory_space<hbm>>) dst(%arg11 : memref<128x128xf32, #tpu.memory_space<vmem>>)
      %add3A_101 = arith.constant 3 : i32
      %add3A_102 = arith.addi %mul3A_50, %add3A_101 : i32
      %mul3A_103 = arith.constant 128 : i32
      %mul3A_104 = arith.muli %add3A_102, %mul3A_103 : i32
      %add3A_105 = arith.addi %mul3A_4, %mul3A_104 : i32
      %dma_wait3A_106 = tpu.memref_slice %arg3[%add3A_105] : memref<327680xi32, #tpu.memory_space<hbm>> -> memref<128xi32, #tpu.memory_space<hbm>>
      %dma_wait3A_107 = tpu.memref_slice %arg3[%add3A_105] : memref<327680xi32, #tpu.memory_space<hbm>> -> memref<128xi32, #tpu.memory_space<hbm>>
      tpu.wait_dma2 semaphore(%arg19 : memref<!tpu.dma_semaphore, #tpu.memory_space<semaphore_mem>>) src(%dma_wait3A_107 : memref<128xi32, #tpu.memory_space<hbm>>) dst(%arg10 : memref<128xi32, #tpu.memory_space<vmem>>)
      %add3A_108 = arith.constant 3 : i32
      %add3A_109 = arith.addi %mul3A_50, %add3A_108 : i32
      %dma_start3A_110 = arith.constant 0 : i32
      %dma_start3A_111 = arith.constant 0 : i32
      %dma_start3A_112 = tpu.memref_slice %arg2[%dma_start3A_110, %dma_start3A_111] : memref<10000x128xf32, #tpu.memory_space<hbm>> -> memref<10000x128xf32, #tpu.memory_space<hbm>>
      tpu.enqueue_indirect_dma source(%dma_start3A_112 : memref<10000x128xf32, #tpu.memory_space<hbm>>) target(%arg12 : memref<128x128xf32, #tpu.memory_space<vmem>>) offsets(%arg10 : memref<128xi32, #tpu.memory_space<vmem>>) semaphore(%arg15 : memref<!tpu.dma_semaphore, #tpu.memory_space<semaphore_mem>>)
      %add3A_113 = arith.constant 2 : i32
      %add3A_114 = arith.addi %mul3A_50, %add3A_113 : i32
      "tpu.region"() ({
        %run_scoped3A = tpu.sem_alloc : memref<!tpu.dma_semaphore, #tpu.memory_space<semaphore_mem>>
        %dma_start3A_143 = arith.constant 0 : i32
        %dma_start3A_144 = tpu.memref_slice %arg6[%add3A_114, %dma_start3A_143] : memref<80x128xi32, #tpu.memory_space<vmem>> -> memref<1x128xi32, #tpu.memory_space<vmem>>
        %dma_start3A_145 = tpu.memref_squeeze %dma_start3A_144 : memref<1x128xi32, #tpu.memory_space<vmem>> -> memref<128xi32, #tpu.memory_space<vmem>>
        %dma_start3A_146 = arith.constant 0 : i32
        %dma_start3A_147 = arith.constant 0 : i32
        %dma_start3A_148 = tpu.memref_slice %arg13[%dma_start3A_146, %dma_start3A_147] : memref<10240x128xf32, #tpu.memory_space<vmem_shared>> -> memref<10240x128xf32, #tpu.memory_space<vmem_shared>>
        tpu.enqueue_indirect_dma source(%arg11 : memref<128x128xf32, #tpu.memory_space<vmem>>) target(%dma_start3A_148 : memref<10240x128xf32, #tpu.memory_space<vmem_shared>>) offsets(%dma_start3A_145 : memref<128xi32, #tpu.memory_space<vmem>>) semaphore(%run_scoped3A : memref<!tpu.dma_semaphore, #tpu.memory_space<semaphore_mem>>) {add = true}
        %dma_wait3A_149 = arith.constant 0 : i32
        %dma_wait3A_150 = tpu.memref_slice %arg6[%add3A_114, %dma_wait3A_149] : memref<80x128xi32, #tpu.memory_space<vmem>> -> memref<1x128xi32, #tpu.memory_space<vmem>>
        %dma_wait3A_151 = tpu.memref_squeeze %dma_wait3A_150 : memref<1x128xi32, #tpu.memory_space<vmem>> -> memref<128xi32, #tpu.memory_space<vmem>>
        %dma_wait3A_152 = arith.constant 0 : i32
        %dma_wait3A_153 = arith.constant 0 : i32
        %dma_wait3A_154 = tpu.memref_slice %arg13[%dma_wait3A_152, %dma_wait3A_153] : memref<10240x128xf32, #tpu.memory_space<vmem_shared>> -> memref<10240x128xf32, #tpu.memory_space<vmem_shared>>
        tpu.wait_indirect_dma semaphore(%run_scoped3A : memref<!tpu.dma_semaphore, #tpu.memory_space<semaphore_mem>>) src(%arg11 : memref<128x128xf32, #tpu.memory_space<vmem>>) dst(%dma_wait3A_154 : memref<10240x128xf32, #tpu.memory_space<vmem_shared>>)
        tpu.yield
      }) : () -> ()
      %add3A_115 = arith.constant 6 : i32
      %add3A_116 = arith.addi %mul3A_50, %add3A_115 : i32
      %lt3A_117 = arith.constant 80 : i32
      %lt3A_118 = arith.cmpi slt, %add3A_116, %lt3A_117 : i32
      %convert_element_type3A_119 = arith.extui %lt3A_118 : i1 to i32
      %cond3A_120 = arith.constant 0 : i32
      %cond3A_121 = arith.cmpi ne, %convert_element_type3A_119, %cond3A_120 : i32
      scf.if %cond3A_121 {
        %add3A_143 = arith.constant 6 : i32
        %add3A_144 = arith.addi %mul3A_50, %add3A_143 : i32
        %mul3A_145 = arith.constant 128 : i32
        %mul3A_146 = arith.muli %add3A_144, %mul3A_145 : i32
        %add3A_147 = arith.addi %mul3A_4, %mul3A_146 : i32
        %dma_start3A_148 = tpu.memref_slice %arg3[%add3A_147] : memref<327680xi32, #tpu.memory_space<hbm>> -> memref<128xi32, #tpu.memory_space<hbm>>
        %dma_start3A_149 = tpu.memref_slice %arg3[%add3A_147] : memref<327680xi32, #tpu.memory_space<hbm>> -> memref<128xi32, #tpu.memory_space<hbm>>
        tpu.enqueue_dma source(%dma_start3A_149 : memref<128xi32, #tpu.memory_space<hbm>>) target(%arg9 : memref<128xi32, #tpu.memory_space<vmem>>) target_semaphore(%arg18 : memref<!tpu.dma_semaphore, #tpu.memory_space<semaphore_mem>>)
      } else {
      }
      %add3A_122 = arith.constant 3 : i32
      %add3A_123 = arith.addi %mul3A_50, %add3A_122 : i32
      %dma_wait3A_124 = arith.constant 0 : i32
      %dma_wait3A_125 = arith.constant 0 : i32
      %dma_wait3A_126 = tpu.memref_slice %arg2[%dma_wait3A_124, %dma_wait3A_125] : memref<10000x128xf32, #tpu.memory_space<hbm>> -> memref<10000x128xf32, #tpu.memory_space<hbm>>
      tpu.wait_indirect_dma semaphore(%arg15 : memref<!tpu.dma_semaphore, #tpu.memory_space<semaphore_mem>>) src(%dma_wait3A_126 : memref<10000x128xf32, #tpu.memory_space<hbm>>) dst(%arg12 : memref<128x128xf32, #tpu.memory_space<vmem>>)
      %add3A_127 = arith.constant 4 : i32
      %add3A_128 = arith.addi %mul3A_50, %add3A_127 : i32
      %lt3A_129 = arith.constant 80 : i32
      %lt3A_130 = arith.cmpi slt, %add3A_128, %lt3A_129 : i32
      %convert_element_type3A_131 = arith.extui %lt3A_130 : i1 to i32
      %cond3A_132 = arith.constant 0 : i32
      %cond3A_133 = arith.cmpi ne, %convert_element_type3A_131, %cond3A_132 : i32
      scf.if %cond3A_133 {
        %add3A_143 = arith.constant 4 : i32
        %add3A_144 = arith.addi %mul3A_50, %add3A_143 : i32
        %mul3A_145 = arith.constant 128 : i32
        %mul3A_146 = arith.muli %add3A_144, %mul3A_145 : i32
        %add3A_147 = arith.addi %mul3A_4, %mul3A_146 : i32
        %dma_wait3A_148 = tpu.memref_slice %arg3[%add3A_147] : memref<327680xi32, #tpu.memory_space<hbm>> -> memref<128xi32, #tpu.memory_space<hbm>>
        %dma_wait3A_149 = tpu.memref_slice %arg3[%add3A_147] : memref<327680xi32, #tpu.memory_space<hbm>> -> memref<128xi32, #tpu.memory_space<hbm>>
        tpu.wait_dma2 semaphore(%arg16 : memref<!tpu.dma_semaphore, #tpu.memory_space<semaphore_mem>>) src(%dma_wait3A_149 : memref<128xi32, #tpu.memory_space<hbm>>) dst(%arg7 : memref<128xi32, #tpu.memory_space<vmem>>)
        %add3A_150 = arith.constant 4 : i32
        %add3A_151 = arith.addi %mul3A_50, %add3A_150 : i32
        %dma_start3A_152 = arith.constant 0 : i32
        %dma_start3A_153 = arith.constant 0 : i32
        %dma_start3A_154 = tpu.memref_slice %arg2[%dma_start3A_152, %dma_start3A_153] : memref<10000x128xf32, #tpu.memory_space<hbm>> -> memref<10000x128xf32, #tpu.memory_space<hbm>>
        tpu.enqueue_indirect_dma source(%dma_start3A_154 : memref<10000x128xf32, #tpu.memory_space<hbm>>) target(%arg11 : memref<128x128xf32, #tpu.memory_space<vmem>>) offsets(%arg7 : memref<128xi32, #tpu.memory_space<vmem>>) semaphore(%arg14 : memref<!tpu.dma_semaphore, #tpu.memory_space<semaphore_mem>>)
      } else {
      }
      %add3A_134 = arith.constant 3 : i32
      %add3A_135 = arith.addi %mul3A_50, %add3A_134 : i32
      "tpu.region"() ({
        %run_scoped3A = tpu.sem_alloc : memref<!tpu.dma_semaphore, #tpu.memory_space<semaphore_mem>>
        %dma_start3A_143 = arith.constant 0 : i32
        %dma_start3A_144 = tpu.memref_slice %arg6[%add3A_135, %dma_start3A_143] : memref<80x128xi32, #tpu.memory_space<vmem>> -> memref<1x128xi32, #tpu.memory_space<vmem>>
        %dma_start3A_145 = tpu.memref_squeeze %dma_start3A_144 : memref<1x128xi32, #tpu.memory_space<vmem>> -> memref<128xi32, #tpu.memory_space<vmem>>
        %dma_start3A_146 = arith.constant 0 : i32
        %dma_start3A_147 = arith.constant 0 : i32
        %dma_start3A_148 = tpu.memref_slice %arg13[%dma_start3A_146, %dma_start3A_147] : memref<10240x128xf32, #tpu.memory_space<vmem_shared>> -> memref<10240x128xf32, #tpu.memory_space<vmem_shared>>
        tpu.enqueue_indirect_dma source(%arg12 : memref<128x128xf32, #tpu.memory_space<vmem>>) target(%dma_start3A_148 : memref<10240x128xf32, #tpu.memory_space<vmem_shared>>) offsets(%dma_start3A_145 : memref<128xi32, #tpu.memory_space<vmem>>) semaphore(%run_scoped3A : memref<!tpu.dma_semaphore, #tpu.memory_space<semaphore_mem>>) {add = true}
        %dma_wait3A_149 = arith.constant 0 : i32
        %dma_wait3A_150 = tpu.memref_slice %arg6[%add3A_135, %dma_wait3A_149] : memref<80x128xi32, #tpu.memory_space<vmem>> -> memref<1x128xi32, #tpu.memory_space<vmem>>
        %dma_wait3A_151 = tpu.memref_squeeze %dma_wait3A_150 : memref<1x128xi32, #tpu.memory_space<vmem>> -> memref<128xi32, #tpu.memory_space<vmem>>
        %dma_wait3A_152 = arith.constant 0 : i32
        %dma_wait3A_153 = arith.constant 0 : i32
        %dma_wait3A_154 = tpu.memref_slice %arg13[%dma_wait3A_152, %dma_wait3A_153] : memref<10240x128xf32, #tpu.memory_space<vmem_shared>> -> memref<10240x128xf32, #tpu.memory_space<vmem_shared>>
        tpu.wait_indirect_dma semaphore(%run_scoped3A : memref<!tpu.dma_semaphore, #tpu.memory_space<semaphore_mem>>) src(%arg12 : memref<128x128xf32, #tpu.memory_space<vmem>>) dst(%dma_wait3A_154 : memref<10240x128xf32, #tpu.memory_space<vmem_shared>>)
        tpu.yield
      }) : () -> ()
      %add3A_136 = arith.constant 7 : i32
      %add3A_137 = arith.addi %mul3A_50, %add3A_136 : i32
      %lt3A_138 = arith.constant 80 : i32
      %lt3A_139 = arith.cmpi slt, %add3A_137, %lt3A_138 : i32
      %convert_element_type3A_140 = arith.extui %lt3A_139 : i1 to i32
      %cond3A_141 = arith.constant 0 : i32
      %cond3A_142 = arith.cmpi ne, %convert_element_type3A_140, %cond3A_141 : i32
      scf.if %cond3A_142 {
        %add3A_143 = arith.constant 7 : i32
        %add3A_144 = arith.addi %mul3A_50, %add3A_143 : i32
        %mul3A_145 = arith.constant 128 : i32
        %mul3A_146 = arith.muli %add3A_144, %mul3A_145 : i32
        %add3A_147 = arith.addi %mul3A_4, %mul3A_146 : i32
        %dma_start3A_148 = tpu.memref_slice %arg3[%add3A_147] : memref<327680xi32, #tpu.memory_space<hbm>> -> memref<128xi32, #tpu.memory_space<hbm>>
        %dma_start3A_149 = tpu.memref_slice %arg3[%add3A_147] : memref<327680xi32, #tpu.memory_space<hbm>> -> memref<128xi32, #tpu.memory_space<hbm>>
        tpu.enqueue_dma source(%dma_start3A_149 : memref<128xi32, #tpu.memory_space<hbm>>) target(%arg10 : memref<128xi32, #tpu.memory_space<vmem>>) target_semaphore(%arg19 : memref<!tpu.dma_semaphore, #tpu.memory_space<semaphore_mem>>)
      } else {
      }
    }
    %scan3A_46 = arith.constant 20 : i32
    %barrier3A_47 = arith.constant 0 : index
    tpu.barrier barrier_id(%barrier3A_47)
    "tpu.region"() ({
      %run_scoped3A = tpu.sem_alloc : memref<!tpu.dma_semaphore, #tpu.memory_space<semaphore_mem>>
      %dma_start3A_48 = arith.constant 0 : i32
      %dma_start3A_49 = tpu.memref_slice %arg5[%arg0, %mul3A_2, %dma_start3A_48] : memref<2x10240x128xf32, #tpu.memory_space<hbm>> -> memref<1x640x128xf32, #tpu.memory_space<hbm>>
      %dma_start3A_50 = tpu.memref_squeeze %dma_start3A_49 : memref<1x640x128xf32, #tpu.memory_space<hbm>> -> memref<640x128xf32, #tpu.memory_space<hbm>>
      %dma_start3A_51 = arith.constant 0 : i32
      %dma_start3A_52 = tpu.memref_slice %arg13[%mul3A_2, %dma_start3A_51] : memref<10240x128xf32, #tpu.memory_space<vmem_shared>> -> memref<640x128xf32, #tpu.memory_space<vmem_shared>>
      tpu.enqueue_dma source(%dma_start3A_52 : memref<640x128xf32, #tpu.memory_space<vmem_shared>>) target(%dma_start3A_50 : memref<640x128xf32, #tpu.memory_space<hbm>>) target_semaphore(%run_scoped3A : memref<!tpu.dma_semaphore, #tpu.memory_space<semaphore_mem>>)
      %dma_wait3A_53 = arith.constant 0 : i32
      %dma_wait3A_54 = tpu.memref_slice %arg5[%arg0, %mul3A_2, %dma_wait3A_53] : memref<2x10240x128xf32, #tpu.memory_space<hbm>> -> memref<1x640x128xf32, #tpu.memory_space<hbm>>
      %dma_wait3A_55 = tpu.memref_squeeze %dma_wait3A_54 : memref<1x640x128xf32, #tpu.memory_space<hbm>> -> memref<640x128xf32, #tpu.memory_space<hbm>>
      %dma_wait3A_56 = arith.constant 0 : i32
      %dma_wait3A_57 = tpu.memref_slice %arg13[%mul3A_2, %dma_wait3A_56] : memref<10240x128xf32, #tpu.memory_space<vmem_shared>> -> memref<640x128xf32, #tpu.memory_space<vmem_shared>>
      tpu.wait_dma2 semaphore(%run_scoped3A : memref<!tpu.dma_semaphore, #tpu.memory_space<semaphore_mem>>) src(%dma_wait3A_57 : memref<640x128xf32, #tpu.memory_space<vmem_shared>>) dst(%dma_wait3A_55 : memref<640x128xf32, #tpu.memory_space<hbm>>)
      tpu.yield
    }) : () -> ()
    return
  }
}

#map = affine_map<(d0, d1) -> (0, 0)>
#map1 = affine_map<(d0, d1) -> (0)>
#map2 = affine_map<(d0, d1) -> (0, 0, 0)>
module attributes {stable_mosaic.version = 14 : i64} {
  func.func @_sc_scatter_rows(%arg0: i32, %arg1: i32, %arg2: memref<10000x128xf32, #tpu.memory_space<hbm>>, %arg3: memref<327680xi32, #tpu.memory_space<hbm>>, %arg4: memref<32x80x128xi32, #tpu.memory_space<hbm>>, %arg5: memref<2x10240x128xf32, #tpu.memory_space<hbm>>, %arg6: memref<80x128xi32, #tpu.memory_space<vmem>>, %arg7: memref<128xi32, #tpu.memory_space<vmem>>, %arg8: memref<128xi32, #tpu.memory_space<vmem>>, %arg9: memref<128xi32, #tpu.memory_space<vmem>>, %arg10: memref<128xi32, #tpu.memory_space<vmem>>, %arg11: memref<128x128xf32, #tpu.memory_space<vmem>>, %arg12: memref<128x128xf32, #tpu.memory_space<vmem>>, %arg13: memref<10240x128xf32, #tpu.memory_space<vmem_shared>>, %arg14: memref<!tpu.dma_semaphore, #tpu.memory_space<semaphore_mem>>, %arg15: memref<!tpu.dma_semaphore, #tpu.memory_space<semaphore_mem>>, %arg16: memref<!tpu.dma_semaphore, #tpu.memory_space<semaphore_mem>>, %arg17: memref<!tpu.dma_semaphore, #tpu.memory_space<semaphore_mem>>, %arg18: memref<!tpu.dma_semaphore, #tpu.memory_space<semaphore_mem>>, %arg19: memref<!tpu.dma_semaphore, #tpu.memory_space<semaphore_mem>>) attributes {dimension_semantics = [#tpu.dimension_semantics<core_parallel>, #tpu.dimension_semantics<subcore_parallel>], iteration_bounds = array<i64: 2, 16>, scalar_prefetch = 0 : i64, scratch_operands = 14 : i64, tpu.core_type = #tpu.core_type<sc_vector_subcore>, window_params = [{transform_indices = #map}, {transform_indices = #map1}, {transform_indices = #map2}, {transform_indices = #map2}]} {
    %mul3A = arith.constant 16 : i32
    %mul3A_0 = arith.muli %arg0, %mul3A : i32
    %add3A = arith.addi %mul3A_0, %arg1 : i32
    %mul3A_1 = arith.constant 640 : i32
    %mul3A_2 = arith.muli %arg1, %mul3A_1 : i32
    %mul3A_3 = arith.constant 10240 : i32
    %mul3A_4 = arith.muli %add3A, %mul3A_3 : i32
    %scan3A = arith.constant 0 : i32
    %scan3A_5 = arith.constant 0 : i32
    %scan3A_6 = arith.constant 128 : i32
    %scan3A_7 = arith.addi %scan3A_5, %scan3A_6 : i32
    %scan3A_8 = arith.constant 1 : i32
    scf.for %scan3A_48 = %scan3A_5 to %scan3A_7 step %scan3A_8  : i32 {
      %broadcast_in_dim3A = arith.constant 0.000000e+00 : f32
      %broadcast_in_dim3A_49 = vector.broadcast %broadcast_in_dim3A : f32 to vector<16xf32>
      %swap3A = arith.constant 0 : i32
      %swap3A_50 = tpu.memref_slice %arg11[%scan3A_48, %swap3A] : memref<128x128xf32, #tpu.memory_space<vmem>> -> memref<1x128xf32, #tpu.memory_space<vmem>>
      %swap3A_51 = tpu.memref_squeeze %swap3A_50 : memref<1x128xf32, #tpu.memory_space<vmem>> -> memref<128xf32, #tpu.memory_space<vmem>>
      %swap3A_52 = arith.constant 0 : index
      %swap3A_53 = tpu.vector_load %swap3A_51[%swap3A_52] {strides = array<i32>} : memref<128xf32, #tpu.memory_space<vmem>>, vector<16xf32>,
      %swap3A_54 = vector.shape_cast %swap3A_53 : vector<16xf32> to vector<16xf32>
      %swap3A_55 = vector.shape_cast %broadcast_in_dim3A_49 : vector<16xf32> to vector<16xf32>
      tpu.vector_store %swap3A_51[%swap3A_52], %swap3A_55 {strides = array<i32>} : memref<128xf32, #tpu.memory_space<vmem>>, vector<16xf32>,
      %broadcast_in_dim3A_56 = arith.constant 0.000000e+00 : f32
      %broadcast_in_dim3A_57 = vector.broadcast %broadcast_in_dim3A_56 : f32 to vector<16xf32>
      %swap3A_58 = arith.constant 0 : i32
      %swap3A_59 = tpu.memref_slice %arg11[%scan3A_48, %swap3A_58] : memref<128x128xf32, #tpu.memory_space<vmem>> -> memref<1x128xf32, #tpu.memory_space<vmem>>
      %swap3A_60 = tpu.memref_squeeze %swap3A_59 : memref<1x128xf32, #tpu.memory_space<vmem>> -> memref<128xf32, #tpu.memory_space<vmem>>
      %swap3A_61 = arith.constant 16 : index
      %swap3A_62 = tpu.vector_load %swap3A_60[%swap3A_61] {strides = array<i32>} : memref<128xf32, #tpu.memory_space<vmem>>, vector<16xf32>,
      %swap3A_63 = vector.shape_cast %swap3A_62 : vector<16xf32> to vector<16xf32>
      %swap3A_64 = vector.shape_cast %broadcast_in_dim3A_57 : vector<16xf32> to vector<16xf32>
      tpu.vector_store %swap3A_60[%swap3A_61], %swap3A_64 {strides = array<i32>} : memref<128xf32, #tpu.memory_space<vmem>>, vector<16xf32>,
      %broadcast_in_dim3A_65 = arith.constant 0.000000e+00 : f32
      %broadcast_in_dim3A_66 = vector.broadcast %broadcast_in_dim3A_65 : f32 to vector<16xf32>
      %swap3A_67 = arith.constant 0 : i32
      %swap3A_68 = tpu.memref_slice %arg11[%scan3A_48, %swap3A_67] : memref<128x128xf32, #tpu.memory_space<vmem>> -> memref<1x128xf32, #tpu.memory_space<vmem>>
      %swap3A_69 = tpu.memref_squeeze %swap3A_68 : memref<1x128xf32, #tpu.memory_space<vmem>> -> memref<128xf32, #tpu.memory_space<vmem>>
      %swap3A_70 = arith.constant 32 : index
      %swap3A_71 = tpu.vector_load %swap3A_69[%swap3A_70] {strides = array<i32>} : memref<128xf32, #tpu.memory_space<vmem>>, vector<16xf32>,
      %swap3A_72 = vector.shape_cast %swap3A_71 : vector<16xf32> to vector<16xf32>
      %swap3A_73 = vector.shape_cast %broadcast_in_dim3A_66 : vector<16xf32> to vector<16xf32>
      tpu.vector_store %swap3A_69[%swap3A_70], %swap3A_73 {strides = array<i32>} : memref<128xf32, #tpu.memory_space<vmem>>, vector<16xf32>,
      %broadcast_in_dim3A_74 = arith.constant 0.000000e+00 : f32
      %broadcast_in_dim3A_75 = vector.broadcast %broadcast_in_dim3A_74 : f32 to vector<16xf32>
      %swap3A_76 = arith.constant 0 : i32
      %swap3A_77 = tpu.memref_slice %arg11[%scan3A_48, %swap3A_76] : memref<128x128xf32, #tpu.memory_space<vmem>> -> memref<1x128xf32, #tpu.memory_space<vmem>>
      %swap3A_78 = tpu.memref_squeeze %swap3A_77 : memref<1x128xf32, #tpu.memory_space<vmem>> -> memref<128xf32, #tpu.memory_space<vmem>>
      %swap3A_79 = arith.constant 48 : index
      %swap3A_80 = tpu.vector_load %swap3A_78[%swap3A_79] {strides = array<i32>} : memref<128xf32, #tpu.memory_space<vmem>>, vector<16xf32>,
      %swap3A_81 = vector.shape_cast %swap3A_80 : vector<16xf32> to vector<16xf32>
      %swap3A_82 = vector.shape_cast %broadcast_in_dim3A_75 : vector<16xf32> to vector<16xf32>
      tpu.vector_store %swap3A_78[%swap3A_79], %swap3A_82 {strides = array<i32>} : memref<128xf32, #tpu.memory_space<vmem>>, vector<16xf32>,
      %broadcast_in_dim3A_83 = arith.constant 0.000000e+00 : f32
      %broadcast_in_dim3A_84 = vector.broadcast %broadcast_in_dim3A_83 : f32 to vector<16xf32>
      %swap3A_85 = arith.constant 0 : i32
      %swap3A_86 = tpu.memref_slice %arg11[%scan3A_48, %swap3A_85] : memref<128x128xf32, #tpu.memory_space<vmem>> -> memref<1x128xf32, #tpu.memory_space<vmem>>
      %swap3A_87 = tpu.memref_squeeze %swap3A_86 : memref<1x128xf32, #tpu.memory_space<vmem>> -> memref<128xf32, #tpu.memory_space<vmem>>
      %swap3A_88 = arith.constant 64 : index
      %swap3A_89 = tpu.vector_load %swap3A_87[%swap3A_88] {strides = array<i32>} : memref<128xf32, #tpu.memory_space<vmem>>, vector<16xf32>,
      %swap3A_90 = vector.shape_cast %swap3A_89 : vector<16xf32> to vector<16xf32>
      %swap3A_91 = vector.shape_cast %broadcast_in_dim3A_84 : vector<16xf32> to vector<16xf32>
      tpu.vector_store %swap3A_87[%swap3A_88], %swap3A_91 {strides = array<i32>} : memref<128xf32, #tpu.memory_space<vmem>>, vector<16xf32>,
      %broadcast_in_dim3A_92 = arith.constant 0.000000e+00 : f32
      %broadcast_in_dim3A_93 = vector.broadcast %broadcast_in_dim3A_92 : f32 to vector<16xf32>
      %swap3A_94 = arith.constant 0 : i32
      %swap3A_95 = tpu.memref_slice %arg11[%scan3A_48, %swap3A_94] : memref<128x128xf32, #tpu.memory_space<vmem>> -> memref<1x128xf32, #tpu.memory_space<vmem>>
      %swap3A_96 = tpu.memref_squeeze %swap3A_95 : memref<1x128xf32, #tpu.memory_space<vmem>> -> memref<128xf32, #tpu.memory_space<vmem>>
      %swap3A_97 = arith.constant 80 : index
      %swap3A_98 = tpu.vector_load %swap3A_96[%swap3A_97] {strides = array<i32>} : memref<128xf32, #tpu.memory_space<vmem>>, vector<16xf32>,
      %swap3A_99 = vector.shape_cast %swap3A_98 : vector<16xf32> to vector<16xf32>
      %swap3A_100 = vector.shape_cast %broadcast_in_dim3A_93 : vector<16xf32> to vector<16xf32>
      tpu.vector_store %swap3A_96[%swap3A_97], %swap3A_100 {strides = array<i32>} : memref<128xf32, #tpu.memory_space<vmem>>, vector<16xf32>,
      %broadcast_in_dim3A_101 = arith.constant 0.000000e+00 : f32
      %broadcast_in_dim3A_102 = vector.broadcast %broadcast_in_dim3A_101 : f32 to vector<16xf32>
      %swap3A_103 = arith.constant 0 : i32
      %swap3A_104 = tpu.memref_slice %arg11[%scan3A_48, %swap3A_103] : memref<128x128xf32, #tpu.memory_space<vmem>> -> memref<1x128xf32, #tpu.memory_space<vmem>>
      %swap3A_105 = tpu.memref_squeeze %swap3A_104 : memref<1x128xf32, #tpu.memory_space<vmem>> -> memref<128xf32, #tpu.memory_space<vmem>>
      %swap3A_106 = arith.constant 96 : index
      %swap3A_107 = tpu.vector_load %swap3A_105[%swap3A_106] {strides = array<i32>} : memref<128xf32, #tpu.memory_space<vmem>>, vector<16xf32>,
      %swap3A_108 = vector.shape_cast %swap3A_107 : vector<16xf32> to vector<16xf32>
      %swap3A_109 = vector.shape_cast %broadcast_in_dim3A_102 : vector<16xf32> to vector<16xf32>
      tpu.vector_store %swap3A_105[%swap3A_106], %swap3A_109 {strides = array<i32>} : memref<128xf32, #tpu.memory_space<vmem>>, vector<16xf32>,
      %broadcast_in_dim3A_110 = arith.constant 0.000000e+00 : f32
      %broadcast_in_dim3A_111 = vector.broadcast %broadcast_in_dim3A_110 : f32 to vector<16xf32>
      %swap3A_112 = arith.constant 0 : i32
      %swap3A_113 = tpu.memref_slice %arg11[%scan3A_48, %swap3A_112] : memref<128x128xf32, #tpu.memory_space<vmem>> -> memref<1x128xf32, #tpu.memory_space<vmem>>
      %swap3A_114 = tpu.memref_squeeze %swap3A_113 : memref<1x128xf32, #tpu.memory_space<vmem>> -> memref<128xf32, #tpu.memory_space<vmem>>
      %swap3A_115 = arith.constant 112 : index
      %swap3A_116 = tpu.vector_load %swap3A_114[%swap3A_115] {strides = array<i32>} : memref<128xf32, #tpu.memory_space<vmem>>, vector<16xf32>,
      %swap3A_117 = vector.shape_cast %swap3A_116 : vector<16xf32> to vector<16xf32>
      %swap3A_118 = vector.shape_cast %broadcast_in_dim3A_111 : vector<16xf32> to vector<16xf32>
      tpu.vector_store %swap3A_114[%swap3A_115], %swap3A_118 {strides = array<i32>} : memref<128xf32, #tpu.memory_space<vmem>>, vector<16xf32>,
    }
    %scan3A_9 = arith.constant 128 : i32
    %add3A_10 = arith.constant 0 : i32
    %add3A_11 = arith.addi %mul3A_2, %add3A_10 : i32
    "tpu.region"() ({
      %run_scoped3A = tpu.sem_alloc : memref<!tpu.dma_semaphore, #tpu.memory_space<semaphore_mem>>
      %dma_start3A_48 = arith.constant 0 : i32
      %dma_start3A_49 = tpu.memref_slice %arg13[%add3A_11, %dma_start3A_48] : memref<10240x128xf32, #tpu.memory_space<vmem_shared>> -> memref<128x128xf32, #tpu.memory_space<vmem_shared>>
      %dma_start3A_50 = arith.constant 0 : i32
      %dma_start3A_51 = tpu.memref_slice %arg13[%add3A_11, %dma_start3A_50] : memref<10240x128xf32, #tpu.memory_space<vmem_shared>> -> memref<128x128xf32, #tpu.memory_space<vmem_shared>>
      tpu.enqueue_dma source(%arg11 : memref<128x128xf32, #tpu.memory_space<vmem>>) target(%dma_start3A_51 : memref<128x128xf32, #tpu.memory_space<vmem_shared>>) target_semaphore(%run_scoped3A : memref<!tpu.dma_semaphore, #tpu.memory_space<semaphore_mem>>)
      %dma_wait3A_52 = arith.constant 0 : i32
      %dma_wait3A_53 = tpu.memref_slice %arg13[%add3A_11, %dma_wait3A_52] : memref<10240x128xf32, #tpu.memory_space<vmem_shared>> -> memref<128x128xf32, #tpu.memory_space<vmem_shared>>
      %dma_wait3A_54 = arith.constant 0 : i32
      %dma_wait3A_55 = tpu.memref_slice %arg13[%add3A_11, %dma_wait3A_54] : memref<10240x128xf32, #tpu.memory_space<vmem_shared>> -> memref<128x128xf32, #tpu.memory_space<vmem_shared>>
      tpu.wait_dma2 semaphore(%run_scoped3A : memref<!tpu.dma_semaphore, #tpu.memory_space<semaphore_mem>>) src(%arg11 : memref<128x128xf32, #tpu.memory_space<vmem>>) dst(%dma_wait3A_55 : memref<128x128xf32, #tpu.memory_space<vmem_shared>>)
      tpu.yield
    }) : () -> ()
    %add3A_12 = arith.constant 128 : i32
    %add3A_13 = arith.addi %mul3A_2, %add3A_12 : i32
    "tpu.region"() ({
      %run_scoped3A = tpu.sem_alloc : memref<!tpu.dma_semaphore, #tpu.memory_space<semaphore_mem>>
      %dma_start3A_48 = arith.constant 0 : i32
      %dma_start3A_49 = tpu.memref_slice %arg13[%add3A_13, %dma_start3A_48] : memref<10240x128xf32, #tpu.memory_space<vmem_shared>> -> memref<128x128xf32, #tpu.memory_space<vmem_shared>>
      %dma_start3A_50 = arith.constant 0 : i32
      %dma_start3A_51 = tpu.memref_slice %arg13[%add3A_13, %dma_start3A_50] : memref<10240x128xf32, #tpu.memory_space<vmem_shared>> -> memref<128x128xf32, #tpu.memory_space<vmem_shared>>
      tpu.enqueue_dma source(%arg11 : memref<128x128xf32, #tpu.memory_space<vmem>>) target(%dma_start3A_51 : memref<128x128xf32, #tpu.memory_space<vmem_shared>>) target_semaphore(%run_scoped3A : memref<!tpu.dma_semaphore, #tpu.memory_space<semaphore_mem>>)
      %dma_wait3A_52 = arith.constant 0 : i32
      %dma_wait3A_53 = tpu.memref_slice %arg13[%add3A_13, %dma_wait3A_52] : memref<10240x128xf32, #tpu.memory_space<vmem_shared>> -> memref<128x128xf32, #tpu.memory_space<vmem_shared>>
      %dma_wait3A_54 = arith.constant 0 : i32
      %dma_wait3A_55 = tpu.memref_slice %arg13[%add3A_13, %dma_wait3A_54] : memref<10240x128xf32, #tpu.memory_space<vmem_shared>> -> memref<128x128xf32, #tpu.memory_space<vmem_shared>>
      tpu.wait_dma2 semaphore(%run_scoped3A : memref<!tpu.dma_semaphore, #tpu.memory_space<semaphore_mem>>) src(%arg11 : memref<128x128xf32, #tpu.memory_space<vmem>>) dst(%dma_wait3A_55 : memref<128x128xf32, #tpu.memory_space<vmem_shared>>)
      tpu.yield
    }) : () -> ()
    %add3A_14 = arith.constant 256 : i32
    %add3A_15 = arith.addi %mul3A_2, %add3A_14 : i32
    "tpu.region"() ({
      %run_scoped3A = tpu.sem_alloc : memref<!tpu.dma_semaphore, #tpu.memory_space<semaphore_mem>>
      %dma_start3A_48 = arith.constant 0 : i32
      %dma_start3A_49 = tpu.memref_slice %arg13[%add3A_15, %dma_start3A_48] : memref<10240x128xf32, #tpu.memory_space<vmem_shared>> -> memref<128x128xf32, #tpu.memory_space<vmem_shared>>
      %dma_start3A_50 = arith.constant 0 : i32
      %dma_start3A_51 = tpu.memref_slice %arg13[%add3A_15, %dma_start3A_50] : memref<10240x128xf32, #tpu.memory_space<vmem_shared>> -> memref<128x128xf32, #tpu.memory_space<vmem_shared>>
      tpu.enqueue_dma source(%arg11 : memref<128x128xf32, #tpu.memory_space<vmem>>) target(%dma_start3A_51 : memref<128x128xf32, #tpu.memory_space<vmem_shared>>) target_semaphore(%run_scoped3A : memref<!tpu.dma_semaphore, #tpu.memory_space<semaphore_mem>>)
      %dma_wait3A_52 = arith.constant 0 : i32
      %dma_wait3A_53 = tpu.memref_slice %arg13[%add3A_15, %dma_wait3A_52] : memref<10240x128xf32, #tpu.memory_space<vmem_shared>> -> memref<128x128xf32, #tpu.memory_space<vmem_shared>>
      %dma_wait3A_54 = arith.constant 0 : i32
      %dma_wait3A_55 = tpu.memref_slice %arg13[%add3A_15, %dma_wait3A_54] : memref<10240x128xf32, #tpu.memory_space<vmem_shared>> -> memref<128x128xf32, #tpu.memory_space<vmem_shared>>
      tpu.wait_dma2 semaphore(%run_scoped3A : memref<!tpu.dma_semaphore, #tpu.memory_space<semaphore_mem>>) src(%arg11 : memref<128x128xf32, #tpu.memory_space<vmem>>) dst(%dma_wait3A_55 : memref<128x128xf32, #tpu.memory_space<vmem_shared>>)
      tpu.yield
    }) : () -> ()
    %add3A_16 = arith.constant 384 : i32
    %add3A_17 = arith.addi %mul3A_2, %add3A_16 : i32
    "tpu.region"() ({
      %run_scoped3A = tpu.sem_alloc : memref<!tpu.dma_semaphore, #tpu.memory_space<semaphore_mem>>
      %dma_start3A_48 = arith.constant 0 : i32
      %dma_start3A_49 = tpu.memref_slice %arg13[%add3A_17, %dma_start3A_48] : memref<10240x128xf32, #tpu.memory_space<vmem_shared>> -> memref<128x128xf32, #tpu.memory_space<vmem_shared>>
      %dma_start3A_50 = arith.constant 0 : i32
      %dma_start3A_51 = tpu.memref_slice %arg13[%add3A_17, %dma_start3A_50] : memref<10240x128xf32, #tpu.memory_space<vmem_shared>> -> memref<128x128xf32, #tpu.memory_space<vmem_shared>>
      tpu.enqueue_dma source(%arg11 : memref<128x128xf32, #tpu.memory_space<vmem>>) target(%dma_start3A_51 : memref<128x128xf32, #tpu.memory_space<vmem_shared>>) target_semaphore(%run_scoped3A : memref<!tpu.dma_semaphore, #tpu.memory_space<semaphore_mem>>)
      %dma_wait3A_52 = arith.constant 0 : i32
      %dma_wait3A_53 = tpu.memref_slice %arg13[%add3A_17, %dma_wait3A_52] : memref<10240x128xf32, #tpu.memory_space<vmem_shared>> -> memref<128x128xf32, #tpu.memory_space<vmem_shared>>
      %dma_wait3A_54 = arith.constant 0 : i32
      %dma_wait3A_55 = tpu.memref_slice %arg13[%add3A_17, %dma_wait3A_54] : memref<10240x128xf32, #tpu.memory_space<vmem_shared>> -> memref<128x128xf32, #tpu.memory_space<vmem_shared>>
      tpu.wait_dma2 semaphore(%run_scoped3A : memref<!tpu.dma_semaphore, #tpu.memory_space<semaphore_mem>>) src(%arg11 : memref<128x128xf32, #tpu.memory_space<vmem>>) dst(%dma_wait3A_55 : memref<128x128xf32, #tpu.memory_space<vmem_shared>>)
      tpu.yield
    }) : () -> ()
    %add3A_18 = arith.constant 512 : i32
    %add3A_19 = arith.addi %mul3A_2, %add3A_18 : i32
    "tpu.region"() ({
      %run_scoped3A = tpu.sem_alloc : memref<!tpu.dma_semaphore, #tpu.memory_space<semaphore_mem>>
      %dma_start3A_48 = arith.constant 0 : i32
      %dma_start3A_49 = tpu.memref_slice %arg13[%add3A_19, %dma_start3A_48] : memref<10240x128xf32, #tpu.memory_space<vmem_shared>> -> memref<128x128xf32, #tpu.memory_space<vmem_shared>>
      %dma_start3A_50 = arith.constant 0 : i32
      %dma_start3A_51 = tpu.memref_slice %arg13[%add3A_19, %dma_start3A_50] : memref<10240x128xf32, #tpu.memory_space<vmem_shared>> -> memref<128x128xf32, #tpu.memory_space<vmem_shared>>
      tpu.enqueue_dma source(%arg11 : memref<128x128xf32, #tpu.memory_space<vmem>>) target(%dma_start3A_51 : memref<128x128xf32, #tpu.memory_space<vmem_shared>>) target_semaphore(%run_scoped3A : memref<!tpu.dma_semaphore, #tpu.memory_space<semaphore_mem>>)
      %dma_wait3A_52 = arith.constant 0 : i32
      %dma_wait3A_53 = tpu.memref_slice %arg13[%add3A_19, %dma_wait3A_52] : memref<10240x128xf32, #tpu.memory_space<vmem_shared>> -> memref<128x128xf32, #tpu.memory_space<vmem_shared>>
      %dma_wait3A_54 = arith.constant 0 : i32
      %dma_wait3A_55 = tpu.memref_slice %arg13[%add3A_19, %dma_wait3A_54] : memref<10240x128xf32, #tpu.memory_space<vmem_shared>> -> memref<128x128xf32, #tpu.memory_space<vmem_shared>>
      tpu.wait_dma2 semaphore(%run_scoped3A : memref<!tpu.dma_semaphore, #tpu.memory_space<semaphore_mem>>) src(%arg11 : memref<128x128xf32, #tpu.memory_space<vmem>>) dst(%dma_wait3A_55 : memref<128x128xf32, #tpu.memory_space<vmem_shared>>)
      tpu.yield
    }) : () -> ()
    "tpu.region"() ({
      %run_scoped3A = tpu.sem_alloc : memref<!tpu.dma_semaphore, #tpu.memory_space<semaphore_mem>>
      %dma_start3A_48 = arith.constant 0 : i32
      %dma_start3A_49 = arith.constant 0 : i32
      %dma_start3A_50 = tpu.memref_slice %arg4[%add3A, %dma_start3A_48, %dma_start3A_49] : memref<32x80x128xi32, #tpu.memory_space<hbm>> -> memref<1x80x128xi32, #tpu.memory_space<hbm>>
      %dma_start3A_51 = tpu.memref_squeeze %dma_start3A_50 : memref<1x80x128xi32, #tpu.memory_space<hbm>> -> memref<80x128xi32, #tpu.memory_space<hbm>>
      %dma_start3A_52 = arith.constant 0 : i32
      %dma_start3A_53 = arith.constant 0 : i32
      %dma_start3A_54 = tpu.memref_slice %arg4[%add3A, %dma_start3A_52, %dma_start3A_53] : memref<32x80x128xi32, #tpu.memory_space<hbm>> -> memref<1x80x128xi32, #tpu.memory_space<hbm>>
      %dma_start3A_55 = tpu.memref_squeeze %dma_start3A_54 : memref<1x80x128xi32, #tpu.memory_space<hbm>> -> memref<80x128xi32, #tpu.memory_space<hbm>>
      tpu.enqueue_dma source(%dma_start3A_55 : memref<80x128xi32, #tpu.memory_space<hbm>>) target(%arg6 : memref<80x128xi32, #tpu.memory_space<vmem>>) target_semaphore(%run_scoped3A : memref<!tpu.dma_semaphore, #tpu.memory_space<semaphore_mem>>)
      %dma_wait3A_56 = arith.constant 0 : i32
      %dma_wait3A_57 = arith.constant 0 : i32
      %dma_wait3A_58 = tpu.memref_slice %arg4[%add3A, %dma_wait3A_56, %dma_wait3A_57] : memref<32x80x128xi32, #tpu.memory_space<hbm>> -> memref<1x80x128xi32, #tpu.memory_space<hbm>>
      %dma_wait3A_59 = tpu.memref_squeeze %dma_wait3A_58 : memref<1x80x128xi32, #tpu.memory_space<hbm>> -> memref<80x128xi32, #tpu.memory_space<hbm>>
      %dma_wait3A_60 = arith.constant 0 : i32
      %dma_wait3A_61 = arith.constant 0 : i32
      %dma_wait3A_62 = tpu.memref_slice %arg4[%add3A, %dma_wait3A_60, %dma_wait3A_61] : memref<32x80x128xi32, #tpu.memory_space<hbm>> -> memref<1x80x128xi32, #tpu.memory_space<hbm>>
      %dma_wait3A_63 = tpu.memref_squeeze %dma_wait3A_62 : memref<1x80x128xi32, #tpu.memory_space<hbm>> -> memref<80x128xi32, #tpu.memory_space<hbm>>
      tpu.wait_dma2 semaphore(%run_scoped3A : memref<!tpu.dma_semaphore, #tpu.memory_space<semaphore_mem>>) src(%dma_wait3A_63 : memref<80x128xi32, #tpu.memory_space<hbm>>) dst(%arg6 : memref<80x128xi32, #tpu.memory_space<vmem>>)
      tpu.yield
    }) : () -> ()
    %barrier3A = arith.constant 0 : index
    tpu.barrier barrier_id(%barrier3A)
    %add3A_20 = arith.constant 0 : i32
    %add3A_21 = arith.addi %mul3A_4, %add3A_20 : i32
    %dma_start3A = tpu.memref_slice %arg3[%add3A_21] : memref<327680xi32, #tpu.memory_space<hbm>> -> memref<128xi32, #tpu.memory_space<hbm>>
    %dma_start3A_22 = tpu.memref_slice %arg3[%add3A_21] : memref<327680xi32, #tpu.memory_space<hbm>> -> memref<128xi32, #tpu.memory_space<hbm>>
    tpu.enqueue_dma source(%dma_start3A_22 : memref<128xi32, #tpu.memory_space<hbm>>) target(%arg7 : memref<128xi32, #tpu.memory_space<vmem>>) target_semaphore(%arg16 : memref<!tpu.dma_semaphore, #tpu.memory_space<semaphore_mem>>)
    %add3A_23 = arith.constant 128 : i32
    %add3A_24 = arith.addi %mul3A_4, %add3A_23 : i32
    %dma_start3A_25 = tpu.memref_slice %arg3[%add3A_24] : memref<327680xi32, #tpu.memory_space<hbm>> -> memref<128xi32, #tpu.memory_space<hbm>>
    %dma_start3A_26 = tpu.memref_slice %arg3[%add3A_24] : memref<327680xi32, #tpu.memory_space<hbm>> -> memref<128xi32, #tpu.memory_space<hbm>>
    tpu.enqueue_dma source(%dma_start3A_26 : memref<128xi32, #tpu.memory_space<hbm>>) target(%arg8 : memref<128xi32, #tpu.memory_space<vmem>>) target_semaphore(%arg17 : memref<!tpu.dma_semaphore, #tpu.memory_space<semaphore_mem>>)
    %add3A_27 = arith.constant 256 : i32
    %add3A_28 = arith.addi %mul3A_4, %add3A_27 : i32
    %dma_start3A_29 = tpu.memref_slice %arg3[%add3A_28] : memref<327680xi32, #tpu.memory_space<hbm>> -> memref<128xi32, #tpu.memory_space<hbm>>
    %dma_start3A_30 = tpu.memref_slice %arg3[%add3A_28] : memref<327680xi32, #tpu.memory_space<hbm>> -> memref<128xi32, #tpu.memory_space<hbm>>
    tpu.enqueue_dma source(%dma_start3A_30 : memref<128xi32, #tpu.memory_space<hbm>>) target(%arg9 : memref<128xi32, #tpu.memory_space<vmem>>) target_semaphore(%arg18 : memref<!tpu.dma_semaphore, #tpu.memory_space<semaphore_mem>>)
    %add3A_31 = arith.constant 384 : i32
    %add3A_32 = arith.addi %mul3A_4, %add3A_31 : i32
    %dma_start3A_33 = tpu.memref_slice %arg3[%add3A_32] : memref<327680xi32, #tpu.memory_space<hbm>> -> memref<128xi32, #tpu.memory_space<hbm>>
    %dma_start3A_34 = tpu.memref_slice %arg3[%add3A_32] : memref<327680xi32, #tpu.memory_space<hbm>> -> memref<128xi32, #tpu.memory_space<hbm>>
    tpu.enqueue_dma source(%dma_start3A_34 : memref<128xi32, #tpu.memory_space<hbm>>) target(%arg10 : memref<128xi32, #tpu.memory_space<vmem>>) target_semaphore(%arg19 : memref<!tpu.dma_semaphore, #tpu.memory_space<semaphore_mem>>)
    %add3A_35 = arith.constant 0 : i32
    %add3A_36 = arith.addi %mul3A_4, %add3A_35 : i32
    %dma_wait3A = tpu.memref_slice %arg3[%add3A_36] : memref<327680xi32, #tpu.memory_space<hbm>> -> memref<128xi32, #tpu.memory_space<hbm>>
    %dma_wait3A_37 = tpu.memref_slice %arg3[%add3A_36] : memref<327680xi32, #tpu.memory_space<hbm>> -> memref<128xi32, #tpu.memory_space<hbm>>
    tpu.wait_dma2 semaphore(%arg16 : memref<!tpu.dma_semaphore, #tpu.memory_space<semaphore_mem>>) src(%dma_wait3A_37 : memref<128xi32, #tpu.memory_space<hbm>>) dst(%arg7 : memref<128xi32, #tpu.memory_space<vmem>>)
    %dma_start3A_38 = arith.constant 0 : i32
    %dma_start3A_39 = arith.constant 0 : i32
    %dma_start3A_40 = tpu.memref_slice %arg2[%dma_start3A_38, %dma_start3A_39] : memref<10000x128xf32, #tpu.memory_space<hbm>> -> memref<10000x128xf32, #tpu.memory_space<hbm>>
    tpu.enqueue_indirect_dma source(%dma_start3A_40 : memref<10000x128xf32, #tpu.memory_space<hbm>>) target(%arg11 : memref<128x128xf32, #tpu.memory_space<vmem>>) offsets(%arg7 : memref<128xi32, #tpu.memory_space<vmem>>) semaphore(%arg14 : memref<!tpu.dma_semaphore, #tpu.memory_space<semaphore_mem>>)
    %scan3A_41 = arith.constant 0 : i32
    %scan3A_42 = arith.constant 0 : i32
    %scan3A_43 = arith.constant 20 : i32
    %scan3A_44 = arith.addi %scan3A_42, %scan3A_43 : i32
    %scan3A_45 = arith.constant 1 : i32
    scf.for %scan3A_48 = %scan3A_42 to %scan3A_44 step %scan3A_45  : i32 {
      %mul3A_49 = arith.constant 4 : i32
      %mul3A_50 = arith.muli %mul3A_49, %scan3A_48 : i32
      %dma_wait3A_51 = arith.constant 0 : i32
      %dma_wait3A_52 = arith.constant 0 : i32
      %dma_wait3A_53 = tpu.memref_slice %arg2[%dma_wait3A_51, %dma_wait3A_52] : memref<10000x128xf32, #tpu.memory_space<hbm>> -> memref<10000x128xf32, #tpu.memory_space<hbm>>
      tpu.wait_indirect_dma semaphore(%arg14 : memref<!tpu.dma_semaphore, #tpu.memory_space<semaphore_mem>>) src(%dma_wait3A_53 : memref<10000x128xf32, #tpu.memory_space<hbm>>) dst(%arg11 : memref<128x128xf32, #tpu.memory_space<vmem>>)
      %add3A_54 = arith.constant 1 : i32
      %add3A_55 = arith.addi %mul3A_50, %add3A_54 : i32
      %mul3A_56 = arith.constant 128 : i32
      %mul3A_57 = arith.muli %add3A_55, %mul3A_56 : i32
      %add3A_58 = arith.addi %mul3A_4, %mul3A_57 : i32
      %dma_wait3A_59 = tpu.memref_slice %arg3[%add3A_58] : memref<327680xi32, #tpu.memory_space<hbm>> -> memref<128xi32, #tpu.memory_space<hbm>>
      %dma_wait3A_60 = tpu.memref_slice %arg3[%add3A_58] : memref<327680xi32, #tpu.memory_space<hbm>> -> memref<128xi32, #tpu.memory_space<hbm>>
      tpu.wait_dma2 semaphore(%arg17 : memref<!tpu.dma_semaphore, #tpu.memory_space<semaphore_mem>>) src(%dma_wait3A_60 : memref<128xi32, #tpu.memory_space<hbm>>) dst(%arg8 : memref<128xi32, #tpu.memory_space<vmem>>)
      %add3A_61 = arith.constant 1 : i32
      %add3A_62 = arith.addi %mul3A_50, %add3A_61 : i32
      %dma_start3A_63 = arith.constant 0 : i32
      %dma_start3A_64 = arith.constant 0 : i32
      %dma_start3A_65 = tpu.memref_slice %arg2[%dma_start3A_63, %dma_start3A_64] : memref<10000x128xf32, #tpu.memory_space<hbm>> -> memref<10000x128xf32, #tpu.memory_space<hbm>>
      tpu.enqueue_indirect_dma source(%dma_start3A_65 : memref<10000x128xf32, #tpu.memory_space<hbm>>) target(%arg12 : memref<128x128xf32, #tpu.memory_space<vmem>>) offsets(%arg8 : memref<128xi32, #tpu.memory_space<vmem>>) semaphore(%arg15 : memref<!tpu.dma_semaphore, #tpu.memory_space<semaphore_mem>>)
      "tpu.region"() ({
        %run_scoped3A = tpu.sem_alloc : memref<!tpu.dma_semaphore, #tpu.memory_space<semaphore_mem>>
        %dma_start3A_143 = arith.constant 0 : i32
        %dma_start3A_144 = tpu.memref_slice %arg6[%mul3A_50, %dma_start3A_143] : memref<80x128xi32, #tpu.memory_space<vmem>> -> memref<1x128xi32, #tpu.memory_space<vmem>>
        %dma_start3A_145 = tpu.memref_squeeze %dma_start3A_144 : memref<1x128xi32, #tpu.memory_space<vmem>> -> memref<128xi32, #tpu.memory_space<vmem>>
        %dma_start3A_146 = arith.constant 0 : i32
        %dma_start3A_147 = arith.constant 0 : i32
        %dma_start3A_148 = tpu.memref_slice %arg13[%dma_start3A_146, %dma_start3A_147] : memref<10240x128xf32, #tpu.memory_space<vmem_shared>> -> memref<10240x128xf32, #tpu.memory_space<vmem_shared>>
        tpu.enqueue_indirect_dma source(%arg11 : memref<128x128xf32, #tpu.memory_space<vmem>>) target(%dma_start3A_148 : memref<10240x128xf32, #tpu.memory_space<vmem_shared>>) offsets(%dma_start3A_145 : memref<128xi32, #tpu.memory_space<vmem>>) semaphore(%run_scoped3A : memref<!tpu.dma_semaphore, #tpu.memory_space<semaphore_mem>>) {add = true}
        %dma_wait3A_149 = arith.constant 0 : i32
        %dma_wait3A_150 = tpu.memref_slice %arg6[%mul3A_50, %dma_wait3A_149] : memref<80x128xi32, #tpu.memory_space<vmem>> -> memref<1x128xi32, #tpu.memory_space<vmem>>
        %dma_wait3A_151 = tpu.memref_squeeze %dma_wait3A_150 : memref<1x128xi32, #tpu.memory_space<vmem>> -> memref<128xi32, #tpu.memory_space<vmem>>
        %dma_wait3A_152 = arith.constant 0 : i32
        %dma_wait3A_153 = arith.constant 0 : i32
        %dma_wait3A_154 = tpu.memref_slice %arg13[%dma_wait3A_152, %dma_wait3A_153] : memref<10240x128xf32, #tpu.memory_space<vmem_shared>> -> memref<10240x128xf32, #tpu.memory_space<vmem_shared>>
        tpu.wait_indirect_dma semaphore(%run_scoped3A : memref<!tpu.dma_semaphore, #tpu.memory_space<semaphore_mem>>) src(%arg11 : memref<128x128xf32, #tpu.memory_space<vmem>>) dst(%dma_wait3A_154 : memref<10240x128xf32, #tpu.memory_space<vmem_shared>>)
        tpu.yield
      }) : () -> ()
      %add3A_66 = arith.constant 4 : i32
      %add3A_67 = arith.addi %mul3A_50, %add3A_66 : i32
      %lt3A = arith.constant 80 : i32
      %lt3A_68 = arith.cmpi slt, %add3A_67, %lt3A : i32
      %convert_element_type3A = arith.extui %lt3A_68 : i1 to i32
      %cond3A = arith.constant 0 : i32
      %cond3A_69 = arith.cmpi ne, %convert_element_type3A, %cond3A : i32
      scf.if %cond3A_69 {
        %add3A_143 = arith.constant 4 : i32
        %add3A_144 = arith.addi %mul3A_50, %add3A_143 : i32
        %mul3A_145 = arith.constant 128 : i32
        %mul3A_146 = arith.muli %add3A_144, %mul3A_145 : i32
        %add3A_147 = arith.addi %mul3A_4, %mul3A_146 : i32
        %dma_start3A_148 = tpu.memref_slice %arg3[%add3A_147] : memref<327680xi32, #tpu.memory_space<hbm>> -> memref<128xi32, #tpu.memory_space<hbm>>
        %dma_start3A_149 = tpu.memref_slice %arg3[%add3A_147] : memref<327680xi32, #tpu.memory_space<hbm>> -> memref<128xi32, #tpu.memory_space<hbm>>
        tpu.enqueue_dma source(%dma_start3A_149 : memref<128xi32, #tpu.memory_space<hbm>>) target(%arg7 : memref<128xi32, #tpu.memory_space<vmem>>) target_semaphore(%arg16 : memref<!tpu.dma_semaphore, #tpu.memory_space<semaphore_mem>>)
      } else {
      }
      %add3A_70 = arith.constant 1 : i32
      %add3A_71 = arith.addi %mul3A_50, %add3A_70 : i32
      %dma_wait3A_72 = arith.constant 0 : i32
      %dma_wait3A_73 = arith.constant 0 : i32
      %dma_wait3A_74 = tpu.memref_slice %arg2[%dma_wait3A_72, %dma_wait3A_73] : memref<10000x128xf32, #tpu.memory_space<hbm>> -> memref<10000x128xf32, #tpu.memory_space<hbm>>
      tpu.wait_indirect_dma semaphore(%arg15 : memref<!tpu.dma_semaphore, #tpu.memory_space<semaphore_mem>>) src(%dma_wait3A_74 : memref<10000x128xf32, #tpu.memory_space<hbm>>) dst(%arg12 : memref<128x128xf32, #tpu.memory_space<vmem>>)
      %add3A_75 = arith.constant 2 : i32
      %add3A_76 = arith.addi %mul3A_50, %add3A_75 : i32
      %mul3A_77 = arith.constant 128 : i32
      %mul3A_78 = arith.muli %add3A_76, %mul3A_77 : i32
      %add3A_79 = arith.addi %mul3A_4, %mul3A_78 : i32
      %dma_wait3A_80 = tpu.memref_slice %arg3[%add3A_79] : memref<327680xi32, #tpu.memory_space<hbm>> -> memref<128xi32, #tpu.memory_space<hbm>>
      %dma_wait3A_81 = tpu.memref_slice %arg3[%add3A_79] : memref<327680xi32, #tpu.memory_space<hbm>> -> memref<128xi32, #tpu.memory_space<hbm>>
      tpu.wait_dma2 semaphore(%arg18 : memref<!tpu.dma_semaphore, #tpu.memory_space<semaphore_mem>>) src(%dma_wait3A_81 : memref<128xi32, #tpu.memory_space<hbm>>) dst(%arg9 : memref<128xi32, #tpu.memory_space<vmem>>)
      %add3A_82 = arith.constant 2 : i32
      %add3A_83 = arith.addi %mul3A_50, %add3A_82 : i32
      %dma_start3A_84 = arith.constant 0 : i32
      %dma_start3A_85 = arith.constant 0 : i32
      %dma_start3A_86 = tpu.memref_slice %arg2[%dma_start3A_84, %dma_start3A_85] : memref<10000x128xf32, #tpu.memory_space<hbm>> -> memref<10000x128xf32, #tpu.memory_space<hbm>>
      tpu.enqueue_indirect_dma source(%dma_start3A_86 : memref<10000x128xf32, #tpu.memory_space<hbm>>) target(%arg11 : memref<128x128xf32, #tpu.memory_space<vmem>>) offsets(%arg9 : memref<128xi32, #tpu.memory_space<vmem>>) semaphore(%arg14 : memref<!tpu.dma_semaphore, #tpu.memory_space<semaphore_mem>>)
      %add3A_87 = arith.constant 1 : i32
      %add3A_88 = arith.addi %mul3A_50, %add3A_87 : i32
      "tpu.region"() ({
        %run_scoped3A = tpu.sem_alloc : memref<!tpu.dma_semaphore, #tpu.memory_space<semaphore_mem>>
        %dma_start3A_143 = arith.constant 0 : i32
        %dma_start3A_144 = tpu.memref_slice %arg6[%add3A_88, %dma_start3A_143] : memref<80x128xi32, #tpu.memory_space<vmem>> -> memref<1x128xi32, #tpu.memory_space<vmem>>
        %dma_start3A_145 = tpu.memref_squeeze %dma_start3A_144 : memref<1x128xi32, #tpu.memory_space<vmem>> -> memref<128xi32, #tpu.memory_space<vmem>>
        %dma_start3A_146 = arith.constant 0 : i32
        %dma_start3A_147 = arith.constant 0 : i32
        %dma_start3A_148 = tpu.memref_slice %arg13[%dma_start3A_146, %dma_start3A_147] : memref<10240x128xf32, #tpu.memory_space<vmem_shared>> -> memref<10240x128xf32, #tpu.memory_space<vmem_shared>>
        tpu.enqueue_indirect_dma source(%arg12 : memref<128x128xf32, #tpu.memory_space<vmem>>) target(%dma_start3A_148 : memref<10240x128xf32, #tpu.memory_space<vmem_shared>>) offsets(%dma_start3A_145 : memref<128xi32, #tpu.memory_space<vmem>>) semaphore(%run_scoped3A : memref<!tpu.dma_semaphore, #tpu.memory_space<semaphore_mem>>) {add = true}
        %dma_wait3A_149 = arith.constant 0 : i32
        %dma_wait3A_150 = tpu.memref_slice %arg6[%add3A_88, %dma_wait3A_149] : memref<80x128xi32, #tpu.memory_space<vmem>> -> memref<1x128xi32, #tpu.memory_space<vmem>>
        %dma_wait3A_151 = tpu.memref_squeeze %dma_wait3A_150 : memref<1x128xi32, #tpu.memory_space<vmem>> -> memref<128xi32, #tpu.memory_space<vmem>>
        %dma_wait3A_152 = arith.constant 0 : i32
        %dma_wait3A_153 = arith.constant 0 : i32
        %dma_wait3A_154 = tpu.memref_slice %arg13[%dma_wait3A_152, %dma_wait3A_153] : memref<10240x128xf32, #tpu.memory_space<vmem_shared>> -> memref<10240x128xf32, #tpu.memory_space<vmem_shared>>
        tpu.wait_indirect_dma semaphore(%run_scoped3A : memref<!tpu.dma_semaphore, #tpu.memory_space<semaphore_mem>>) src(%arg12 : memref<128x128xf32, #tpu.memory_space<vmem>>) dst(%dma_wait3A_154 : memref<10240x128xf32, #tpu.memory_space<vmem_shared>>)
        tpu.yield
      }) : () -> ()
      %add3A_89 = arith.constant 5 : i32
      %add3A_90 = arith.addi %mul3A_50, %add3A_89 : i32
      %lt3A_91 = arith.constant 80 : i32
      %lt3A_92 = arith.cmpi slt, %add3A_90, %lt3A_91 : i32
      %convert_element_type3A_93 = arith.extui %lt3A_92 : i1 to i32
      %cond3A_94 = arith.constant 0 : i32
      %cond3A_95 = arith.cmpi ne, %convert_element_type3A_93, %cond3A_94 : i32
      scf.if %cond3A_95 {
        %add3A_143 = arith.constant 5 : i32
        %add3A_144 = arith.addi %mul3A_50, %add3A_143 : i32
        %mul3A_145 = arith.constant 128 : i32
        %mul3A_146 = arith.muli %add3A_144, %mul3A_145 : i32
        %add3A_147 = arith.addi %mul3A_4, %mul3A_146 : i32
        %dma_start3A_148 = tpu.memref_slice %arg3[%add3A_147] : memref<327680xi32, #tpu.memory_space<hbm>> -> memref<128xi32, #tpu.memory_space<hbm>>
        %dma_start3A_149 = tpu.memref_slice %arg3[%add3A_147] : memref<327680xi32, #tpu.memory_space<hbm>> -> memref<128xi32, #tpu.memory_space<hbm>>
        tpu.enqueue_dma source(%dma_start3A_149 : memref<128xi32, #tpu.memory_space<hbm>>) target(%arg8 : memref<128xi32, #tpu.memory_space<vmem>>) target_semaphore(%arg17 : memref<!tpu.dma_semaphore, #tpu.memory_space<semaphore_mem>>)
      } else {
      }
      %add3A_96 = arith.constant 2 : i32
      %add3A_97 = arith.addi %mul3A_50, %add3A_96 : i32
      %dma_wait3A_98 = arith.constant 0 : i32
      %dma_wait3A_99 = arith.constant 0 : i32
      %dma_wait3A_100 = tpu.memref_slice %arg2[%dma_wait3A_98, %dma_wait3A_99] : memref<10000x128xf32, #tpu.memory_space<hbm>> -> memref<10000x128xf32, #tpu.memory_space<hbm>>
      tpu.wait_indirect_dma semaphore(%arg14 : memref<!tpu.dma_semaphore, #tpu.memory_space<semaphore_mem>>) src(%dma_wait3A_100 : memref<10000x128xf32, #tpu.memory_space<hbm>>) dst(%arg11 : memref<128x128xf32, #tpu.memory_space<vmem>>)
      %add3A_101 = arith.constant 3 : i32
      %add3A_102 = arith.addi %mul3A_50, %add3A_101 : i32
      %mul3A_103 = arith.constant 128 : i32
      %mul3A_104 = arith.muli %add3A_102, %mul3A_103 : i32
      %add3A_105 = arith.addi %mul3A_4, %mul3A_104 : i32
      %dma_wait3A_106 = tpu.memref_slice %arg3[%add3A_105] : memref<327680xi32, #tpu.memory_space<hbm>> -> memref<128xi32, #tpu.memory_space<hbm>>
      %dma_wait3A_107 = tpu.memref_slice %arg3[%add3A_105] : memref<327680xi32, #tpu.memory_space<hbm>> -> memref<128xi32, #tpu.memory_space<hbm>>
      tpu.wait_dma2 semaphore(%arg19 : memref<!tpu.dma_semaphore, #tpu.memory_space<semaphore_mem>>) src(%dma_wait3A_107 : memref<128xi32, #tpu.memory_space<hbm>>) dst(%arg10 : memref<128xi32, #tpu.memory_space<vmem>>)
      %add3A_108 = arith.constant 3 : i32
      %add3A_109 = arith.addi %mul3A_50, %add3A_108 : i32
      %dma_start3A_110 = arith.constant 0 : i32
      %dma_start3A_111 = arith.constant 0 : i32
      %dma_start3A_112 = tpu.memref_slice %arg2[%dma_start3A_110, %dma_start3A_111] : memref<10000x128xf32, #tpu.memory_space<hbm>> -> memref<10000x128xf32, #tpu.memory_space<hbm>>
      tpu.enqueue_indirect_dma source(%dma_start3A_112 : memref<10000x128xf32, #tpu.memory_space<hbm>>) target(%arg12 : memref<128x128xf32, #tpu.memory_space<vmem>>) offsets(%arg10 : memref<128xi32, #tpu.memory_space<vmem>>) semaphore(%arg15 : memref<!tpu.dma_semaphore, #tpu.memory_space<semaphore_mem>>)
      %add3A_113 = arith.constant 2 : i32
      %add3A_114 = arith.addi %mul3A_50, %add3A_113 : i32
      "tpu.region"() ({
        %run_scoped3A = tpu.sem_alloc : memref<!tpu.dma_semaphore, #tpu.memory_space<semaphore_mem>>
        %dma_start3A_143 = arith.constant 0 : i32
        %dma_start3A_144 = tpu.memref_slice %arg6[%add3A_114, %dma_start3A_143] : memref<80x128xi32, #tpu.memory_space<vmem>> -> memref<1x128xi32, #tpu.memory_space<vmem>>
        %dma_start3A_145 = tpu.memref_squeeze %dma_start3A_144 : memref<1x128xi32, #tpu.memory_space<vmem>> -> memref<128xi32, #tpu.memory_space<vmem>>
        %dma_start3A_146 = arith.constant 0 : i32
        %dma_start3A_147 = arith.constant 0 : i32
        %dma_start3A_148 = tpu.memref_slice %arg13[%dma_start3A_146, %dma_start3A_147] : memref<10240x128xf32, #tpu.memory_space<vmem_shared>> -> memref<10240x128xf32, #tpu.memory_space<vmem_shared>>
        tpu.enqueue_indirect_dma source(%arg11 : memref<128x128xf32, #tpu.memory_space<vmem>>) target(%dma_start3A_148 : memref<10240x128xf32, #tpu.memory_space<vmem_shared>>) offsets(%dma_start3A_145 : memref<128xi32, #tpu.memory_space<vmem>>) semaphore(%run_scoped3A : memref<!tpu.dma_semaphore, #tpu.memory_space<semaphore_mem>>) {add = true}
        %dma_wait3A_149 = arith.constant 0 : i32
        %dma_wait3A_150 = tpu.memref_slice %arg6[%add3A_114, %dma_wait3A_149] : memref<80x128xi32, #tpu.memory_space<vmem>> -> memref<1x128xi32, #tpu.memory_space<vmem>>
        %dma_wait3A_151 = tpu.memref_squeeze %dma_wait3A_150 : memref<1x128xi32, #tpu.memory_space<vmem>> -> memref<128xi32, #tpu.memory_space<vmem>>
        %dma_wait3A_152 = arith.constant 0 : i32
        %dma_wait3A_153 = arith.constant 0 : i32
        %dma_wait3A_154 = tpu.memref_slice %arg13[%dma_wait3A_152, %dma_wait3A_153] : memref<10240x128xf32, #tpu.memory_space<vmem_shared>> -> memref<10240x128xf32, #tpu.memory_space<vmem_shared>>
        tpu.wait_indirect_dma semaphore(%run_scoped3A : memref<!tpu.dma_semaphore, #tpu.memory_space<semaphore_mem>>) src(%arg11 : memref<128x128xf32, #tpu.memory_space<vmem>>) dst(%dma_wait3A_154 : memref<10240x128xf32, #tpu.memory_space<vmem_shared>>)
        tpu.yield
      }) : () -> ()
      %add3A_115 = arith.constant 6 : i32
      %add3A_116 = arith.addi %mul3A_50, %add3A_115 : i32
      %lt3A_117 = arith.constant 80 : i32
      %lt3A_118 = arith.cmpi slt, %add3A_116, %lt3A_117 : i32
      %convert_element_type3A_119 = arith.extui %lt3A_118 : i1 to i32
      %cond3A_120 = arith.constant 0 : i32
      %cond3A_121 = arith.cmpi ne, %convert_element_type3A_119, %cond3A_120 : i32
      scf.if %cond3A_121 {
        %add3A_143 = arith.constant 6 : i32
        %add3A_144 = arith.addi %mul3A_50, %add3A_143 : i32
        %mul3A_145 = arith.constant 128 : i32
        %mul3A_146 = arith.muli %add3A_144, %mul3A_145 : i32
        %add3A_147 = arith.addi %mul3A_4, %mul3A_146 : i32
        %dma_start3A_148 = tpu.memref_slice %arg3[%add3A_147] : memref<327680xi32, #tpu.memory_space<hbm>> -> memref<128xi32, #tpu.memory_space<hbm>>
        %dma_start3A_149 = tpu.memref_slice %arg3[%add3A_147] : memref<327680xi32, #tpu.memory_space<hbm>> -> memref<128xi32, #tpu.memory_space<hbm>>
        tpu.enqueue_dma source(%dma_start3A_149 : memref<128xi32, #tpu.memory_space<hbm>>) target(%arg9 : memref<128xi32, #tpu.memory_space<vmem>>) target_semaphore(%arg18 : memref<!tpu.dma_semaphore, #tpu.memory_space<semaphore_mem>>)
      } else {
      }
      %add3A_122 = arith.constant 3 : i32
      %add3A_123 = arith.addi %mul3A_50, %add3A_122 : i32
      %dma_wait3A_124 = arith.constant 0 : i32
      %dma_wait3A_125 = arith.constant 0 : i32
      %dma_wait3A_126 = tpu.memref_slice %arg2[%dma_wait3A_124, %dma_wait3A_125] : memref<10000x128xf32, #tpu.memory_space<hbm>> -> memref<10000x128xf32, #tpu.memory_space<hbm>>
      tpu.wait_indirect_dma semaphore(%arg15 : memref<!tpu.dma_semaphore, #tpu.memory_space<semaphore_mem>>) src(%dma_wait3A_126 : memref<10000x128xf32, #tpu.memory_space<hbm>>) dst(%arg12 : memref<128x128xf32, #tpu.memory_space<vmem>>)
      %add3A_127 = arith.constant 4 : i32
      %add3A_128 = arith.addi %mul3A_50, %add3A_127 : i32
      %lt3A_129 = arith.constant 80 : i32
      %lt3A_130 = arith.cmpi slt, %add3A_128, %lt3A_129 : i32
      %convert_element_type3A_131 = arith.extui %lt3A_130 : i1 to i32
      %cond3A_132 = arith.constant 0 : i32
      %cond3A_133 = arith.cmpi ne, %convert_element_type3A_131, %cond3A_132 : i32
      scf.if %cond3A_133 {
        %add3A_143 = arith.constant 4 : i32
        %add3A_144 = arith.addi %mul3A_50, %add3A_143 : i32
        %mul3A_145 = arith.constant 128 : i32
        %mul3A_146 = arith.muli %add3A_144, %mul3A_145 : i32
        %add3A_147 = arith.addi %mul3A_4, %mul3A_146 : i32
        %dma_wait3A_148 = tpu.memref_slice %arg3[%add3A_147] : memref<327680xi32, #tpu.memory_space<hbm>> -> memref<128xi32, #tpu.memory_space<hbm>>
        %dma_wait3A_149 = tpu.memref_slice %arg3[%add3A_147] : memref<327680xi32, #tpu.memory_space<hbm>> -> memref<128xi32, #tpu.memory_space<hbm>>
        tpu.wait_dma2 semaphore(%arg16 : memref<!tpu.dma_semaphore, #tpu.memory_space<semaphore_mem>>) src(%dma_wait3A_149 : memref<128xi32, #tpu.memory_space<hbm>>) dst(%arg7 : memref<128xi32, #tpu.memory_space<vmem>>)
        %add3A_150 = arith.constant 4 : i32
        %add3A_151 = arith.addi %mul3A_50, %add3A_150 : i32
        %dma_start3A_152 = arith.constant 0 : i32
        %dma_start3A_153 = arith.constant 0 : i32
        %dma_start3A_154 = tpu.memref_slice %arg2[%dma_start3A_152, %dma_start3A_153] : memref<10000x128xf32, #tpu.memory_space<hbm>> -> memref<10000x128xf32, #tpu.memory_space<hbm>>
        tpu.enqueue_indirect_dma source(%dma_start3A_154 : memref<10000x128xf32, #tpu.memory_space<hbm>>) target(%arg11 : memref<128x128xf32, #tpu.memory_space<vmem>>) offsets(%arg7 : memref<128xi32, #tpu.memory_space<vmem>>) semaphore(%arg14 : memref<!tpu.dma_semaphore, #tpu.memory_space<semaphore_mem>>)
      } else {
      }
      %add3A_134 = arith.constant 3 : i32
      %add3A_135 = arith.addi %mul3A_50, %add3A_134 : i32
      "tpu.region"() ({
        %run_scoped3A = tpu.sem_alloc : memref<!tpu.dma_semaphore, #tpu.memory_space<semaphore_mem>>
        %dma_start3A_143 = arith.constant 0 : i32
        %dma_start3A_144 = tpu.memref_slice %arg6[%add3A_135, %dma_start3A_143] : memref<80x128xi32, #tpu.memory_space<vmem>> -> memref<1x128xi32, #tpu.memory_space<vmem>>
        %dma_start3A_145 = tpu.memref_squeeze %dma_start3A_144 : memref<1x128xi32, #tpu.memory_space<vmem>> -> memref<128xi32, #tpu.memory_space<vmem>>
        %dma_start3A_146 = arith.constant 0 : i32
        %dma_start3A_147 = arith.constant 0 : i32
        %dma_start3A_148 = tpu.memref_slice %arg13[%dma_start3A_146, %dma_start3A_147] : memref<10240x128xf32, #tpu.memory_space<vmem_shared>> -> memref<10240x128xf32, #tpu.memory_space<vmem_shared>>
        tpu.enqueue_indirect_dma source(%arg12 : memref<128x128xf32, #tpu.memory_space<vmem>>) target(%dma_start3A_148 : memref<10240x128xf32, #tpu.memory_space<vmem_shared>>) offsets(%dma_start3A_145 : memref<128xi32, #tpu.memory_space<vmem>>) semaphore(%run_scoped3A : memref<!tpu.dma_semaphore, #tpu.memory_space<semaphore_mem>>) {add = true}
        %dma_wait3A_149 = arith.constant 0 : i32
        %dma_wait3A_150 = tpu.memref_slice %arg6[%add3A_135, %dma_wait3A_149] : memref<80x128xi32, #tpu.memory_space<vmem>> -> memref<1x128xi32, #tpu.memory_space<vmem>>
        %dma_wait3A_151 = tpu.memref_squeeze %dma_wait3A_150 : memref<1x128xi32, #tpu.memory_space<vmem>> -> memref<128xi32, #tpu.memory_space<vmem>>
        %dma_wait3A_152 = arith.constant 0 : i32
        %dma_wait3A_153 = arith.constant 0 : i32
        %dma_wait3A_154 = tpu.memref_slice %arg13[%dma_wait3A_152, %dma_wait3A_153] : memref<10240x128xf32, #tpu.memory_space<vmem_shared>> -> memref<10240x128xf32, #tpu.memory_space<vmem_shared>>
        tpu.wait_indirect_dma semaphore(%run_scoped3A : memref<!tpu.dma_semaphore, #tpu.memory_space<semaphore_mem>>) src(%arg12 : memref<128x128xf32, #tpu.memory_space<vmem>>) dst(%dma_wait3A_154 : memref<10240x128xf32, #tpu.memory_space<vmem_shared>>)
        tpu.yield
      }) : () -> ()
      %add3A_136 = arith.constant 7 : i32
      %add3A_137 = arith.addi %mul3A_50, %add3A_136 : i32
      %lt3A_138 = arith.constant 80 : i32
      %lt3A_139 = arith.cmpi slt, %add3A_137, %lt3A_138 : i32
      %convert_element_type3A_140 = arith.extui %lt3A_139 : i1 to i32
      %cond3A_141 = arith.constant 0 : i32
      %cond3A_142 = arith.cmpi ne, %convert_element_type3A_140, %cond3A_141 : i32
      scf.if %cond3A_142 {
        %add3A_143 = arith.constant 7 : i32
        %add3A_144 = arith.addi %mul3A_50, %add3A_143 : i32
        %mul3A_145 = arith.constant 128 : i32
        %mul3A_146 = arith.muli %add3A_144, %mul3A_145 : i32
        %add3A_147 = arith.addi %mul3A_4, %mul3A_146 : i32
        %dma_start3A_148 = tpu.memref_slice %arg3[%add3A_147] : memref<327680xi32, #tpu.memory_space<hbm>> -> memref<128xi32, #tpu.memory_space<hbm>>
        %dma_start3A_149 = tpu.memref_slice %arg3[%add3A_147] : memref<327680xi32, #tpu.memory_space<hbm>> -> memref<128xi32, #tpu.memory_space<hbm>>
        tpu.enqueue_dma source(%dma_start3A_149 : memref<128xi32, #tpu.memory_space<hbm>>) target(%arg10 : memref<128xi32, #tpu.memory_space<vmem>>) target_semaphore(%arg19 : memref<!tpu.dma_semaphore, #tpu.memory_space<semaphore_mem>>)
      } else {
      }
    }
    %scan3A_46 = arith.constant 20 : i32
    %barrier3A_47 = arith.constant 0 : index
    tpu.barrier barrier_id(%barrier3A_47)
    "tpu.region"() ({
      %run_scoped3A = tpu.sem_alloc : memref<!tpu.dma_semaphore, #tpu.memory_space<semaphore_mem>>
      %dma_start3A_48 = arith.constant 0 : i32
      %dma_start3A_49 = tpu.memref_slice %arg5[%arg0, %mul3A_2, %dma_start3A_48] : memref<2x10240x128xf32, #tpu.memory_space<hbm>> -> memref<1x640x128xf32, #tpu.memory_space<hbm>>
      %dma_start3A_50 = tpu.memref_squeeze %dma_start3A_49 : memref<1x640x128xf32, #tpu.memory_space<hbm>> -> memref<640x128xf32, #tpu.memory_space<hbm>>
      %dma_start3A_51 = arith.constant 0 : i32
      %dma_start3A_52 = tpu.memref_slice %arg13[%mul3A_2, %dma_start3A_51] : memref<10240x128xf32, #tpu.memory_space<vmem_shared>> -> memref<640x128xf32, #tpu.memory_space<vmem_shared>>
      tpu.enqueue_dma source(%dma_start3A_52 : memref<640x128xf32, #tpu.memory_space<vmem_shared>>) target(%dma_start3A_50 : memref<640x128xf32, #tpu.memory_space<hbm>>) target_semaphore(%run_scoped3A : memref<!tpu.dma_semaphore, #tpu.memory_space<semaphore_mem>>)
      %dma_wait3A_53 = arith.constant 0 : i32
      %dma_wait3A_54 = tpu.memref_slice %arg5[%arg0, %mul3A_2, %dma_wait3A_53] : memref<2x10240x128xf32, #tpu.memory_space<hbm>> -> memref<1x640x128xf32, #tpu.memory_space<hbm>>
      %dma_wait3A_55 = tpu.memref_squeeze %dma_wait3A_54 : memref<1x640x128xf32, #tpu.memory_space<hbm>> -> memref<640x128xf32, #tpu.memory_space<hbm>>
      %dma_wait3A_56 = arith.constant 0 : i32
      %dma_wait3A_57 = tpu.memref_slice %arg13[%mul3A_2, %dma_wait3A_56] : memref<10240x128xf32, #tpu.memory_space<vmem_shared>> -> memref<640x128xf32, #tpu.memory_space<vmem_shared>>
      tpu.wait_dma2 semaphore(%run_scoped3A : memref<!tpu.dma_semaphore, #tpu.memory_space<semaphore_mem>>) src(%dma_wait3A_57 : memref<640x128xf32, #tpu.memory_space<vmem_shared>>) dst(%dma_wait3A_55 : memref<640x128xf32, #tpu.memory_space<hbm>>)
      tpu.yield
    }) : () -> ()
    return
  }
}

#map = affine_map<(d0, d1) -> (0, 0)>
#map1 = affine_map<(d0, d1) -> (0)>
#map2 = affine_map<(d0, d1) -> (0, 0, 0)>
module attributes {stable_mosaic.version = 14 : i64} {
  func.func @_sc_scatter_rows(%arg0: i32, %arg1: i32, %arg2: memref<10000x128xf32, #tpu.memory_space<hbm>>, %arg3: memref<327680xi32, #tpu.memory_space<hbm>>, %arg4: memref<32x80x128xi32, #tpu.memory_space<hbm>>, %arg5: memref<2x10240x128xf32, #tpu.memory_space<hbm>>, %arg6: memref<80x128xi32, #tpu.memory_space<vmem>>, %arg7: memref<128xi32, #tpu.memory_space<vmem>>, %arg8: memref<128xi32, #tpu.memory_space<vmem>>, %arg9: memref<128xi32, #tpu.memory_space<vmem>>, %arg10: memref<128xi32, #tpu.memory_space<vmem>>, %arg11: memref<128x128xf32, #tpu.memory_space<vmem>>, %arg12: memref<128x128xf32, #tpu.memory_space<vmem>>, %arg13: memref<10240x128xf32, #tpu.memory_space<vmem_shared>>, %arg14: memref<!tpu.dma_semaphore, #tpu.memory_space<semaphore_mem>>, %arg15: memref<!tpu.dma_semaphore, #tpu.memory_space<semaphore_mem>>, %arg16: memref<!tpu.dma_semaphore, #tpu.memory_space<semaphore_mem>>, %arg17: memref<!tpu.dma_semaphore, #tpu.memory_space<semaphore_mem>>, %arg18: memref<!tpu.dma_semaphore, #tpu.memory_space<semaphore_mem>>, %arg19: memref<!tpu.dma_semaphore, #tpu.memory_space<semaphore_mem>>) attributes {dimension_semantics = [#tpu.dimension_semantics<core_parallel>, #tpu.dimension_semantics<subcore_parallel>], iteration_bounds = array<i64: 2, 16>, scalar_prefetch = 0 : i64, scratch_operands = 14 : i64, tpu.core_type = #tpu.core_type<sc_vector_subcore>, window_params = [{transform_indices = #map}, {transform_indices = #map1}, {transform_indices = #map2}, {transform_indices = #map2}]} {
    %mul3A = arith.constant 16 : i32
    %mul3A_0 = arith.muli %arg0, %mul3A : i32
    %add3A = arith.addi %mul3A_0, %arg1 : i32
    %mul3A_1 = arith.constant 640 : i32
    %mul3A_2 = arith.muli %arg1, %mul3A_1 : i32
    %mul3A_3 = arith.constant 10240 : i32
    %mul3A_4 = arith.muli %add3A, %mul3A_3 : i32
    %scan3A = arith.constant 0 : i32
    %scan3A_5 = arith.constant 0 : i32
    %scan3A_6 = arith.constant 128 : i32
    %scan3A_7 = arith.addi %scan3A_5, %scan3A_6 : i32
    %scan3A_8 = arith.constant 1 : i32
    scf.for %scan3A_48 = %scan3A_5 to %scan3A_7 step %scan3A_8  : i32 {
      %broadcast_in_dim3A = arith.constant 0.000000e+00 : f32
      %broadcast_in_dim3A_49 = vector.broadcast %broadcast_in_dim3A : f32 to vector<16xf32>
      %swap3A = arith.constant 0 : i32
      %swap3A_50 = tpu.memref_slice %arg11[%scan3A_48, %swap3A] : memref<128x128xf32, #tpu.memory_space<vmem>> -> memref<1x128xf32, #tpu.memory_space<vmem>>
      %swap3A_51 = tpu.memref_squeeze %swap3A_50 : memref<1x128xf32, #tpu.memory_space<vmem>> -> memref<128xf32, #tpu.memory_space<vmem>>
      %swap3A_52 = arith.constant 0 : index
      %swap3A_53 = tpu.vector_load %swap3A_51[%swap3A_52] {strides = array<i32>} : memref<128xf32, #tpu.memory_space<vmem>>, vector<16xf32>,
      %swap3A_54 = vector.shape_cast %swap3A_53 : vector<16xf32> to vector<16xf32>
      %swap3A_55 = vector.shape_cast %broadcast_in_dim3A_49 : vector<16xf32> to vector<16xf32>
      tpu.vector_store %swap3A_51[%swap3A_52], %swap3A_55 {strides = array<i32>} : memref<128xf32, #tpu.memory_space<vmem>>, vector<16xf32>,
      %broadcast_in_dim3A_56 = arith.constant 0.000000e+00 : f32
      %broadcast_in_dim3A_57 = vector.broadcast %broadcast_in_dim3A_56 : f32 to vector<16xf32>
      %swap3A_58 = arith.constant 0 : i32
      %swap3A_59 = tpu.memref_slice %arg11[%scan3A_48, %swap3A_58] : memref<128x128xf32, #tpu.memory_space<vmem>> -> memref<1x128xf32, #tpu.memory_space<vmem>>
      %swap3A_60 = tpu.memref_squeeze %swap3A_59 : memref<1x128xf32, #tpu.memory_space<vmem>> -> memref<128xf32, #tpu.memory_space<vmem>>
      %swap3A_61 = arith.constant 16 : index
      %swap3A_62 = tpu.vector_load %swap3A_60[%swap3A_61] {strides = array<i32>} : memref<128xf32, #tpu.memory_space<vmem>>, vector<16xf32>,
      %swap3A_63 = vector.shape_cast %swap3A_62 : vector<16xf32> to vector<16xf32>
      %swap3A_64 = vector.shape_cast %broadcast_in_dim3A_57 : vector<16xf32> to vector<16xf32>
      tpu.vector_store %swap3A_60[%swap3A_61], %swap3A_64 {strides = array<i32>} : memref<128xf32, #tpu.memory_space<vmem>>, vector<16xf32>,
      %broadcast_in_dim3A_65 = arith.constant 0.000000e+00 : f32
      %broadcast_in_dim3A_66 = vector.broadcast %broadcast_in_dim3A_65 : f32 to vector<16xf32>
      %swap3A_67 = arith.constant 0 : i32
      %swap3A_68 = tpu.memref_slice %arg11[%scan3A_48, %swap3A_67] : memref<128x128xf32, #tpu.memory_space<vmem>> -> memref<1x128xf32, #tpu.memory_space<vmem>>
      %swap3A_69 = tpu.memref_squeeze %swap3A_68 : memref<1x128xf32, #tpu.memory_space<vmem>> -> memref<128xf32, #tpu.memory_space<vmem>>
      %swap3A_70 = arith.constant 32 : index
      %swap3A_71 = tpu.vector_load %swap3A_69[%swap3A_70] {strides = array<i32>} : memref<128xf32, #tpu.memory_space<vmem>>, vector<16xf32>,
      %swap3A_72 = vector.shape_cast %swap3A_71 : vector<16xf32> to vector<16xf32>
      %swap3A_73 = vector.shape_cast %broadcast_in_dim3A_66 : vector<16xf32> to vector<16xf32>
      tpu.vector_store %swap3A_69[%swap3A_70], %swap3A_73 {strides = array<i32>} : memref<128xf32, #tpu.memory_space<vmem>>, vector<16xf32>,
      %broadcast_in_dim3A_74 = arith.constant 0.000000e+00 : f32
      %broadcast_in_dim3A_75 = vector.broadcast %broadcast_in_dim3A_74 : f32 to vector<16xf32>
      %swap3A_76 = arith.constant 0 : i32
      %swap3A_77 = tpu.memref_slice %arg11[%scan3A_48, %swap3A_76] : memref<128x128xf32, #tpu.memory_space<vmem>> -> memref<1x128xf32, #tpu.memory_space<vmem>>
      %swap3A_78 = tpu.memref_squeeze %swap3A_77 : memref<1x128xf32, #tpu.memory_space<vmem>> -> memref<128xf32, #tpu.memory_space<vmem>>
      %swap3A_79 = arith.constant 48 : index
      %swap3A_80 = tpu.vector_load %swap3A_78[%swap3A_79] {strides = array<i32>} : memref<128xf32, #tpu.memory_space<vmem>>, vector<16xf32>,
      %swap3A_81 = vector.shape_cast %swap3A_80 : vector<16xf32> to vector<16xf32>
      %swap3A_82 = vector.shape_cast %broadcast_in_dim3A_75 : vector<16xf32> to vector<16xf32>
      tpu.vector_store %swap3A_78[%swap3A_79], %swap3A_82 {strides = array<i32>} : memref<128xf32, #tpu.memory_space<vmem>>, vector<16xf32>,
      %broadcast_in_dim3A_83 = arith.constant 0.000000e+00 : f32
      %broadcast_in_dim3A_84 = vector.broadcast %broadcast_in_dim3A_83 : f32 to vector<16xf32>
      %swap3A_85 = arith.constant 0 : i32
      %swap3A_86 = tpu.memref_slice %arg11[%scan3A_48, %swap3A_85] : memref<128x128xf32, #tpu.memory_space<vmem>> -> memref<1x128xf32, #tpu.memory_space<vmem>>
      %swap3A_87 = tpu.memref_squeeze %swap3A_86 : memref<1x128xf32, #tpu.memory_space<vmem>> -> memref<128xf32, #tpu.memory_space<vmem>>
      %swap3A_88 = arith.constant 64 : index
      %swap3A_89 = tpu.vector_load %swap3A_87[%swap3A_88] {strides = array<i32>} : memref<128xf32, #tpu.memory_space<vmem>>, vector<16xf32>,
      %swap3A_90 = vector.shape_cast %swap3A_89 : vector<16xf32> to vector<16xf32>
      %swap3A_91 = vector.shape_cast %broadcast_in_dim3A_84 : vector<16xf32> to vector<16xf32>
      tpu.vector_store %swap3A_87[%swap3A_88], %swap3A_91 {strides = array<i32>} : memref<128xf32, #tpu.memory_space<vmem>>, vector<16xf32>,
      %broadcast_in_dim3A_92 = arith.constant 0.000000e+00 : f32
      %broadcast_in_dim3A_93 = vector.broadcast %broadcast_in_dim3A_92 : f32 to vector<16xf32>
      %swap3A_94 = arith.constant 0 : i32
      %swap3A_95 = tpu.memref_slice %arg11[%scan3A_48, %swap3A_94] : memref<128x128xf32, #tpu.memory_space<vmem>> -> memref<1x128xf32, #tpu.memory_space<vmem>>
      %swap3A_96 = tpu.memref_squeeze %swap3A_95 : memref<1x128xf32, #tpu.memory_space<vmem>> -> memref<128xf32, #tpu.memory_space<vmem>>
      %swap3A_97 = arith.constant 80 : index
      %swap3A_98 = tpu.vector_load %swap3A_96[%swap3A_97] {strides = array<i32>} : memref<128xf32, #tpu.memory_space<vmem>>, vector<16xf32>,
      %swap3A_99 = vector.shape_cast %swap3A_98 : vector<16xf32> to vector<16xf32>
      %swap3A_100 = vector.shape_cast %broadcast_in_dim3A_93 : vector<16xf32> to vector<16xf32>
      tpu.vector_store %swap3A_96[%swap3A_97], %swap3A_100 {strides = array<i32>} : memref<128xf32, #tpu.memory_space<vmem>>, vector<16xf32>,
      %broadcast_in_dim3A_101 = arith.constant 0.000000e+00 : f32
      %broadcast_in_dim3A_102 = vector.broadcast %broadcast_in_dim3A_101 : f32 to vector<16xf32>
      %swap3A_103 = arith.constant 0 : i32
      %swap3A_104 = tpu.memref_slice %arg11[%scan3A_48, %swap3A_103] : memref<128x128xf32, #tpu.memory_space<vmem>> -> memref<1x128xf32, #tpu.memory_space<vmem>>
      %swap3A_105 = tpu.memref_squeeze %swap3A_104 : memref<1x128xf32, #tpu.memory_space<vmem>> -> memref<128xf32, #tpu.memory_space<vmem>>
      %swap3A_106 = arith.constant 96 : index
      %swap3A_107 = tpu.vector_load %swap3A_105[%swap3A_106] {strides = array<i32>} : memref<128xf32, #tpu.memory_space<vmem>>, vector<16xf32>,
      %swap3A_108 = vector.shape_cast %swap3A_107 : vector<16xf32> to vector<16xf32>
      %swap3A_109 = vector.shape_cast %broadcast_in_dim3A_102 : vector<16xf32> to vector<16xf32>
      tpu.vector_store %swap3A_105[%swap3A_106], %swap3A_109 {strides = array<i32>} : memref<128xf32, #tpu.memory_space<vmem>>, vector<16xf32>,
      %broadcast_in_dim3A_110 = arith.constant 0.000000e+00 : f32
      %broadcast_in_dim3A_111 = vector.broadcast %broadcast_in_dim3A_110 : f32 to vector<16xf32>
      %swap3A_112 = arith.constant 0 : i32
      %swap3A_113 = tpu.memref_slice %arg11[%scan3A_48, %swap3A_112] : memref<128x128xf32, #tpu.memory_space<vmem>> -> memref<1x128xf32, #tpu.memory_space<vmem>>
      %swap3A_114 = tpu.memref_squeeze %swap3A_113 : memref<1x128xf32, #tpu.memory_space<vmem>> -> memref<128xf32, #tpu.memory_space<vmem>>
      %swap3A_115 = arith.constant 112 : index
      %swap3A_116 = tpu.vector_load %swap3A_114[%swap3A_115] {strides = array<i32>} : memref<128xf32, #tpu.memory_space<vmem>>, vector<16xf32>,
      %swap3A_117 = vector.shape_cast %swap3A_116 : vector<16xf32> to vector<16xf32>
      %swap3A_118 = vector.shape_cast %broadcast_in_dim3A_111 : vector<16xf32> to vector<16xf32>
      tpu.vector_store %swap3A_114[%swap3A_115], %swap3A_118 {strides = array<i32>} : memref<128xf32, #tpu.memory_space<vmem>>, vector<16xf32>,
    }
    %scan3A_9 = arith.constant 128 : i32
    %add3A_10 = arith.constant 0 : i32
    %add3A_11 = arith.addi %mul3A_2, %add3A_10 : i32
    "tpu.region"() ({
      %run_scoped3A = tpu.sem_alloc : memref<!tpu.dma_semaphore, #tpu.memory_space<semaphore_mem>>
      %dma_start3A_48 = arith.constant 0 : i32
      %dma_start3A_49 = tpu.memref_slice %arg13[%add3A_11, %dma_start3A_48] : memref<10240x128xf32, #tpu.memory_space<vmem_shared>> -> memref<128x128xf32, #tpu.memory_space<vmem_shared>>
      %dma_start3A_50 = arith.constant 0 : i32
      %dma_start3A_51 = tpu.memref_slice %arg13[%add3A_11, %dma_start3A_50] : memref<10240x128xf32, #tpu.memory_space<vmem_shared>> -> memref<128x128xf32, #tpu.memory_space<vmem_shared>>
      tpu.enqueue_dma source(%arg11 : memref<128x128xf32, #tpu.memory_space<vmem>>) target(%dma_start3A_51 : memref<128x128xf32, #tpu.memory_space<vmem_shared>>) target_semaphore(%run_scoped3A : memref<!tpu.dma_semaphore, #tpu.memory_space<semaphore_mem>>)
      %dma_wait3A_52 = arith.constant 0 : i32
      %dma_wait3A_53 = tpu.memref_slice %arg13[%add3A_11, %dma_wait3A_52] : memref<10240x128xf32, #tpu.memory_space<vmem_shared>> -> memref<128x128xf32, #tpu.memory_space<vmem_shared>>
      %dma_wait3A_54 = arith.constant 0 : i32
      %dma_wait3A_55 = tpu.memref_slice %arg13[%add3A_11, %dma_wait3A_54] : memref<10240x128xf32, #tpu.memory_space<vmem_shared>> -> memref<128x128xf32, #tpu.memory_space<vmem_shared>>
      tpu.wait_dma2 semaphore(%run_scoped3A : memref<!tpu.dma_semaphore, #tpu.memory_space<semaphore_mem>>) src(%arg11 : memref<128x128xf32, #tpu.memory_space<vmem>>) dst(%dma_wait3A_55 : memref<128x128xf32, #tpu.memory_space<vmem_shared>>)
      tpu.yield
    }) : () -> ()
    %add3A_12 = arith.constant 128 : i32
    %add3A_13 = arith.addi %mul3A_2, %add3A_12 : i32
    "tpu.region"() ({
      %run_scoped3A = tpu.sem_alloc : memref<!tpu.dma_semaphore, #tpu.memory_space<semaphore_mem>>
      %dma_start3A_48 = arith.constant 0 : i32
      %dma_start3A_49 = tpu.memref_slice %arg13[%add3A_13, %dma_start3A_48] : memref<10240x128xf32, #tpu.memory_space<vmem_shared>> -> memref<128x128xf32, #tpu.memory_space<vmem_shared>>
      %dma_start3A_50 = arith.constant 0 : i32
      %dma_start3A_51 = tpu.memref_slice %arg13[%add3A_13, %dma_start3A_50] : memref<10240x128xf32, #tpu.memory_space<vmem_shared>> -> memref<128x128xf32, #tpu.memory_space<vmem_shared>>
      tpu.enqueue_dma source(%arg11 : memref<128x128xf32, #tpu.memory_space<vmem>>) target(%dma_start3A_51 : memref<128x128xf32, #tpu.memory_space<vmem_shared>>) target_semaphore(%run_scoped3A : memref<!tpu.dma_semaphore, #tpu.memory_space<semaphore_mem>>)
      %dma_wait3A_52 = arith.constant 0 : i32
      %dma_wait3A_53 = tpu.memref_slice %arg13[%add3A_13, %dma_wait3A_52] : memref<10240x128xf32, #tpu.memory_space<vmem_shared>> -> memref<128x128xf32, #tpu.memory_space<vmem_shared>>
      %dma_wait3A_54 = arith.constant 0 : i32
      %dma_wait3A_55 = tpu.memref_slice %arg13[%add3A_13, %dma_wait3A_54] : memref<10240x128xf32, #tpu.memory_space<vmem_shared>> -> memref<128x128xf32, #tpu.memory_space<vmem_shared>>
      tpu.wait_dma2 semaphore(%run_scoped3A : memref<!tpu.dma_semaphore, #tpu.memory_space<semaphore_mem>>) src(%arg11 : memref<128x128xf32, #tpu.memory_space<vmem>>) dst(%dma_wait3A_55 : memref<128x128xf32, #tpu.memory_space<vmem_shared>>)
      tpu.yield
    }) : () -> ()
    %add3A_14 = arith.constant 256 : i32
    %add3A_15 = arith.addi %mul3A_2, %add3A_14 : i32
    "tpu.region"() ({
      %run_scoped3A = tpu.sem_alloc : memref<!tpu.dma_semaphore, #tpu.memory_space<semaphore_mem>>
      %dma_start3A_48 = arith.constant 0 : i32
      %dma_start3A_49 = tpu.memref_slice %arg13[%add3A_15, %dma_start3A_48] : memref<10240x128xf32, #tpu.memory_space<vmem_shared>> -> memref<128x128xf32, #tpu.memory_space<vmem_shared>>
      %dma_start3A_50 = arith.constant 0 : i32
      %dma_start3A_51 = tpu.memref_slice %arg13[%add3A_15, %dma_start3A_50] : memref<10240x128xf32, #tpu.memory_space<vmem_shared>> -> memref<128x128xf32, #tpu.memory_space<vmem_shared>>
      tpu.enqueue_dma source(%arg11 : memref<128x128xf32, #tpu.memory_space<vmem>>) target(%dma_start3A_51 : memref<128x128xf32, #tpu.memory_space<vmem_shared>>) target_semaphore(%run_scoped3A : memref<!tpu.dma_semaphore, #tpu.memory_space<semaphore_mem>>)
      %dma_wait3A_52 = arith.constant 0 : i32
      %dma_wait3A_53 = tpu.memref_slice %arg13[%add3A_15, %dma_wait3A_52] : memref<10240x128xf32, #tpu.memory_space<vmem_shared>> -> memref<128x128xf32, #tpu.memory_space<vmem_shared>>
      %dma_wait3A_54 = arith.constant 0 : i32
      %dma_wait3A_55 = tpu.memref_slice %arg13[%add3A_15, %dma_wait3A_54] : memref<10240x128xf32, #tpu.memory_space<vmem_shared>> -> memref<128x128xf32, #tpu.memory_space<vmem_shared>>
      tpu.wait_dma2 semaphore(%run_scoped3A : memref<!tpu.dma_semaphore, #tpu.memory_space<semaphore_mem>>) src(%arg11 : memref<128x128xf32, #tpu.memory_space<vmem>>) dst(%dma_wait3A_55 : memref<128x128xf32, #tpu.memory_space<vmem_shared>>)
      tpu.yield
    }) : () -> ()
    %add3A_16 = arith.constant 384 : i32
    %add3A_17 = arith.addi %mul3A_2, %add3A_16 : i32
    "tpu.region"() ({
      %run_scoped3A = tpu.sem_alloc : memref<!tpu.dma_semaphore, #tpu.memory_space<semaphore_mem>>
      %dma_start3A_48 = arith.constant 0 : i32
      %dma_start3A_49 = tpu.memref_slice %arg13[%add3A_17, %dma_start3A_48] : memref<10240x128xf32, #tpu.memory_space<vmem_shared>> -> memref<128x128xf32, #tpu.memory_space<vmem_shared>>
      %dma_start3A_50 = arith.constant 0 : i32
      %dma_start3A_51 = tpu.memref_slice %arg13[%add3A_17, %dma_start3A_50] : memref<10240x128xf32, #tpu.memory_space<vmem_shared>> -> memref<128x128xf32, #tpu.memory_space<vmem_shared>>
      tpu.enqueue_dma source(%arg11 : memref<128x128xf32, #tpu.memory_space<vmem>>) target(%dma_start3A_51 : memref<128x128xf32, #tpu.memory_space<vmem_shared>>) target_semaphore(%run_scoped3A : memref<!tpu.dma_semaphore, #tpu.memory_space<semaphore_mem>>)
      %dma_wait3A_52 = arith.constant 0 : i32
      %dma_wait3A_53 = tpu.memref_slice %arg13[%add3A_17, %dma_wait3A_52] : memref<10240x128xf32, #tpu.memory_space<vmem_shared>> -> memref<128x128xf32, #tpu.memory_space<vmem_shared>>
      %dma_wait3A_54 = arith.constant 0 : i32
      %dma_wait3A_55 = tpu.memref_slice %arg13[%add3A_17, %dma_wait3A_54] : memref<10240x128xf32, #tpu.memory_space<vmem_shared>> -> memref<128x128xf32, #tpu.memory_space<vmem_shared>>
      tpu.wait_dma2 semaphore(%run_scoped3A : memref<!tpu.dma_semaphore, #tpu.memory_space<semaphore_mem>>) src(%arg11 : memref<128x128xf32, #tpu.memory_space<vmem>>) dst(%dma_wait3A_55 : memref<128x128xf32, #tpu.memory_space<vmem_shared>>)
      tpu.yield
    }) : () -> ()
    %add3A_18 = arith.constant 512 : i32
    %add3A_19 = arith.addi %mul3A_2, %add3A_18 : i32
    "tpu.region"() ({
      %run_scoped3A = tpu.sem_alloc : memref<!tpu.dma_semaphore, #tpu.memory_space<semaphore_mem>>
      %dma_start3A_48 = arith.constant 0 : i32
      %dma_start3A_49 = tpu.memref_slice %arg13[%add3A_19, %dma_start3A_48] : memref<10240x128xf32, #tpu.memory_space<vmem_shared>> -> memref<128x128xf32, #tpu.memory_space<vmem_shared>>
      %dma_start3A_50 = arith.constant 0 : i32
      %dma_start3A_51 = tpu.memref_slice %arg13[%add3A_19, %dma_start3A_50] : memref<10240x128xf32, #tpu.memory_space<vmem_shared>> -> memref<128x128xf32, #tpu.memory_space<vmem_shared>>
      tpu.enqueue_dma source(%arg11 : memref<128x128xf32, #tpu.memory_space<vmem>>) target(%dma_start3A_51 : memref<128x128xf32, #tpu.memory_space<vmem_shared>>) target_semaphore(%run_scoped3A : memref<!tpu.dma_semaphore, #tpu.memory_space<semaphore_mem>>)
      %dma_wait3A_52 = arith.constant 0 : i32
      %dma_wait3A_53 = tpu.memref_slice %arg13[%add3A_19, %dma_wait3A_52] : memref<10240x128xf32, #tpu.memory_space<vmem_shared>> -> memref<128x128xf32, #tpu.memory_space<vmem_shared>>
      %dma_wait3A_54 = arith.constant 0 : i32
      %dma_wait3A_55 = tpu.memref_slice %arg13[%add3A_19, %dma_wait3A_54] : memref<10240x128xf32, #tpu.memory_space<vmem_shared>> -> memref<128x128xf32, #tpu.memory_space<vmem_shared>>
      tpu.wait_dma2 semaphore(%run_scoped3A : memref<!tpu.dma_semaphore, #tpu.memory_space<semaphore_mem>>) src(%arg11 : memref<128x128xf32, #tpu.memory_space<vmem>>) dst(%dma_wait3A_55 : memref<128x128xf32, #tpu.memory_space<vmem_shared>>)
      tpu.yield
    }) : () -> ()
    "tpu.region"() ({
      %run_scoped3A = tpu.sem_alloc : memref<!tpu.dma_semaphore, #tpu.memory_space<semaphore_mem>>
      %dma_start3A_48 = arith.constant 0 : i32
      %dma_start3A_49 = arith.constant 0 : i32
      %dma_start3A_50 = tpu.memref_slice %arg4[%add3A, %dma_start3A_48, %dma_start3A_49] : memref<32x80x128xi32, #tpu.memory_space<hbm>> -> memref<1x80x128xi32, #tpu.memory_space<hbm>>
      %dma_start3A_51 = tpu.memref_squeeze %dma_start3A_50 : memref<1x80x128xi32, #tpu.memory_space<hbm>> -> memref<80x128xi32, #tpu.memory_space<hbm>>
      %dma_start3A_52 = arith.constant 0 : i32
      %dma_start3A_53 = arith.constant 0 : i32
      %dma_start3A_54 = tpu.memref_slice %arg4[%add3A, %dma_start3A_52, %dma_start3A_53] : memref<32x80x128xi32, #tpu.memory_space<hbm>> -> memref<1x80x128xi32, #tpu.memory_space<hbm>>
      %dma_start3A_55 = tpu.memref_squeeze %dma_start3A_54 : memref<1x80x128xi32, #tpu.memory_space<hbm>> -> memref<80x128xi32, #tpu.memory_space<hbm>>
      tpu.enqueue_dma source(%dma_start3A_55 : memref<80x128xi32, #tpu.memory_space<hbm>>) target(%arg6 : memref<80x128xi32, #tpu.memory_space<vmem>>) target_semaphore(%run_scoped3A : memref<!tpu.dma_semaphore, #tpu.memory_space<semaphore_mem>>)
      %dma_wait3A_56 = arith.constant 0 : i32
      %dma_wait3A_57 = arith.constant 0 : i32
      %dma_wait3A_58 = tpu.memref_slice %arg4[%add3A, %dma_wait3A_56, %dma_wait3A_57] : memref<32x80x128xi32, #tpu.memory_space<hbm>> -> memref<1x80x128xi32, #tpu.memory_space<hbm>>
      %dma_wait3A_59 = tpu.memref_squeeze %dma_wait3A_58 : memref<1x80x128xi32, #tpu.memory_space<hbm>> -> memref<80x128xi32, #tpu.memory_space<hbm>>
      %dma_wait3A_60 = arith.constant 0 : i32
      %dma_wait3A_61 = arith.constant 0 : i32
      %dma_wait3A_62 = tpu.memref_slice %arg4[%add3A, %dma_wait3A_60, %dma_wait3A_61] : memref<32x80x128xi32, #tpu.memory_space<hbm>> -> memref<1x80x128xi32, #tpu.memory_space<hbm>>
      %dma_wait3A_63 = tpu.memref_squeeze %dma_wait3A_62 : memref<1x80x128xi32, #tpu.memory_space<hbm>> -> memref<80x128xi32, #tpu.memory_space<hbm>>
      tpu.wait_dma2 semaphore(%run_scoped3A : memref<!tpu.dma_semaphore, #tpu.memory_space<semaphore_mem>>) src(%dma_wait3A_63 : memref<80x128xi32, #tpu.memory_space<hbm>>) dst(%arg6 : memref<80x128xi32, #tpu.memory_space<vmem>>)
      tpu.yield
    }) : () -> ()
    %barrier3A = arith.constant 0 : index
    tpu.barrier barrier_id(%barrier3A)
    %add3A_20 = arith.constant 0 : i32
    %add3A_21 = arith.addi %mul3A_4, %add3A_20 : i32
    %dma_start3A = tpu.memref_slice %arg3[%add3A_21] : memref<327680xi32, #tpu.memory_space<hbm>> -> memref<128xi32, #tpu.memory_space<hbm>>
    %dma_start3A_22 = tpu.memref_slice %arg3[%add3A_21] : memref<327680xi32, #tpu.memory_space<hbm>> -> memref<128xi32, #tpu.memory_space<hbm>>
    tpu.enqueue_dma source(%dma_start3A_22 : memref<128xi32, #tpu.memory_space<hbm>>) target(%arg7 : memref<128xi32, #tpu.memory_space<vmem>>) target_semaphore(%arg16 : memref<!tpu.dma_semaphore, #tpu.memory_space<semaphore_mem>>)
    %add3A_23 = arith.constant 128 : i32
    %add3A_24 = arith.addi %mul3A_4, %add3A_23 : i32
    %dma_start3A_25 = tpu.memref_slice %arg3[%add3A_24] : memref<327680xi32, #tpu.memory_space<hbm>> -> memref<128xi32, #tpu.memory_space<hbm>>
    %dma_start3A_26 = tpu.memref_slice %arg3[%add3A_24] : memref<327680xi32, #tpu.memory_space<hbm>> -> memref<128xi32, #tpu.memory_space<hbm>>
    tpu.enqueue_dma source(%dma_start3A_26 : memref<128xi32, #tpu.memory_space<hbm>>) target(%arg8 : memref<128xi32, #tpu.memory_space<vmem>>) target_semaphore(%arg17 : memref<!tpu.dma_semaphore, #tpu.memory_space<semaphore_mem>>)
    %add3A_27 = arith.constant 256 : i32
    %add3A_28 = arith.addi %mul3A_4, %add3A_27 : i32
    %dma_start3A_29 = tpu.memref_slice %arg3[%add3A_28] : memref<327680xi32, #tpu.memory_space<hbm>> -> memref<128xi32, #tpu.memory_space<hbm>>
    %dma_start3A_30 = tpu.memref_slice %arg3[%add3A_28] : memref<327680xi32, #tpu.memory_space<hbm>> -> memref<128xi32, #tpu.memory_space<hbm>>
    tpu.enqueue_dma source(%dma_start3A_30 : memref<128xi32, #tpu.memory_space<hbm>>) target(%arg9 : memref<128xi32, #tpu.memory_space<vmem>>) target_semaphore(%arg18 : memref<!tpu.dma_semaphore, #tpu.memory_space<semaphore_mem>>)
    %add3A_31 = arith.constant 384 : i32
    %add3A_32 = arith.addi %mul3A_4, %add3A_31 : i32
    %dma_start3A_33 = tpu.memref_slice %arg3[%add3A_32] : memref<327680xi32, #tpu.memory_space<hbm>> -> memref<128xi32, #tpu.memory_space<hbm>>
    %dma_start3A_34 = tpu.memref_slice %arg3[%add3A_32] : memref<327680xi32, #tpu.memory_space<hbm>> -> memref<128xi32, #tpu.memory_space<hbm>>
    tpu.enqueue_dma source(%dma_start3A_34 : memref<128xi32, #tpu.memory_space<hbm>>) target(%arg10 : memref<128xi32, #tpu.memory_space<vmem>>) target_semaphore(%arg19 : memref<!tpu.dma_semaphore, #tpu.memory_space<semaphore_mem>>)
    %add3A_35 = arith.constant 0 : i32
    %add3A_36 = arith.addi %mul3A_4, %add3A_35 : i32
    %dma_wait3A = tpu.memref_slice %arg3[%add3A_36] : memref<327680xi32, #tpu.memory_space<hbm>> -> memref<128xi32, #tpu.memory_space<hbm>>
    %dma_wait3A_37 = tpu.memref_slice %arg3[%add3A_36] : memref<327680xi32, #tpu.memory_space<hbm>> -> memref<128xi32, #tpu.memory_space<hbm>>
    tpu.wait_dma2 semaphore(%arg16 : memref<!tpu.dma_semaphore, #tpu.memory_space<semaphore_mem>>) src(%dma_wait3A_37 : memref<128xi32, #tpu.memory_space<hbm>>) dst(%arg7 : memref<128xi32, #tpu.memory_space<vmem>>)
    %dma_start3A_38 = arith.constant 0 : i32
    %dma_start3A_39 = arith.constant 0 : i32
    %dma_start3A_40 = tpu.memref_slice %arg2[%dma_start3A_38, %dma_start3A_39] : memref<10000x128xf32, #tpu.memory_space<hbm>> -> memref<10000x128xf32, #tpu.memory_space<hbm>>
    tpu.enqueue_indirect_dma source(%dma_start3A_40 : memref<10000x128xf32, #tpu.memory_space<hbm>>) target(%arg11 : memref<128x128xf32, #tpu.memory_space<vmem>>) offsets(%arg7 : memref<128xi32, #tpu.memory_space<vmem>>) semaphore(%arg14 : memref<!tpu.dma_semaphore, #tpu.memory_space<semaphore_mem>>)
    %scan3A_41 = arith.constant 0 : i32
    %scan3A_42 = arith.constant 0 : i32
    %scan3A_43 = arith.constant 20 : i32
    %scan3A_44 = arith.addi %scan3A_42, %scan3A_43 : i32
    %scan3A_45 = arith.constant 1 : i32
    scf.for %scan3A_48 = %scan3A_42 to %scan3A_44 step %scan3A_45  : i32 {
      %mul3A_49 = arith.constant 4 : i32
      %mul3A_50 = arith.muli %mul3A_49, %scan3A_48 : i32
      %dma_wait3A_51 = arith.constant 0 : i32
      %dma_wait3A_52 = arith.constant 0 : i32
      %dma_wait3A_53 = tpu.memref_slice %arg2[%dma_wait3A_51, %dma_wait3A_52] : memref<10000x128xf32, #tpu.memory_space<hbm>> -> memref<10000x128xf32, #tpu.memory_space<hbm>>
      tpu.wait_indirect_dma semaphore(%arg14 : memref<!tpu.dma_semaphore, #tpu.memory_space<semaphore_mem>>) src(%dma_wait3A_53 : memref<10000x128xf32, #tpu.memory_space<hbm>>) dst(%arg11 : memref<128x128xf32, #tpu.memory_space<vmem>>)
      %add3A_54 = arith.constant 1 : i32
      %add3A_55 = arith.addi %mul3A_50, %add3A_54 : i32
      %mul3A_56 = arith.constant 128 : i32
      %mul3A_57 = arith.muli %add3A_55, %mul3A_56 : i32
      %add3A_58 = arith.addi %mul3A_4, %mul3A_57 : i32
      %dma_wait3A_59 = tpu.memref_slice %arg3[%add3A_58] : memref<327680xi32, #tpu.memory_space<hbm>> -> memref<128xi32, #tpu.memory_space<hbm>>
      %dma_wait3A_60 = tpu.memref_slice %arg3[%add3A_58] : memref<327680xi32, #tpu.memory_space<hbm>> -> memref<128xi32, #tpu.memory_space<hbm>>
      tpu.wait_dma2 semaphore(%arg17 : memref<!tpu.dma_semaphore, #tpu.memory_space<semaphore_mem>>) src(%dma_wait3A_60 : memref<128xi32, #tpu.memory_space<hbm>>) dst(%arg8 : memref<128xi32, #tpu.memory_space<vmem>>)
      %add3A_61 = arith.constant 1 : i32
      %add3A_62 = arith.addi %mul3A_50, %add3A_61 : i32
      %dma_start3A_63 = arith.constant 0 : i32
      %dma_start3A_64 = arith.constant 0 : i32
      %dma_start3A_65 = tpu.memref_slice %arg2[%dma_start3A_63, %dma_start3A_64] : memref<10000x128xf32, #tpu.memory_space<hbm>> -> memref<10000x128xf32, #tpu.memory_space<hbm>>
      tpu.enqueue_indirect_dma source(%dma_start3A_65 : memref<10000x128xf32, #tpu.memory_space<hbm>>) target(%arg12 : memref<128x128xf32, #tpu.memory_space<vmem>>) offsets(%arg8 : memref<128xi32, #tpu.memory_space<vmem>>) semaphore(%arg15 : memref<!tpu.dma_semaphore, #tpu.memory_space<semaphore_mem>>)
      "tpu.region"() ({
        %run_scoped3A = tpu.sem_alloc : memref<!tpu.dma_semaphore, #tpu.memory_space<semaphore_mem>>
        %dma_start3A_143 = arith.constant 0 : i32
        %dma_start3A_144 = tpu.memref_slice %arg6[%mul3A_50, %dma_start3A_143] : memref<80x128xi32, #tpu.memory_space<vmem>> -> memref<1x128xi32, #tpu.memory_space<vmem>>
        %dma_start3A_145 = tpu.memref_squeeze %dma_start3A_144 : memref<1x128xi32, #tpu.memory_space<vmem>> -> memref<128xi32, #tpu.memory_space<vmem>>
        %dma_start3A_146 = arith.constant 0 : i32
        %dma_start3A_147 = arith.constant 0 : i32
        %dma_start3A_148 = tpu.memref_slice %arg13[%dma_start3A_146, %dma_start3A_147] : memref<10240x128xf32, #tpu.memory_space<vmem_shared>> -> memref<10240x128xf32, #tpu.memory_space<vmem_shared>>
        tpu.enqueue_indirect_dma source(%arg11 : memref<128x128xf32, #tpu.memory_space<vmem>>) target(%dma_start3A_148 : memref<10240x128xf32, #tpu.memory_space<vmem_shared>>) offsets(%dma_start3A_145 : memref<128xi32, #tpu.memory_space<vmem>>) semaphore(%run_scoped3A : memref<!tpu.dma_semaphore, #tpu.memory_space<semaphore_mem>>) {add = true}
        %dma_wait3A_149 = arith.constant 0 : i32
        %dma_wait3A_150 = tpu.memref_slice %arg6[%mul3A_50, %dma_wait3A_149] : memref<80x128xi32, #tpu.memory_space<vmem>> -> memref<1x128xi32, #tpu.memory_space<vmem>>
        %dma_wait3A_151 = tpu.memref_squeeze %dma_wait3A_150 : memref<1x128xi32, #tpu.memory_space<vmem>> -> memref<128xi32, #tpu.memory_space<vmem>>
        %dma_wait3A_152 = arith.constant 0 : i32
        %dma_wait3A_153 = arith.constant 0 : i32
        %dma_wait3A_154 = tpu.memref_slice %arg13[%dma_wait3A_152, %dma_wait3A_153] : memref<10240x128xf32, #tpu.memory_space<vmem_shared>> -> memref<10240x128xf32, #tpu.memory_space<vmem_shared>>
        tpu.wait_indirect_dma semaphore(%run_scoped3A : memref<!tpu.dma_semaphore, #tpu.memory_space<semaphore_mem>>) src(%arg11 : memref<128x128xf32, #tpu.memory_space<vmem>>) dst(%dma_wait3A_154 : memref<10240x128xf32, #tpu.memory_space<vmem_shared>>)
        tpu.yield
      }) : () -> ()
      %add3A_66 = arith.constant 4 : i32
      %add3A_67 = arith.addi %mul3A_50, %add3A_66 : i32
      %lt3A = arith.constant 80 : i32
      %lt3A_68 = arith.cmpi slt, %add3A_67, %lt3A : i32
      %convert_element_type3A = arith.extui %lt3A_68 : i1 to i32
      %cond3A = arith.constant 0 : i32
      %cond3A_69 = arith.cmpi ne, %convert_element_type3A, %cond3A : i32
      scf.if %cond3A_69 {
        %add3A_143 = arith.constant 4 : i32
        %add3A_144 = arith.addi %mul3A_50, %add3A_143 : i32
        %mul3A_145 = arith.constant 128 : i32
        %mul3A_146 = arith.muli %add3A_144, %mul3A_145 : i32
        %add3A_147 = arith.addi %mul3A_4, %mul3A_146 : i32
        %dma_start3A_148 = tpu.memref_slice %arg3[%add3A_147] : memref<327680xi32, #tpu.memory_space<hbm>> -> memref<128xi32, #tpu.memory_space<hbm>>
        %dma_start3A_149 = tpu.memref_slice %arg3[%add3A_147] : memref<327680xi32, #tpu.memory_space<hbm>> -> memref<128xi32, #tpu.memory_space<hbm>>
        tpu.enqueue_dma source(%dma_start3A_149 : memref<128xi32, #tpu.memory_space<hbm>>) target(%arg7 : memref<128xi32, #tpu.memory_space<vmem>>) target_semaphore(%arg16 : memref<!tpu.dma_semaphore, #tpu.memory_space<semaphore_mem>>)
      } else {
      }
      %add3A_70 = arith.constant 1 : i32
      %add3A_71 = arith.addi %mul3A_50, %add3A_70 : i32
      %dma_wait3A_72 = arith.constant 0 : i32
      %dma_wait3A_73 = arith.constant 0 : i32
      %dma_wait3A_74 = tpu.memref_slice %arg2[%dma_wait3A_72, %dma_wait3A_73] : memref<10000x128xf32, #tpu.memory_space<hbm>> -> memref<10000x128xf32, #tpu.memory_space<hbm>>
      tpu.wait_indirect_dma semaphore(%arg15 : memref<!tpu.dma_semaphore, #tpu.memory_space<semaphore_mem>>) src(%dma_wait3A_74 : memref<10000x128xf32, #tpu.memory_space<hbm>>) dst(%arg12 : memref<128x128xf32, #tpu.memory_space<vmem>>)
      %add3A_75 = arith.constant 2 : i32
      %add3A_76 = arith.addi %mul3A_50, %add3A_75 : i32
      %mul3A_77 = arith.constant 128 : i32
      %mul3A_78 = arith.muli %add3A_76, %mul3A_77 : i32
      %add3A_79 = arith.addi %mul3A_4, %mul3A_78 : i32
      %dma_wait3A_80 = tpu.memref_slice %arg3[%add3A_79] : memref<327680xi32, #tpu.memory_space<hbm>> -> memref<128xi32, #tpu.memory_space<hbm>>
      %dma_wait3A_81 = tpu.memref_slice %arg3[%add3A_79] : memref<327680xi32, #tpu.memory_space<hbm>> -> memref<128xi32, #tpu.memory_space<hbm>>
      tpu.wait_dma2 semaphore(%arg18 : memref<!tpu.dma_semaphore, #tpu.memory_space<semaphore_mem>>) src(%dma_wait3A_81 : memref<128xi32, #tpu.memory_space<hbm>>) dst(%arg9 : memref<128xi32, #tpu.memory_space<vmem>>)
      %add3A_82 = arith.constant 2 : i32
      %add3A_83 = arith.addi %mul3A_50, %add3A_82 : i32
      %dma_start3A_84 = arith.constant 0 : i32
      %dma_start3A_85 = arith.constant 0 : i32
      %dma_start3A_86 = tpu.memref_slice %arg2[%dma_start3A_84, %dma_start3A_85] : memref<10000x128xf32, #tpu.memory_space<hbm>> -> memref<10000x128xf32, #tpu.memory_space<hbm>>
      tpu.enqueue_indirect_dma source(%dma_start3A_86 : memref<10000x128xf32, #tpu.memory_space<hbm>>) target(%arg11 : memref<128x128xf32, #tpu.memory_space<vmem>>) offsets(%arg9 : memref<128xi32, #tpu.memory_space<vmem>>) semaphore(%arg14 : memref<!tpu.dma_semaphore, #tpu.memory_space<semaphore_mem>>)
      %add3A_87 = arith.constant 1 : i32
      %add3A_88 = arith.addi %mul3A_50, %add3A_87 : i32
      "tpu.region"() ({
        %run_scoped3A = tpu.sem_alloc : memref<!tpu.dma_semaphore, #tpu.memory_space<semaphore_mem>>
        %dma_start3A_143 = arith.constant 0 : i32
        %dma_start3A_144 = tpu.memref_slice %arg6[%add3A_88, %dma_start3A_143] : memref<80x128xi32, #tpu.memory_space<vmem>> -> memref<1x128xi32, #tpu.memory_space<vmem>>
        %dma_start3A_145 = tpu.memref_squeeze %dma_start3A_144 : memref<1x128xi32, #tpu.memory_space<vmem>> -> memref<128xi32, #tpu.memory_space<vmem>>
        %dma_start3A_146 = arith.constant 0 : i32
        %dma_start3A_147 = arith.constant 0 : i32
        %dma_start3A_148 = tpu.memref_slice %arg13[%dma_start3A_146, %dma_start3A_147] : memref<10240x128xf32, #tpu.memory_space<vmem_shared>> -> memref<10240x128xf32, #tpu.memory_space<vmem_shared>>
        tpu.enqueue_indirect_dma source(%arg12 : memref<128x128xf32, #tpu.memory_space<vmem>>) target(%dma_start3A_148 : memref<10240x128xf32, #tpu.memory_space<vmem_shared>>) offsets(%dma_start3A_145 : memref<128xi32, #tpu.memory_space<vmem>>) semaphore(%run_scoped3A : memref<!tpu.dma_semaphore, #tpu.memory_space<semaphore_mem>>) {add = true}
        %dma_wait3A_149 = arith.constant 0 : i32
        %dma_wait3A_150 = tpu.memref_slice %arg6[%add3A_88, %dma_wait3A_149] : memref<80x128xi32, #tpu.memory_space<vmem>> -> memref<1x128xi32, #tpu.memory_space<vmem>>
        %dma_wait3A_151 = tpu.memref_squeeze %dma_wait3A_150 : memref<1x128xi32, #tpu.memory_space<vmem>> -> memref<128xi32, #tpu.memory_space<vmem>>
        %dma_wait3A_152 = arith.constant 0 : i32
        %dma_wait3A_153 = arith.constant 0 : i32
        %dma_wait3A_154 = tpu.memref_slice %arg13[%dma_wait3A_152, %dma_wait3A_153] : memref<10240x128xf32, #tpu.memory_space<vmem_shared>> -> memref<10240x128xf32, #tpu.memory_space<vmem_shared>>
        tpu.wait_indirect_dma semaphore(%run_scoped3A : memref<!tpu.dma_semaphore, #tpu.memory_space<semaphore_mem>>) src(%arg12 : memref<128x128xf32, #tpu.memory_space<vmem>>) dst(%dma_wait3A_154 : memref<10240x128xf32, #tpu.memory_space<vmem_shared>>)
        tpu.yield
      }) : () -> ()
      %add3A_89 = arith.constant 5 : i32
      %add3A_90 = arith.addi %mul3A_50, %add3A_89 : i32
      %lt3A_91 = arith.constant 80 : i32
      %lt3A_92 = arith.cmpi slt, %add3A_90, %lt3A_91 : i32
      %convert_element_type3A_93 = arith.extui %lt3A_92 : i1 to i32
      %cond3A_94 = arith.constant 0 : i32
      %cond3A_95 = arith.cmpi ne, %convert_element_type3A_93, %cond3A_94 : i32
      scf.if %cond3A_95 {
        %add3A_143 = arith.constant 5 : i32
        %add3A_144 = arith.addi %mul3A_50, %add3A_143 : i32
        %mul3A_145 = arith.constant 128 : i32
        %mul3A_146 = arith.muli %add3A_144, %mul3A_145 : i32
        %add3A_147 = arith.addi %mul3A_4, %mul3A_146 : i32
        %dma_start3A_148 = tpu.memref_slice %arg3[%add3A_147] : memref<327680xi32, #tpu.memory_space<hbm>> -> memref<128xi32, #tpu.memory_space<hbm>>
        %dma_start3A_149 = tpu.memref_slice %arg3[%add3A_147] : memref<327680xi32, #tpu.memory_space<hbm>> -> memref<128xi32, #tpu.memory_space<hbm>>
        tpu.enqueue_dma source(%dma_start3A_149 : memref<128xi32, #tpu.memory_space<hbm>>) target(%arg8 : memref<128xi32, #tpu.memory_space<vmem>>) target_semaphore(%arg17 : memref<!tpu.dma_semaphore, #tpu.memory_space<semaphore_mem>>)
      } else {
      }
      %add3A_96 = arith.constant 2 : i32
      %add3A_97 = arith.addi %mul3A_50, %add3A_96 : i32
      %dma_wait3A_98 = arith.constant 0 : i32
      %dma_wait3A_99 = arith.constant 0 : i32
      %dma_wait3A_100 = tpu.memref_slice %arg2[%dma_wait3A_98, %dma_wait3A_99] : memref<10000x128xf32, #tpu.memory_space<hbm>> -> memref<10000x128xf32, #tpu.memory_space<hbm>>
      tpu.wait_indirect_dma semaphore(%arg14 : memref<!tpu.dma_semaphore, #tpu.memory_space<semaphore_mem>>) src(%dma_wait3A_100 : memref<10000x128xf32, #tpu.memory_space<hbm>>) dst(%arg11 : memref<128x128xf32, #tpu.memory_space<vmem>>)
      %add3A_101 = arith.constant 3 : i32
      %add3A_102 = arith.addi %mul3A_50, %add3A_101 : i32
      %mul3A_103 = arith.constant 128 : i32
      %mul3A_104 = arith.muli %add3A_102, %mul3A_103 : i32
      %add3A_105 = arith.addi %mul3A_4, %mul3A_104 : i32
      %dma_wait3A_106 = tpu.memref_slice %arg3[%add3A_105] : memref<327680xi32, #tpu.memory_space<hbm>> -> memref<128xi32, #tpu.memory_space<hbm>>
      %dma_wait3A_107 = tpu.memref_slice %arg3[%add3A_105] : memref<327680xi32, #tpu.memory_space<hbm>> -> memref<128xi32, #tpu.memory_space<hbm>>
      tpu.wait_dma2 semaphore(%arg19 : memref<!tpu.dma_semaphore, #tpu.memory_space<semaphore_mem>>) src(%dma_wait3A_107 : memref<128xi32, #tpu.memory_space<hbm>>) dst(%arg10 : memref<128xi32, #tpu.memory_space<vmem>>)
      %add3A_108 = arith.constant 3 : i32
      %add3A_109 = arith.addi %mul3A_50, %add3A_108 : i32
      %dma_start3A_110 = arith.constant 0 : i32
      %dma_start3A_111 = arith.constant 0 : i32
      %dma_start3A_112 = tpu.memref_slice %arg2[%dma_start3A_110, %dma_start3A_111] : memref<10000x128xf32, #tpu.memory_space<hbm>> -> memref<10000x128xf32, #tpu.memory_space<hbm>>
      tpu.enqueue_indirect_dma source(%dma_start3A_112 : memref<10000x128xf32, #tpu.memory_space<hbm>>) target(%arg12 : memref<128x128xf32, #tpu.memory_space<vmem>>) offsets(%arg10 : memref<128xi32, #tpu.memory_space<vmem>>) semaphore(%arg15 : memref<!tpu.dma_semaphore, #tpu.memory_space<semaphore_mem>>)
      %add3A_113 = arith.constant 2 : i32
      %add3A_114 = arith.addi %mul3A_50, %add3A_113 : i32
      "tpu.region"() ({
        %run_scoped3A = tpu.sem_alloc : memref<!tpu.dma_semaphore, #tpu.memory_space<semaphore_mem>>
        %dma_start3A_143 = arith.constant 0 : i32
        %dma_start3A_144 = tpu.memref_slice %arg6[%add3A_114, %dma_start3A_143] : memref<80x128xi32, #tpu.memory_space<vmem>> -> memref<1x128xi32, #tpu.memory_space<vmem>>
        %dma_start3A_145 = tpu.memref_squeeze %dma_start3A_144 : memref<1x128xi32, #tpu.memory_space<vmem>> -> memref<128xi32, #tpu.memory_space<vmem>>
        %dma_start3A_146 = arith.constant 0 : i32
        %dma_start3A_147 = arith.constant 0 : i32
        %dma_start3A_148 = tpu.memref_slice %arg13[%dma_start3A_146, %dma_start3A_147] : memref<10240x128xf32, #tpu.memory_space<vmem_shared>> -> memref<10240x128xf32, #tpu.memory_space<vmem_shared>>
        tpu.enqueue_indirect_dma source(%arg11 : memref<128x128xf32, #tpu.memory_space<vmem>>) target(%dma_start3A_148 : memref<10240x128xf32, #tpu.memory_space<vmem_shared>>) offsets(%dma_start3A_145 : memref<128xi32, #tpu.memory_space<vmem>>) semaphore(%run_scoped3A : memref<!tpu.dma_semaphore, #tpu.memory_space<semaphore_mem>>) {add = true}
        %dma_wait3A_149 = arith.constant 0 : i32
        %dma_wait3A_150 = tpu.memref_slice %arg6[%add3A_114, %dma_wait3A_149] : memref<80x128xi32, #tpu.memory_space<vmem>> -> memref<1x128xi32, #tpu.memory_space<vmem>>
        %dma_wait3A_151 = tpu.memref_squeeze %dma_wait3A_150 : memref<1x128xi32, #tpu.memory_space<vmem>> -> memref<128xi32, #tpu.memory_space<vmem>>
        %dma_wait3A_152 = arith.constant 0 : i32
        %dma_wait3A_153 = arith.constant 0 : i32
        %dma_wait3A_154 = tpu.memref_slice %arg13[%dma_wait3A_152, %dma_wait3A_153] : memref<10240x128xf32, #tpu.memory_space<vmem_shared>> -> memref<10240x128xf32, #tpu.memory_space<vmem_shared>>
        tpu.wait_indirect_dma semaphore(%run_scoped3A : memref<!tpu.dma_semaphore, #tpu.memory_space<semaphore_mem>>) src(%arg11 : memref<128x128xf32, #tpu.memory_space<vmem>>) dst(%dma_wait3A_154 : memref<10240x128xf32, #tpu.memory_space<vmem_shared>>)
        tpu.yield
      }) : () -> ()
      %add3A_115 = arith.constant 6 : i32
      %add3A_116 = arith.addi %mul3A_50, %add3A_115 : i32
      %lt3A_117 = arith.constant 80 : i32
      %lt3A_118 = arith.cmpi slt, %add3A_116, %lt3A_117 : i32
      %convert_element_type3A_119 = arith.extui %lt3A_118 : i1 to i32
      %cond3A_120 = arith.constant 0 : i32
      %cond3A_121 = arith.cmpi ne, %convert_element_type3A_119, %cond3A_120 : i32
      scf.if %cond3A_121 {
        %add3A_143 = arith.constant 6 : i32
        %add3A_144 = arith.addi %mul3A_50, %add3A_143 : i32
        %mul3A_145 = arith.constant 128 : i32
        %mul3A_146 = arith.muli %add3A_144, %mul3A_145 : i32
        %add3A_147 = arith.addi %mul3A_4, %mul3A_146 : i32
        %dma_start3A_148 = tpu.memref_slice %arg3[%add3A_147] : memref<327680xi32, #tpu.memory_space<hbm>> -> memref<128xi32, #tpu.memory_space<hbm>>
        %dma_start3A_149 = tpu.memref_slice %arg3[%add3A_147] : memref<327680xi32, #tpu.memory_space<hbm>> -> memref<128xi32, #tpu.memory_space<hbm>>
        tpu.enqueue_dma source(%dma_start3A_149 : memref<128xi32, #tpu.memory_space<hbm>>) target(%arg9 : memref<128xi32, #tpu.memory_space<vmem>>) target_semaphore(%arg18 : memref<!tpu.dma_semaphore, #tpu.memory_space<semaphore_mem>>)
      } else {
      }
      %add3A_122 = arith.constant 3 : i32
      %add3A_123 = arith.addi %mul3A_50, %add3A_122 : i32
      %dma_wait3A_124 = arith.constant 0 : i32
      %dma_wait3A_125 = arith.constant 0 : i32
      %dma_wait3A_126 = tpu.memref_slice %arg2[%dma_wait3A_124, %dma_wait3A_125] : memref<10000x128xf32, #tpu.memory_space<hbm>> -> memref<10000x128xf32, #tpu.memory_space<hbm>>
      tpu.wait_indirect_dma semaphore(%arg15 : memref<!tpu.dma_semaphore, #tpu.memory_space<semaphore_mem>>) src(%dma_wait3A_126 : memref<10000x128xf32, #tpu.memory_space<hbm>>) dst(%arg12 : memref<128x128xf32, #tpu.memory_space<vmem>>)
      %add3A_127 = arith.constant 4 : i32
      %add3A_128 = arith.addi %mul3A_50, %add3A_127 : i32
      %lt3A_129 = arith.constant 80 : i32
      %lt3A_130 = arith.cmpi slt, %add3A_128, %lt3A_129 : i32
      %convert_element_type3A_131 = arith.extui %lt3A_130 : i1 to i32
      %cond3A_132 = arith.constant 0 : i32
      %cond3A_133 = arith.cmpi ne, %convert_element_type3A_131, %cond3A_132 : i32
      scf.if %cond3A_133 {
        %add3A_143 = arith.constant 4 : i32
        %add3A_144 = arith.addi %mul3A_50, %add3A_143 : i32
        %mul3A_145 = arith.constant 128 : i32
        %mul3A_146 = arith.muli %add3A_144, %mul3A_145 : i32
        %add3A_147 = arith.addi %mul3A_4, %mul3A_146 : i32
        %dma_wait3A_148 = tpu.memref_slice %arg3[%add3A_147] : memref<327680xi32, #tpu.memory_space<hbm>> -> memref<128xi32, #tpu.memory_space<hbm>>
        %dma_wait3A_149 = tpu.memref_slice %arg3[%add3A_147] : memref<327680xi32, #tpu.memory_space<hbm>> -> memref<128xi32, #tpu.memory_space<hbm>>
        tpu.wait_dma2 semaphore(%arg16 : memref<!tpu.dma_semaphore, #tpu.memory_space<semaphore_mem>>) src(%dma_wait3A_149 : memref<128xi32, #tpu.memory_space<hbm>>) dst(%arg7 : memref<128xi32, #tpu.memory_space<vmem>>)
        %add3A_150 = arith.constant 4 : i32
        %add3A_151 = arith.addi %mul3A_50, %add3A_150 : i32
        %dma_start3A_152 = arith.constant 0 : i32
        %dma_start3A_153 = arith.constant 0 : i32
        %dma_start3A_154 = tpu.memref_slice %arg2[%dma_start3A_152, %dma_start3A_153] : memref<10000x128xf32, #tpu.memory_space<hbm>> -> memref<10000x128xf32, #tpu.memory_space<hbm>>
        tpu.enqueue_indirect_dma source(%dma_start3A_154 : memref<10000x128xf32, #tpu.memory_space<hbm>>) target(%arg11 : memref<128x128xf32, #tpu.memory_space<vmem>>) offsets(%arg7 : memref<128xi32, #tpu.memory_space<vmem>>) semaphore(%arg14 : memref<!tpu.dma_semaphore, #tpu.memory_space<semaphore_mem>>)
      } else {
      }
      %add3A_134 = arith.constant 3 : i32
      %add3A_135 = arith.addi %mul3A_50, %add3A_134 : i32
      "tpu.region"() ({
        %run_scoped3A = tpu.sem_alloc : memref<!tpu.dma_semaphore, #tpu.memory_space<semaphore_mem>>
        %dma_start3A_143 = arith.constant 0 : i32
        %dma_start3A_144 = tpu.memref_slice %arg6[%add3A_135, %dma_start3A_143] : memref<80x128xi32, #tpu.memory_space<vmem>> -> memref<1x128xi32, #tpu.memory_space<vmem>>
        %dma_start3A_145 = tpu.memref_squeeze %dma_start3A_144 : memref<1x128xi32, #tpu.memory_space<vmem>> -> memref<128xi32, #tpu.memory_space<vmem>>
        %dma_start3A_146 = arith.constant 0 : i32
        %dma_start3A_147 = arith.constant 0 : i32
        %dma_start3A_148 = tpu.memref_slice %arg13[%dma_start3A_146, %dma_start3A_147] : memref<10240x128xf32, #tpu.memory_space<vmem_shared>> -> memref<10240x128xf32, #tpu.memory_space<vmem_shared>>
        tpu.enqueue_indirect_dma source(%arg12 : memref<128x128xf32, #tpu.memory_space<vmem>>) target(%dma_start3A_148 : memref<10240x128xf32, #tpu.memory_space<vmem_shared>>) offsets(%dma_start3A_145 : memref<128xi32, #tpu.memory_space<vmem>>) semaphore(%run_scoped3A : memref<!tpu.dma_semaphore, #tpu.memory_space<semaphore_mem>>) {add = true}
        %dma_wait3A_149 = arith.constant 0 : i32
        %dma_wait3A_150 = tpu.memref_slice %arg6[%add3A_135, %dma_wait3A_149] : memref<80x128xi32, #tpu.memory_space<vmem>> -> memref<1x128xi32, #tpu.memory_space<vmem>>
        %dma_wait3A_151 = tpu.memref_squeeze %dma_wait3A_150 : memref<1x128xi32, #tpu.memory_space<vmem>> -> memref<128xi32, #tpu.memory_space<vmem>>
        %dma_wait3A_152 = arith.constant 0 : i32
        %dma_wait3A_153 = arith.constant 0 : i32
        %dma_wait3A_154 = tpu.memref_slice %arg13[%dma_wait3A_152, %dma_wait3A_153] : memref<10240x128xf32, #tpu.memory_space<vmem_shared>> -> memref<10240x128xf32, #tpu.memory_space<vmem_shared>>
        tpu.wait_indirect_dma semaphore(%run_scoped3A : memref<!tpu.dma_semaphore, #tpu.memory_space<semaphore_mem>>) src(%arg12 : memref<128x128xf32, #tpu.memory_space<vmem>>) dst(%dma_wait3A_154 : memref<10240x128xf32, #tpu.memory_space<vmem_shared>>)
        tpu.yield
      }) : () -> ()
      %add3A_136 = arith.constant 7 : i32
      %add3A_137 = arith.addi %mul3A_50, %add3A_136 : i32
      %lt3A_138 = arith.constant 80 : i32
      %lt3A_139 = arith.cmpi slt, %add3A_137, %lt3A_138 : i32
      %convert_element_type3A_140 = arith.extui %lt3A_139 : i1 to i32
      %cond3A_141 = arith.constant 0 : i32
      %cond3A_142 = arith.cmpi ne, %convert_element_type3A_140, %cond3A_141 : i32
      scf.if %cond3A_142 {
        %add3A_143 = arith.constant 7 : i32
        %add3A_144 = arith.addi %mul3A_50, %add3A_143 : i32
        %mul3A_145 = arith.constant 128 : i32
        %mul3A_146 = arith.muli %add3A_144, %mul3A_145 : i32
        %add3A_147 = arith.addi %mul3A_4, %mul3A_146 : i32
        %dma_start3A_148 = tpu.memref_slice %arg3[%add3A_147] : memref<327680xi32, #tpu.memory_space<hbm>> -> memref<128xi32, #tpu.memory_space<hbm>>
        %dma_start3A_149 = tpu.memref_slice %arg3[%add3A_147] : memref<327680xi32, #tpu.memory_space<hbm>> -> memref<128xi32, #tpu.memory_space<hbm>>
        tpu.enqueue_dma source(%dma_start3A_149 : memref<128xi32, #tpu.memory_space<hbm>>) target(%arg10 : memref<128xi32, #tpu.memory_space<vmem>>) target_semaphore(%arg19 : memref<!tpu.dma_semaphore, #tpu.memory_space<semaphore_mem>>)
      } else {
      }
    }
    %scan3A_46 = arith.constant 20 : i32
    %barrier3A_47 = arith.constant 0 : index
    tpu.barrier barrier_id(%barrier3A_47)
    "tpu.region"() ({
      %run_scoped3A = tpu.sem_alloc : memref<!tpu.dma_semaphore, #tpu.memory_space<semaphore_mem>>
      %dma_start3A_48 = arith.constant 0 : i32
      %dma_start3A_49 = tpu.memref_slice %arg5[%arg0, %mul3A_2, %dma_start3A_48] : memref<2x10240x128xf32, #tpu.memory_space<hbm>> -> memref<1x640x128xf32, #tpu.memory_space<hbm>>
      %dma_start3A_50 = tpu.memref_squeeze %dma_start3A_49 : memref<1x640x128xf32, #tpu.memory_space<hbm>> -> memref<640x128xf32, #tpu.memory_space<hbm>>
      %dma_start3A_51 = arith.constant 0 : i32
      %dma_start3A_52 = tpu.memref_slice %arg13[%mul3A_2, %dma_start3A_51] : memref<10240x128xf32, #tpu.memory_space<vmem_shared>> -> memref<640x128xf32, #tpu.memory_space<vmem_shared>>
      tpu.enqueue_dma source(%dma_start3A_52 : memref<640x128xf32, #tpu.memory_space<vmem_shared>>) target(%dma_start3A_50 : memref<640x128xf32, #tpu.memory_space<hbm>>) target_semaphore(%run_scoped3A : memref<!tpu.dma_semaphore, #tpu.memory_space<semaphore_mem>>)
      %dma_wait3A_53 = arith.constant 0 : i32
      %dma_wait3A_54 = tpu.memref_slice %arg5[%arg0, %mul3A_2, %dma_wait3A_53] : memref<2x10240x128xf32, #tpu.memory_space<hbm>> -> memref<1x640x128xf32, #tpu.memory_space<hbm>>
      %dma_wait3A_55 = tpu.memref_squeeze %dma_wait3A_54 : memref<1x640x128xf32, #tpu.memory_space<hbm>> -> memref<640x128xf32, #tpu.memory_space<hbm>>
      %dma_wait3A_56 = arith.constant 0 : i32
      %dma_wait3A_57 = tpu.memref_slice %arg13[%mul3A_2, %dma_wait3A_56] : memref<10240x128xf32, #tpu.memory_space<vmem_shared>> -> memref<640x128xf32, #tpu.memory_space<vmem_shared>>
      tpu.wait_dma2 semaphore(%run_scoped3A : memref<!tpu.dma_semaphore, #tpu.memory_space<semaphore_mem>>) src(%dma_wait3A_57 : memref<640x128xf32, #tpu.memory_space<vmem_shared>>) dst(%dma_wait3A_55 : memref<640x128xf32, #tpu.memory_space<hbm>>)
      tpu.yield
    }) : () -> ()
    return
  }
}

module attributes {stable_mosaic.version = 14 : i64} {
  func.func @_ka_body(%arg0: i32, %arg1: memref<400x128xf32, #tpu.memory_space<vmem>>, %arg2: memref<128x128xf32, #tpu.memory_space<vmem>>, %arg3: memref<2x400x16xf32, #tpu.memory_space<vmem>>, %arg4: memref<400x128xf32, #tpu.memory_space<vmem>>, %arg5: memref<400x128xf32, #tpu.memory_space<vmem>>) attributes {dimension_semantics = [#tpu.dimension_semantics<arbitrary>], iteration_bounds = array<i64: 25>, scalar_prefetch = 0 : i64, scratch_operands = 0 : i64, tpu.core_type = #tpu.core_type<tc>, window_params = [{transform_indices = @transform_0, window_bounds = array<i64: 400, 128>}, {pipeline_mode = #tpu.pipeline_mode<synchronous>, transform_indices = @transform_1, window_bounds = array<i64: 128, 128>}, {transform_indices = @transform_2, window_bounds = array<i64: 2, 400, 16>}, {transform_indices = @transform_3, window_bounds = array<i64: 400, 128>}, {transform_indices = @transform_4, window_bounds = array<i64: 400, 128>}]} {
    %get3A = arith.constant 0 : index
    %get3A_0 = arith.constant 0 : index
    %get3A_1 = arith.constant 0 : index
    %get3A_2 = vector.load %arg3[%get3A, %get3A_0, %get3A_1] : memref<2x400x16xf32, #tpu.memory_space<vmem>>, vector<1x400x1xf32>
    %get3A_3 = vector.shape_cast %get3A_2 : vector<1x400x1xf32> to vector<400x1xf32>
    %get3A_4 = arith.constant 1 : index
    %get3A_5 = arith.constant 0 : index
    %get3A_6 = arith.constant 0 : index
    %get3A_7 = vector.load %arg3[%get3A_4, %get3A_5, %get3A_6] : memref<2x400x16xf32, #tpu.memory_space<vmem>>, vector<1x400x1xf32>
    %get3A_8 = vector.shape_cast %get3A_7 : vector<1x400x1xf32> to vector<400x1xf32>
    %add3A = arith.addf %get3A_3, %get3A_8 : vector<400x1xf32>
    %add3A_9 = arith.constant 1.000000e+00 : f32
    %add3A_10 = vector.broadcast %add3A_9 : f32 to vector<400x1xf32>
    %add3A_11 = arith.addf %add3A, %add3A_10 : vector<400x1xf32>
    %rsqrt3A = math.rsqrt %add3A_11 : vector<400x1xf32>
    %get3A_12 = arith.constant 0 : index
    %get3A_13 = arith.constant 0 : index
    %get3A_14 = vector.load %arg1[%get3A_12, %get3A_13] : memref<400x128xf32, #tpu.memory_space<vmem>>, vector<400x128xf32>
    %get3A_15 = arith.constant 0 : index
    %get3A_16 = arith.constant 0 : index
    %get3A_17 = vector.load %arg2[%get3A_15, %get3A_16] : memref<128x128xf32, #tpu.memory_space<vmem>>, vector<128x128xf32>
    %dot_general3A = arith.constant dense<0.000000e+00> : vector<400x128xf32>
    %dot_general3A_18 = tpu.matmul %get3A_14, %get3A_17, %dot_general3A {dimension_numbers = #tpu.dot_dimension_numbers<[1], [0], [0], [1], [0, 0, 1, 1], [], []>, transpose_lhs_hint = false} : vector<400x128xf32>, vector<128x128xf32>, vector<400x128xf32> -> vector<400x128xf32>
    %swap3A = arith.constant 0 : index
    %swap3A_19 = arith.constant 0 : index
    %swap3A_20 = vector.load %arg4[%swap3A, %swap3A_19] : memref<400x128xf32, #tpu.memory_space<vmem>>, vector<400x128xf32>
    tpu.vector_store %arg4[%swap3A, %swap3A_19], %dot_general3A_18 {strides = array<i32>} : memref<400x128xf32, #tpu.memory_space<vmem>>, vector<400x128xf32>,
    %mul3A = vector.broadcast %rsqrt3A : vector<400x1xf32> to vector<400x128xf32>
    %mul3A_21 = arith.mulf %dot_general3A_18, %mul3A : vector<400x128xf32>
    %swap3A_22 = arith.constant 0 : index
    %swap3A_23 = arith.constant 0 : index
    %swap3A_24 = vector.load %arg5[%swap3A_22, %swap3A_23] : memref<400x128xf32, #tpu.memory_space<vmem>>, vector<400x128xf32>
    tpu.vector_store %arg5[%swap3A_22, %swap3A_23], %mul3A_21 {strides = array<i32>} : memref<400x128xf32, #tpu.memory_space<vmem>>, vector<400x128xf32>,
    return
  }
  func.func @transform_0(%arg0: i32) -> (i32, i32) {
    %c0_i32 = arith.constant 0 : i32
    %c0_i32_0 = arith.constant 0 : i32
    return %arg0, %c0_i32 : i32, i32
  }
  func.func @transform_1(%arg0: i32) -> (i32, i32) {
    %c0_i32 = arith.constant 0 : i32
    %c0_i32_0 = arith.constant 0 : i32
    %c0_i32_1 = arith.constant 0 : i32
    return %c0_i32, %c0_i32_0 : i32, i32
  }
  func.func @transform_2(%arg0: i32) -> (i32, i32, i32) {
    %c0_i32 = arith.constant 0 : i32
    %c0_i32_0 = arith.constant 0 : i32
    %c0_i32_1 = arith.constant 0 : i32
    return %c0_i32, %arg0, %c0_i32_0 : i32, i32, i32
  }
  func.func @transform_3(%arg0: i32) -> (i32, i32) {
    %c0_i32 = arith.constant 0 : i32
    %c0_i32_0 = arith.constant 0 : i32
    return %arg0, %c0_i32 : i32, i32
  }
  func.func @transform_4(%arg0: i32) -> (i32, i32) {
    %c0_i32 = arith.constant 0 : i32
    %c0_i32_0 = arith.constant 0 : i32
    return %arg0, %c0_i32 : i32, i32
  }
}

module attributes {stable_mosaic.version = 14 : i64} {
  func.func @_kb_body(%arg0: i32, %arg1: memref<2x400x128xf32, #tpu.memory_space<vmem>>, %arg2: memref<400x128xf32, #tpu.memory_space<vmem>>, %arg3: memref<2x400x16xf32, #tpu.memory_space<vmem>>, %arg4: memref<1x128xf32, #tpu.memory_space<vmem>>, %arg5: memref<400x128xf32, #tpu.memory_space<vmem>>) attributes {dimension_semantics = [#tpu.dimension_semantics<arbitrary>], iteration_bounds = array<i64: 25>, scalar_prefetch = 0 : i64, scratch_operands = 0 : i64, tpu.core_type = #tpu.core_type<tc>, window_params = [{transform_indices = @transform_0, window_bounds = array<i64: 2, 400, 128>}, {transform_indices = @transform_1, window_bounds = array<i64: 400, 128>}, {transform_indices = @transform_2, window_bounds = array<i64: 2, 400, 16>}, {pipeline_mode = #tpu.pipeline_mode<synchronous>, transform_indices = @transform_3, window_bounds = array<i64: 1, 128>}, {transform_indices = @transform_4, window_bounds = array<i64: 400, 128>}]} {
    %get3A = arith.constant 0 : index
    %get3A_0 = arith.constant 0 : index
    %get3A_1 = arith.constant 0 : index
    %get3A_2 = vector.load %arg3[%get3A, %get3A_0, %get3A_1] : memref<2x400x16xf32, #tpu.memory_space<vmem>>, vector<1x400x1xf32>
    %get3A_3 = vector.shape_cast %get3A_2 : vector<1x400x1xf32> to vector<400x1xf32>
    %get3A_4 = arith.constant 1 : index
    %get3A_5 = arith.constant 0 : index
    %get3A_6 = arith.constant 0 : index
    %get3A_7 = vector.load %arg3[%get3A_4, %get3A_5, %get3A_6] : memref<2x400x16xf32, #tpu.memory_space<vmem>>, vector<1x400x1xf32>
    %get3A_8 = vector.shape_cast %get3A_7 : vector<1x400x1xf32> to vector<400x1xf32>
    %add3A = arith.addf %get3A_3, %get3A_8 : vector<400x1xf32>
    %add3A_9 = arith.constant 1.000000e+00 : f32
    %add3A_10 = vector.broadcast %add3A_9 : f32 to vector<400x1xf32>
    %add3A_11 = arith.addf %add3A, %add3A_10 : vector<400x1xf32>
    %rsqrt3A = math.rsqrt %add3A_11 : vector<400x1xf32>
    %get3A_12 = arith.constant 0 : index
    %get3A_13 = arith.constant 0 : index
    %get3A_14 = arith.constant 0 : index
    %get3A_15 = vector.load %arg1[%get3A_12, %get3A_13, %get3A_14] : memref<2x400x128xf32, #tpu.memory_space<vmem>>, vector<1x400x128xf32>
    %get3A_16 = vector.shape_cast %get3A_15 : vector<1x400x128xf32> to vector<400x128xf32>
    %get3A_17 = arith.constant 1 : index
    %get3A_18 = arith.constant 0 : index
    %get3A_19 = arith.constant 0 : index
    %get3A_20 = vector.load %arg1[%get3A_17, %get3A_18, %get3A_19] : memref<2x400x128xf32, #tpu.memory_space<vmem>>, vector<1x400x128xf32>
    %get3A_21 = vector.shape_cast %get3A_20 : vector<1x400x128xf32> to vector<400x128xf32>
    %add3A_22 = arith.addf %get3A_16, %get3A_21 : vector<400x128xf32>
    %get3A_23 = arith.constant 0 : index
    %get3A_24 = arith.constant 0 : index
    %get3A_25 = vector.load %arg2[%get3A_23, %get3A_24] : memref<400x128xf32, #tpu.memory_space<vmem>>, vector<400x128xf32>
    %add3A_26 = arith.addf %add3A_22, %get3A_25 : vector<400x128xf32>
    %mul3A = vector.broadcast %rsqrt3A : vector<400x1xf32> to vector<400x128xf32>
    %mul3A_27 = arith.mulf %add3A_26, %mul3A : vector<400x128xf32>
    %get3A_28 = arith.constant 0 : index
    %get3A_29 = arith.constant 0 : index
    %get3A_30 = vector.load %arg4[%get3A_28, %get3A_29] : memref<1x128xf32, #tpu.memory_space<vmem>>, vector<1x128xf32>
    %add3A_31 = vector.broadcast %get3A_30 : vector<1x128xf32> to vector<400x128xf32>
    %add3A_32 = arith.addf %mul3A_27, %add3A_31 : vector<400x128xf32>
    %swap3A = arith.constant 0 : index
    %swap3A_33 = arith.constant 0 : index
    %swap3A_34 = vector.load %arg5[%swap3A, %swap3A_33] : memref<400x128xf32, #tpu.memory_space<vmem>>, vector<400x128xf32>
    tpu.vector_store %arg5[%swap3A, %swap3A_33], %add3A_32 {strides = array<i32>} : memref<400x128xf32, #tpu.memory_space<vmem>>, vector<400x128xf32>,
    return
  }
  func.func @transform_0(%arg0: i32) -> (i32, i32, i32) {
    %c0_i32 = arith.constant 0 : i32
    %c0_i32_0 = arith.constant 0 : i32
    %c0_i32_1 = arith.constant 0 : i32
    return %c0_i32, %arg0, %c0_i32_0 : i32, i32, i32
  }
  func.func @transform_1(%arg0: i32) -> (i32, i32) {
    %c0_i32 = arith.constant 0 : i32
    %c0_i32_0 = arith.constant 0 : i32
    return %arg0, %c0_i32 : i32, i32
  }
  func.func @transform_2(%arg0: i32) -> (i32, i32, i32) {
    %c0_i32 = arith.constant 0 : i32
    %c0_i32_0 = arith.constant 0 : i32
    %c0_i32_1 = arith.constant 0 : i32
    return %c0_i32, %arg0, %c0_i32_0 : i32, i32, i32
  }
  func.func @transform_3(%arg0: i32) -> (i32, i32) {
    %c0_i32 = arith.constant 0 : i32
    %c0_i32_0 = arith.constant 0 : i32
    %c0_i32_1 = arith.constant 0 : i32
    return %c0_i32, %c0_i32_0 : i32, i32
  }
  func.func @transform_4(%arg0: i32) -> (i32, i32) {
    %c0_i32 = arith.constant 0 : i32
    %c0_i32_0 = arith.constant 0 : i32
    return %arg0, %c0_i32 : i32, i32
  }
}

module attributes {stable_mosaic.version = 14 : i64} {
  func.func @_kcbn_body(%arg0: i32, %arg1: i32, %arg2: memref<2x400x128xf32, #tpu.memory_space<vmem>>, %arg3: memref<400x128xf32, #tpu.memory_space<vmem>>, %arg4: memref<128x128xf32, #tpu.memory_space<vmem>>, %arg5: memref<128x128xf32, #tpu.memory_space<vmem>>, %arg6: memref<400x128xf32, #tpu.memory_space<vmem>>, %arg7: memref<1x128xf32, #tpu.memory_space<vmem>>, %arg8: memref<1x128xf32, #tpu.memory_space<vmem>>, %arg9: memref<1x128xf32, #tpu.memory_space<vmem>>, %arg10: memref<400x128xf32, #tpu.memory_space<vmem>>, %arg11: memref<400x128xf32, #tpu.memory_space<vmem>>, %arg12: memref<10000x128xf32, #tpu.memory_space<vmem>>, %arg13: memref<8x128xf32, #tpu.memory_space<vmem>>) attributes {dimension_semantics = [#tpu.dimension_semantics<arbitrary>, #tpu.dimension_semantics<arbitrary>], iteration_bounds = array<i64: 2, 25>, scalar_prefetch = 0 : i64, scratch_operands = 2 : i64, tpu.core_type = #tpu.core_type<tc>, window_params = [{transform_indices = @transform_0, window_bounds = array<i64: 2, 400, 128>}, {transform_indices = @transform_1, window_bounds = array<i64: 400, 128>}, {pipeline_mode = #tpu.pipeline_mode<synchronous>, transform_indices = @transform_2, window_bounds = array<i64: 128, 128>}, {pipeline_mode = #tpu.pipeline_mode<synchronous>, transform_indices = @transform_3, window_bounds = array<i64: 128, 128>}, {transform_indices = @transform_4, window_bounds = array<i64: 400, 128>}, {pipeline_mode = #tpu.pipeline_mode<synchronous>, transform_indices = @transform_5, window_bounds = array<i64: 1, 128>}, {pipeline_mode = #tpu.pipeline_mode<synchronous>, transform_indices = @transform_6, window_bounds = array<i64: 1, 128>}, {pipeline_mode = #tpu.pipeline_mode<synchronous>, transform_indices = @transform_7, window_bounds = array<i64: 1, 128>}, {transform_indices = @transform_8, window_bounds = array<i64: 400, 128>}, {transform_indices = @transform_9, window_bounds = array<i64: 400, 128>}]} {
    %eq3A = arith.constant 0 : i32
    %eq3A_0 = arith.cmpi eq, %arg0, %eq3A : i32
    %convert_element_type3A = arith.extui %eq3A_0 : i1 to i32
    %cond3A = arith.constant 0 : i32
    %cond3A_1 = arith.cmpi ne, %convert_element_type3A, %cond3A : i32
    scf.if %cond3A_1 {
      %get3A = arith.constant 0 : index
      %get3A_7 = arith.constant 0 : index
      %get3A_8 = arith.constant 0 : index
      %get3A_9 = vector.load %arg2[%get3A, %get3A_7, %get3A_8] : memref<2x400x128xf32, #tpu.memory_space<vmem>>, vector<1x400x128xf32>
      %get3A_10 = vector.shape_cast %get3A_9 : vector<1x400x128xf32> to vector<400x128xf32>
      %get3A_11 = arith.constant 1 : index
      %get3A_12 = arith.constant 0 : index
      %get3A_13 = arith.constant 0 : index
      %get3A_14 = vector.load %arg2[%get3A_11, %get3A_12, %get3A_13] : memref<2x400x128xf32, #tpu.memory_space<vmem>>, vector<1x400x128xf32>
      %get3A_15 = vector.shape_cast %get3A_14 : vector<1x400x128xf32> to vector<400x128xf32>
      %add3A = arith.addf %get3A_10, %get3A_15 : vector<400x128xf32>
      %mul3A = arith.constant 0.899999976 : f32
      %mul3A_16 = vector.broadcast %mul3A : f32 to vector<400x128xf32>
      %mul3A_17 = arith.mulf %mul3A_16, %add3A : vector<400x128xf32>
      %get3A_18 = arith.constant 0 : index
      %get3A_19 = arith.constant 0 : index
      %get3A_20 = vector.load %arg3[%get3A_18, %get3A_19] : memref<400x128xf32, #tpu.memory_space<vmem>>, vector<400x128xf32>
      %mul3A_21 = arith.constant 1.000000e-01 : f32
      %mul3A_22 = vector.broadcast %mul3A_21 : f32 to vector<400x128xf32>
      %mul3A_23 = arith.mulf %mul3A_22, %get3A_20 : vector<400x128xf32>
      %add3A_24 = arith.addf %mul3A_17, %mul3A_23 : vector<400x128xf32>
      %mul3A_25 = arith.constant 0.776856422 : f32
      %mul3A_26 = vector.broadcast %mul3A_25 : f32 to vector<400x128xf32>
      %mul3A_27 = arith.mulf %mul3A_26, %add3A_24 : vector<400x128xf32>
      %get3A_28 = arith.constant 0 : index
      %get3A_29 = arith.constant 0 : index
      %get3A_30 = vector.load %arg4[%get3A_28, %get3A_29] : memref<128x128xf32, #tpu.memory_space<vmem>>, vector<128x128xf32>
      %dot_general3A = arith.constant dense<0.000000e+00> : vector<400x128xf32>
      %dot_general3A_31 = tpu.matmul %add3A_24, %get3A_30, %dot_general3A {dimension_numbers = #tpu.dot_dimension_numbers<[1], [0], [0], [1], [0, 0, 1, 1], [], []>, transpose_lhs_hint = false} : vector<400x128xf32>, vector<128x128xf32>, vector<400x128xf32> -> vector<400x128xf32>
      %mul3A_32 = arith.constant 0.223143548 : f32
      %mul3A_33 = vector.broadcast %mul3A_32 : f32 to vector<400x128xf32>
      %mul3A_34 = arith.mulf %mul3A_33, %dot_general3A_31 : vector<400x128xf32>
      %add3A_35 = arith.addf %mul3A_27, %mul3A_34 : vector<400x128xf32>
      %mul3A_36 = arith.constant 400 : i32
      %mul3A_37 = arith.muli %arg1, %mul3A_36 : i32
      %swap3A = arith.index_cast %mul3A_37 : i32 to index
      %swap3A_38 = arith.constant 0 : index
      %swap3A_39 = vector.load %arg12[%swap3A, %swap3A_38] : memref<10000x128xf32, #tpu.memory_space<vmem>>, vector<400x128xf32>
      tpu.vector_store %arg12[%swap3A, %swap3A_38], %add3A_35 {strides = array<i32>} : memref<10000x128xf32, #tpu.memory_space<vmem>>, vector<400x128xf32>,
      %eq3A_40 = arith.constant 0 : i32
      %eq3A_41 = arith.cmpi eq, %arg1, %eq3A_40 : i32
      %convert_element_type3A_42 = arith.extui %eq3A_41 : i1 to i32
      %cond3A_43 = arith.constant 0 : i32
      %cond3A_44 = arith.cmpi ne, %convert_element_type3A_42, %cond3A_43 : i32
      scf.if %cond3A_44 {
        %broadcast_in_dim3A_59 = arith.constant 0.000000e+00 : f32
        %broadcast_in_dim3A_60 = vector.broadcast %broadcast_in_dim3A_59 : f32 to vector<8x128xf32>
        %swap3A_61 = arith.constant 0 : index
        %swap3A_62 = arith.constant 0 : index
        %swap3A_63 = vector.load %arg13[%swap3A_61, %swap3A_62] : memref<8x128xf32, #tpu.memory_space<vmem>>, vector<8x128xf32>
        tpu.vector_store %arg13[%swap3A_61, %swap3A_62], %broadcast_in_dim3A_60 {strides = array<i32>} : memref<8x128xf32, #tpu.memory_space<vmem>>, vector<8x128xf32>,
      } else {
      }
      %reduce_sum3A = arith.constant dense<0.000000e+00> : vector<128xf32>
      %reduce_sum3A_45 = vector.multi_reduction <add>, %add3A_35, %reduce_sum3A [0] : vector<400x128xf32> to vector<128xf32>
      %broadcast_in_dim3A = vector.shape_cast %reduce_sum3A_45 : vector<128xf32> to vector<1x128xf32>
      %mul3A_46 = arith.mulf %add3A_35, %add3A_35 : vector<400x128xf32>
      %reduce_sum3A_47 = arith.constant dense<0.000000e+00> : vector<128xf32>
      %reduce_sum3A_48 = vector.multi_reduction <add>, %mul3A_46, %reduce_sum3A_47 [0] : vector<400x128xf32> to vector<128xf32>
      %broadcast_in_dim3A_49 = vector.shape_cast %reduce_sum3A_48 : vector<128xf32> to vector<1x128xf32>
      %broadcast_in_dim3A_50 = arith.constant 0.000000e+00 : f32
      %broadcast_in_dim3A_51 = vector.broadcast %broadcast_in_dim3A_50 : f32 to vector<6x128xf32>
      %concatenate3A = tpu.concatenate %broadcast_in_dim3A, %broadcast_in_dim3A_49, %broadcast_in_dim3A_51 in 0 : vector<1x128xf32>, vector<1x128xf32>, vector<6x128xf32> -> vector<8x128xf32>
      %get3A_52 = arith.constant 0 : index
      %get3A_53 = arith.constant 0 : index
      %get3A_54 = vector.load %arg13[%get3A_52, %get3A_53] : memref<8x128xf32, #tpu.memory_space<vmem>>, vector<8x128xf32>
      %add3A_55 = arith.addf %get3A_54, %concatenate3A : vector<8x128xf32>
      %swap3A_56 = arith.constant 0 : index
      %swap3A_57 = arith.constant 0 : index
      %swap3A_58 = vector.load %arg13[%swap3A_56, %swap3A_57] : memref<8x128xf32, #tpu.memory_space<vmem>>, vector<8x128xf32>
      tpu.vector_store %arg13[%swap3A_56, %swap3A_57], %add3A_55 {strides = array<i32>} : memref<8x128xf32, #tpu.memory_space<vmem>>, vector<8x128xf32>,
    } else {
    }
    %eq3A_2 = arith.constant 1 : i32
    %eq3A_3 = arith.cmpi eq, %arg0, %eq3A_2 : i32
    %convert_element_type3A_4 = arith.extui %eq3A_3 : i1 to i32
    %cond3A_5 = arith.constant 0 : i32
    %cond3A_6 = arith.cmpi ne, %convert_element_type3A_4, %cond3A_5 : i32
    scf.if %cond3A_6 {
      %mul3A = arith.constant 400 : i32
      %mul3A_7 = arith.muli %arg1, %mul3A : i32
      %get3A = arith.index_cast %mul3A_7 : i32 to index
      %get3A_8 = arith.constant 0 : index
      %get3A_9 = vector.load %arg12[%get3A, %get3A_8] : memref<10000x128xf32, #tpu.memory_space<vmem>>, vector<400x128xf32>
      %get3A_10 = arith.constant 0 : index
      %get3A_11 = arith.constant 0 : index
      %get3A_12 = vector.load %arg6[%get3A_10, %get3A_11] : memref<400x128xf32, #tpu.memory_space<vmem>>, vector<400x128xf32>
      %get3A_13 = arith.constant 0 : index
      %get3A_14 = arith.constant 0 : index
      %get3A_15 = vector.load %arg7[%get3A_13, %get3A_14] : memref<1x128xf32, #tpu.memory_space<vmem>>, vector<1x128xf32>
      %add3A = vector.broadcast %get3A_15 : vector<1x128xf32> to vector<400x128xf32>
      %add3A_16 = arith.addf %get3A_12, %add3A : vector<400x128xf32>
      %get3A_17 = arith.constant 0 : index
      %get3A_18 = arith.constant 0 : index
      %get3A_19 = vector.load %arg5[%get3A_17, %get3A_18] : memref<128x128xf32, #tpu.memory_space<vmem>>, vector<128x128xf32>
      %dot_general3A = arith.constant dense<0.000000e+00> : vector<400x128xf32>
      %dot_general3A_20 = tpu.matmul %get3A_9, %get3A_19, %dot_general3A {dimension_numbers = #tpu.dot_dimension_numbers<[1], [0], [0], [1], [0, 0, 1, 1], [], []>, transpose_lhs_hint = false} : vector<400x128xf32>, vector<128x128xf32>, vector<400x128xf32> -> vector<400x128xf32>
      %add3A_21 = arith.addf %add3A_16, %dot_general3A_20 : vector<400x128xf32>
      %swap3A = arith.constant 0 : index
      %swap3A_22 = arith.constant 0 : index
      %swap3A_23 = vector.load %arg10[%swap3A, %swap3A_22] : memref<400x128xf32, #tpu.memory_space<vmem>>, vector<400x128xf32>
      tpu.vector_store %arg10[%swap3A, %swap3A_22], %add3A_21 {strides = array<i32>} : memref<400x128xf32, #tpu.memory_space<vmem>>, vector<400x128xf32>,
      %get3A_24 = arith.constant 0 : index
      %get3A_25 = arith.constant 0 : index
      %get3A_26 = vector.load %arg13[%get3A_24, %get3A_25] : memref<8x128xf32, #tpu.memory_space<vmem>>, vector<1x128xf32>
      %mul3A_27 = arith.constant 9.99999974E-5 : f32
      %mul3A_28 = vector.broadcast %mul3A_27 : f32 to vector<1x128xf32>
      %mul3A_29 = arith.mulf %get3A_26, %mul3A_28 : vector<1x128xf32>
      %get3A_30 = arith.constant 1 : index
      %get3A_31 = arith.constant 0 : index
      %get3A_32 = vector.load %arg13[%get3A_30, %get3A_31] : memref<8x128xf32, #tpu.memory_space<vmem>>, vector<1x128xf32>
      %mul3A_33 = arith.constant 9.99999974E-5 : f32
      %mul3A_34 = vector.broadcast %mul3A_33 : f32 to vector<1x128xf32>
      %mul3A_35 = arith.mulf %get3A_32, %mul3A_34 : vector<1x128xf32>
      %mul3A_36 = arith.mulf %mul3A_29, %mul3A_29 : vector<1x128xf32>
      %sub3A = arith.subf %mul3A_35, %mul3A_36 : vector<1x128xf32>
      %add3A_37 = arith.constant 9.99999974E-6 : f32
      %add3A_38 = vector.broadcast %add3A_37 : f32 to vector<1x128xf32>
      %add3A_39 = arith.addf %sub3A, %add3A_38 : vector<1x128xf32>
      %rsqrt3A = math.rsqrt %add3A_39 : vector<1x128xf32>
      %sub3A_40 = vector.broadcast %mul3A_29 : vector<1x128xf32> to vector<400x128xf32>
      %sub3A_41 = arith.subf %get3A_9, %sub3A_40 : vector<400x128xf32>
      %mul3A_42 = vector.broadcast %rsqrt3A : vector<1x128xf32> to vector<400x128xf32>
      %mul3A_43 = arith.mulf %sub3A_41, %mul3A_42 : vector<400x128xf32>
      %get3A_44 = arith.constant 0 : index
      %get3A_45 = arith.constant 0 : index
      %get3A_46 = vector.load %arg8[%get3A_44, %get3A_45] : memref<1x128xf32, #tpu.memory_space<vmem>>, vector<1x128xf32>
      %mul3A_47 = vector.broadcast %get3A_46 : vector<1x128xf32> to vector<400x128xf32>
      %mul3A_48 = arith.mulf %mul3A_43, %mul3A_47 : vector<400x128xf32>
      %get3A_49 = arith.constant 0 : index
      %get3A_50 = arith.constant 0 : index
      %get3A_51 = vector.load %arg9[%get3A_49, %get3A_50] : memref<1x128xf32, #tpu.memory_space<vmem>>, vector<1x128xf32>
      %add3A_52 = vector.broadcast %get3A_51 : vector<1x128xf32> to vector<400x128xf32>
      %add3A_53 = arith.addf %mul3A_48, %add3A_52 : vector<400x128xf32>
      %max3A = arith.constant 0.000000e+00 : f32
      %max3A_54 = vector.broadcast %max3A : f32 to vector<400x128xf32>
      %max3A_55 = arith.maximumf %add3A_53, %max3A_54 : vector<400x128xf32>
      %swap3A_56 = arith.constant 0 : index
      %swap3A_57 = arith.constant 0 : index
      %swap3A_58 = vector.load %arg11[%swap3A_56, %swap3A_57] : memref<400x128xf32, #tpu.memory_space<vmem>>, vector<400x128xf32>
      tpu.vector_store %arg11[%swap3A_56, %swap3A_57], %max3A_55 {strides = array<i32>} : memref<400x128xf32, #tpu.memory_space<vmem>>, vector<400x128xf32>,
    } else {
    }
    return
  }
  func.func @transform_0(%arg0: i32, %arg1: i32) -> (i32, i32, i32) {
    %c0_i32 = arith.constant 0 : i32
    %c0_i32_0 = arith.constant 0 : i32
    %c0_i32_1 = arith.constant 0 : i32
    return %c0_i32, %arg1, %c0_i32_0 : i32, i32, i32
  }
  func.func @transform_1(%arg0: i32, %arg1: i32) -> (i32, i32) {
    %c0_i32 = arith.constant 0 : i32
    %c0_i32_0 = arith.constant 0 : i32
    return %arg1, %c0_i32 : i32, i32
  }
  func.func @transform_2(%arg0: i32, %arg1: i32) -> (i32, i32) {
    %c0_i32 = arith.constant 0 : i32
    %c0_i32_0 = arith.constant 0 : i32
    %c0_i32_1 = arith.constant 0 : i32
    return %c0_i32, %c0_i32_0 : i32, i32
  }
  func.func @transform_3(%arg0: i32, %arg1: i32) -> (i32, i32) {
    %c0_i32 = arith.constant 0 : i32
    %c0_i32_0 = arith.constant 0 : i32
    %c0_i32_1 = arith.constant 0 : i32
    return %c0_i32, %c0_i32_0 : i32, i32
  }
  func.func @transform_4(%arg0: i32, %arg1: i32) -> (i32, i32) {
    %c0_i32 = arith.constant 0 : i32
    %c0_i32_0 = arith.constant 0 : i32
    return %arg1, %c0_i32 : i32, i32
  }
  func.func @transform_5(%arg0: i32, %arg1: i32) -> (i32, i32) {
    %c0_i32 = arith.constant 0 : i32
    %c0_i32_0 = arith.constant 0 : i32
    %c0_i32_1 = arith.constant 0 : i32
    return %c0_i32, %c0_i32_0 : i32, i32
  }
  func.func @transform_6(%arg0: i32, %arg1: i32) -> (i32, i32) {
    %c0_i32 = arith.constant 0 : i32
    %c0_i32_0 = arith.constant 0 : i32
    %c0_i32_1 = arith.constant 0 : i32
    return %c0_i32, %c0_i32_0 : i32, i32
  }
  func.func @transform_7(%arg0: i32, %arg1: i32) -> (i32, i32) {
    %c0_i32 = arith.constant 0 : i32
    %c0_i32_0 = arith.constant 0 : i32
    %c0_i32_1 = arith.constant 0 : i32
    return %c0_i32, %c0_i32_0 : i32, i32
  }
  func.func @transform_8(%arg0: i32, %arg1: i32) -> (i32, i32) {
    %c0_i32 = arith.constant 0 : i32
    %c0_i32_0 = arith.constant 0 : i32
    return %arg1, %c0_i32 : i32, i32
  }
  func.func @transform_9(%arg0: i32, %arg1: i32) -> (i32, i32) {
    %c0_i32 = arith.constant 0 : i32
    %c0_i32_0 = arith.constant 0 : i32
    return %arg1, %c0_i32 : i32, i32
  }
}

module attributes {stable_mosaic.version = 14 : i64} {
  func.func @_kcbn_body(%arg0: i32, %arg1: i32, %arg2: memref<2x400x128xf32, #tpu.memory_space<vmem>>, %arg3: memref<400x128xf32, #tpu.memory_space<vmem>>, %arg4: memref<128x128xf32, #tpu.memory_space<vmem>>, %arg5: memref<128x128xf32, #tpu.memory_space<vmem>>, %arg6: memref<400x128xf32, #tpu.memory_space<vmem>>, %arg7: memref<1x128xf32, #tpu.memory_space<vmem>>, %arg8: memref<1x128xf32, #tpu.memory_space<vmem>>, %arg9: memref<1x128xf32, #tpu.memory_space<vmem>>, %arg10: memref<400x128xf32, #tpu.memory_space<vmem>>, %arg11: memref<400x128xf32, #tpu.memory_space<vmem>>, %arg12: memref<10000x128xf32, #tpu.memory_space<vmem>>, %arg13: memref<8x128xf32, #tpu.memory_space<vmem>>) attributes {dimension_semantics = [#tpu.dimension_semantics<arbitrary>, #tpu.dimension_semantics<arbitrary>], iteration_bounds = array<i64: 2, 25>, scalar_prefetch = 0 : i64, scratch_operands = 2 : i64, tpu.core_type = #tpu.core_type<tc>, window_params = [{transform_indices = @transform_0, window_bounds = array<i64: 2, 400, 128>}, {transform_indices = @transform_1, window_bounds = array<i64: 400, 128>}, {pipeline_mode = #tpu.pipeline_mode<synchronous>, transform_indices = @transform_2, window_bounds = array<i64: 128, 128>}, {pipeline_mode = #tpu.pipeline_mode<synchronous>, transform_indices = @transform_3, window_bounds = array<i64: 128, 128>}, {transform_indices = @transform_4, window_bounds = array<i64: 400, 128>}, {pipeline_mode = #tpu.pipeline_mode<synchronous>, transform_indices = @transform_5, window_bounds = array<i64: 1, 128>}, {pipeline_mode = #tpu.pipeline_mode<synchronous>, transform_indices = @transform_6, window_bounds = array<i64: 1, 128>}, {pipeline_mode = #tpu.pipeline_mode<synchronous>, transform_indices = @transform_7, window_bounds = array<i64: 1, 128>}, {transform_indices = @transform_8, window_bounds = array<i64: 400, 128>}, {transform_indices = @transform_9, window_bounds = array<i64: 400, 128>}]} {
    %eq3A = arith.constant 0 : i32
    %eq3A_0 = arith.cmpi eq, %arg0, %eq3A : i32
    %convert_element_type3A = arith.extui %eq3A_0 : i1 to i32
    %cond3A = arith.constant 0 : i32
    %cond3A_1 = arith.cmpi ne, %convert_element_type3A, %cond3A : i32
    scf.if %cond3A_1 {
      %get3A = arith.constant 0 : index
      %get3A_7 = arith.constant 0 : index
      %get3A_8 = arith.constant 0 : index
      %get3A_9 = vector.load %arg2[%get3A, %get3A_7, %get3A_8] : memref<2x400x128xf32, #tpu.memory_space<vmem>>, vector<1x400x128xf32>
      %get3A_10 = vector.shape_cast %get3A_9 : vector<1x400x128xf32> to vector<400x128xf32>
      %get3A_11 = arith.constant 1 : index
      %get3A_12 = arith.constant 0 : index
      %get3A_13 = arith.constant 0 : index
      %get3A_14 = vector.load %arg2[%get3A_11, %get3A_12, %get3A_13] : memref<2x400x128xf32, #tpu.memory_space<vmem>>, vector<1x400x128xf32>
      %get3A_15 = vector.shape_cast %get3A_14 : vector<1x400x128xf32> to vector<400x128xf32>
      %add3A = arith.addf %get3A_10, %get3A_15 : vector<400x128xf32>
      %mul3A = arith.constant 0.899999976 : f32
      %mul3A_16 = vector.broadcast %mul3A : f32 to vector<400x128xf32>
      %mul3A_17 = arith.mulf %mul3A_16, %add3A : vector<400x128xf32>
      %get3A_18 = arith.constant 0 : index
      %get3A_19 = arith.constant 0 : index
      %get3A_20 = vector.load %arg3[%get3A_18, %get3A_19] : memref<400x128xf32, #tpu.memory_space<vmem>>, vector<400x128xf32>
      %mul3A_21 = arith.constant 1.000000e-01 : f32
      %mul3A_22 = vector.broadcast %mul3A_21 : f32 to vector<400x128xf32>
      %mul3A_23 = arith.mulf %mul3A_22, %get3A_20 : vector<400x128xf32>
      %add3A_24 = arith.addf %mul3A_17, %mul3A_23 : vector<400x128xf32>
      %mul3A_25 = arith.constant 0.845849335 : f32
      %mul3A_26 = vector.broadcast %mul3A_25 : f32 to vector<400x128xf32>
      %mul3A_27 = arith.mulf %mul3A_26, %add3A_24 : vector<400x128xf32>
      %get3A_28 = arith.constant 0 : index
      %get3A_29 = arith.constant 0 : index
      %get3A_30 = vector.load %arg4[%get3A_28, %get3A_29] : memref<128x128xf32, #tpu.memory_space<vmem>>, vector<128x128xf32>
      %dot_general3A = arith.constant dense<0.000000e+00> : vector<400x128xf32>
      %dot_general3A_31 = tpu.matmul %add3A_24, %get3A_30, %dot_general3A {dimension_numbers = #tpu.dot_dimension_numbers<[1], [0], [0], [1], [0, 0, 1, 1], [], []>, transpose_lhs_hint = false} : vector<400x128xf32>, vector<128x128xf32>, vector<400x128xf32> -> vector<400x128xf32>
      %mul3A_32 = arith.constant 0.15415068 : f32
      %mul3A_33 = vector.broadcast %mul3A_32 : f32 to vector<400x128xf32>
      %mul3A_34 = arith.mulf %mul3A_33, %dot_general3A_31 : vector<400x128xf32>
      %add3A_35 = arith.addf %mul3A_27, %mul3A_34 : vector<400x128xf32>
      %mul3A_36 = arith.constant 400 : i32
      %mul3A_37 = arith.muli %arg1, %mul3A_36 : i32
      %swap3A = arith.index_cast %mul3A_37 : i32 to index
      %swap3A_38 = arith.constant 0 : index
      %swap3A_39 = vector.load %arg12[%swap3A, %swap3A_38] : memref<10000x128xf32, #tpu.memory_space<vmem>>, vector<400x128xf32>
      tpu.vector_store %arg12[%swap3A, %swap3A_38], %add3A_35 {strides = array<i32>} : memref<10000x128xf32, #tpu.memory_space<vmem>>, vector<400x128xf32>,
      %eq3A_40 = arith.constant 0 : i32
      %eq3A_41 = arith.cmpi eq, %arg1, %eq3A_40 : i32
      %convert_element_type3A_42 = arith.extui %eq3A_41 : i1 to i32
      %cond3A_43 = arith.constant 0 : i32
      %cond3A_44 = arith.cmpi ne, %convert_element_type3A_42, %cond3A_43 : i32
      scf.if %cond3A_44 {
        %broadcast_in_dim3A_59 = arith.constant 0.000000e+00 : f32
        %broadcast_in_dim3A_60 = vector.broadcast %broadcast_in_dim3A_59 : f32 to vector<8x128xf32>
        %swap3A_61 = arith.constant 0 : index
        %swap3A_62 = arith.constant 0 : index
        %swap3A_63 = vector.load %arg13[%swap3A_61, %swap3A_62] : memref<8x128xf32, #tpu.memory_space<vmem>>, vector<8x128xf32>
        tpu.vector_store %arg13[%swap3A_61, %swap3A_62], %broadcast_in_dim3A_60 {strides = array<i32>} : memref<8x128xf32, #tpu.memory_space<vmem>>, vector<8x128xf32>,
      } else {
      }
      %reduce_sum3A = arith.constant dense<0.000000e+00> : vector<128xf32>
      %reduce_sum3A_45 = vector.multi_reduction <add>, %add3A_35, %reduce_sum3A [0] : vector<400x128xf32> to vector<128xf32>
      %broadcast_in_dim3A = vector.shape_cast %reduce_sum3A_45 : vector<128xf32> to vector<1x128xf32>
      %mul3A_46 = arith.mulf %add3A_35, %add3A_35 : vector<400x128xf32>
      %reduce_sum3A_47 = arith.constant dense<0.000000e+00> : vector<128xf32>
      %reduce_sum3A_48 = vector.multi_reduction <add>, %mul3A_46, %reduce_sum3A_47 [0] : vector<400x128xf32> to vector<128xf32>
      %broadcast_in_dim3A_49 = vector.shape_cast %reduce_sum3A_48 : vector<128xf32> to vector<1x128xf32>
      %broadcast_in_dim3A_50 = arith.constant 0.000000e+00 : f32
      %broadcast_in_dim3A_51 = vector.broadcast %broadcast_in_dim3A_50 : f32 to vector<6x128xf32>
      %concatenate3A = tpu.concatenate %broadcast_in_dim3A, %broadcast_in_dim3A_49, %broadcast_in_dim3A_51 in 0 : vector<1x128xf32>, vector<1x128xf32>, vector<6x128xf32> -> vector<8x128xf32>
      %get3A_52 = arith.constant 0 : index
      %get3A_53 = arith.constant 0 : index
      %get3A_54 = vector.load %arg13[%get3A_52, %get3A_53] : memref<8x128xf32, #tpu.memory_space<vmem>>, vector<8x128xf32>
      %add3A_55 = arith.addf %get3A_54, %concatenate3A : vector<8x128xf32>
      %swap3A_56 = arith.constant 0 : index
      %swap3A_57 = arith.constant 0 : index
      %swap3A_58 = vector.load %arg13[%swap3A_56, %swap3A_57] : memref<8x128xf32, #tpu.memory_space<vmem>>, vector<8x128xf32>
      tpu.vector_store %arg13[%swap3A_56, %swap3A_57], %add3A_55 {strides = array<i32>} : memref<8x128xf32, #tpu.memory_space<vmem>>, vector<8x128xf32>,
    } else {
    }
    %eq3A_2 = arith.constant 1 : i32
    %eq3A_3 = arith.cmpi eq, %arg0, %eq3A_2 : i32
    %convert_element_type3A_4 = arith.extui %eq3A_3 : i1 to i32
    %cond3A_5 = arith.constant 0 : i32
    %cond3A_6 = arith.cmpi ne, %convert_element_type3A_4, %cond3A_5 : i32
    scf.if %cond3A_6 {
      %mul3A = arith.constant 400 : i32
      %mul3A_7 = arith.muli %arg1, %mul3A : i32
      %get3A = arith.index_cast %mul3A_7 : i32 to index
      %get3A_8 = arith.constant 0 : index
      %get3A_9 = vector.load %arg12[%get3A, %get3A_8] : memref<10000x128xf32, #tpu.memory_space<vmem>>, vector<400x128xf32>
      %get3A_10 = arith.constant 0 : index
      %get3A_11 = arith.constant 0 : index
      %get3A_12 = vector.load %arg6[%get3A_10, %get3A_11] : memref<400x128xf32, #tpu.memory_space<vmem>>, vector<400x128xf32>
      %get3A_13 = arith.constant 0 : index
      %get3A_14 = arith.constant 0 : index
      %get3A_15 = vector.load %arg7[%get3A_13, %get3A_14] : memref<1x128xf32, #tpu.memory_space<vmem>>, vector<1x128xf32>
      %add3A = vector.broadcast %get3A_15 : vector<1x128xf32> to vector<400x128xf32>
      %add3A_16 = arith.addf %get3A_12, %add3A : vector<400x128xf32>
      %get3A_17 = arith.constant 0 : index
      %get3A_18 = arith.constant 0 : index
      %get3A_19 = vector.load %arg5[%get3A_17, %get3A_18] : memref<128x128xf32, #tpu.memory_space<vmem>>, vector<128x128xf32>
      %dot_general3A = arith.constant dense<0.000000e+00> : vector<400x128xf32>
      %dot_general3A_20 = tpu.matmul %get3A_9, %get3A_19, %dot_general3A {dimension_numbers = #tpu.dot_dimension_numbers<[1], [0], [0], [1], [0, 0, 1, 1], [], []>, transpose_lhs_hint = false} : vector<400x128xf32>, vector<128x128xf32>, vector<400x128xf32> -> vector<400x128xf32>
      %add3A_21 = arith.addf %add3A_16, %dot_general3A_20 : vector<400x128xf32>
      %swap3A = arith.constant 0 : index
      %swap3A_22 = arith.constant 0 : index
      %swap3A_23 = vector.load %arg10[%swap3A, %swap3A_22] : memref<400x128xf32, #tpu.memory_space<vmem>>, vector<400x128xf32>
      tpu.vector_store %arg10[%swap3A, %swap3A_22], %add3A_21 {strides = array<i32>} : memref<400x128xf32, #tpu.memory_space<vmem>>, vector<400x128xf32>,
      %get3A_24 = arith.constant 0 : index
      %get3A_25 = arith.constant 0 : index
      %get3A_26 = vector.load %arg13[%get3A_24, %get3A_25] : memref<8x128xf32, #tpu.memory_space<vmem>>, vector<1x128xf32>
      %mul3A_27 = arith.constant 9.99999974E-5 : f32
      %mul3A_28 = vector.broadcast %mul3A_27 : f32 to vector<1x128xf32>
      %mul3A_29 = arith.mulf %get3A_26, %mul3A_28 : vector<1x128xf32>
      %get3A_30 = arith.constant 1 : index
      %get3A_31 = arith.constant 0 : index
      %get3A_32 = vector.load %arg13[%get3A_30, %get3A_31] : memref<8x128xf32, #tpu.memory_space<vmem>>, vector<1x128xf32>
      %mul3A_33 = arith.constant 9.99999974E-5 : f32
      %mul3A_34 = vector.broadcast %mul3A_33 : f32 to vector<1x128xf32>
      %mul3A_35 = arith.mulf %get3A_32, %mul3A_34 : vector<1x128xf32>
      %mul3A_36 = arith.mulf %mul3A_29, %mul3A_29 : vector<1x128xf32>
      %sub3A = arith.subf %mul3A_35, %mul3A_36 : vector<1x128xf32>
      %add3A_37 = arith.constant 9.99999974E-6 : f32
      %add3A_38 = vector.broadcast %add3A_37 : f32 to vector<1x128xf32>
      %add3A_39 = arith.addf %sub3A, %add3A_38 : vector<1x128xf32>
      %rsqrt3A = math.rsqrt %add3A_39 : vector<1x128xf32>
      %sub3A_40 = vector.broadcast %mul3A_29 : vector<1x128xf32> to vector<400x128xf32>
      %sub3A_41 = arith.subf %get3A_9, %sub3A_40 : vector<400x128xf32>
      %mul3A_42 = vector.broadcast %rsqrt3A : vector<1x128xf32> to vector<400x128xf32>
      %mul3A_43 = arith.mulf %sub3A_41, %mul3A_42 : vector<400x128xf32>
      %get3A_44 = arith.constant 0 : index
      %get3A_45 = arith.constant 0 : index
      %get3A_46 = vector.load %arg8[%get3A_44, %get3A_45] : memref<1x128xf32, #tpu.memory_space<vmem>>, vector<1x128xf32>
      %mul3A_47 = vector.broadcast %get3A_46 : vector<1x128xf32> to vector<400x128xf32>
      %mul3A_48 = arith.mulf %mul3A_43, %mul3A_47 : vector<400x128xf32>
      %get3A_49 = arith.constant 0 : index
      %get3A_50 = arith.constant 0 : index
      %get3A_51 = vector.load %arg9[%get3A_49, %get3A_50] : memref<1x128xf32, #tpu.memory_space<vmem>>, vector<1x128xf32>
      %add3A_52 = vector.broadcast %get3A_51 : vector<1x128xf32> to vector<400x128xf32>
      %add3A_53 = arith.addf %mul3A_48, %add3A_52 : vector<400x128xf32>
      %max3A = arith.constant 0.000000e+00 : f32
      %max3A_54 = vector.broadcast %max3A : f32 to vector<400x128xf32>
      %max3A_55 = arith.maximumf %add3A_53, %max3A_54 : vector<400x128xf32>
      %swap3A_56 = arith.constant 0 : index
      %swap3A_57 = arith.constant 0 : index
      %swap3A_58 = vector.load %arg11[%swap3A_56, %swap3A_57] : memref<400x128xf32, #tpu.memory_space<vmem>>, vector<400x128xf32>
      tpu.vector_store %arg11[%swap3A_56, %swap3A_57], %max3A_55 {strides = array<i32>} : memref<400x128xf32, #tpu.memory_space<vmem>>, vector<400x128xf32>,
    } else {
    }
    return
  }
  func.func @transform_0(%arg0: i32, %arg1: i32) -> (i32, i32, i32) {
    %c0_i32 = arith.constant 0 : i32
    %c0_i32_0 = arith.constant 0 : i32
    %c0_i32_1 = arith.constant 0 : i32
    return %c0_i32, %arg1, %c0_i32_0 : i32, i32, i32
  }
  func.func @transform_1(%arg0: i32, %arg1: i32) -> (i32, i32) {
    %c0_i32 = arith.constant 0 : i32
    %c0_i32_0 = arith.constant 0 : i32
    return %arg1, %c0_i32 : i32, i32
  }
  func.func @transform_2(%arg0: i32, %arg1: i32) -> (i32, i32) {
    %c0_i32 = arith.constant 0 : i32
    %c0_i32_0 = arith.constant 0 : i32
    %c0_i32_1 = arith.constant 0 : i32
    return %c0_i32, %c0_i32_0 : i32, i32
  }
  func.func @transform_3(%arg0: i32, %arg1: i32) -> (i32, i32) {
    %c0_i32 = arith.constant 0 : i32
    %c0_i32_0 = arith.constant 0 : i32
    %c0_i32_1 = arith.constant 0 : i32
    return %c0_i32, %c0_i32_0 : i32, i32
  }
  func.func @transform_4(%arg0: i32, %arg1: i32) -> (i32, i32) {
    %c0_i32 = arith.constant 0 : i32
    %c0_i32_0 = arith.constant 0 : i32
    return %arg1, %c0_i32 : i32, i32
  }
  func.func @transform_5(%arg0: i32, %arg1: i32) -> (i32, i32) {
    %c0_i32 = arith.constant 0 : i32
    %c0_i32_0 = arith.constant 0 : i32
    %c0_i32_1 = arith.constant 0 : i32
    return %c0_i32, %c0_i32_0 : i32, i32
  }
  func.func @transform_6(%arg0: i32, %arg1: i32) -> (i32, i32) {
    %c0_i32 = arith.constant 0 : i32
    %c0_i32_0 = arith.constant 0 : i32
    %c0_i32_1 = arith.constant 0 : i32
    return %c0_i32, %c0_i32_0 : i32, i32
  }
  func.func @transform_7(%arg0: i32, %arg1: i32) -> (i32, i32) {
    %c0_i32 = arith.constant 0 : i32
    %c0_i32_0 = arith.constant 0 : i32
    %c0_i32_1 = arith.constant 0 : i32
    return %c0_i32, %c0_i32_0 : i32, i32
  }
  func.func @transform_8(%arg0: i32, %arg1: i32) -> (i32, i32) {
    %c0_i32 = arith.constant 0 : i32
    %c0_i32_0 = arith.constant 0 : i32
    return %arg1, %c0_i32 : i32, i32
  }
  func.func @transform_9(%arg0: i32, %arg1: i32) -> (i32, i32) {
    %c0_i32 = arith.constant 0 : i32
    %c0_i32_0 = arith.constant 0 : i32
    return %arg1, %c0_i32 : i32, i32
  }
}

module attributes {stable_mosaic.version = 14 : i64} {
  func.func @_kcbn_body(%arg0: i32, %arg1: i32, %arg2: memref<2x400x128xf32, #tpu.memory_space<vmem>>, %arg3: memref<400x128xf32, #tpu.memory_space<vmem>>, %arg4: memref<128x128xf32, #tpu.memory_space<vmem>>, %arg5: memref<128x128xf32, #tpu.memory_space<vmem>>, %arg6: memref<400x128xf32, #tpu.memory_space<vmem>>, %arg7: memref<1x128xf32, #tpu.memory_space<vmem>>, %arg8: memref<1x128xf32, #tpu.memory_space<vmem>>, %arg9: memref<1x128xf32, #tpu.memory_space<vmem>>, %arg10: memref<400x128xf32, #tpu.memory_space<vmem>>, %arg11: memref<400x128xf32, #tpu.memory_space<vmem>>, %arg12: memref<10000x128xf32, #tpu.memory_space<vmem>>, %arg13: memref<8x128xf32, #tpu.memory_space<vmem>>) attributes {dimension_semantics = [#tpu.dimension_semantics<arbitrary>, #tpu.dimension_semantics<arbitrary>], iteration_bounds = array<i64: 2, 25>, scalar_prefetch = 0 : i64, scratch_operands = 2 : i64, tpu.core_type = #tpu.core_type<tc>, window_params = [{transform_indices = @transform_0, window_bounds = array<i64: 2, 400, 128>}, {transform_indices = @transform_1, window_bounds = array<i64: 400, 128>}, {pipeline_mode = #tpu.pipeline_mode<synchronous>, transform_indices = @transform_2, window_bounds = array<i64: 128, 128>}, {pipeline_mode = #tpu.pipeline_mode<synchronous>, transform_indices = @transform_3, window_bounds = array<i64: 128, 128>}, {transform_indices = @transform_4, window_bounds = array<i64: 400, 128>}, {pipeline_mode = #tpu.pipeline_mode<synchronous>, transform_indices = @transform_5, window_bounds = array<i64: 1, 128>}, {pipeline_mode = #tpu.pipeline_mode<synchronous>, transform_indices = @transform_6, window_bounds = array<i64: 1, 128>}, {pipeline_mode = #tpu.pipeline_mode<synchronous>, transform_indices = @transform_7, window_bounds = array<i64: 1, 128>}, {transform_indices = @transform_8, window_bounds = array<i64: 400, 128>}, {transform_indices = @transform_9, window_bounds = array<i64: 400, 128>}]} {
    %eq3A = arith.constant 0 : i32
    %eq3A_0 = arith.cmpi eq, %arg0, %eq3A : i32
    %convert_element_type3A = arith.extui %eq3A_0 : i1 to i32
    %cond3A = arith.constant 0 : i32
    %cond3A_1 = arith.cmpi ne, %convert_element_type3A, %cond3A : i32
    scf.if %cond3A_1 {
      %get3A = arith.constant 0 : index
      %get3A_7 = arith.constant 0 : index
      %get3A_8 = arith.constant 0 : index
      %get3A_9 = vector.load %arg2[%get3A, %get3A_7, %get3A_8] : memref<2x400x128xf32, #tpu.memory_space<vmem>>, vector<1x400x128xf32>
      %get3A_10 = vector.shape_cast %get3A_9 : vector<1x400x128xf32> to vector<400x128xf32>
      %get3A_11 = arith.constant 1 : index
      %get3A_12 = arith.constant 0 : index
      %get3A_13 = arith.constant 0 : index
      %get3A_14 = vector.load %arg2[%get3A_11, %get3A_12, %get3A_13] : memref<2x400x128xf32, #tpu.memory_space<vmem>>, vector<1x400x128xf32>
      %get3A_15 = vector.shape_cast %get3A_14 : vector<1x400x128xf32> to vector<400x128xf32>
      %add3A = arith.addf %get3A_10, %get3A_15 : vector<400x128xf32>
      %mul3A = arith.constant 0.899999976 : f32
      %mul3A_16 = vector.broadcast %mul3A : f32 to vector<400x128xf32>
      %mul3A_17 = arith.mulf %mul3A_16, %add3A : vector<400x128xf32>
      %get3A_18 = arith.constant 0 : index
      %get3A_19 = arith.constant 0 : index
      %get3A_20 = vector.load %arg3[%get3A_18, %get3A_19] : memref<400x128xf32, #tpu.memory_space<vmem>>, vector<400x128xf32>
      %mul3A_21 = arith.constant 1.000000e-01 : f32
      %mul3A_22 = vector.broadcast %mul3A_21 : f32 to vector<400x128xf32>
      %mul3A_23 = arith.mulf %mul3A_22, %get3A_20 : vector<400x128xf32>
      %add3A_24 = arith.addf %mul3A_17, %mul3A_23 : vector<400x128xf32>
      %mul3A_25 = arith.constant 0.594534874 : f32
      %mul3A_26 = vector.broadcast %mul3A_25 : f32 to vector<400x128xf32>
      %mul3A_27 = arith.mulf %mul3A_26, %add3A_24 : vector<400x128xf32>
      %get3A_28 = arith.constant 0 : index
      %get3A_29 = arith.constant 0 : index
      %get3A_30 = vector.load %arg4[%get3A_28, %get3A_29] : memref<128x128xf32, #tpu.memory_space<vmem>>, vector<128x128xf32>
      %dot_general3A = arith.constant dense<0.000000e+00> : vector<400x128xf32>
      %dot_general3A_31 = tpu.matmul %add3A_24, %get3A_30, %dot_general3A {dimension_numbers = #tpu.dot_dimension_numbers<[1], [0], [0], [1], [0, 0, 1, 1], [], []>, transpose_lhs_hint = false} : vector<400x128xf32>, vector<128x128xf32>, vector<400x128xf32> -> vector<400x128xf32>
      %mul3A_32 = arith.constant 0.405465096 : f32
      %mul3A_33 = vector.broadcast %mul3A_32 : f32 to vector<400x128xf32>
      %mul3A_34 = arith.mulf %mul3A_33, %dot_general3A_31 : vector<400x128xf32>
      %add3A_35 = arith.addf %mul3A_27, %mul3A_34 : vector<400x128xf32>
      %mul3A_36 = arith.constant 400 : i32
      %mul3A_37 = arith.muli %arg1, %mul3A_36 : i32
      %swap3A = arith.index_cast %mul3A_37 : i32 to index
      %swap3A_38 = arith.constant 0 : index
      %swap3A_39 = vector.load %arg12[%swap3A, %swap3A_38] : memref<10000x128xf32, #tpu.memory_space<vmem>>, vector<400x128xf32>
      tpu.vector_store %arg12[%swap3A, %swap3A_38], %add3A_35 {strides = array<i32>} : memref<10000x128xf32, #tpu.memory_space<vmem>>, vector<400x128xf32>,
      %eq3A_40 = arith.constant 0 : i32
      %eq3A_41 = arith.cmpi eq, %arg1, %eq3A_40 : i32
      %convert_element_type3A_42 = arith.extui %eq3A_41 : i1 to i32
      %cond3A_43 = arith.constant 0 : i32
      %cond3A_44 = arith.cmpi ne, %convert_element_type3A_42, %cond3A_43 : i32
      scf.if %cond3A_44 {
        %broadcast_in_dim3A_59 = arith.constant 0.000000e+00 : f32
        %broadcast_in_dim3A_60 = vector.broadcast %broadcast_in_dim3A_59 : f32 to vector<8x128xf32>
        %swap3A_61 = arith.constant 0 : index
        %swap3A_62 = arith.constant 0 : index
        %swap3A_63 = vector.load %arg13[%swap3A_61, %swap3A_62] : memref<8x128xf32, #tpu.memory_space<vmem>>, vector<8x128xf32>
        tpu.vector_store %arg13[%swap3A_61, %swap3A_62], %broadcast_in_dim3A_60 {strides = array<i32>} : memref<8x128xf32, #tpu.memory_space<vmem>>, vector<8x128xf32>,
      } else {
      }
      %reduce_sum3A = arith.constant dense<0.000000e+00> : vector<128xf32>
      %reduce_sum3A_45 = vector.multi_reduction <add>, %add3A_35, %reduce_sum3A [0] : vector<400x128xf32> to vector<128xf32>
      %broadcast_in_dim3A = vector.shape_cast %reduce_sum3A_45 : vector<128xf32> to vector<1x128xf32>
      %mul3A_46 = arith.mulf %add3A_35, %add3A_35 : vector<400x128xf32>
      %reduce_sum3A_47 = arith.constant dense<0.000000e+00> : vector<128xf32>
      %reduce_sum3A_48 = vector.multi_reduction <add>, %mul3A_46, %reduce_sum3A_47 [0] : vector<400x128xf32> to vector<128xf32>
      %broadcast_in_dim3A_49 = vector.shape_cast %reduce_sum3A_48 : vector<128xf32> to vector<1x128xf32>
      %broadcast_in_dim3A_50 = arith.constant 0.000000e+00 : f32
      %broadcast_in_dim3A_51 = vector.broadcast %broadcast_in_dim3A_50 : f32 to vector<6x128xf32>
      %concatenate3A = tpu.concatenate %broadcast_in_dim3A, %broadcast_in_dim3A_49, %broadcast_in_dim3A_51 in 0 : vector<1x128xf32>, vector<1x128xf32>, vector<6x128xf32> -> vector<8x128xf32>
      %get3A_52 = arith.constant 0 : index
      %get3A_53 = arith.constant 0 : index
      %get3A_54 = vector.load %arg13[%get3A_52, %get3A_53] : memref<8x128xf32, #tpu.memory_space<vmem>>, vector<8x128xf32>
      %add3A_55 = arith.addf %get3A_54, %concatenate3A : vector<8x128xf32>
      %swap3A_56 = arith.constant 0 : index
      %swap3A_57 = arith.constant 0 : index
      %swap3A_58 = vector.load %arg13[%swap3A_56, %swap3A_57] : memref<8x128xf32, #tpu.memory_space<vmem>>, vector<8x128xf32>
      tpu.vector_store %arg13[%swap3A_56, %swap3A_57], %add3A_55 {strides = array<i32>} : memref<8x128xf32, #tpu.memory_space<vmem>>, vector<8x128xf32>,
    } else {
    }
    %eq3A_2 = arith.constant 1 : i32
    %eq3A_3 = arith.cmpi eq, %arg0, %eq3A_2 : i32
    %convert_element_type3A_4 = arith.extui %eq3A_3 : i1 to i32
    %cond3A_5 = arith.constant 0 : i32
    %cond3A_6 = arith.cmpi ne, %convert_element_type3A_4, %cond3A_5 : i32
    scf.if %cond3A_6 {
      %mul3A = arith.constant 400 : i32
      %mul3A_7 = arith.muli %arg1, %mul3A : i32
      %get3A = arith.index_cast %mul3A_7 : i32 to index
      %get3A_8 = arith.constant 0 : index
      %get3A_9 = vector.load %arg12[%get3A, %get3A_8] : memref<10000x128xf32, #tpu.memory_space<vmem>>, vector<400x128xf32>
      %get3A_10 = arith.constant 0 : index
      %get3A_11 = arith.constant 0 : index
      %get3A_12 = vector.load %arg6[%get3A_10, %get3A_11] : memref<400x128xf32, #tpu.memory_space<vmem>>, vector<400x128xf32>
      %get3A_13 = arith.constant 0 : index
      %get3A_14 = arith.constant 0 : index
      %get3A_15 = vector.load %arg7[%get3A_13, %get3A_14] : memref<1x128xf32, #tpu.memory_space<vmem>>, vector<1x128xf32>
      %add3A = vector.broadcast %get3A_15 : vector<1x128xf32> to vector<400x128xf32>
      %add3A_16 = arith.addf %get3A_12, %add3A : vector<400x128xf32>
      %get3A_17 = arith.constant 0 : index
      %get3A_18 = arith.constant 0 : index
      %get3A_19 = vector.load %arg5[%get3A_17, %get3A_18] : memref<128x128xf32, #tpu.memory_space<vmem>>, vector<128x128xf32>
      %dot_general3A = arith.constant dense<0.000000e+00> : vector<400x128xf32>
      %dot_general3A_20 = tpu.matmul %get3A_9, %get3A_19, %dot_general3A {dimension_numbers = #tpu.dot_dimension_numbers<[1], [0], [0], [1], [0, 0, 1, 1], [], []>, transpose_lhs_hint = false} : vector<400x128xf32>, vector<128x128xf32>, vector<400x128xf32> -> vector<400x128xf32>
      %add3A_21 = arith.addf %add3A_16, %dot_general3A_20 : vector<400x128xf32>
      %swap3A = arith.constant 0 : index
      %swap3A_22 = arith.constant 0 : index
      %swap3A_23 = vector.load %arg10[%swap3A, %swap3A_22] : memref<400x128xf32, #tpu.memory_space<vmem>>, vector<400x128xf32>
      tpu.vector_store %arg10[%swap3A, %swap3A_22], %add3A_21 {strides = array<i32>} : memref<400x128xf32, #tpu.memory_space<vmem>>, vector<400x128xf32>,
      %get3A_24 = arith.constant 0 : index
      %get3A_25 = arith.constant 0 : index
      %get3A_26 = vector.load %arg13[%get3A_24, %get3A_25] : memref<8x128xf32, #tpu.memory_space<vmem>>, vector<1x128xf32>
      %mul3A_27 = arith.constant 9.99999974E-5 : f32
      %mul3A_28 = vector.broadcast %mul3A_27 : f32 to vector<1x128xf32>
      %mul3A_29 = arith.mulf %get3A_26, %mul3A_28 : vector<1x128xf32>
      %get3A_30 = arith.constant 1 : index
      %get3A_31 = arith.constant 0 : index
      %get3A_32 = vector.load %arg13[%get3A_30, %get3A_31] : memref<8x128xf32, #tpu.memory_space<vmem>>, vector<1x128xf32>
      %mul3A_33 = arith.constant 9.99999974E-5 : f32
      %mul3A_34 = vector.broadcast %mul3A_33 : f32 to vector<1x128xf32>
      %mul3A_35 = arith.mulf %get3A_32, %mul3A_34 : vector<1x128xf32>
      %mul3A_36 = arith.mulf %mul3A_29, %mul3A_29 : vector<1x128xf32>
      %sub3A = arith.subf %mul3A_35, %mul3A_36 : vector<1x128xf32>
      %add3A_37 = arith.constant 9.99999974E-6 : f32
      %add3A_38 = vector.broadcast %add3A_37 : f32 to vector<1x128xf32>
      %add3A_39 = arith.addf %sub3A, %add3A_38 : vector<1x128xf32>
      %rsqrt3A = math.rsqrt %add3A_39 : vector<1x128xf32>
      %sub3A_40 = vector.broadcast %mul3A_29 : vector<1x128xf32> to vector<400x128xf32>
      %sub3A_41 = arith.subf %get3A_9, %sub3A_40 : vector<400x128xf32>
      %mul3A_42 = vector.broadcast %rsqrt3A : vector<1x128xf32> to vector<400x128xf32>
      %mul3A_43 = arith.mulf %sub3A_41, %mul3A_42 : vector<400x128xf32>
      %get3A_44 = arith.constant 0 : index
      %get3A_45 = arith.constant 0 : index
      %get3A_46 = vector.load %arg8[%get3A_44, %get3A_45] : memref<1x128xf32, #tpu.memory_space<vmem>>, vector<1x128xf32>
      %mul3A_47 = vector.broadcast %get3A_46 : vector<1x128xf32> to vector<400x128xf32>
      %mul3A_48 = arith.mulf %mul3A_43, %mul3A_47 : vector<400x128xf32>
      %get3A_49 = arith.constant 0 : index
      %get3A_50 = arith.constant 0 : index
      %get3A_51 = vector.load %arg9[%get3A_49, %get3A_50] : memref<1x128xf32, #tpu.memory_space<vmem>>, vector<1x128xf32>
      %add3A_52 = vector.broadcast %get3A_51 : vector<1x128xf32> to vector<400x128xf32>
      %add3A_53 = arith.addf %mul3A_48, %add3A_52 : vector<400x128xf32>
      %max3A = arith.constant 0.000000e+00 : f32
      %max3A_54 = vector.broadcast %max3A : f32 to vector<400x128xf32>
      %max3A_55 = arith.maximumf %add3A_53, %max3A_54 : vector<400x128xf32>
      %swap3A_56 = arith.constant 0 : index
      %swap3A_57 = arith.constant 0 : index
      %swap3A_58 = vector.load %arg11[%swap3A_56, %swap3A_57] : memref<400x128xf32, #tpu.memory_space<vmem>>, vector<400x128xf32>
      tpu.vector_store %arg11[%swap3A_56, %swap3A_57], %max3A_55 {strides = array<i32>} : memref<400x128xf32, #tpu.memory_space<vmem>>, vector<400x128xf32>,
    } else {
    }
    return
  }
  func.func @transform_0(%arg0: i32, %arg1: i32) -> (i32, i32, i32) {
    %c0_i32 = arith.constant 0 : i32
    %c0_i32_0 = arith.constant 0 : i32
    %c0_i32_1 = arith.constant 0 : i32
    return %c0_i32, %arg1, %c0_i32_0 : i32, i32, i32
  }
  func.func @transform_1(%arg0: i32, %arg1: i32) -> (i32, i32) {
    %c0_i32 = arith.constant 0 : i32
    %c0_i32_0 = arith.constant 0 : i32
    return %arg1, %c0_i32 : i32, i32
  }
  func.func @transform_2(%arg0: i32, %arg1: i32) -> (i32, i32) {
    %c0_i32 = arith.constant 0 : i32
    %c0_i32_0 = arith.constant 0 : i32
    %c0_i32_1 = arith.constant 0 : i32
    return %c0_i32, %c0_i32_0 : i32, i32
  }
  func.func @transform_3(%arg0: i32, %arg1: i32) -> (i32, i32) {
    %c0_i32 = arith.constant 0 : i32
    %c0_i32_0 = arith.constant 0 : i32
    %c0_i32_1 = arith.constant 0 : i32
    return %c0_i32, %c0_i32_0 : i32, i32
  }
  func.func @transform_4(%arg0: i32, %arg1: i32) -> (i32, i32) {
    %c0_i32 = arith.constant 0 : i32
    %c0_i32_0 = arith.constant 0 : i32
    return %arg1, %c0_i32 : i32, i32
  }
  func.func @transform_5(%arg0: i32, %arg1: i32) -> (i32, i32) {
    %c0_i32 = arith.constant 0 : i32
    %c0_i32_0 = arith.constant 0 : i32
    %c0_i32_1 = arith.constant 0 : i32
    return %c0_i32, %c0_i32_0 : i32, i32
  }
  func.func @transform_6(%arg0: i32, %arg1: i32) -> (i32, i32) {
    %c0_i32 = arith.constant 0 : i32
    %c0_i32_0 = arith.constant 0 : i32
    %c0_i32_1 = arith.constant 0 : i32
    return %c0_i32, %c0_i32_0 : i32, i32
  }
  func.func @transform_7(%arg0: i32, %arg1: i32) -> (i32, i32) {
    %c0_i32 = arith.constant 0 : i32
    %c0_i32_0 = arith.constant 0 : i32
    %c0_i32_1 = arith.constant 0 : i32
    return %c0_i32, %c0_i32_0 : i32, i32
  }
  func.func @transform_8(%arg0: i32, %arg1: i32) -> (i32, i32) {
    %c0_i32 = arith.constant 0 : i32
    %c0_i32_0 = arith.constant 0 : i32
    return %arg1, %c0_i32 : i32, i32
  }
  func.func @transform_9(%arg0: i32, %arg1: i32) -> (i32, i32) {
    %c0_i32 = arith.constant 0 : i32
    %c0_i32_0 = arith.constant 0 : i32
    return %arg1, %c0_i32 : i32, i32
  }
}

module attributes {stable_mosaic.version = 14 : i64} {
  func.func @_kc_body(%arg0: i32, %arg1: memref<2x400x128xf32, #tpu.memory_space<vmem>>, %arg2: memref<400x128xf32, #tpu.memory_space<vmem>>, %arg3: memref<128x128xf32, #tpu.memory_space<vmem>>, %arg4: memref<128x128xf32, #tpu.memory_space<vmem>>, %arg5: memref<400x128xf32, #tpu.memory_space<vmem>>, %arg6: memref<1x128xf32, #tpu.memory_space<vmem>>, %arg7: memref<400x128xf32, #tpu.memory_space<vmem>>, %arg8: memref<400x128xf32, #tpu.memory_space<vmem>>, %arg9: memref<8x128xf32, #tpu.memory_space<vmem>>) attributes {dimension_semantics = [#tpu.dimension_semantics<arbitrary>], iteration_bounds = array<i64: 25>, scalar_prefetch = 0 : i64, scratch_operands = 0 : i64, tpu.core_type = #tpu.core_type<tc>, window_params = [{transform_indices = @transform_0, window_bounds = array<i64: 2, 400, 128>}, {transform_indices = @transform_1, window_bounds = array<i64: 400, 128>}, {pipeline_mode = #tpu.pipeline_mode<synchronous>, transform_indices = @transform_2, window_bounds = array<i64: 128, 128>}, {pipeline_mode = #tpu.pipeline_mode<synchronous>, transform_indices = @transform_3, window_bounds = array<i64: 128, 128>}, {transform_indices = @transform_4, window_bounds = array<i64: 400, 128>}, {pipeline_mode = #tpu.pipeline_mode<synchronous>, transform_indices = @transform_5, window_bounds = array<i64: 1, 128>}, {transform_indices = @transform_6, window_bounds = array<i64: 400, 128>}, {transform_indices = @transform_7, window_bounds = array<i64: 400, 128>}, {pipeline_mode = #tpu.pipeline_mode<synchronous>, transform_indices = @transform_8, window_bounds = array<i64: 8, 128>}]} {
    %get3A = arith.constant 0 : index
    %get3A_0 = arith.constant 0 : index
    %get3A_1 = arith.constant 0 : index
    %get3A_2 = vector.load %arg1[%get3A, %get3A_0, %get3A_1] : memref<2x400x128xf32, #tpu.memory_space<vmem>>, vector<1x400x128xf32>
    %get3A_3 = vector.shape_cast %get3A_2 : vector<1x400x128xf32> to vector<400x128xf32>
    %get3A_4 = arith.constant 1 : index
    %get3A_5 = arith.constant 0 : index
    %get3A_6 = arith.constant 0 : index
    %get3A_7 = vector.load %arg1[%get3A_4, %get3A_5, %get3A_6] : memref<2x400x128xf32, #tpu.memory_space<vmem>>, vector<1x400x128xf32>
    %get3A_8 = vector.shape_cast %get3A_7 : vector<1x400x128xf32> to vector<400x128xf32>
    %add3A = arith.addf %get3A_3, %get3A_8 : vector<400x128xf32>
    %mul3A = arith.constant 0.899999976 : f32
    %mul3A_9 = vector.broadcast %mul3A : f32 to vector<400x128xf32>
    %mul3A_10 = arith.mulf %mul3A_9, %add3A : vector<400x128xf32>
    %get3A_11 = arith.constant 0 : index
    %get3A_12 = arith.constant 0 : index
    %get3A_13 = vector.load %arg2[%get3A_11, %get3A_12] : memref<400x128xf32, #tpu.memory_space<vmem>>, vector<400x128xf32>
    %mul3A_14 = arith.constant 1.000000e-01 : f32
    %mul3A_15 = vector.broadcast %mul3A_14 : f32 to vector<400x128xf32>
    %mul3A_16 = arith.mulf %mul3A_15, %get3A_13 : vector<400x128xf32>
    %add3A_17 = arith.addf %mul3A_10, %mul3A_16 : vector<400x128xf32>
    %mul3A_18 = arith.constant 0.882216989 : f32
    %mul3A_19 = vector.broadcast %mul3A_18 : f32 to vector<400x128xf32>
    %mul3A_20 = arith.mulf %mul3A_19, %add3A_17 : vector<400x128xf32>
    %get3A_21 = arith.constant 0 : index
    %get3A_22 = arith.constant 0 : index
    %get3A_23 = vector.load %arg3[%get3A_21, %get3A_22] : memref<128x128xf32, #tpu.memory_space<vmem>>, vector<128x128xf32>
    %dot_general3A = arith.constant dense<0.000000e+00> : vector<400x128xf32>
    %dot_general3A_24 = tpu.matmul %add3A_17, %get3A_23, %dot_general3A {dimension_numbers = #tpu.dot_dimension_numbers<[1], [0], [0], [1], [0, 0, 1, 1], [], []>, transpose_lhs_hint = false} : vector<400x128xf32>, vector<128x128xf32>, vector<400x128xf32> -> vector<400x128xf32>
    %mul3A_25 = arith.constant 0.117783032 : f32
    %mul3A_26 = vector.broadcast %mul3A_25 : f32 to vector<400x128xf32>
    %mul3A_27 = arith.mulf %mul3A_26, %dot_general3A_24 : vector<400x128xf32>
    %add3A_28 = arith.addf %mul3A_20, %mul3A_27 : vector<400x128xf32>
    %swap3A = arith.constant 0 : index
    %swap3A_29 = arith.constant 0 : index
    %swap3A_30 = vector.load %arg8[%swap3A, %swap3A_29] : memref<400x128xf32, #tpu.memory_space<vmem>>, vector<400x128xf32>
    tpu.vector_store %arg8[%swap3A, %swap3A_29], %add3A_28 {strides = array<i32>} : memref<400x128xf32, #tpu.memory_space<vmem>>, vector<400x128xf32>,
    %get3A_31 = arith.constant 0 : index
    %get3A_32 = arith.constant 0 : index
    %get3A_33 = vector.load %arg5[%get3A_31, %get3A_32] : memref<400x128xf32, #tpu.memory_space<vmem>>, vector<400x128xf32>
    %get3A_34 = arith.constant 0 : index
    %get3A_35 = arith.constant 0 : index
    %get3A_36 = vector.load %arg6[%get3A_34, %get3A_35] : memref<1x128xf32, #tpu.memory_space<vmem>>, vector<1x128xf32>
    %add3A_37 = vector.broadcast %get3A_36 : vector<1x128xf32> to vector<400x128xf32>
    %add3A_38 = arith.addf %get3A_33, %add3A_37 : vector<400x128xf32>
    %get3A_39 = arith.constant 0 : index
    %get3A_40 = arith.constant 0 : index
    %get3A_41 = vector.load %arg4[%get3A_39, %get3A_40] : memref<128x128xf32, #tpu.memory_space<vmem>>, vector<128x128xf32>
    %dot_general3A_42 = arith.constant dense<0.000000e+00> : vector<400x128xf32>
    %dot_general3A_43 = tpu.matmul %add3A_28, %get3A_41, %dot_general3A_42 {dimension_numbers = #tpu.dot_dimension_numbers<[1], [0], [0], [1], [0, 0, 1, 1], [], []>, transpose_lhs_hint = false} : vector<400x128xf32>, vector<128x128xf32>, vector<400x128xf32> -> vector<400x128xf32>
    %add3A_44 = arith.addf %add3A_38, %dot_general3A_43 : vector<400x128xf32>
    %swap3A_45 = arith.constant 0 : index
    %swap3A_46 = arith.constant 0 : index
    %swap3A_47 = vector.load %arg7[%swap3A_45, %swap3A_46] : memref<400x128xf32, #tpu.memory_space<vmem>>, vector<400x128xf32>
    tpu.vector_store %arg7[%swap3A_45, %swap3A_46], %add3A_44 {strides = array<i32>} : memref<400x128xf32, #tpu.memory_space<vmem>>, vector<400x128xf32>,
    %eq3A = arith.constant 0 : i32
    %eq3A_48 = arith.cmpi eq, %arg0, %eq3A : i32
    %convert_element_type3A = arith.extui %eq3A_48 : i1 to i32
    %cond3A = arith.constant 0 : i32
    %cond3A_49 = arith.cmpi ne, %convert_element_type3A, %cond3A : i32
    scf.if %cond3A_49 {
      %broadcast_in_dim3A_64 = arith.constant 0.000000e+00 : f32
      %broadcast_in_dim3A_65 = vector.broadcast %broadcast_in_dim3A_64 : f32 to vector<8x128xf32>
      %swap3A_66 = arith.constant 0 : index
      %swap3A_67 = arith.constant 0 : index
      %swap3A_68 = vector.load %arg9[%swap3A_66, %swap3A_67] : memref<8x128xf32, #tpu.memory_space<vmem>>, vector<8x128xf32>
      tpu.vector_store %arg9[%swap3A_66, %swap3A_67], %broadcast_in_dim3A_65 {strides = array<i32>} : memref<8x128xf32, #tpu.memory_space<vmem>>, vector<8x128xf32>,
    } else {
    }
    %reduce_sum3A = arith.constant dense<0.000000e+00> : vector<128xf32>
    %reduce_sum3A_50 = vector.multi_reduction <add>, %add3A_28, %reduce_sum3A [0] : vector<400x128xf32> to vector<128xf32>
    %broadcast_in_dim3A = vector.shape_cast %reduce_sum3A_50 : vector<128xf32> to vector<1x128xf32>
    %mul3A_51 = arith.mulf %add3A_28, %add3A_28 : vector<400x128xf32>
    %reduce_sum3A_52 = arith.constant dense<0.000000e+00> : vector<128xf32>
    %reduce_sum3A_53 = vector.multi_reduction <add>, %mul3A_51, %reduce_sum3A_52 [0] : vector<400x128xf32> to vector<128xf32>
    %broadcast_in_dim3A_54 = vector.shape_cast %reduce_sum3A_53 : vector<128xf32> to vector<1x128xf32>
    %broadcast_in_dim3A_55 = arith.constant 0.000000e+00 : f32
    %broadcast_in_dim3A_56 = vector.broadcast %broadcast_in_dim3A_55 : f32 to vector<6x128xf32>
    %concatenate3A = tpu.concatenate %broadcast_in_dim3A, %broadcast_in_dim3A_54, %broadcast_in_dim3A_56 in 0 : vector<1x128xf32>, vector<1x128xf32>, vector<6x128xf32> -> vector<8x128xf32>
    %get3A_57 = arith.constant 0 : index
    %get3A_58 = arith.constant 0 : index
    %get3A_59 = vector.load %arg9[%get3A_57, %get3A_58] : memref<8x128xf32, #tpu.memory_space<vmem>>, vector<8x128xf32>
    %add3A_60 = arith.addf %get3A_59, %concatenate3A : vector<8x128xf32>
    %swap3A_61 = arith.constant 0 : index
    %swap3A_62 = arith.constant 0 : index
    %swap3A_63 = vector.load %arg9[%swap3A_61, %swap3A_62] : memref<8x128xf32, #tpu.memory_space<vmem>>, vector<8x128xf32>
    tpu.vector_store %arg9[%swap3A_61, %swap3A_62], %add3A_60 {strides = array<i32>} : memref<8x128xf32, #tpu.memory_space<vmem>>, vector<8x128xf32>,
    return
  }
  func.func @transform_0(%arg0: i32) -> (i32, i32, i32) {
    %c0_i32 = arith.constant 0 : i32
    %c0_i32_0 = arith.constant 0 : i32
    %c0_i32_1 = arith.constant 0 : i32
    return %c0_i32, %arg0, %c0_i32_0 : i32, i32, i32
  }
  func.func @transform_1(%arg0: i32) -> (i32, i32) {
    %c0_i32 = arith.constant 0 : i32
    %c0_i32_0 = arith.constant 0 : i32
    return %arg0, %c0_i32 : i32, i32
  }
  func.func @transform_2(%arg0: i32) -> (i32, i32) {
    %c0_i32 = arith.constant 0 : i32
    %c0_i32_0 = arith.constant 0 : i32
    %c0_i32_1 = arith.constant 0 : i32
    return %c0_i32, %c0_i32_0 : i32, i32
  }
  func.func @transform_3(%arg0: i32) -> (i32, i32) {
    %c0_i32 = arith.constant 0 : i32
    %c0_i32_0 = arith.constant 0 : i32
    %c0_i32_1 = arith.constant 0 : i32
    return %c0_i32, %c0_i32_0 : i32, i32
  }
  func.func @transform_4(%arg0: i32) -> (i32, i32) {
    %c0_i32 = arith.constant 0 : i32
    %c0_i32_0 = arith.constant 0 : i32
    return %arg0, %c0_i32 : i32, i32
  }
  func.func @transform_5(%arg0: i32) -> (i32, i32) {
    %c0_i32 = arith.constant 0 : i32
    %c0_i32_0 = arith.constant 0 : i32
    %c0_i32_1 = arith.constant 0 : i32
    return %c0_i32, %c0_i32_0 : i32, i32
  }
  func.func @transform_6(%arg0: i32) -> (i32, i32) {
    %c0_i32 = arith.constant 0 : i32
    %c0_i32_0 = arith.constant 0 : i32
    return %arg0, %c0_i32 : i32, i32
  }
  func.func @transform_7(%arg0: i32) -> (i32, i32) {
    %c0_i32 = arith.constant 0 : i32
    %c0_i32_0 = arith.constant 0 : i32
    return %arg0, %c0_i32 : i32, i32
  }
  func.func @transform_8(%arg0: i32) -> (i32, i32) {
    %c0_i32 = arith.constant 0 : i32
    %c0_i32_0 = arith.constant 0 : i32
    %c0_i32_1 = arith.constant 0 : i32
    return %c0_i32, %c0_i32_0 : i32, i32
  }
}

</mosaic_0001>

<sc_bundles>
// kernel: kernel.14.cloned.1.call-start
scs
__scs_entry_jumppad:
0x0: {  	(pc) =	sbr.rel $0x88, $3  }
0x1: {  	(tag) =	ssettag $0x0;
	lr =	simm.s32 $0x1  }
0x2: {  	[smem:$0x3F95] =	sst lr;
	_ =	strace $0xD0000000  }
0x3: {  	_ = 	snop  }
0x4: {  	_ = 	snop  }
0x5: {  	_ = 	snop  }
0x6: {  	_ = 	snop  }
0x7: {  	_ = 	snop  }
__scs_overlays_trampoline_lowered:
0x8: {  	[smem:$0x3FA4] =	sst s0  }
0x9: {  	[smem:$0x3FA5] =	sst s1  }
0xa: {  	[smem:$0x3FA6] =	sst s2  }
0xb: {  	[smem:$0x3FA7] =	sst s3  }
0xc: {  	[smem:$0x3FA8] =	sst s4  }
0xd: {  	[smem:$0x3FA9] =	sst s5  }
0xe: {  	[smem:$0x3FAA] =	sst s6  }
0xf: {  	[smem:$0x3FAB] =	sst s7  }
0x10: {  	[smem:$0x3FAC] =	sst s8  }
0x11: {  	[smem:$0x3FAD] =	sst s9;
	s0 =	simm.s32 @!p0 $0x0  }
0x12: {  	s1 =	sld [smem:$0x3F93];
	s0 =	simm.s32 @p0 $0x1  }
0x13: {  	[smem:$0x3FAE] =	sst s0;
	s0 =	simm.s32 @!p1 $0x0  }
0x14: {  	s2 =	sld [smem:$0x3F92];
	s0 =	simm.s32 @p1 $0x1  }
0x15: {  	[smem:$0x3FAF] =	sst s0;
	s0 =	simm.s32 @!p2 $0x0  }
0x16: {  	s3 =	sld [smem:$0x3FDB];
	s0 =	simm.s32 @p2 $0x1  }
0x17: {  	s4 =	simm.s32 $0x1BF5;
	[smem:$0x3FB1] =	sst s0  }
0x18: {  	s0 =	sld [smem:$0x3F94];
	_ =	swait.ge [sflag:s4], $0x0  }
0x19: {  	s7 =	sld [smem:$0x3F95]  }
0x1a: {  	s8 =	sadd.s32 $0xFFFFE003, lr  }
0x1b: {  	s9 =	sadd.s32 $0xFFFFFEF7, lr;
	s5 =	simm.s32 $0xFFFFFFFF;
	p2 =	slt.u32 s8, $0xFFFFF086  }
0x1c: {  	p1 =	slt.u32 s9, $0xF7A;
	s5 =	simm.s32 @!p2 $0x0  }
0x1d: {  	s5 =	simm.s32 @p1 $0x1;
	p0 =	seq.s32 s7, s2  }
0x1e: {  	s7 =	smul.u32 @!p0 $0xF7A, s2;
	p2 =	seq.s32 @!p0 s5, $0x0  }
0x1f: {  	s9 =	smul.u32 $0xF7A, s1;
	s8 =	simm.s32 @!p0 $0x1BF5;
	p2 =	por !p2, p0  }
0x20: {  	[sflag:s8] =	ssyncset.s32 @!p0 $0xFFFFF086;
	s6 =	sadd.s32 @!p0 s3, s7;
	s7 =	simm.s32 @!p0 $0x108  }
0x21: {  	s3 =	sadd.s32 s3, s9;
	s6 =	sadd.s32 @!p0 $0x88, s6;
	s7 =	simm.s32 @p2 $0x1082  }
0x22: {  	[simem:s7], [sflag:s8] =	dma.local @!p0 [hbm:s6], $0xF7A  }
0x23: {  	s9 =	sor.u32 $0xD0000000, s2;
	s6 =	simm.s32 $0x108;
	_ =	swait.ge @!p0 [sflag:s8], $0x0  }
0x24: {  	s3 =	sadd.s32 $0x88, s3;
	s6 =	simm.s32 @!p1 $0x1082;
	[sflag:s4] =	ssyncset.s32 $0xFFFFF086  }
0x25: {  	[simem:s6], [sflag:s4] =	dma.local [hbm:s3], $0xF7A  }
0x26: {  	[smem:$0x3F95] =	sst s1;
	(tag) =	ssettag s2;
	_ =	strace s9  }
0x27: {  	s1 =	sld [smem:$0x3FA5]  }
0x28: {  	s2 =	sld [smem:$0x3FA6]  }
0x29: {  	s4 =	sld [smem:$0x3FA8]  }
0x2a: {  	p0 =	seq.s32 s5, $0x0;
	s5 =	sld [smem:$0x3FA9]  }
0x2b: {  	s6 =	sld [smem:$0x3FAA]  }
0x2c: {  	s7 =	sld [smem:$0x3FAB]  }
0x2d: {  	s3 =	simm.s32 $0x108;
	s8 =	sld [smem:$0x3FAC]  }
0x2e: {  	s3 =	simm.s32 @!p0 $0x1082;
	s9 =	sld [smem:$0x3FAD]  }
0x2f: {  	lr =	sadd.s32 s0, s3;
	s0 =	sld [smem:$0x3FA4]  }
0x30: {  	s3 =	sld [smem:$0x3FA7]  }
0x31: {  	[smem:$0x3FB0] =	sst s10  }
0x32: {  	s10 =	sld [smem:$0x3FAE];
	_ =	sdelay $0x3  }
0x33: {  	p0 =	seq.s32 s10, $0x1;
	s10 =	sld [smem:$0x3FB0];
	_ =	sdelay $0x3  }
0x34: {  	[smem:$0x3FB0] =	sst s10  }
0x35: {  	s10 =	sld [smem:$0x3FAF];
	_ =	sdelay $0x3  }
0x36: {  	p1 =	seq.s32 s10, $0x1;
	s10 =	sld [smem:$0x3FB0];
	_ =	sdelay $0x3  }
0x37: {  	[smem:$0x3FB0] =	sst s10  }
0x38: {  	s10 =	sld [smem:$0x3FB1]  }
0x39: {  	_ = 	snop;
	(pc) =	sbr.ind lr, $3  }
0x3a: {  	_ = 	snop  }
0x3b: {  	_ = 	snop  }
0x3c: {  	p2 =	seq.s32 s10, $0x1;
	s10 =	sld [smem:$0x3FB0]  }
0x3d: {  	_ =	shalt  }
0x3e: {  	_ =	shalt  }
0x3f: {  	_ =	shalt  }
0x40: {  	_ =	shalt  }
0x41: {  	_ =	shalt  }
0x42: {  	_ =	shalt  }
0x43: {  	_ =	shalt  }
0x44: {  	_ =	shalt  }
0x45: {  	_ =	shalt  }
0x46: {  	_ =	shalt  }
0x47: {  	_ =	shalt  }
0x48: {  	_ =	shalt  }
0x49: {  	_ =	shalt  }
0x4a: {  	_ =	shalt  }
0x4b: {  	_ =	shalt  }
0x4c: {  	_ =	shalt  }
0x4d: {  	_ =	shalt  }
0x4e: {  	_ =	shalt  }
0x4f: {  	_ =	shalt  }
0x50: {  	_ =	shalt  }
0x51: {  	_ =	shalt  }
0x52: {  	_ =	shalt  }
0x53: {  	_ =	shalt  }
0x54: {  	_ =	shalt  }
0x55: {  	_ =	shalt  }
0x56: {  	_ =	shalt  }
0x57: {  	_ =	shalt  }
0x58: {  	_ =	shalt  }
0x59: {  	_ =	shalt  }
0x5a: {  	_ =	shalt  }
0x5b: {  	_ =	shalt  }
0x5c: {  	_ =	shalt  }
0x5d: {  	_ =	shalt  }
0x5e: {  	_ =	shalt  }
0x5f: {  	_ =	shalt  }
0x60: {  	_ =	shalt  }
0x61: {  	_ =	shalt  }
0x62: {  	_ =	shalt  }
0x63: {  	_ =	shalt  }
0x64: {  	_ =	shalt  }
0x65: {  	_ =	shalt  }
0x66: {  	_ =	shalt  }
0x67: {  	_ =	shalt  }
0x68: {  	_ =	shalt  }
0x69: {  	_ =	shalt  }
0x6a: {  	_ =	shalt  }
0x6b: {  	_ =	shalt  }
0x6c: {  	_ =	shalt  }
0x6d: {  	_ =	shalt  }
0x6e: {  	_ =	shalt  }
0x6f: {  	_ =	shalt  }
0x70: {  	_ =	shalt  }
0x71: {  	_ =	shalt  }
0x72: {  	_ =	shalt  }
0x73: {  	_ =	shalt  }
0x74: {  	_ =	shalt  }
0x75: {  	_ =	shalt  }
0x76: {  	_ =	shalt  }
0x77: {  	_ =	shalt  }
0x78: {  	_ =	shalt  }
0x79: {  	_ =	shalt  }
0x7a: {  	_ =	shalt  }
0x7b: {  	_ =	shalt  }
0x7c: {  	_ =	shalt  }
0x7d: {  	_ =	shalt  }
0x7e: {  	_ =	shalt  }
0x7f: {  	_ =	shalt  }
0x80: {  	_ =	shalt  }
0x81: {  	_ =	shalt  }
0x82: {  	_ =	shalt  }
0x83: {  	_ =	shalt  }
0x84: {  	_ =	shalt  }
0x85: {  	_ =	shalt  }
0x86: {  	_ =	shalt  }
0x87: {  	_ =	shalt  }
.Lfunc_end0:
.L_simem_size_0:
called_computation_lowered:
.L_overlay_start_0:
0x88: {  	s2 =	sld [smem:$0x3FD9]  }
0x89: {  	s3 =	sld [smem:$0x3FFE];
	_ =	sdelay $0x1  }
0x8a: {  	s1 =	srdreg.scid  }
0x8b: {  	s0 =	sand.u32 $0x1, s1  }
0x8c: {  	s16 =	sshll.u32 s0, $0xA;
	s2 =	sadd.s32 s3, s2  }
0x8d: {  	s2 =	sadd.s32 s2, s16  }
0x8e: {  	[smem:$0x3FBC] =	sst s2  }
0x8f: {  	_ = 	snop  }
0x90: {  	(tm) =	ssettm $0x1  }
0x91: {  	s17 =	sld [smem:$0x3FFB];
	_ =	sdelay $0x3  }
0x92: {  	_ =	strace s17  }
0x93: {  	s2 =	sld [smem:$0x3FFC];
	_ =	sdelay $0x3  }
0x94: {  	_ =	strace s2  }
0x95: {  	s2 =	sld [smem:$0x3FFD];
	_ =	sdelay $0x3  }
0x96: {  	_ =	strace s2  }
0x97: {  	_ =	strace $0x8FFFFFFF  }
0x98: {  	s18 =	sld [smem:$0x3FDB];
	_ =	sdelay $0x1  }
0x99: {  	s19 =	simm.s32 $_scs_section_size  }
0x9a: {  	s4 =	simm.s32 $_size__tile_overlayer_lowered;
	s5 =	simm.s32 $_tile_overlayer_lowered  }
0x9b: {  	s22 =	simm.s32 $0x1BFF;
	s21 =	sshll.u32 s5, $0x1;
	s2 =	sadd.s32 s19, s18  }
0x9c: {  	s6 =	simm.s32 $0x0;
	s20 =	sshll.u32 s4, $0x1;
	s4 =	sadd.s32 s21, s2  }
0x9d: {  	[timem:s6], [sflag:s22] =	dma.local [hbm:s4], s20  }
0x9e: {  	_ =	swait.ge [sflag:s22], s20  }
0x9f: {  	s3 =	ssub.s32 $0x0, s20;
	[sflag:s22] =	ssyncset.done $0x0  }
0xa0: {  	[sflag:s22] =	ssyncadd.s32 s3;
	_ =	sdelay $0x1  }
0xa1: {  	s23 =	simm.s32 $0x1B8B  }
0xa2: {  	_ =	swait.ge [sflag:s23], $0x1  }
0xa3: {  	[sflag:s23] =	ssyncset.done $0x0  }
0xa4: {  	s25 =	simm.s32 $0x1B8E;
	s24 =	sld [smem:$0x3FFE];
	[sflag:s23] =	ssyncadd.s32 $0xFFFFFFFF  }
0xa5: {  	s26 =	simm.s32 $execute0_lowered;
	[smem:$0x3FD2] =	sst s25  }
0xa6: {  	s4 =	sshll.u32 s26, $0x1;
	_ =	strace $0x80000046;
	[dreg:$0x1] =	wrdreg $0xFFFFFFFF  }
0xa7: {  	s28 =	simm.s32 $_size_execute0_lowered;
	s2 =	sadd.s32 s2, s4;
	[dreg:$0x0] =	wrdreg $0x0  }
0xa8: {  	s4 =	sshll.u32 s28, $0x1;
	[dreg:$0x2] =	wrdreg s2  }
0xa9: {  	[dreg:$0x3] =	wrdreg s4  }
0xaa: {  	[dreg:$0x4] =	wrdreg $0xC0  }
0xab: {  	_ =	task [dreg:s6], $0x5FFFF  }
0xac: {  	[dreg:$0x1] =	wrdreg $0xFFFFFFFF  }
0xad: {  	[dreg:$0x0] =	wrdreg $0x60  }
0xae: {  	[dreg:$0x2] =	wrdreg s24  }
0xaf: {  	[dreg:$0x3] =	wrdreg $0x68000  }
0xb0: {  	[dreg:$0x4] =	wrdreg $0x9  }
0xb1: {  	_ =	task.clear_ibuf [dreg:s6], $0x5FFFF;
	_ =	strace $0x90000046  }
0xb2: {  	s29 =	simm.s32 $0x9;
	_ =	strace $0x80000048  }
0xb3: {  	_ =	swait.ge [sflag:s29], $0x1  }
0xb4: {  	[sflag:s29] =	ssyncadd.s32 $0xFFFFFFFF  }
0xb5: {  	_ =	strace $0x90000048  }
0xb6: {  	_ =	sfence  }
0xb7: {  	s30 =	sld [smem:$0x0];
	_ =	sdelay $0x2  }
0xb8: {  	s31 =	sshll.u32 s1, $0xD;
	s1 =	sshrl.u32 s1, $0x2  }
0xb9: {  	s3 =	sand.u32 $0x4000, s31;
	s1 =	sadd.s32 s1, s30  }
0xba: {  	s0 =	sor.u32 s3, s0;
	s1 =	sshll.u32 s1, $0x11  }
0xbb: {  	s0 =	sor.u32 s1, s0  }
0xbc: {  	s0 =	sadd.s32 $0x8F2B, s0  }
0xbd: {  	[sflag:s0] =	ssyncadd.remote.s32 $0x1  }
0xbe: {  	_ =	sfence.sel $0xFFFF  }
0xbf: {  	[dreg:$0x0] =	wrdreg $0xFFFFFFFF;
	(pc) =	sbr.abs _section_cstart, $3  }
0xc0: {  	[dreg:$0x1] =	wrdreg $0xFFFFFFFF  }
0xc1: {  	_ =	task.clear_ibuf [dreg:s6], $0x2FFFF;
	_ =	strace $0x9FFFFFFF  }
0xc2: {  	(tm) =	ssettm $0x7FFFFFFF  }
0xc3: {  	_ =	shalt  }
tec
execute0_lowered:
.L_overlay_start_1:
0x0: {  	(tag) =	ssettag $0x1  }
0x1: {  	s0 =	srdreg.scid;
	s5 =	rddreg [dreg:$0x0]  }
0x2: {  	s2 =	rddreg [dreg:$0x1];
	s4 =	sand.u32 $0x1, s0  }
0x3: {  	s3 =	simm.s32 $0x0;
	s0 =	stileid.u32;
	s7 =	smul.u32 $0x140000, s4  }
0x4: {  	s13 =	simm.s32 $0x1;
	s14 =	simm.s32 $0x80;
	s8 =	smul.u32 $0x14000, s0  }
0x5: {  	[smem:$0x7FF] =	sst s3;
	s1 =	sshll.u32 s4, $0x4;
	s9 =	smul.u32 $0x50000, s0  }
0x6: {  	s29 =	ssub.s32 $0x2, s4;
	s15 =	sshll.u32 s0, $0x6;
	s1 =	sor.u32 s0, s1  }
0x7: {  	s31 =	sshrl.u32 s29, $0x1;
	s15 =	sor.u32 $0x1C01, s15;
	s6 =	smul.u32 $0x500, s1  }
0x8: {  	s1 =	rddreg [dreg:$0x2];
	_ =	strace $0x80000047;
	s30 =	sshrl.u32 s9, $0x2  }
0x9: {  	s28 =	sadd.s32 s8, s7;
	s12 =	ssub.s32 s29, s31;
	s4 =	sadd.s32 s30, s2  }
0xa: {  	s10 =	sadd.s32 s6, s5;
	s6 =	sshrl.u32 s28, $0x3;
	s7 =	sadd.s32 $0xC000, s4  }
0xb: {  	s8 =	sadd.s32 $0x10000, s4;
	s16 =	sshrl.u32 s4, $0x3;
	s11 =	sadd.s32 s6, s5  }
0xc: {  	s5 =	sadd.s32 $0x4000, s4;
	s6 =	sadd.s32 $0x8000, s4;
	s9 =	sadd.s32 $0x5000, s10  }
0xd: {  	v0 =	vimm.f32 $0.0e+00;
	v1 =	vimm.f32 $1.000000000e+00;
	s10 =	sadd.s32 $0xF000, s11;
	s11 =	smax.u32 s12, $0x1;
	s12 =	simm.s32 $0x2800  }
.LBB2_1:
0xe: {  	s17 =	simm.s32 $0x200;
	s18 =	simm.s32 $0x0  }
.LBB2_2:
0xf: {  	p0 =	sne.s32 s17, $0xFE00;
	[tilespmem:s18+$0x2800] =	vst v0;
	s18 =	smov.u32 s17;
	s17 =	sadd.s32 $0x200, s17  }
.Ltmp0:
0x10: {  	(pc) =	sbr.rel @p0 .LBB2_2-.Ltmp0, $2  }
0x11: {  	_ =	sdelay $0x2  }
0x12: {  	s18 =	sshra.s32 s18, $0x2  }
0x13: {  	[tilespmem:s18+$0x2800] =	vst v0  }
0x14: {  	[spmem:s4] =	stream.linear.scatter [tilespmem:s12], [sflag:$0x1], $0x4000, $0x38;
	[tilespmem:$0x9000] =	vst v63  }
0x15: {  	_ =	swait.ge [sflag:s13], $0x4000  }
0x16: {  	[sflag:s13] =	ssyncset.done $0x0  }
0x17: {  	[sflag:s13] =	ssyncadd.s32 $0xFFFFC000  }
0x18: {  	[spmem:s5] =	stream.linear.scatter [tilespmem:s12], [sflag:$0x1], $0x4000, $0x38;
	[tilespmem:$0x9000] =	vst v63  }
0x19: {  	_ =	swait.ge [sflag:s13], $0x4000  }
0x1a: {  	[sflag:s13] =	ssyncset.done $0x0  }
0x1b: {  	[sflag:s13] =	ssyncadd.s32 $0xFFFFC000  }
0x1c: {  	[spmem:s6] =	stream.linear.scatter [tilespmem:s12], [sflag:$0x1], $0x4000, $0x38;
	[tilespmem:$0x9000] =	vst v63  }
0x1d: {  	_ =	swait.ge [sflag:s13], $0x4000  }
0x1e: {  	[sflag:s13] =	ssyncset.done $0x0  }
0x1f: {  	[sflag:s13] =	ssyncadd.s32 $0xFFFFC000  }
0x20: {  	[spmem:s7] =	stream.linear.scatter [tilespmem:s12], [sflag:$0x1], $0x4000, $0x38;
	[tilespmem:$0x9000] =	vst v63  }
0x21: {  	_ =	swait.ge [sflag:s13], $0x4000  }
0x22: {  	[sflag:s13] =	ssyncset.done $0x0  }
0x23: {  	[sflag:s13] =	ssyncadd.s32 $0xFFFFC000  }
0x24: {  	[spmem:s8] =	stream.linear.scatter [tilespmem:s12], [sflag:$0x1], $0x4000, $0x38;
	[tilespmem:$0x9000] =	vst v63  }
0x25: {  	_ =	swait.ge [sflag:s13], $0x4000  }
0x26: {  	[sflag:s13] =	ssyncset.done $0x0  }
0x27: {  	s17 =	simm.s32 $0x200;
	s18 =	simm.s32 $0x0;
	[sflag:s13] =	ssyncadd.s32 $0xFFFFC000  }
.LBB2_4:
0x28: {  	p0 =	sne.s32 s17, $0xFE00;
	[tilespmem:s18+$0x2800] =	vst v1;
	s18 =	smov.u32 s17;
	s17 =	sadd.s32 $0x200, s17  }
.Ltmp1:
0x29: {  	(pc) =	sbr.rel @p0 .LBB2_4-.Ltmp1, $2  }
0x2a: {  	_ =	sdelay $0x2  }
0x2b: {  	s18 =	sshra.s32 s18, $0x2  }
0x2c: {  	[tilespmem:s18+$0x2800] =	vst v1;
	s17 =	simm.s32 $0x0  }
0x2d: {  	[tilespmem:s17], [sflag:$0x1] =	stream.linear.gather [hbm4b:s9+s17], $0x2800, $0x38;
	[tilespmem:$0x9000] =	vst v63  }
0x2e: {  	_ =	swait.ge [sflag:s13], $0x2800  }
0x2f: {  	[sflag:s13] =	ssyncset.done $0x0  }
0x30: {  	[sflag:s13] =	ssyncadd.s32 $0xFFFFD800  }
0x31: {  	s31 =	simm.s32 $0x0;
	[bflag:$0x0] =	sbarrier.arrive $0xFFFF  }
0x32: {  	[spmem:s2] =	stream.indirect.scatter.add.f32 [tilespmem:s12], [sflag:$0x1], $0x10, s31, s14, $0xb8;
	[tilespmem:$0x9000] =	vst v63  }
0x33: {  	_ =	swait.ge [sflag:s13], $0x800  }
0x34: {  	s17 =	simm.s32 $0x200;
	[sflag:s13] =	ssyncset.done $0x0  }
.LBB2_6:
0x35: {  	s18 =	sshra.s32 s17, $0x2;
	[sflag:s13] =	ssyncadd.s32 $0xFFFFF800;
	p0 =	sne.s32 s17, $0x9E00  }
0x36: {  	[spmem:s2] =	stream.indirect.scatter.add.f32 [tilespmem:s12], [sflag:$0x1], $0x10, s18, s14, $0xb8;
	[tilespmem:$0x9000] =	vst v63  }
.Ltmp2:
0x37: {  	_ = 	snop;
	(pc) =	sbr.rel @p0 .LBB2_6-.Ltmp2, $4  }
0x38: {  	_ = 	snop  }
0x39: {  	s17 =	sadd.s32 $0x200, s17  }
0x3a: {  	_ =	swait.ge [sflag:s13], $0x800  }
0x3b: {  	[sflag:s13] =	ssyncset.done $0x0  }
0x3c: {  	s3 =	sadd.s32 $0x1, s3  }
0x3d: {  	[sflag:s13] =	ssyncadd.s32 $0xFFFFF800;
	p0 =	sne.s32 s3, s11  }
.Ltmp3:
0x3e: {  	[bflag:$0x0] =	sbarrier.arrive $0xFFFF;
	(pc) =	sbr.rel @p0 .LBB2_1-.Ltmp3, $4  }
0x3f: {  	[hbm:s10], [sflag:s15] =	dma.local [spmem:s16], $0x2800  }
0x40: {  	_ =	swait.ge [sflag:s13], $0x2800  }
0x41: {  	[sflag:s13] =	ssyncset.done $0x0  }
0x42: {  	[sflag:s13] =	ssyncadd.s32 $0xFFFFD800  }
0x43: {  	_ =	sfence.sel $0x180000  }
0x44: {  	[bflag:$0x0] =	sbarrier.arrive $0xFFFF  }
0x45: {  	p0 =	sne.s32 s0, $0x0;
	_ =	strace $0x90000047  }
0x46: {  	s0 =	sadd.s32 @!p0 $0x100000, s1;
	[bflag:$0x2] =	sbarrier.arrive $0xFFFF  }
0x47: {  	[sflag:s0] =	ssyncadd.tile.s32 @!p0 $0x1;
	_ =	shalt  }
.Lfunc_end2:
_tile_overlayer_lowered:
.L_overlay_start_2:
0x48: {  	(tag) =	ssettag $0x2  }
0x49: {  	s0 =	rddreg [dreg:$0x0];
	s2 =	stileid.u32  }
0x4a: {  	s1 =	rddreg [dreg:$0x1];
	p0 =	sne.s32 s2, $0x0  }
0x4b: {  	s3 =	rddreg [dreg:$0x2];
	[bflag:$0x3] =	sbarrier.arrive $0xFFFF;
	s2 =	simm.s32 @!p0 $0x1C01  }
0x4c: {  	[timem:s3], [sflag:s2] =	dma.local @!p0 [hbm:s0], s1  }
0x4d: {  	s0 =	simm.s32 @!p0 $0x1  }
0x4e: {  	_ =	swait.ge @!p0 [sflag:s0], s1  }
0x4f: {  	s1 =	ssub.s32 @!p0 $0x0, s1;
	[sflag:s0] =	ssyncset.done @!p0 $0x0  }
0x50: {  	[sflag:s0] =	ssyncadd.s32 @!p0 s1  }
0x51: {  	[bflag:$0x3] =	sbarrier.arrive $0xFFFF  }
0x52: {  	_ =	shalt  }

// kernel: kernel.17.cloned.1.call-start
scs
__scs_entry_jumppad:
0x0: {  	(pc) =	sbr.rel $0x88, $3  }
0x1: {  	(tag) =	ssettag $0x0;
	lr =	simm.s32 $0x1  }
0x2: {  	[smem:$0x3F95] =	sst lr;
	_ =	strace $0xD0000000  }
0x3: {  	_ = 	snop  }
0x4: {  	_ = 	snop  }
0x5: {  	_ = 	snop  }
0x6: {  	_ = 	snop  }
0x7: {  	_ = 	snop  }
__scs_overlays_trampoline_lowered:
0x8: {  	[smem:$0x3FA4] =	sst s0  }
0x9: {  	[smem:$0x3FA5] =	sst s1  }
0xa: {  	[smem:$0x3FA6] =	sst s2  }
0xb: {  	[smem:$0x3FA7] =	sst s3  }
0xc: {  	[smem:$0x3FA8] =	sst s4  }
0xd: {  	[smem:$0x3FA9] =	sst s5  }
0xe: {  	[smem:$0x3FAA] =	sst s6  }
0xf: {  	[smem:$0x3FAB] =	sst s7  }
0x10: {  	[smem:$0x3FAC] =	sst s8  }
0x11: {  	[smem:$0x3FAD] =	sst s9;
	s0 =	simm.s32 @!p0 $0x0  }
0x12: {  	s1 =	sld [smem:$0x3F93];
	s0 =	simm.s32 @p0 $0x1  }
0x13: {  	[smem:$0x3FAE] =	sst s0;
	s0 =	simm.s32 @!p1 $0x0  }
0x14: {  	s2 =	sld [smem:$0x3F92];
	s0 =	simm.s32 @p1 $0x1  }
0x15: {  	[smem:$0x3FAF] =	sst s0;
	s0 =	simm.s32 @!p2 $0x0  }
0x16: {  	s3 =	sld [smem:$0x3FDB];
	s0 =	simm.s32 @p2 $0x1  }
0x17: {  	s4 =	simm.s32 $0x1BF5;
	[smem:$0x3FB1] =	sst s0  }
0x18: {  	s0 =	sld [smem:$0x3F94];
	_ =	swait.ge [sflag:s4], $0x0  }
0x19: {  	s7 =	sld [smem:$0x3F95]  }
0x1a: {  	s8 =	sadd.s32 $0xFFFFE003, lr  }
0x1b: {  	s9 =	sadd.s32 $0xFFFFFEF7, lr;
	s5 =	simm.s32 $0xFFFFFFFF;
	p2 =	slt.u32 s8, $0xFFFFF086  }
0x1c: {  	p1 =	slt.u32 s9, $0xF7A;
	s5 =	simm.s32 @!p2 $0x0  }
0x1d: {  	s5 =	simm.s32 @p1 $0x1;
	p0 =	seq.s32 s7, s2  }
0x1e: {  	s7 =	smul.u32 @!p0 $0xF7A, s2;
	p2 =	seq.s32 @!p0 s5, $0x0  }
0x1f: {  	s9 =	smul.u32 $0xF7A, s1;
	s8 =	simm.s32 @!p0 $0x1BF5;
	p2 =	por !p2, p0  }
0x20: {  	[sflag:s8] =	ssyncset.s32 @!p0 $0xFFFFF086;
	s6 =	sadd.s32 @!p0 s3, s7;
	s7 =	simm.s32 @!p0 $0x108  }
0x21: {  	s3 =	sadd.s32 s3, s9;
	s6 =	sadd.s32 @!p0 $0x88, s6;
	s7 =	simm.s32 @p2 $0x1082  }
0x22: {  	[simem:s7], [sflag:s8] =	dma.local @!p0 [hbm:s6], $0xF7A  }
0x23: {  	s9 =	sor.u32 $0xD0000000, s2;
	s6 =	simm.s32 $0x108;
	_ =	swait.ge @!p0 [sflag:s8], $0x0  }
0x24: {  	s3 =	sadd.s32 $0x88, s3;
	s6 =	simm.s32 @!p1 $0x1082;
	[sflag:s4] =	ssyncset.s32 $0xFFFFF086  }
0x25: {  	[simem:s6], [sflag:s4] =	dma.local [hbm:s3], $0xF7A  }
0x26: {  	[smem:$0x3F95] =	sst s1;
	(tag) =	ssettag s2;
	_ =	strace s9  }
0x27: {  	s1 =	sld [smem:$0x3FA5]  }
0x28: {  	s2 =	sld [smem:$0x3FA6]  }
0x29: {  	s4 =	sld [smem:$0x3FA8]  }
0x2a: {  	p0 =	seq.s32 s5, $0x0;
	s5 =	sld [smem:$0x3FA9]  }
0x2b: {  	s6 =	sld [smem:$0x3FAA]  }
0x2c: {  	s7 =	sld [smem:$0x3FAB]  }
0x2d: {  	s3 =	simm.s32 $0x108;
	s8 =	sld [smem:$0x3FAC]  }
0x2e: {  	s3 =	simm.s32 @!p0 $0x1082;
	s9 =	sld [smem:$0x3FAD]  }
0x2f: {  	lr =	sadd.s32 s0, s3;
	s0 =	sld [smem:$0x3FA4]  }
0x30: {  	s3 =	sld [smem:$0x3FA7]  }
0x31: {  	[smem:$0x3FB0] =	sst s10  }
0x32: {  	s10 =	sld [smem:$0x3FAE];
	_ =	sdelay $0x3  }
0x33: {  	p0 =	seq.s32 s10, $0x1;
	s10 =	sld [smem:$0x3FB0];
	_ =	sdelay $0x3  }
0x34: {  	[smem:$0x3FB0] =	sst s10  }
0x35: {  	s10 =	sld [smem:$0x3FAF];
	_ =	sdelay $0x3  }
0x36: {  	p1 =	seq.s32 s10, $0x1;
	s10 =	sld [smem:$0x3FB0];
	_ =	sdelay $0x3  }
0x37: {  	[smem:$0x3FB0] =	sst s10  }
0x38: {  	s10 =	sld [smem:$0x3FB1]  }
0x39: {  	_ = 	snop;
	(pc) =	sbr.ind lr, $3  }
0x3a: {  	_ = 	snop  }
0x3b: {  	_ = 	snop  }
0x3c: {  	p2 =	seq.s32 s10, $0x1;
	s10 =	sld [smem:$0x3FB0]  }
0x3d: {  	_ =	shalt  }
0x3e: {  	_ =	shalt  }
0x3f: {  	_ =	shalt  }
0x40: {  	_ =	shalt  }
0x41: {  	_ =	shalt  }
0x42: {  	_ =	shalt  }
0x43: {  	_ =	shalt  }
0x44: {  	_ =	shalt  }
0x45: {  	_ =	shalt  }
0x46: {  	_ =	shalt  }
0x47: {  	_ =	shalt  }
0x48: {  	_ =	shalt  }
0x49: {  	_ =	shalt  }
0x4a: {  	_ =	shalt  }
0x4b: {  	_ =	shalt  }
0x4c: {  	_ =	shalt  }
0x4d: {  	_ =	shalt  }
0x4e: {  	_ =	shalt  }
0x4f: {  	_ =	shalt  }
0x50: {  	_ =	shalt  }
0x51: {  	_ =	shalt  }
0x52: {  	_ =	shalt  }
0x53: {  	_ =	shalt  }
0x54: {  	_ =	shalt  }
0x55: {  	_ =	shalt  }
0x56: {  	_ =	shalt  }
0x57: {  	_ =	shalt  }
0x58: {  	_ =	shalt  }
0x59: {  	_ =	shalt  }
0x5a: {  	_ =	shalt  }
0x5b: {  	_ =	shalt  }
0x5c: {  	_ =	shalt  }
0x5d: {  	_ =	shalt  }
0x5e: {  	_ =	shalt  }
0x5f: {  	_ =	shalt  }
0x60: {  	_ =	shalt  }
0x61: {  	_ =	shalt  }
0x62: {  	_ =	shalt  }
0x63: {  	_ =	shalt  }
0x64: {  	_ =	shalt  }
0x65: {  	_ =	shalt  }
0x66: {  	_ =	shalt  }
0x67: {  	_ =	shalt  }
0x68: {  	_ =	shalt  }
0x69: {  	_ =	shalt  }
0x6a: {  	_ =	shalt  }
0x6b: {  	_ =	shalt  }
0x6c: {  	_ =	shalt  }
0x6d: {  	_ =	shalt  }
0x6e: {  	_ =	shalt  }
0x6f: {  	_ =	shalt  }
0x70: {  	_ =	shalt  }
0x71: {  	_ =	shalt  }
0x72: {  	_ =	shalt  }
0x73: {  	_ =	shalt  }
0x74: {  	_ =	shalt  }
0x75: {  	_ =	shalt  }
0x76: {  	_ =	shalt  }
0x77: {  	_ =	shalt  }
0x78: {  	_ =	shalt  }
0x79: {  	_ =	shalt  }
0x7a: {  	_ =	shalt  }
0x7b: {  	_ =	shalt  }
0x7c: {  	_ =	shalt  }
0x7d: {  	_ =	shalt  }
0x7e: {  	_ =	shalt  }
0x7f: {  	_ =	shalt  }
0x80: {  	_ =	shalt  }
0x81: {  	_ =	shalt  }
0x82: {  	_ =	shalt  }
0x83: {  	_ =	shalt  }
0x84: {  	_ =	shalt  }
0x85: {  	_ =	shalt  }
0x86: {  	_ =	shalt  }
0x87: {  	_ =	shalt  }
.Lfunc_end0:
.L_simem_size_0:
called_computation.1_lowered:
.L_overlay_start_0:
0x88: {  	s2 =	sld [smem:$0x3FD9]  }
0x89: {  	s3 =	sld [smem:$0x3FFE];
	_ =	sdelay $0x1  }
0x8a: {  	s1 =	srdreg.scid  }
0x8b: {  	s0 =	sand.u32 $0x1, s1  }
0x8c: {  	s17 =	sshll.u32 s0, $0xA;
	s2 =	sadd.s32 s3, s2  }
0x8d: {  	s2 =	sadd.s32 s2, s17  }
0x8e: {  	[smem:$0x3FBC] =	sst s2  }
0x8f: {  	_ = 	snop  }
0x90: {  	s2 =	sld [smem:$0x3FD0];
	(tm) =	ssettm $0x1  }
0x91: {  	s18 =	sld [smem:$0x3FFB];
	_ =	sdelay $0x3  }
0x92: {  	_ =	strace s18  }
0x93: {  	s3 =	sld [smem:$0x3FFC];
	_ =	sdelay $0x3  }
0x94: {  	_ =	strace s3  }
0x95: {  	s3 =	sld [smem:$0x3FFD];
	_ =	sdelay $0x3  }
0x96: {  	_ =	strace s3  }
0x97: {  	_ =	strace $0x8FFFFFFF  }
0x98: {  	s19 =	sld [smem:$0x3FDB];
	_ =	sdelay $0x1  }
0x99: {  	s4 =	simm.s32 $_scs_section_size  }
0x9a: {  	s5 =	simm.s32 $_size__tile_overlayer_lowered;
	s6 =	simm.s32 $_tile_overlayer_lowered  }
0x9b: {  	s22 =	simm.s32 $0x1BFF;
	s21 =	sshll.u32 s6, $0x1;
	s3 =	sadd.s32 s4, s19  }
0x9c: {  	s7 =	simm.s32 $0x0;
	s20 =	sshll.u32 s5, $0x1;
	s5 =	sadd.s32 s21, s3  }
0x9d: {  	[timem:s7], [sflag:s22] =	dma.local [hbm:s5], s20  }
0x9e: {  	_ =	swait.ge [sflag:s22], s20  }
0x9f: {  	s4 =	ssub.s32 $0x0, s20;
	[sflag:s22] =	ssyncset.done $0x0  }
0xa0: {  	[sflag:s22] =	ssyncadd.s32 s4;
	_ =	sdelay $0x1  }
0xa1: {  	s23 =	simm.s32 $0x1B8B  }
0xa2: {  	_ =	swait.ge [sflag:s23], $0x1  }
0xa3: {  	[sflag:s23] =	ssyncset.done $0x0  }
0xa4: {  	s25 =	simm.s32 $0x1B8E;
	s24 =	sld [smem:$0x3FFE];
	[sflag:s23] =	ssyncadd.s32 $0xFFFFFFFF  }
0xa5: {  	s26 =	simm.s32 $execute0_lowered;
	[smem:$0x3FD2] =	sst s25  }
0xa6: {  	s5 =	sshll.u32 s26, $0x1;
	_ =	strace $0x80000049;
	[dreg:$0x1] =	wrdreg $0xFFFFFFFF  }
0xa7: {  	s28 =	simm.s32 $_size_execute0_lowered;
	s3 =	sadd.s32 s3, s5;
	[dreg:$0x0] =	wrdreg $0x0  }
0xa8: {  	s5 =	sshll.u32 s28, $0x1;
	[dreg:$0x2] =	wrdreg s3  }
0xa9: {  	[dreg:$0x3] =	wrdreg s5  }
0xaa: {  	[dreg:$0x4] =	wrdreg $0xC0  }
0xab: {  	_ =	task [dreg:s7], $0x5FFFF  }
0xac: {  	[dreg:$0x1] =	wrdreg $0xFFFFFFFF  }
0xad: {  	[dreg:$0x0] =	wrdreg $0x60  }
0xae: {  	[dreg:$0x2] =	wrdreg s2  }
0xaf: {  	[dreg:$0x3] =	wrdreg s24  }
0xb0: {  	[dreg:$0x4] =	wrdreg $0xAA000  }
0xb1: {  	[dreg:$0x5] =	wrdreg $0x9  }
0xb2: {  	_ =	task.clear_ibuf [dreg:s7], $0x6FFFF;
	_ =	strace $0x90000049  }
0xb3: {  	s29 =	simm.s32 $0x9;
	_ =	strace $0x8000004B  }
0xb4: {  	_ =	swait.ge [sflag:s29], $0x1  }
0xb5: {  	[sflag:s29] =	ssyncadd.s32 $0xFFFFFFFF  }
0xb6: {  	_ =	strace $0x9000004B  }
0xb7: {  	_ =	sfence  }
0xb8: {  	s30 =	sld [smem:$0x0];
	_ =	sdelay $0x2  }
0xb9: {  	s31 =	sshll.u32 s1, $0xD;
	s1 =	sshrl.u32 s1, $0x2  }
0xba: {  	s3 =	sand.u32 $0x4000, s31;
	s1 =	sadd.s32 s1, s30  }
0xbb: {  	s0 =	sor.u32 s3, s0;
	s1 =	sshll.u32 s1, $0x11  }
0xbc: {  	s0 =	sor.u32 s1, s0  }
0xbd: {  	s0 =	sadd.s32 $0x8F2B, s0  }
0xbe: {  	[sflag:s0] =	ssyncadd.remote.s32 $0x1  }
0xbf: {  	_ =	sfence.sel $0xFFFF  }
0xc0: {  	[dreg:$0x0] =	wrdreg $0xFFFFFFFF;
	(pc) =	sbr.abs _section_cstart, $3  }
0xc1: {  	[dreg:$0x1] =	wrdreg $0xFFFFFFFF  }
0xc2: {  	_ =	task.clear_ibuf [dreg:s7], $0x2FFFF;
	_ =	strace $0x9FFFFFFF  }
0xc3: {  	(tm) =	ssettm $0x7FFFFFFF  }
tec
execute0_lowered:
.L_overlay_start_1:
0x0: {  	(tag) =	ssettag $0x1  }
0x1: {  	s1 =	rddreg [dreg:$0x0]  }
0x2: {  	s0 =	rddreg [dreg:$0x1]  }
0x3: {  	s3 =	rddreg [dreg:$0x2]  }
0x4: {  	s2 =	srdreg.scid;
	s12 =	stileid.u32  }
0x5: {  	s4 =	simm.s32 $0x0;
	s28 =	simm.s32 $0x3;
	s7 =	smul.u32 $0x14000, s12  }
0x6: {  	s29 =	simm.s32 $0x80;
	s30 =	simm.s32 $0x1;
	s11 =	smul.u32 $0x50000, s12  }
0x7: {  	s31 =	simm.s32 $0x4;
	s2 =	sand.u32 $0x1, s2;
	s14 =	smul.u32 $0x2800, s12  }
0x8: {  	[smem:$0x7FF] =	sst s4;
	s5 =	sshll.u32 s2, $0x4;
	s6 =	smul.u32 $0x140000, s2  }
0x9: {  	s13 =	ssub.s32 $0x2, s2;
	s2 =	smul.u32 $0x28000, s2;
	s5 =	sor.u32 s12, s5  }
0xa: {  	s8 =	sadd.s32 $0x5F000, s0;
	s5 =	smul.u32 $0x2800, s5;
	s6 =	sadd.s32 s7, s6  }
0xb: {  	_ =	strace $0x8000004A;
	s10 =	sshrl.u32 s6, $0x3;
	s6 =	sshrl.u32 s11, $0x2  }
0xc: {  	s2 =	sadd.s32 s14, s2;
	s26 =	sshrl.u32 s5, $0x3;
	s5 =	sadd.s32 s6, s3  }
0xd: {  	s21 =	sor.u32 $0x380, s2;
	s25 =	sor.u32 $0x300, s2;
	s15 =	sadd.s32 $0x4000, s5  }
0xe: {  	s6 =	sshrl.u32 s21, $0x3;
	s16 =	sadd.s32 $0x8000, s5;
	[dreg:$0x4] =	wrdreg s15  }
0xf: {  	s21 =	simm.s32 $0x2A00;
	s17 =	sadd.s32 $0xC000, s5;
	[dreg:$0x5] =	wrdreg s16  }
0x10: {  	s9 =	sadd.s32 s26, s0;
	s18 =	sadd.s32 $0x10000, s5;
	[dreg:$0x6] =	wrdreg s17  }
0x11: {  	s0 =	sadd.s32 s10, s0;
	s7 =	sadd.s32 s8, s26;
	[dreg:$0x7] =	wrdreg s18  }
0x12: {  	s10 =	sshrl.u32 s13, $0x1;
	s24 =	sadd.s32 s6, s8;
	[dreg:$0x8] =	wrdreg s7  }
0x13: {  	s26 =	sor.u32 $0x280, s2;
	s19 =	sadd.s32 $0x5000, s9;
	[dreg:$0xf] =	wrdreg s24  }
0x14: {  	s2 =	sor.u32 $0x200, s2;
	s20 =	sadd.s32 $0x10, s7;
	[dreg:$0x9] =	wrdreg s19  }
0x15: {  	s11 =	ssub.s32 s13, s10;
	s22 =	sadd.s32 $0x20, s7;
	[dreg:$0xa] =	wrdreg s20  }
0x16: {  	s7 =	sadd.s32 $0x30, s7;
	s0 =	sadd.s32 $0x69000, s0;
	[dreg:$0xb] =	wrdreg s22  }
0x17: {  	s6 =	sshrl.u32 s26, $0x3;
	s2 =	sshrl.u32 s2, $0x3;
	[dreg:$0xc] =	wrdreg s7  }
0x18: {  	s24 =	simm.s32 $0x2880;
	s26 =	simm.s32 $0x2980;
	[dreg:$0xd] =	wrdreg s0  }
.Ltmp0:
0x19: {  	s23 =	smax.u32 s11, $0x1;
	s0 =	sshrl.u32 s25, $0x3;
	(pc) =	sbr.rel .LBB2_1-.Ltmp0, $4  }
0x1a: {  	s12 =	sadd.s32 s6, s8;
	s11 =	sadd.s32 s2, s8;
	s22 =	simm.s32 $0x7  }
0x1b: {  	s25 =	simm.s32 $0x2900;
	s2 =	simm.s32 $0x2;
	s6 =	simm.s32 $0x5  }
0x1c: {  	s7 =	simm.s32 $0x6;
	[dreg:$0xe] =	wrdreg s23;
	s13 =	sadd.s32 s0, s8  }
0x1d: {  	v0 =	vimm.f32 $0.0e+00;
	s23 =	simm.s32 $0x2800;
	s0 =	simm.s32 $0x6A00;
	s8 =	simm.s32 $0x0  }
.LBB2_6:
0x1e: {  	s9 =	stileid.u32  }
0x1f: {  	[bflag:$0x0] =	sbarrier.arrive $0xFFFF;
	s9 =	sshll.u32 s9, $0x6  }
0x20: {  	s10 =	sshrl.u32 s5, $0x3;
	s14 =	rddreg [dreg:$0xd];
	s9 =	sor.u32 $0x1C07, s9  }
0x21: {  	[hbm:s14], [sflag:s9] =	dma.local [spmem:s10], $0x2800  }
0x22: {  	_ =	swait.ge [sflag:s22], $0x2800  }
0x23: {  	s8 =	sadd.s32 $0x1, s8;
	s20 =	rddreg [dreg:$0xe]  }
0x24: {  	p0 =	sne.s32 s8, s20  }
.Ltmp1:
0x25: {  	_ = 	snop;
	(pc) =	sbr.rel @!p0 .LBB2_7-.Ltmp1, $3  }
0x26: {  	_ =	sdelay $0x1  }
0x27: {  	[sflag:s22] =	ssyncset.done $0x0  }
0x28: {  	[sflag:s22] =	ssyncadd.s32 $0xFFFFD800  }
.LBB2_1:
0x29: {  	s9 =	simm.s32 $0x0;
	s17 =	simm.s32 $0x200  }
.LBB2_2:
0x2a: {  	p0 =	sne.s32 s17, $0xFE00;
	[tilespmem:s9+$0x2A70] =	vst v0  }
0x2b: {  	[tilespmem:s9+$0x2A00] =	vst v0  }
0x2c: {  	[tilespmem:s9+$0x2A10] =	vst v0  }
.Ltmp2:
0x2d: {  	[tilespmem:s9+$0x2A20] =	vst v0;
	(pc) =	sbr.rel @p0 .LBB2_2-.Ltmp2, $4  }
0x2e: {  	[tilespmem:s9+$0x2A30] =	vst v0  }
0x2f: {  	[tilespmem:s9+$0x2A40] =	vst v0  }
0x30: {  	[tilespmem:s9+$0x2A50] =	vst v0  }
0x31: {  	[tilespmem:s9+$0x2A60] =	vst v0;
	s9 =	sshra.s32 s17, $0x2;
	s17 =	sadd.s32 $0x200, s17  }
0x32: {  	[tilespmem:s9+$0x2A70] =	vst v0  }
0x33: {  	[tilespmem:s9+$0x2A00] =	vst v0  }
0x34: {  	[tilespmem:s9+$0x2A10] =	vst v0  }
0x35: {  	[tilespmem:s9+$0x2A20] =	vst v0  }
0x36: {  	[tilespmem:s9+$0x2A30] =	vst v0  }
0x37: {  	[tilespmem:s9+$0x2A40] =	vst v0  }
0x38: {  	[tilespmem:s9+$0x2A50] =	vst v0  }
0x39: {  	[tilespmem:s9+$0x2A60] =	vst v0  }
0x3a: {  	[spmem:s5] =	stream.linear.scatter [tilespmem:s21], [sflag:$0x7], $0x4000, $0x38;
	[tilespmem:$0x1EA00] =	vst v63  }
0x3b: {  	_ =	swait.ge [sflag:s22], $0x4000  }
0x3c: {  	[sflag:s22] =	ssyncset.done $0x0  }
0x3d: {  	s10 =	rddreg [dreg:$0x4];
	[sflag:s22] =	ssyncadd.s32 $0xFFFFC000  }
0x3e: {  	[spmem:s10] =	stream.linear.scatter [tilespmem:s21], [sflag:$0x7], $0x4000, $0x38;
	[tilespmem:$0x1EA00] =	vst v63  }
0x3f: {  	_ =	swait.ge [sflag:s22], $0x4000  }
0x40: {  	[sflag:s22] =	ssyncset.done $0x0  }
0x41: {  	s14 =	rddreg [dreg:$0x5];
	[sflag:s22] =	ssyncadd.s32 $0xFFFFC000  }
0x42: {  	[spmem:s14] =	stream.linear.scatter [tilespmem:s21], [sflag:$0x7], $0x4000, $0x38;
	[tilespmem:$0x1EA00] =	vst v63  }
0x43: {  	_ =	swait.ge [sflag:s22], $0x4000  }
0x44: {  	[sflag:s22] =	ssyncset.done $0x0  }
0x45: {  	s15 =	rddreg [dreg:$0x6];
	[sflag:s22] =	ssyncadd.s32 $0xFFFFC000  }
0x46: {  	[spmem:s15] =	stream.linear.scatter [tilespmem:s21], [sflag:$0x7], $0x4000, $0x38;
	[tilespmem:$0x1EA00] =	vst v63  }
0x47: {  	_ =	swait.ge [sflag:s22], $0x4000  }
0x48: {  	[sflag:s22] =	ssyncset.done $0x0  }
0x49: {  	s16 =	rddreg [dreg:$0x7];
	[sflag:s22] =	ssyncadd.s32 $0xFFFFC000  }
0x4a: {  	[spmem:s16] =	stream.linear.scatter [tilespmem:s21], [sflag:$0x7], $0x4000, $0x38;
	[tilespmem:$0x1EA00] =	vst v63  }
0x4b: {  	_ =	swait.ge [sflag:s22], $0x4000  }
0x4c: {  	[sflag:s22] =	ssyncset.done $0x0  }
0x4d: {  	s9 =	simm.s32 $0x0;
	s10 =	rddreg [dreg:$0x9];
	[sflag:s22] =	ssyncadd.s32 $0xFFFFC000  }
0x4e: {  	[tilespmem:s9], [sflag:$0x7] =	stream.linear.gather [hbm4b:s10+s9], $0x2800, $0x38;
	[tilespmem:$0x1EA00] =	vst v63  }
0x4f: {  	_ =	swait.ge [sflag:s22], $0x2800  }
0x50: {  	[sflag:s22] =	ssyncset.done $0x0  }
0x51: {  	[sflag:s22] =	ssyncadd.s32 $0xFFFFD800  }
0x52: {  	[bflag:$0x0] =	sbarrier.arrive $0xFFFF  }
0x53: {  	s17 =	rddreg [dreg:$0x8]  }
0x54: {  	[tilespmem:s23], [sflag:$0x3] =	stream.linear.gather [hbm4b:s17+s9], $0x80, $0x38;
	[tilespmem:$0x1EA00] =	vst v63  }
0x55: {  	s18 =	rddreg [dreg:$0xa]  }
0x56: {  	[tilespmem:s24], [sflag:$0x4] =	stream.linear.gather [hbm4b:s18+s9], $0x80, $0x38;
	[tilespmem:$0x1EA00] =	vst v63  }
0x57: {  	s19 =	rddreg [dreg:$0xb]  }
0x58: {  	[tilespmem:s25], [sflag:$0x5] =	stream.linear.gather [hbm4b:s19+s9], $0x80, $0x38;
	[tilespmem:$0x1EA00] =	vst v63  }
0x59: {  	s20 =	rddreg [dreg:$0xc]  }
0x5a: {  	[tilespmem:s26], [sflag:$0x6] =	stream.linear.gather [hbm4b:s20+s9], $0x80, $0x38;
	[tilespmem:$0x1EA00] =	vst v63  }
0x5b: {  	_ =	swait.ge [sflag:s28], $0x80  }
0x5c: {  	s18 =	smov.u32 s13;
	s19 =	smov.u32 s12;
	[sflag:s28] =	ssyncset.done $0x0  }
0x5d: {  	s20 =	smov.u32 s11;
	s17 =	rddreg [dreg:$0xf];
	[sflag:s28] =	ssyncadd.s32 $0xFFFFFF80  }
0x5e: {  	[tilespmem:s21], [sflag:$0x1] =	stream.indirect.gather [hbm4b:s1+s29], $0x80, s23, s29, $0xb8;
	[tilespmem:$0x1EA00] =	vst v63  }
.LBB2_4:
0x5f: {  	_ =	swait.ge [sflag:s30], $0x4000  }
0x60: {  	[sflag:s30] =	ssyncset.done $0x0  }
0x61: {  	[sflag:s30] =	ssyncadd.s32 $0xFFFFC000  }
0x62: {  	_ =	swait.ge [sflag:s31], $0x80  }
0x63: {  	[sflag:s31] =	ssyncset.done $0x0  }
0x64: {  	[sflag:s31] =	ssyncadd.s32 $0xFFFFFF80  }
0x65: {  	[tilespmem:s0], [sflag:$0x2] =	stream.indirect.gather [hbm4b:s1+s29], $0x80, s24, s29, $0xb8;
	[tilespmem:$0x1EA00] =	vst v63  }
0x66: {  	s15 =	sshra.s32 s9, $0x2  }
0x67: {  	[spmem:s3] =	stream.indirect.scatter.add.f32 [tilespmem:s21], [sflag:$0x7], $0x80, s15, s29, $0xb8;
	[tilespmem:$0x1EA00] =	vst v63  }
0x68: {  	_ =	swait.ge [sflag:s22], $0x4000  }
0x69: {  	p0 =	seq.s32 s9, $0x9800;
	[sflag:s22] =	ssyncset.done $0x0  }
0x6a: {  	s16 =	simm.s32 @!p0 $0x0;
	s14 =	simm.s32 @!p0 $0x2800;
	[sflag:s22] =	ssyncadd.s32 $0xFFFFC000  }
0x6b: {  	[tilespmem:s14], [sflag:$0x3] =	stream.linear.gather @!p0 [hbm4b:s20+s16], $0x80, $0x38;
	[tilespmem:$0x1EA00] =	vst v63  }
0x6c: {  	_ =	swait.ge [sflag:s2], $0x4000  }
0x6d: {  	[sflag:s2] =	ssyncset.done $0x0  }
0x6e: {  	[sflag:s2] =	ssyncadd.s32 $0xFFFFC000  }
0x6f: {  	_ =	swait.ge [sflag:s6], $0x80  }
0x70: {  	[sflag:s6] =	ssyncset.done $0x0  }
0x71: {  	[sflag:s6] =	ssyncadd.s32 $0xFFFFFF80  }
0x72: {  	[tilespmem:s21], [sflag:$0x1] =	stream.indirect.gather [hbm4b:s1+s29], $0x80, s25, s29, $0xb8;
	[tilespmem:$0x1EA00] =	vst v63  }
0x73: {  	s10 =	sadd.s32 $0x80, s15  }
0x74: {  	[spmem:s3] =	stream.indirect.scatter.add.f32 [tilespmem:s0], [sflag:$0x7], $0x80, s10, s29, $0xb8;
	[tilespmem:$0x1EA00] =	vst v63  }
0x75: {  	_ =	swait.ge [sflag:s22], $0x4000  }
0x76: {  	[sflag:s22] =	ssyncset.done $0x0  }
0x77: {  	s14 =	simm.s32 @!p0 $0x2880;
	[sflag:s22] =	ssyncadd.s32 $0xFFFFC000  }
0x78: {  	[tilespmem:s14], [sflag:$0x4] =	stream.linear.gather @!p0 [hbm4b:s19+s16], $0x80, $0x38;
	[tilespmem:$0x1EA00] =	vst v63  }
0x79: {  	_ =	swait.ge [sflag:s30], $0x4000  }
0x7a: {  	[sflag:s30] =	ssyncset.done $0x0  }
0x7b: {  	[sflag:s30] =	ssyncadd.s32 $0xFFFFC000  }
0x7c: {  	_ =	swait.ge [sflag:s7], $0x80  }
0x7d: {  	[sflag:s7] =	ssyncset.done $0x0  }
0x7e: {  	[sflag:s7] =	ssyncadd.s32 $0xFFFFFF80  }
0x7f: {  	[tilespmem:s0], [sflag:$0x2] =	stream.indirect.gather [hbm4b:s1+s29], $0x80, s26, s29, $0xb8;
	[tilespmem:$0x1EA00] =	vst v63  }
0x80: {  	s10 =	sadd.s32 $0x100, s15  }
0x81: {  	[spmem:s3] =	stream.indirect.scatter.add.f32 [tilespmem:s21], [sflag:$0x7], $0x80, s10, s29, $0xb8;
	[tilespmem:$0x1EA00] =	vst v63  }
0x82: {  	_ =	swait.ge [sflag:s22], $0x4000  }
0x83: {  	p1 =	sne.s32 s9, $0x9800;
	[sflag:s22] =	ssyncset.done $0x0  }
0x84: {  	s14 =	simm.s32 @p1 $0x0;
	s16 =	simm.s32 @p1 $0x2900;
	[sflag:s22] =	ssyncadd.s32 $0xFFFFC000  }
0x85: {  	[tilespmem:s16], [sflag:$0x5] =	stream.linear.gather @p1 [hbm4b:s18+s14], $0x80, $0x38;
	[tilespmem:$0x1EA00] =	vst v63  }
0x86: {  	s14 =	simm.s32 @p1 $0x2  }
0x87: {  	_ =	swait.ge @p1 [sflag:s14], $0x4000  }
0x88: {  	[sflag:s14] =	ssyncset.done @p1 $0x0  }
0x89: {  	[sflag:s14] =	ssyncadd.s32 @p1 $0xFFFFC000;
	s14 =	simm.s32 @p1 $0x3  }
0x8a: {  	_ =	swait.ge @p1 [sflag:s14], $0x80  }
0x8b: {  	s10 =	simm.s32 @p1 $0x2A00;
	[sflag:s14] =	ssyncset.done @p1 $0x0  }
0x8c: {  	s16 =	simm.s32 @p1 $0x2800;
	[sflag:s14] =	ssyncadd.s32 @p1 $0xFFFFFF80;
	s14 =	simm.s32 @p1 $0x80  }
0x8d: {  	[tilespmem:s10], [sflag:$0x1] =	stream.indirect.gather @p1 [hbm4b:s1+s14], $0x80, s16, s14, $0xb8;
	[tilespmem:$0x1EA00] =	vst v63  }
0x8e: {  	s10 =	simm.s32 @!p1 $0x2  }
0x8f: {  	_ =	swait.ge @!p1 [sflag:s10], $0x4000  }
0x90: {  	[sflag:s10] =	ssyncset.done @!p1 $0x0  }
.Ltmp3:
0x91: {  	s16 =	sadd.s32 $0x180, s15;
	[sflag:s10] =	ssyncadd.s32 @!p1 $0xFFFFC000;
	(pc) =	sbr.rel @p0 .LBB2_6-.Ltmp3, $4  }
0x92: {  	[spmem:s3] =	stream.indirect.scatter.add.f32 [tilespmem:s0], [sflag:$0x7], $0x80, s16, s29, $0xb8;
	[tilespmem:$0x1EA00] =	vst v63  }
0x93: {  	_ =	swait.ge [sflag:s22], $0x4000  }
0x94: {  	[sflag:s22] =	ssyncset.done $0x0  }
0x95: {  	[sflag:s22] =	ssyncadd.s32 $0xFFFFC000  }
.Ltmp4:
0x96: {  	(pc) =	sbr.rel .LBB2_4-.Ltmp4, $4  }
0x97: {  	_ = 	snop  }
0x98: {  	[tilespmem:s26], [sflag:$0x6] =	stream.linear.gather [hbm4b:s17+s4], $0x80, $0x38;
	[tilespmem:$0x1EA00] =	vst v63  }
0x99: {  	s9 =	sadd.s32 $0x800, s9;
	s17 =	sadd.s32 $0x40, s17  }
0x9a: {  	s18 =	sadd.s32 $0x40, s18;
	s19 =	sadd.s32 $0x40, s19;
	s20 =	sadd.s32 $0x40, s20  }
.LBB2_7:
0x9b: {  	_ =	sfence.sel $0x180000  }
0x9c: {  	[bflag:$0x0] =	sbarrier.arrive $0xFFFF  }
0x9d: {  	_ =	strace $0x9000004A  }
0x9e: {  	s0 =	stileid.u32;
	[bflag:$0x2] =	sbarrier.arrive $0xFFFF  }
0x9f: {  	p0 =	sne.s32 s0, $0x0;
	s0 =	rddreg [dreg:$0x3]  }
0xa0: {  	s0 =	sadd.s32 @!p0 $0x100000, s0  }
0xa1: {  	[sflag:s0] =	ssyncadd.tile.s32 @!p0 $0x1;
	_ =	shalt  }
.Lfunc_end2:
_tile_overlayer_lowered:
.L_overlay_start_2:
0xa2: {  	(tag) =	ssettag $0x2  }
0xa3: {  	s0 =	rddreg [dreg:$0x0];
	s2 =	stileid.u32  }
0xa4: {  	s1 =	rddreg [dreg:$0x1];
	p0 =	sne.s32 s2, $0x0  }
0xa5: {  	s3 =	rddreg [dreg:$0x2];
	[bflag:$0x3] =	sbarrier.arrive $0xFFFF;
	s2 =	simm.s32 @!p0 $0x1C07  }
0xa6: {  	[timem:s3], [sflag:s2] =	dma.local @!p0 [hbm:s0], s1  }
0xa7: {  	s0 =	simm.s32 @!p0 $0x7  }
0xa8: {  	_ =	swait.ge @!p0 [sflag:s0], s1  }
0xa9: {  	s1 =	ssub.s32 @!p0 $0x0, s1;
	[sflag:s0] =	ssyncset.done @!p0 $0x0  }
0xaa: {  	[sflag:s0] =	ssyncadd.s32 @!p0 s1  }
0xab: {  	[bflag:$0x3] =	sbarrier.arrive $0xFFFF  }
0xac: {  	_ =	shalt  }

// kernel: kernel.20.cloned.1.call-start
scs
__scs_entry_jumppad:
0x0: {  	(pc) =	sbr.rel $0x88, $3  }
0x1: {  	(tag) =	ssettag $0x0;
	lr =	simm.s32 $0x1  }
0x2: {  	[smem:$0x3F95] =	sst lr;
	_ =	strace $0xD0000000  }
0x3: {  	_ = 	snop  }
0x4: {  	_ = 	snop  }
0x5: {  	_ = 	snop  }
0x6: {  	_ = 	snop  }
0x7: {  	_ = 	snop  }
__scs_overlays_trampoline_lowered:
0x8: {  	[smem:$0x3FA4] =	sst s0  }
0x9: {  	[smem:$0x3FA5] =	sst s1  }
0xa: {  	[smem:$0x3FA6] =	sst s2  }
0xb: {  	[smem:$0x3FA7] =	sst s3  }
0xc: {  	[smem:$0x3FA8] =	sst s4  }
0xd: {  	[smem:$0x3FA9] =	sst s5  }
0xe: {  	[smem:$0x3FAA] =	sst s6  }
0xf: {  	[smem:$0x3FAB] =	sst s7  }
0x10: {  	[smem:$0x3FAC] =	sst s8  }
0x11: {  	[smem:$0x3FAD] =	sst s9;
	s0 =	simm.s32 @!p0 $0x0  }
0x12: {  	s1 =	sld [smem:$0x3F93];
	s0 =	simm.s32 @p0 $0x1  }
0x13: {  	[smem:$0x3FAE] =	sst s0;
	s0 =	simm.s32 @!p1 $0x0  }
0x14: {  	s2 =	sld [smem:$0x3F92];
	s0 =	simm.s32 @p1 $0x1  }
0x15: {  	[smem:$0x3FAF] =	sst s0;
	s0 =	simm.s32 @!p2 $0x0  }
0x16: {  	s3 =	sld [smem:$0x3FDB];
	s0 =	simm.s32 @p2 $0x1  }
0x17: {  	s4 =	simm.s32 $0x1BF5;
	[smem:$0x3FB1] =	sst s0  }
0x18: {  	s0 =	sld [smem:$0x3F94];
	_ =	swait.ge [sflag:s4], $0x0  }
0x19: {  	s7 =	sld [smem:$0x3F95]  }
0x1a: {  	s8 =	sadd.s32 $0xFFFFE003, lr  }
0x1b: {  	s9 =	sadd.s32 $0xFFFFFEF7, lr;
	s5 =	simm.s32 $0xFFFFFFFF;
	p2 =	slt.u32 s8, $0xFFFFF086  }
0x1c: {  	p1 =	slt.u32 s9, $0xF7A;
	s5 =	simm.s32 @!p2 $0x0  }
0x1d: {  	s5 =	simm.s32 @p1 $0x1;
	p0 =	seq.s32 s7, s2  }
0x1e: {  	s7 =	smul.u32 @!p0 $0xF7A, s2;
	p2 =	seq.s32 @!p0 s5, $0x0  }
0x1f: {  	s9 =	smul.u32 $0xF7A, s1;
	s8 =	simm.s32 @!p0 $0x1BF5;
	p2 =	por !p2, p0  }
0x20: {  	[sflag:s8] =	ssyncset.s32 @!p0 $0xFFFFF086;
	s6 =	sadd.s32 @!p0 s3, s7;
	s7 =	simm.s32 @!p0 $0x108  }
0x21: {  	s3 =	sadd.s32 s3, s9;
	s6 =	sadd.s32 @!p0 $0x88, s6;
	s7 =	simm.s32 @p2 $0x1082  }
0x22: {  	[simem:s7], [sflag:s8] =	dma.local @!p0 [hbm:s6], $0xF7A  }
0x23: {  	s9 =	sor.u32 $0xD0000000, s2;
	s6 =	simm.s32 $0x108;
	_ =	swait.ge @!p0 [sflag:s8], $0x0  }
0x24: {  	s3 =	sadd.s32 $0x88, s3;
	s6 =	simm.s32 @!p1 $0x1082;
	[sflag:s4] =	ssyncset.s32 $0xFFFFF086  }
0x25: {  	[simem:s6], [sflag:s4] =	dma.local [hbm:s3], $0xF7A  }
0x26: {  	[smem:$0x3F95] =	sst s1;
	(tag) =	ssettag s2;
	_ =	strace s9  }
0x27: {  	s1 =	sld [smem:$0x3FA5]  }
0x28: {  	s2 =	sld [smem:$0x3FA6]  }
0x29: {  	s4 =	sld [smem:$0x3FA8]  }
0x2a: {  	p0 =	seq.s32 s5, $0x0;
	s5 =	sld [smem:$0x3FA9]  }
0x2b: {  	s6 =	sld [smem:$0x3FAA]  }
0x2c: {  	s7 =	sld [smem:$0x3FAB]  }
0x2d: {  	s3 =	simm.s32 $0x108;
	s8 =	sld [smem:$0x3FAC]  }
0x2e: {  	s3 =	simm.s32 @!p0 $0x1082;
	s9 =	sld [smem:$0x3FAD]  }
0x2f: {  	lr =	sadd.s32 s0, s3;
	s0 =	sld [smem:$0x3FA4]  }
0x30: {  	s3 =	sld [smem:$0x3FA7]  }
0x31: {  	[smem:$0x3FB0] =	sst s10  }
0x32: {  	s10 =	sld [smem:$0x3FAE];
	_ =	sdelay $0x3  }
0x33: {  	p0 =	seq.s32 s10, $0x1;
	s10 =	sld [smem:$0x3FB0];
	_ =	sdelay $0x3  }
0x34: {  	[smem:$0x3FB0] =	sst s10  }
0x35: {  	s10 =	sld [smem:$0x3FAF];
	_ =	sdelay $0x3  }
0x36: {  	p1 =	seq.s32 s10, $0x1;
	s10 =	sld [smem:$0x3FB0];
	_ =	sdelay $0x3  }
0x37: {  	[smem:$0x3FB0] =	sst s10  }
0x38: {  	s10 =	sld [smem:$0x3FB1]  }
0x39: {  	_ = 	snop;
	(pc) =	sbr.ind lr, $3  }
0x3a: {  	_ = 	snop  }
0x3b: {  	_ = 	snop  }
0x3c: {  	p2 =	seq.s32 s10, $0x1;
	s10 =	sld [smem:$0x3FB0]  }
0x3d: {  	_ =	shalt  }
0x3e: {  	_ =	shalt  }
0x3f: {  	_ =	shalt  }
0x40: {  	_ =	shalt  }
0x41: {  	_ =	shalt  }
0x42: {  	_ =	shalt  }
0x43: {  	_ =	shalt  }
0x44: {  	_ =	shalt  }
0x45: {  	_ =	shalt  }
0x46: {  	_ =	shalt  }
0x47: {  	_ =	shalt  }
0x48: {  	_ =	shalt  }
0x49: {  	_ =	shalt  }
0x4a: {  	_ =	shalt  }
0x4b: {  	_ =	shalt  }
0x4c: {  	_ =	shalt  }
0x4d: {  	_ =	shalt  }
0x4e: {  	_ =	shalt  }
0x4f: {  	_ =	shalt  }
0x50: {  	_ =	shalt  }
0x51: {  	_ =	shalt  }
0x52: {  	_ =	shalt  }
0x53: {  	_ =	shalt  }
0x54: {  	_ =	shalt  }
0x55: {  	_ =	shalt  }
0x56: {  	_ =	shalt  }
0x57: {  	_ =	shalt  }
0x58: {  	_ =	shalt  }
0x59: {  	_ =	shalt  }
0x5a: {  	_ =	shalt  }
0x5b: {  	_ =	shalt  }
0x5c: {  	_ =	shalt  }
0x5d: {  	_ =	shalt  }
0x5e: {  	_ =	shalt  }
0x5f: {  	_ =	shalt  }
0x60: {  	_ =	shalt  }
0x61: {  	_ =	shalt  }
0x62: {  	_ =	shalt  }
0x63: {  	_ =	shalt  }
0x64: {  	_ =	shalt  }
0x65: {  	_ =	shalt  }
0x66: {  	_ =	shalt  }
0x67: {  	_ =	shalt  }
0x68: {  	_ =	shalt  }
0x69: {  	_ =	shalt  }
0x6a: {  	_ =	shalt  }
0x6b: {  	_ =	shalt  }
0x6c: {  	_ =	shalt  }
0x6d: {  	_ =	shalt  }
0x6e: {  	_ =	shalt  }
0x6f: {  	_ =	shalt  }
0x70: {  	_ =	shalt  }
0x71: {  	_ =	shalt  }
0x72: {  	_ =	shalt  }
0x73: {  	_ =	shalt  }
0x74: {  	_ =	shalt  }
0x75: {  	_ =	shalt  }
0x76: {  	_ =	shalt  }
0x77: {  	_ =	shalt  }
0x78: {  	_ =	shalt  }
0x79: {  	_ =	shalt  }
0x7a: {  	_ =	shalt  }
0x7b: {  	_ =	shalt  }
0x7c: {  	_ =	shalt  }
0x7d: {  	_ =	shalt  }
0x7e: {  	_ =	shalt  }
0x7f: {  	_ =	shalt  }
0x80: {  	_ =	shalt  }
0x81: {  	_ =	shalt  }
0x82: {  	_ =	shalt  }
0x83: {  	_ =	shalt  }
0x84: {  	_ =	shalt  }
0x85: {  	_ =	shalt  }
0x86: {  	_ =	shalt  }
0x87: {  	_ =	shalt  }
.Lfunc_end0:
.L_simem_size_0:
called_computation.2_lowered:
.L_overlay_start_0:
0x88: {  	s2 =	sld [smem:$0x3FD9]  }
0x89: {  	s3 =	sld [smem:$0x3FFE];
	_ =	sdelay $0x1  }
0x8a: {  	s1 =	srdreg.scid  }
0x8b: {  	s0 =	sand.u32 $0x1, s1  }
0x8c: {  	s17 =	sshll.u32 s0, $0xA;
	s2 =	sadd.s32 s3, s2  }
0x8d: {  	s2 =	sadd.s32 s2, s17  }
0x8e: {  	[smem:$0x3FBC] =	sst s2  }
0x8f: {  	_ = 	snop  }
0x90: {  	s2 =	sld [smem:$0x3FD0];
	(tm) =	ssettm $0x1  }
0x91: {  	s18 =	sld [smem:$0x3FFB];
	_ =	sdelay $0x3  }
0x92: {  	_ =	strace s18  }
0x93: {  	s3 =	sld [smem:$0x3FFC];
	_ =	sdelay $0x3  }
0x94: {  	_ =	strace s3  }
0x95: {  	s3 =	sld [smem:$0x3FFD];
	_ =	sdelay $0x3  }
0x96: {  	_ =	strace s3  }
0x97: {  	_ =	strace $0x8FFFFFFF  }
0x98: {  	s19 =	sld [smem:$0x3FDB];
	_ =	sdelay $0x1  }
0x99: {  	s4 =	simm.s32 $_scs_section_size  }
0x9a: {  	s5 =	simm.s32 $_size__tile_overlayer_lowered;
	s6 =	simm.s32 $_tile_overlayer_lowered  }
0x9b: {  	s22 =	simm.s32 $0x1BFF;
	s21 =	sshll.u32 s6, $0x1;
	s3 =	sadd.s32 s4, s19  }
0x9c: {  	s7 =	simm.s32 $0x0;
	s20 =	sshll.u32 s5, $0x1;
	s5 =	sadd.s32 s21, s3  }
0x9d: {  	[timem:s7], [sflag:s22] =	dma.local [hbm:s5], s20  }
0x9e: {  	_ =	swait.ge [sflag:s22], s20  }
0x9f: {  	s4 =	ssub.s32 $0x0, s20;
	[sflag:s22] =	ssyncset.done $0x0  }
0xa0: {  	[sflag:s22] =	ssyncadd.s32 s4;
	_ =	sdelay $0x1  }
0xa1: {  	s23 =	simm.s32 $0x1B8B  }
0xa2: {  	_ =	swait.ge [sflag:s23], $0x1  }
0xa3: {  	[sflag:s23] =	ssyncset.done $0x0  }
0xa4: {  	s25 =	simm.s32 $0x1B8E;
	s24 =	sld [smem:$0x3FFE];
	[sflag:s23] =	ssyncadd.s32 $0xFFFFFFFF  }
0xa5: {  	s26 =	simm.s32 $execute0_lowered;
	[smem:$0x3FD2] =	sst s25  }
0xa6: {  	s5 =	sshll.u32 s26, $0x1;
	_ =	strace $0x8000004C;
	[dreg:$0x1] =	wrdreg $0xFFFFFFFF  }
0xa7: {  	s28 =	simm.s32 $_size_execute0_lowered;
	s3 =	sadd.s32 s3, s5;
	[dreg:$0x0] =	wrdreg $0x0  }
0xa8: {  	s5 =	sshll.u32 s28, $0x1;
	[dreg:$0x2] =	wrdreg s3  }
0xa9: {  	[dreg:$0x3] =	wrdreg s5  }
0xaa: {  	[dreg:$0x4] =	wrdreg $0xC0  }
0xab: {  	_ =	task [dreg:s7], $0x5FFFF  }
0xac: {  	[dreg:$0x1] =	wrdreg $0xFFFFFFFF  }
0xad: {  	[dreg:$0x0] =	wrdreg $0x60  }
0xae: {  	[dreg:$0x2] =	wrdreg s2  }
0xaf: {  	[dreg:$0x3] =	wrdreg s24  }
0xb0: {  	[dreg:$0x4] =	wrdreg $0xAA000  }
0xb1: {  	[dreg:$0x5] =	wrdreg $0x9  }
0xb2: {  	_ =	task.clear_ibuf [dreg:s7], $0x6FFFF;
	_ =	strace $0x9000004C  }
0xb3: {  	s29 =	simm.s32 $0x9;
	_ =	strace $0x8000004E  }
0xb4: {  	_ =	swait.ge [sflag:s29], $0x1  }
0xb5: {  	[sflag:s29] =	ssyncadd.s32 $0xFFFFFFFF  }
0xb6: {  	_ =	strace $0x9000004E  }
0xb7: {  	_ =	sfence  }
0xb8: {  	s30 =	sld [smem:$0x0];
	_ =	sdelay $0x2  }
0xb9: {  	s31 =	sshll.u32 s1, $0xD;
	s1 =	sshrl.u32 s1, $0x2  }
0xba: {  	s3 =	sand.u32 $0x4000, s31;
	s1 =	sadd.s32 s1, s30  }
0xbb: {  	s0 =	sor.u32 s3, s0;
	s1 =	sshll.u32 s1, $0x11  }
0xbc: {  	s0 =	sor.u32 s1, s0  }
0xbd: {  	s0 =	sadd.s32 $0x8F2B, s0  }
0xbe: {  	[sflag:s0] =	ssyncadd.remote.s32 $0x1  }
0xbf: {  	_ =	sfence.sel $0xFFFF  }
0xc0: {  	[dreg:$0x0] =	wrdreg $0xFFFFFFFF;
	(pc) =	sbr.abs _section_cstart, $3  }
0xc1: {  	[dreg:$0x1] =	wrdreg $0xFFFFFFFF  }
0xc2: {  	_ =	task.clear_ibuf [dreg:s7], $0x2FFFF;
	_ =	strace $0x9FFFFFFF  }
0xc3: {  	(tm) =	ssettm $0x7FFFFFFF  }
tec
execute0_lowered:
.L_overlay_start_1:
0x0: {  	(tag) =	ssettag $0x1  }
0x1: {  	s1 =	rddreg [dreg:$0x0]  }
0x2: {  	s0 =	rddreg [dreg:$0x1]  }
0x3: {  	s3 =	rddreg [dreg:$0x2]  }
0x4: {  	s2 =	srdreg.scid;
	s12 =	stileid.u32  }
0x5: {  	s4 =	simm.s32 $0x0;
	s28 =	simm.s32 $0x3;
	s7 =	smul.u32 $0x14000, s12  }
0x6: {  	s29 =	simm.s32 $0x80;
	s30 =	simm.s32 $0x1;
	s11 =	smul.u32 $0x50000, s12  }
0x7: {  	s31 =	simm.s32 $0x4;
	s2 =	sand.u32 $0x1, s2;
	s14 =	smul.u32 $0x2800, s12  }
0x8: {  	[smem:$0x7FF] =	sst s4;
	s5 =	sshll.u32 s2, $0x4;
	s6 =	smul.u32 $0x140000, s2  }
0x9: {  	s13 =	ssub.s32 $0x2, s2;
	s2 =	smul.u32 $0x28000, s2;
	s5 =	sor.u32 s12, s5  }
0xa: {  	s8 =	sadd.s32 $0x5F000, s0;
	s5 =	smul.u32 $0x2800, s5;
	s6 =	sadd.s32 s7, s6  }
0xb: {  	_ =	strace $0x8000004D;
	s10 =	sshrl.u32 s6, $0x3;
	s6 =	sshrl.u32 s11, $0x2  }
0xc: {  	s2 =	sadd.s32 s14, s2;
	s26 =	sshrl.u32 s5, $0x3;
	s5 =	sadd.s32 s6, s3  }
0xd: {  	s21 =	sor.u32 $0x380, s2;
	s25 =	sor.u32 $0x300, s2;
	s15 =	sadd.s32 $0x4000, s5  }
0xe: {  	s6 =	sshrl.u32 s21, $0x3;
	s16 =	sadd.s32 $0x8000, s5;
	[dreg:$0x4] =	wrdreg s15  }
0xf: {  	s21 =	simm.s32 $0x2A00;
	s17 =	sadd.s32 $0xC000, s5;
	[dreg:$0x5] =	wrdreg s16  }
0x10: {  	s9 =	sadd.s32 s26, s0;
	s18 =	sadd.s32 $0x10000, s5;
	[dreg:$0x6] =	wrdreg s17  }
0x11: {  	s0 =	sadd.s32 s10, s0;
	s7 =	sadd.s32 s8, s26;
	[dreg:$0x7] =	wrdreg s18  }
0x12: {  	s10 =	sshrl.u32 s13, $0x1;
	s24 =	sadd.s32 s6, s8;
	[dreg:$0x8] =	wrdreg s7  }
0x13: {  	s26 =	sor.u32 $0x280, s2;
	s19 =	sadd.s32 $0x5000, s9;
	[dreg:$0xf] =	wrdreg s24  }
0x14: {  	s2 =	sor.u32 $0x200, s2;
	s20 =	sadd.s32 $0x10, s7;
	[dreg:$0x9] =	wrdreg s19  }
0x15: {  	s11 =	ssub.s32 s13, s10;
	s22 =	sadd.s32 $0x20, s7;
	[dreg:$0xa] =	wrdreg s20  }
0x16: {  	s7 =	sadd.s32 $0x30, s7;
	s0 =	sadd.s32 $0xF000, s0;
	[dreg:$0xb] =	wrdreg s22  }
0x17: {  	s6 =	sshrl.u32 s26, $0x3;
	s2 =	sshrl.u32 s2, $0x3;
	[dreg:$0xc] =	wrdreg s7  }
0x18: {  	s24 =	simm.s32 $0x2880;
	s26 =	simm.s32 $0x2980;
	[dreg:$0xd] =	wrdreg s0  }
.Ltmp0:
0x19: {  	s23 =	smax.u32 s11, $0x1;
	s0 =	sshrl.u32 s25, $0x3;
	(pc) =	sbr.rel .LBB2_1-.Ltmp0, $4  }
0x1a: {  	s12 =	sadd.s32 s6, s8;
	s11 =	sadd.s32 s2, s8;
	s22 =	simm.s32 $0x7  }
0x1b: {  	s25 =	simm.s32 $0x2900;
	s2 =	simm.s32 $0x2;
	s6 =	simm.s32 $0x5  }
0x1c: {  	s7 =	simm.s32 $0x6;
	[dreg:$0xe] =	wrdreg s23;
	s13 =	sadd.s32 s0, s8  }
0x1d: {  	v0 =	vimm.f32 $0.0e+00;
	s23 =	simm.s32 $0x2800;
	s0 =	simm.s32 $0x6A00;
	s8 =	simm.s32 $0x0  }
.LBB2_6:
0x1e: {  	s9 =	stileid.u32  }
0x1f: {  	[bflag:$0x0] =	sbarrier.arrive $0xFFFF;
	s9 =	sshll.u32 s9, $0x6  }
0x20: {  	s10 =	sshrl.u32 s5, $0x3;
	s14 =	rddreg [dreg:$0xd];
	s9 =	sor.u32 $0x1C07, s9  }
0x21: {  	[hbm:s14], [sflag:s9] =	dma.local [spmem:s10], $0x2800  }
0x22: {  	_ =	swait.ge [sflag:s22], $0x2800  }
0x23: {  	s8 =	sadd.s32 $0x1, s8;
	s20 =	rddreg [dreg:$0xe]  }
0x24: {  	p0 =	sne.s32 s8, s20  }
.Ltmp1:
0x25: {  	_ = 	snop;
	(pc) =	sbr.rel @!p0 .LBB2_7-.Ltmp1, $3  }
0x26: {  	_ =	sdelay $0x1  }
0x27: {  	[sflag:s22] =	ssyncset.done $0x0  }
0x28: {  	[sflag:s22] =	ssyncadd.s32 $0xFFFFD800  }
.LBB2_1:
0x29: {  	s9 =	simm.s32 $0x0;
	s17 =	simm.s32 $0x200  }
.LBB2_2:
0x2a: {  	p0 =	sne.s32 s17, $0xFE00;
	[tilespmem:s9+$0x2A70] =	vst v0  }
0x2b: {  	[tilespmem:s9+$0x2A00] =	vst v0  }
0x2c: {  	[tilespmem:s9+$0x2A10] =	vst v0  }
.Ltmp2:
0x2d: {  	[tilespmem:s9+$0x2A20] =	vst v0;
	(pc) =	sbr.rel @p0 .LBB2_2-.Ltmp2, $4  }
0x2e: {  	[tilespmem:s9+$0x2A30] =	vst v0  }
0x2f: {  	[tilespmem:s9+$0x2A40] =	vst v0  }
0x30: {  	[tilespmem:s9+$0x2A50] =	vst v0  }
0x31: {  	[tilespmem:s9+$0x2A60] =	vst v0;
	s9 =	sshra.s32 s17, $0x2;
	s17 =	sadd.s32 $0x200, s17  }
0x32: {  	[tilespmem:s9+$0x2A70] =	vst v0  }
0x33: {  	[tilespmem:s9+$0x2A00] =	vst v0  }
0x34: {  	[tilespmem:s9+$0x2A10] =	vst v0  }
0x35: {  	[tilespmem:s9+$0x2A20] =	vst v0  }
0x36: {  	[tilespmem:s9+$0x2A30] =	vst v0  }
0x37: {  	[tilespmem:s9+$0x2A40] =	vst v0  }
0x38: {  	[tilespmem:s9+$0x2A50] =	vst v0  }
0x39: {  	[tilespmem:s9+$0x2A60] =	vst v0  }
0x3a: {  	[spmem:s5] =	stream.linear.scatter [tilespmem:s21], [sflag:$0x7], $0x4000, $0x38;
	[tilespmem:$0x1EA00] =	vst v63  }
0x3b: {  	_ =	swait.ge [sflag:s22], $0x4000  }
0x3c: {  	[sflag:s22] =	ssyncset.done $0x0  }
0x3d: {  	s10 =	rddreg [dreg:$0x4];
	[sflag:s22] =	ssyncadd.s32 $0xFFFFC000  }
0x3e: {  	[spmem:s10] =	stream.linear.scatter [tilespmem:s21], [sflag:$0x7], $0x4000, $0x38;
	[tilespmem:$0x1EA00] =	vst v63  }
0x3f: {  	_ =	swait.ge [sflag:s22], $0x4000  }
0x40: {  	[sflag:s22] =	ssyncset.done $0x0  }
0x41: {  	s14 =	rddreg [dreg:$0x5];
	[sflag:s22] =	ssyncadd.s32 $0xFFFFC000  }
0x42: {  	[spmem:s14] =	stream.linear.scatter [tilespmem:s21], [sflag:$0x7], $0x4000, $0x38;
	[tilespmem:$0x1EA00] =	vst v63  }
0x43: {  	_ =	swait.ge [sflag:s22], $0x4000  }
0x44: {  	[sflag:s22] =	ssyncset.done $0x0  }
0x45: {  	s15 =	rddreg [dreg:$0x6];
	[sflag:s22] =	ssyncadd.s32 $0xFFFFC000  }
0x46: {  	[spmem:s15] =	stream.linear.scatter [tilespmem:s21], [sflag:$0x7], $0x4000, $0x38;
	[tilespmem:$0x1EA00] =	vst v63  }
0x47: {  	_ =	swait.ge [sflag:s22], $0x4000  }
0x48: {  	[sflag:s22] =	ssyncset.done $0x0  }
0x49: {  	s16 =	rddreg [dreg:$0x7];
	[sflag:s22] =	ssyncadd.s32 $0xFFFFC000  }
0x4a: {  	[spmem:s16] =	stream.linear.scatter [tilespmem:s21], [sflag:$0x7], $0x4000, $0x38;
	[tilespmem:$0x1EA00] =	vst v63  }
0x4b: {  	_ =	swait.ge [sflag:s22], $0x4000  }
0x4c: {  	[sflag:s22] =	ssyncset.done $0x0  }
0x4d: {  	s9 =	simm.s32 $0x0;
	s10 =	rddreg [dreg:$0x9];
	[sflag:s22] =	ssyncadd.s32 $0xFFFFC000  }
0x4e: {  	[tilespmem:s9], [sflag:$0x7] =	stream.linear.gather [hbm4b:s10+s9], $0x2800, $0x38;
	[tilespmem:$0x1EA00] =	vst v63  }
0x4f: {  	_ =	swait.ge [sflag:s22], $0x2800  }
0x50: {  	[sflag:s22] =	ssyncset.done $0x0  }
0x51: {  	[sflag:s22] =	ssyncadd.s32 $0xFFFFD800  }
0x52: {  	[bflag:$0x0] =	sbarrier.arrive $0xFFFF  }
0x53: {  	s17 =	rddreg [dreg:$0x8]  }
0x54: {  	[tilespmem:s23], [sflag:$0x3] =	stream.linear.gather [hbm4b:s17+s9], $0x80, $0x38;
	[tilespmem:$0x1EA00] =	vst v63  }
0x55: {  	s18 =	rddreg [dreg:$0xa]  }
0x56: {  	[tilespmem:s24], [sflag:$0x4] =	stream.linear.gather [hbm4b:s18+s9], $0x80, $0x38;
	[tilespmem:$0x1EA00] =	vst v63  }
0x57: {  	s19 =	rddreg [dreg:$0xb]  }
0x58: {  	[tilespmem:s25], [sflag:$0x5] =	stream.linear.gather [hbm4b:s19+s9], $0x80, $0x38;
	[tilespmem:$0x1EA00] =	vst v63  }
0x59: {  	s20 =	rddreg [dreg:$0xc]  }
0x5a: {  	[tilespmem:s26], [sflag:$0x6] =	stream.linear.gather [hbm4b:s20+s9], $0x80, $0x38;
	[tilespmem:$0x1EA00] =	vst v63  }
0x5b: {  	_ =	swait.ge [sflag:s28], $0x80  }
0x5c: {  	s18 =	smov.u32 s13;
	s19 =	smov.u32 s12;
	[sflag:s28] =	ssyncset.done $0x0  }
0x5d: {  	s20 =	smov.u32 s11;
	s17 =	rddreg [dreg:$0xf];
	[sflag:s28] =	ssyncadd.s32 $0xFFFFFF80  }
0x5e: {  	[tilespmem:s21], [sflag:$0x1] =	stream.indirect.gather [hbm4b:s1+s29], $0x80, s23, s29, $0xb8;
	[tilespmem:$0x1EA00] =	vst v63  }
.LBB2_4:
0x5f: {  	_ =	swait.ge [sflag:s30], $0x4000  }
0x60: {  	[sflag:s30] =	ssyncset.done $0x0  }
0x61: {  	[sflag:s30] =	ssyncadd.s32 $0xFFFFC000  }
0x62: {  	_ =	swait.ge [sflag:s31], $0x80  }
0x63: {  	[sflag:s31] =	ssyncset.done $0x0  }
0x64: {  	[sflag:s31] =	ssyncadd.s32 $0xFFFFFF80  }
0x65: {  	[tilespmem:s0], [sflag:$0x2] =	stream.indirect.gather [hbm4b:s1+s29], $0x80, s24, s29, $0xb8;
	[tilespmem:$0x1EA00] =	vst v63  }
0x66: {  	s15 =	sshra.s32 s9, $0x2  }
0x67: {  	[spmem:s3] =	stream.indirect.scatter.add.f32 [tilespmem:s21], [sflag:$0x7], $0x80, s15, s29, $0xb8;
	[tilespmem:$0x1EA00] =	vst v63  }
0x68: {  	_ =	swait.ge [sflag:s22], $0x4000  }
0x69: {  	p0 =	seq.s32 s9, $0x9800;
	[sflag:s22] =	ssyncset.done $0x0  }
0x6a: {  	s16 =	simm.s32 @!p0 $0x0;
	s14 =	simm.s32 @!p0 $0x2800;
	[sflag:s22] =	ssyncadd.s32 $0xFFFFC000  }
0x6b: {  	[tilespmem:s14], [sflag:$0x3] =	stream.linear.gather @!p0 [hbm4b:s20+s16], $0x80, $0x38;
	[tilespmem:$0x1EA00] =	vst v63  }
0x6c: {  	_ =	swait.ge [sflag:s2], $0x4000  }
0x6d: {  	[sflag:s2] =	ssyncset.done $0x0  }
0x6e: {  	[sflag:s2] =	ssyncadd.s32 $0xFFFFC000  }
0x6f: {  	_ =	swait.ge [sflag:s6], $0x80  }
0x70: {  	[sflag:s6] =	ssyncset.done $0x0  }
0x71: {  	[sflag:s6] =	ssyncadd.s32 $0xFFFFFF80  }
0x72: {  	[tilespmem:s21], [sflag:$0x1] =	stream.indirect.gather [hbm4b:s1+s29], $0x80, s25, s29, $0xb8;
	[tilespmem:$0x1EA00] =	vst v63  }
0x73: {  	s10 =	sadd.s32 $0x80, s15  }
0x74: {  	[spmem:s3] =	stream.indirect.scatter.add.f32 [tilespmem:s0], [sflag:$0x7], $0x80, s10, s29, $0xb8;
	[tilespmem:$0x1EA00] =	vst v63  }
0x75: {  	_ =	swait.ge [sflag:s22], $0x4000  }
0x76: {  	[sflag:s22] =	ssyncset.done $0x0  }
0x77: {  	s14 =	simm.s32 @!p0 $0x2880;
	[sflag:s22] =	ssyncadd.s32 $0xFFFFC000  }
0x78: {  	[tilespmem:s14], [sflag:$0x4] =	stream.linear.gather @!p0 [hbm4b:s19+s16], $0x80, $0x38;
	[tilespmem:$0x1EA00] =	vst v63  }
0x79: {  	_ =	swait.ge [sflag:s30], $0x4000  }
0x7a: {  	[sflag:s30] =	ssyncset.done $0x0  }
0x7b: {  	[sflag:s30] =	ssyncadd.s32 $0xFFFFC000  }
0x7c: {  	_ =	swait.ge [sflag:s7], $0x80  }
0x7d: {  	[sflag:s7] =	ssyncset.done $0x0  }
0x7e: {  	[sflag:s7] =	ssyncadd.s32 $0xFFFFFF80  }
0x7f: {  	[tilespmem:s0], [sflag:$0x2] =	stream.indirect.gather [hbm4b:s1+s29], $0x80, s26, s29, $0xb8;
	[tilespmem:$0x1EA00] =	vst v63  }
0x80: {  	s10 =	sadd.s32 $0x100, s15  }
0x81: {  	[spmem:s3] =	stream.indirect.scatter.add.f32 [tilespmem:s21], [sflag:$0x7], $0x80, s10, s29, $0xb8;
	[tilespmem:$0x1EA00] =	vst v63  }
0x82: {  	_ =	swait.ge [sflag:s22], $0x4000  }
0x83: {  	p1 =	sne.s32 s9, $0x9800;
	[sflag:s22] =	ssyncset.done $0x0  }
0x84: {  	s14 =	simm.s32 @p1 $0x0;
	s16 =	simm.s32 @p1 $0x2900;
	[sflag:s22] =	ssyncadd.s32 $0xFFFFC000  }
0x85: {  	[tilespmem:s16], [sflag:$0x5] =	stream.linear.gather @p1 [hbm4b:s18+s14], $0x80, $0x38;
	[tilespmem:$0x1EA00] =	vst v63  }
0x86: {  	s14 =	simm.s32 @p1 $0x2  }
0x87: {  	_ =	swait.ge @p1 [sflag:s14], $0x4000  }
0x88: {  	[sflag:s14] =	ssyncset.done @p1 $0x0  }
0x89: {  	[sflag:s14] =	ssyncadd.s32 @p1 $0xFFFFC000;
	s14 =	simm.s32 @p1 $0x3  }
0x8a: {  	_ =	swait.ge @p1 [sflag:s14], $0x80  }
0x8b: {  	s10 =	simm.s32 @p1 $0x2A00;
	[sflag:s14] =	ssyncset.done @p1 $0x0  }
0x8c: {  	s16 =	simm.s32 @p1 $0x2800;
	[sflag:s14] =	ssyncadd.s32 @p1 $0xFFFFFF80;
	s14 =	simm.s32 @p1 $0x80  }
0x8d: {  	[tilespmem:s10], [sflag:$0x1] =	stream.indirect.gather @p1 [hbm4b:s1+s14], $0x80, s16, s14, $0xb8;
	[tilespmem:$0x1EA00] =	vst v63  }
0x8e: {  	s10 =	simm.s32 @!p1 $0x2  }
0x8f: {  	_ =	swait.ge @!p1 [sflag:s10], $0x4000  }
0x90: {  	[sflag:s10] =	ssyncset.done @!p1 $0x0  }
.Ltmp3:
0x91: {  	s16 =	sadd.s32 $0x180, s15;
	[sflag:s10] =	ssyncadd.s32 @!p1 $0xFFFFC000;
	(pc) =	sbr.rel @p0 .LBB2_6-.Ltmp3, $4  }
0x92: {  	[spmem:s3] =	stream.indirect.scatter.add.f32 [tilespmem:s0], [sflag:$0x7], $0x80, s16, s29, $0xb8;
	[tilespmem:$0x1EA00] =	vst v63  }
0x93: {  	_ =	swait.ge [sflag:s22], $0x4000  }
0x94: {  	[sflag:s22] =	ssyncset.done $0x0  }
0x95: {  	[sflag:s22] =	ssyncadd.s32 $0xFFFFC000  }
.Ltmp4:
0x96: {  	(pc) =	sbr.rel .LBB2_4-.Ltmp4, $4  }
0x97: {  	_ = 	snop  }
0x98: {  	[tilespmem:s26], [sflag:$0x6] =	stream.linear.gather [hbm4b:s17+s4], $0x80, $0x38;
	[tilespmem:$0x1EA00] =	vst v63  }
0x99: {  	s9 =	sadd.s32 $0x800, s9;
	s17 =	sadd.s32 $0x40, s17  }
0x9a: {  	s18 =	sadd.s32 $0x40, s18;
	s19 =	sadd.s32 $0x40, s19;
	s20 =	sadd.s32 $0x40, s20  }
.LBB2_7:
0x9b: {  	_ =	sfence.sel $0x180000  }
0x9c: {  	[bflag:$0x0] =	sbarrier.arrive $0xFFFF  }
0x9d: {  	_ =	strace $0x9000004D  }
0x9e: {  	s0 =	stileid.u32;
	[bflag:$0x2] =	sbarrier.arrive $0xFFFF  }
0x9f: {  	p0 =	sne.s32 s0, $0x0;
	s0 =	rddreg [dreg:$0x3]  }
0xa0: {  	s0 =	sadd.s32 @!p0 $0x100000, s0  }
0xa1: {  	[sflag:s0] =	ssyncadd.tile.s32 @!p0 $0x1;
	_ =	shalt  }
.Lfunc_end2:
_tile_overlayer_lowered:
.L_overlay_start_2:
0xa2: {  	(tag) =	ssettag $0x2  }
0xa3: {  	s0 =	rddreg [dreg:$0x0];
	s2 =	stileid.u32  }
0xa4: {  	s1 =	rddreg [dreg:$0x1];
	p0 =	sne.s32 s2, $0x0  }
0xa5: {  	s3 =	rddreg [dreg:$0x2];
	[bflag:$0x3] =	sbarrier.arrive $0xFFFF;
	s2 =	simm.s32 @!p0 $0x1C07  }
0xa6: {  	[timem:s3], [sflag:s2] =	dma.local @!p0 [hbm:s0], s1  }
0xa7: {  	s0 =	simm.s32 @!p0 $0x7  }
0xa8: {  	_ =	swait.ge @!p0 [sflag:s0], s1  }
0xa9: {  	s1 =	ssub.s32 @!p0 $0x0, s1;
	[sflag:s0] =	ssyncset.done @!p0 $0x0  }
0xaa: {  	[sflag:s0] =	ssyncadd.s32 @!p0 s1  }
0xab: {  	[bflag:$0x3] =	sbarrier.arrive $0xFFFF  }
0xac: {  	_ =	shalt  }

// kernel: kernel.23.cloned.1.call-start
scs
__scs_entry_jumppad:
0x0: {  	(pc) =	sbr.rel $0x88, $3  }
0x1: {  	(tag) =	ssettag $0x0;
	lr =	simm.s32 $0x1  }
0x2: {  	[smem:$0x3F95] =	sst lr;
	_ =	strace $0xD0000000  }
0x3: {  	_ = 	snop  }
0x4: {  	_ = 	snop  }
0x5: {  	_ = 	snop  }
0x6: {  	_ = 	snop  }
0x7: {  	_ = 	snop  }
__scs_overlays_trampoline_lowered:
0x8: {  	[smem:$0x3FA4] =	sst s0  }
0x9: {  	[smem:$0x3FA5] =	sst s1  }
0xa: {  	[smem:$0x3FA6] =	sst s2  }
0xb: {  	[smem:$0x3FA7] =	sst s3  }
0xc: {  	[smem:$0x3FA8] =	sst s4  }
0xd: {  	[smem:$0x3FA9] =	sst s5  }
0xe: {  	[smem:$0x3FAA] =	sst s6  }
0xf: {  	[smem:$0x3FAB] =	sst s7  }
0x10: {  	[smem:$0x3FAC] =	sst s8  }
0x11: {  	[smem:$0x3FAD] =	sst s9;
	s0 =	simm.s32 @!p0 $0x0  }
0x12: {  	s1 =	sld [smem:$0x3F93];
	s0 =	simm.s32 @p0 $0x1  }
0x13: {  	[smem:$0x3FAE] =	sst s0;
	s0 =	simm.s32 @!p1 $0x0  }
0x14: {  	s2 =	sld [smem:$0x3F92];
	s0 =	simm.s32 @p1 $0x1  }
0x15: {  	[smem:$0x3FAF] =	sst s0;
	s0 =	simm.s32 @!p2 $0x0  }
0x16: {  	s3 =	sld [smem:$0x3FDB];
	s0 =	simm.s32 @p2 $0x1  }
0x17: {  	s4 =	simm.s32 $0x1BF5;
	[smem:$0x3FB1] =	sst s0  }
0x18: {  	s0 =	sld [smem:$0x3F94];
	_ =	swait.ge [sflag:s4], $0x0  }
0x19: {  	s7 =	sld [smem:$0x3F95]  }
0x1a: {  	s8 =	sadd.s32 $0xFFFFE003, lr  }
0x1b: {  	s9 =	sadd.s32 $0xFFFFFEF7, lr;
	s5 =	simm.s32 $0xFFFFFFFF;
	p2 =	slt.u32 s8, $0xFFFFF086  }
0x1c: {  	p1 =	slt.u32 s9, $0xF7A;
	s5 =	simm.s32 @!p2 $0x0  }
0x1d: {  	s5 =	simm.s32 @p1 $0x1;
	p0 =	seq.s32 s7, s2  }
0x1e: {  	s7 =	smul.u32 @!p0 $0xF7A, s2;
	p2 =	seq.s32 @!p0 s5, $0x0  }
0x1f: {  	s9 =	smul.u32 $0xF7A, s1;
	s8 =	simm.s32 @!p0 $0x1BF5;
	p2 =	por !p2, p0  }
0x20: {  	[sflag:s8] =	ssyncset.s32 @!p0 $0xFFFFF086;
	s6 =	sadd.s32 @!p0 s3, s7;
	s7 =	simm.s32 @!p0 $0x108  }
0x21: {  	s3 =	sadd.s32 s3, s9;
	s6 =	sadd.s32 @!p0 $0x88, s6;
	s7 =	simm.s32 @p2 $0x1082  }
0x22: {  	[simem:s7], [sflag:s8] =	dma.local @!p0 [hbm:s6], $0xF7A  }
0x23: {  	s9 =	sor.u32 $0xD0000000, s2;
	s6 =	simm.s32 $0x108;
	_ =	swait.ge @!p0 [sflag:s8], $0x0  }
0x24: {  	s3 =	sadd.s32 $0x88, s3;
	s6 =	simm.s32 @!p1 $0x1082;
	[sflag:s4] =	ssyncset.s32 $0xFFFFF086  }
0x25: {  	[simem:s6], [sflag:s4] =	dma.local [hbm:s3], $0xF7A  }
0x26: {  	[smem:$0x3F95] =	sst s1;
	(tag) =	ssettag s2;
	_ =	strace s9  }
0x27: {  	s1 =	sld [smem:$0x3FA5]  }
0x28: {  	s2 =	sld [smem:$0x3FA6]  }
0x29: {  	s4 =	sld [smem:$0x3FA8]  }
0x2a: {  	p0 =	seq.s32 s5, $0x0;
	s5 =	sld [smem:$0x3FA9]  }
0x2b: {  	s6 =	sld [smem:$0x3FAA]  }
0x2c: {  	s7 =	sld [smem:$0x3FAB]  }
0x2d: {  	s3 =	simm.s32 $0x108;
	s8 =	sld [smem:$0x3FAC]  }
0x2e: {  	s3 =	simm.s32 @!p0 $0x1082;
	s9 =	sld [smem:$0x3FAD]  }
0x2f: {  	lr =	sadd.s32 s0, s3;
	s0 =	sld [smem:$0x3FA4]  }
0x30: {  	s3 =	sld [smem:$0x3FA7]  }
0x31: {  	[smem:$0x3FB0] =	sst s10  }
0x32: {  	s10 =	sld [smem:$0x3FAE];
	_ =	sdelay $0x3  }
0x33: {  	p0 =	seq.s32 s10, $0x1;
	s10 =	sld [smem:$0x3FB0];
	_ =	sdelay $0x3  }
0x34: {  	[smem:$0x3FB0] =	sst s10  }
0x35: {  	s10 =	sld [smem:$0x3FAF];
	_ =	sdelay $0x3  }
0x36: {  	p1 =	seq.s32 s10, $0x1;
	s10 =	sld [smem:$0x3FB0];
	_ =	sdelay $0x3  }
0x37: {  	[smem:$0x3FB0] =	sst s10  }
0x38: {  	s10 =	sld [smem:$0x3FB1]  }
0x39: {  	_ = 	snop;
	(pc) =	sbr.ind lr, $3  }
0x3a: {  	_ = 	snop  }
0x3b: {  	_ = 	snop  }
0x3c: {  	p2 =	seq.s32 s10, $0x1;
	s10 =	sld [smem:$0x3FB0]  }
0x3d: {  	_ =	shalt  }
0x3e: {  	_ =	shalt  }
0x3f: {  	_ =	shalt  }
0x40: {  	_ =	shalt  }
0x41: {  	_ =	shalt  }
0x42: {  	_ =	shalt  }
0x43: {  	_ =	shalt  }
0x44: {  	_ =	shalt  }
0x45: {  	_ =	shalt  }
0x46: {  	_ =	shalt  }
0x47: {  	_ =	shalt  }
0x48: {  	_ =	shalt  }
0x49: {  	_ =	shalt  }
0x4a: {  	_ =	shalt  }
0x4b: {  	_ =	shalt  }
0x4c: {  	_ =	shalt  }
0x4d: {  	_ =	shalt  }
0x4e: {  	_ =	shalt  }
0x4f: {  	_ =	shalt  }
0x50: {  	_ =	shalt  }
0x51: {  	_ =	shalt  }
0x52: {  	_ =	shalt  }
0x53: {  	_ =	shalt  }
0x54: {  	_ =	shalt  }
0x55: {  	_ =	shalt  }
0x56: {  	_ =	shalt  }
0x57: {  	_ =	shalt  }
0x58: {  	_ =	shalt  }
0x59: {  	_ =	shalt  }
0x5a: {  	_ =	shalt  }
0x5b: {  	_ =	shalt  }
0x5c: {  	_ =	shalt  }
0x5d: {  	_ =	shalt  }
0x5e: {  	_ =	shalt  }
0x5f: {  	_ =	shalt  }
0x60: {  	_ =	shalt  }
0x61: {  	_ =	shalt  }
0x62: {  	_ =	shalt  }
0x63: {  	_ =	shalt  }
0x64: {  	_ =	shalt  }
0x65: {  	_ =	shalt  }
0x66: {  	_ =	shalt  }
0x67: {  	_ =	shalt  }
0x68: {  	_ =	shalt  }
0x69: {  	_ =	shalt  }
0x6a: {  	_ =	shalt  }
0x6b: {  	_ =	shalt  }
0x6c: {  	_ =	shalt  }
0x6d: {  	_ =	shalt  }
0x6e: {  	_ =	shalt  }
0x6f: {  	_ =	shalt  }
0x70: {  	_ =	shalt  }
0x71: {  	_ =	shalt  }
0x72: {  	_ =	shalt  }
0x73: {  	_ =	shalt  }
0x74: {  	_ =	shalt  }
0x75: {  	_ =	shalt  }
0x76: {  	_ =	shalt  }
0x77: {  	_ =	shalt  }
0x78: {  	_ =	shalt  }
0x79: {  	_ =	shalt  }
0x7a: {  	_ =	shalt  }
0x7b: {  	_ =	shalt  }
0x7c: {  	_ =	shalt  }
0x7d: {  	_ =	shalt  }
0x7e: {  	_ =	shalt  }
0x7f: {  	_ =	shalt  }
0x80: {  	_ =	shalt  }
0x81: {  	_ =	shalt  }
0x82: {  	_ =	shalt  }
0x83: {  	_ =	shalt  }
0x84: {  	_ =	shalt  }
0x85: {  	_ =	shalt  }
0x86: {  	_ =	shalt  }
0x87: {  	_ =	shalt  }
.Lfunc_end0:
.L_simem_size_0:
called_computation.3_lowered:
.L_overlay_start_0:
0x88: {  	s2 =	sld [smem:$0x3FD9]  }
0x89: {  	s3 =	sld [smem:$0x3FFE];
	_ =	sdelay $0x1  }
0x8a: {  	s1 =	srdreg.scid  }
0x8b: {  	s0 =	sand.u32 $0x1, s1  }
0x8c: {  	s17 =	sshll.u32 s0, $0xA;
	s2 =	sadd.s32 s3, s2  }
0x8d: {  	s2 =	sadd.s32 s2, s17  }
0x8e: {  	[smem:$0x3FBC] =	sst s2  }
0x8f: {  	_ = 	snop  }
0x90: {  	s2 =	sld [smem:$0x3FD0];
	(tm) =	ssettm $0x1  }
0x91: {  	s18 =	sld [smem:$0x3FFB];
	_ =	sdelay $0x3  }
0x92: {  	_ =	strace s18  }
0x93: {  	s3 =	sld [smem:$0x3FFC];
	_ =	sdelay $0x3  }
0x94: {  	_ =	strace s3  }
0x95: {  	s3 =	sld [smem:$0x3FFD];
	_ =	sdelay $0x3  }
0x96: {  	_ =	strace s3  }
0x97: {  	_ =	strace $0x8FFFFFFF  }
0x98: {  	s19 =	sld [smem:$0x3FDB];
	_ =	sdelay $0x1  }
0x99: {  	s4 =	simm.s32 $_scs_section_size  }
0x9a: {  	s5 =	simm.s32 $_size__tile_overlayer_lowered;
	s6 =	simm.s32 $_tile_overlayer_lowered  }
0x9b: {  	s22 =	simm.s32 $0x1BFF;
	s21 =	sshll.u32 s6, $0x1;
	s3 =	sadd.s32 s4, s19  }
0x9c: {  	s7 =	simm.s32 $0x0;
	s20 =	sshll.u32 s5, $0x1;
	s5 =	sadd.s32 s21, s3  }
0x9d: {  	[timem:s7], [sflag:s22] =	dma.local [hbm:s5], s20  }
0x9e: {  	_ =	swait.ge [sflag:s22], s20  }
0x9f: {  	s4 =	ssub.s32 $0x0, s20;
	[sflag:s22] =	ssyncset.done $0x0  }
0xa0: {  	[sflag:s22] =	ssyncadd.s32 s4;
	_ =	sdelay $0x1  }
0xa1: {  	s23 =	simm.s32 $0x1B8B  }
0xa2: {  	_ =	swait.ge [sflag:s23], $0x1  }
0xa3: {  	[sflag:s23] =	ssyncset.done $0x0  }
0xa4: {  	s25 =	simm.s32 $0x1B8E;
	s24 =	sld [smem:$0x3FFE];
	[sflag:s23] =	ssyncadd.s32 $0xFFFFFFFF  }
0xa5: {  	s26 =	simm.s32 $execute0_lowered;
	[smem:$0x3FD2] =	sst s25  }
0xa6: {  	s5 =	sshll.u32 s26, $0x1;
	_ =	strace $0x8000004F;
	[dreg:$0x1] =	wrdreg $0xFFFFFFFF  }
0xa7: {  	s28 =	simm.s32 $_size_execute0_lowered;
	s3 =	sadd.s32 s3, s5;
	[dreg:$0x0] =	wrdreg $0x0  }
0xa8: {  	s5 =	sshll.u32 s28, $0x1;
	[dreg:$0x2] =	wrdreg s3  }
0xa9: {  	[dreg:$0x3] =	wrdreg s5  }
0xaa: {  	[dreg:$0x4] =	wrdreg $0xC0  }
0xab: {  	_ =	task [dreg:s7], $0x5FFFF  }
0xac: {  	[dreg:$0x1] =	wrdreg $0xFFFFFFFF  }
0xad: {  	[dreg:$0x0] =	wrdreg $0x60  }
0xae: {  	[dreg:$0x2] =	wrdreg s2  }
0xaf: {  	[dreg:$0x3] =	wrdreg s24  }
0xb0: {  	[dreg:$0x4] =	wrdreg $0xAA000  }
0xb1: {  	[dreg:$0x5] =	wrdreg $0x9  }
0xb2: {  	_ =	task.clear_ibuf [dreg:s7], $0x6FFFF;
	_ =	strace $0x9000004F  }
0xb3: {  	s29 =	simm.s32 $0x9;
	_ =	strace $0x80000051  }
0xb4: {  	_ =	swait.ge [sflag:s29], $0x1  }
0xb5: {  	[sflag:s29] =	ssyncadd.s32 $0xFFFFFFFF  }
0xb6: {  	_ =	strace $0x90000051  }
0xb7: {  	_ =	sfence  }
0xb8: {  	s30 =	sld [smem:$0x0];
	_ =	sdelay $0x2  }
0xb9: {  	s31 =	sshll.u32 s1, $0xD;
	s1 =	sshrl.u32 s1, $0x2  }
0xba: {  	s3 =	sand.u32 $0x4000, s31;
	s1 =	sadd.s32 s1, s30  }
0xbb: {  	s0 =	sor.u32 s3, s0;
	s1 =	sshll.u32 s1, $0x11  }
0xbc: {  	s0 =	sor.u32 s1, s0  }
0xbd: {  	s0 =	sadd.s32 $0x8F2B, s0  }
0xbe: {  	[sflag:s0] =	ssyncadd.remote.s32 $0x1  }
0xbf: {  	_ =	sfence.sel $0xFFFF  }
0xc0: {  	[dreg:$0x0] =	wrdreg $0xFFFFFFFF;
	(pc) =	sbr.abs _section_cstart, $3  }
0xc1: {  	[dreg:$0x1] =	wrdreg $0xFFFFFFFF  }
0xc2: {  	_ =	task.clear_ibuf [dreg:s7], $0x2FFFF;
	_ =	strace $0x9FFFFFFF  }
0xc3: {  	(tm) =	ssettm $0x7FFFFFFF  }
tec
execute0_lowered:
.L_overlay_start_1:
0x0: {  	(tag) =	ssettag $0x1  }
0x1: {  	s1 =	rddreg [dreg:$0x0]  }
0x2: {  	s0 =	rddreg [dreg:$0x1]  }
0x3: {  	s3 =	rddreg [dreg:$0x2]  }
0x4: {  	s2 =	srdreg.scid;
	s12 =	stileid.u32  }
0x5: {  	s4 =	simm.s32 $0x0;
	s28 =	simm.s32 $0x3;
	s7 =	smul.u32 $0x14000, s12  }
0x6: {  	s29 =	simm.s32 $0x80;
	s30 =	simm.s32 $0x1;
	s11 =	smul.u32 $0x50000, s12  }
0x7: {  	s31 =	simm.s32 $0x4;
	s2 =	sand.u32 $0x1, s2;
	s14 =	smul.u32 $0x2800, s12  }
0x8: {  	[smem:$0x7FF] =	sst s4;
	s5 =	sshll.u32 s2, $0x4;
	s6 =	smul.u32 $0x140000, s2  }
0x9: {  	s13 =	ssub.s32 $0x2, s2;
	s2 =	smul.u32 $0x28000, s2;
	s5 =	sor.u32 s12, s5  }
0xa: {  	s8 =	sadd.s32 $0x5F000, s0;
	s5 =	smul.u32 $0x2800, s5;
	s6 =	sadd.s32 s7, s6  }
0xb: {  	_ =	strace $0x80000050;
	s10 =	sshrl.u32 s6, $0x3;
	s6 =	sshrl.u32 s11, $0x2  }
0xc: {  	s2 =	sadd.s32 s14, s2;
	s26 =	sshrl.u32 s5, $0x3;
	s5 =	sadd.s32 s6, s3  }
0xd: {  	s21 =	sor.u32 $0x380, s2;
	s25 =	sor.u32 $0x300, s2;
	s15 =	sadd.s32 $0x4000, s5  }
0xe: {  	s6 =	sshrl.u32 s21, $0x3;
	s16 =	sadd.s32 $0x8000, s5;
	[dreg:$0x4] =	wrdreg s15  }
0xf: {  	s21 =	simm.s32 $0x2A00;
	s17 =	sadd.s32 $0xC000, s5;
	[dreg:$0x5] =	wrdreg s16  }
0x10: {  	s9 =	sadd.s32 s26, s0;
	s18 =	sadd.s32 $0x10000, s5;
	[dreg:$0x6] =	wrdreg s17  }
0x11: {  	s0 =	sadd.s32 s10, s0;
	s7 =	sadd.s32 s8, s26;
	[dreg:$0x7] =	wrdreg s18  }
0x12: {  	s10 =	sshrl.u32 s13, $0x1;
	s24 =	sadd.s32 s6, s8;
	[dreg:$0x8] =	wrdreg s7  }
0x13: {  	s26 =	sor.u32 $0x280, s2;
	s19 =	sadd.s32 $0x5000, s9;
	[dreg:$0xf] =	wrdreg s24  }
0x14: {  	s2 =	sor.u32 $0x200, s2;
	s20 =	sadd.s32 $0x10, s7;
	[dreg:$0x9] =	wrdreg s19  }
0x15: {  	s11 =	ssub.s32 s13, s10;
	s22 =	sadd.s32 $0x20, s7;
	[dreg:$0xa] =	wrdreg s20  }
0x16: {  	s7 =	sadd.s32 $0x30, s7;
	s0 =	sadd.s32 $0xF000, s0;
	[dreg:$0xb] =	wrdreg s22  }
0x17: {  	s6 =	sshrl.u32 s26, $0x3;
	s2 =	sshrl.u32 s2, $0x3;
	[dreg:$0xc] =	wrdreg s7  }
0x18: {  	s24 =	simm.s32 $0x2880;
	s26 =	simm.s32 $0x2980;
	[dreg:$0xd] =	wrdreg s0  }
.Ltmp0:
0x19: {  	s23 =	smax.u32 s11, $0x1;
	s0 =	sshrl.u32 s25, $0x3;
	(pc) =	sbr.rel .LBB2_1-.Ltmp0, $4  }
0x1a: {  	s12 =	sadd.s32 s6, s8;
	s11 =	sadd.s32 s2, s8;
	s22 =	simm.s32 $0x7  }
0x1b: {  	s25 =	simm.s32 $0x2900;
	s2 =	simm.s32 $0x2;
	s6 =	simm.s32 $0x5  }
0x1c: {  	s7 =	simm.s32 $0x6;
	[dreg:$0xe] =	wrdreg s23;
	s13 =	sadd.s32 s0, s8  }
0x1d: {  	v0 =	vimm.f32 $0.0e+00;
	s23 =	simm.s32 $0x2800;
	s0 =	simm.s32 $0x6A00;
	s8 =	simm.s32 $0x0  }
.LBB2_6:
0x1e: {  	s9 =	stileid.u32  }
0x1f: {  	[bflag:$0x0] =	sbarrier.arrive $0xFFFF;
	s9 =	sshll.u32 s9, $0x6  }
0x20: {  	s10 =	sshrl.u32 s5, $0x3;
	s14 =	rddreg [dreg:$0xd];
	s9 =	sor.u32 $0x1C07, s9  }
0x21: {  	[hbm:s14], [sflag:s9] =	dma.local [spmem:s10], $0x2800  }
0x22: {  	_ =	swait.ge [sflag:s22], $0x2800  }
0x23: {  	s8 =	sadd.s32 $0x1, s8;
	s20 =	rddreg [dreg:$0xe]  }
0x24: {  	p0 =	sne.s32 s8, s20  }
.Ltmp1:
0x25: {  	_ = 	snop;
	(pc) =	sbr.rel @!p0 .LBB2_7-.Ltmp1, $3  }
0x26: {  	_ =	sdelay $0x1  }
0x27: {  	[sflag:s22] =	ssyncset.done $0x0  }
0x28: {  	[sflag:s22] =	ssyncadd.s32 $0xFFFFD800  }
.LBB2_1:
0x29: {  	s9 =	simm.s32 $0x0;
	s17 =	simm.s32 $0x200  }
.LBB2_2:
0x2a: {  	p0 =	sne.s32 s17, $0xFE00;
	[tilespmem:s9+$0x2A70] =	vst v0  }
0x2b: {  	[tilespmem:s9+$0x2A00] =	vst v0  }
0x2c: {  	[tilespmem:s9+$0x2A10] =	vst v0  }
.Ltmp2:
0x2d: {  	[tilespmem:s9+$0x2A20] =	vst v0;
	(pc) =	sbr.rel @p0 .LBB2_2-.Ltmp2, $4  }
0x2e: {  	[tilespmem:s9+$0x2A30] =	vst v0  }
0x2f: {  	[tilespmem:s9+$0x2A40] =	vst v0  }
0x30: {  	[tilespmem:s9+$0x2A50] =	vst v0  }
0x31: {  	[tilespmem:s9+$0x2A60] =	vst v0;
	s9 =	sshra.s32 s17, $0x2;
	s17 =	sadd.s32 $0x200, s17  }
0x32: {  	[tilespmem:s9+$0x2A70] =	vst v0  }
0x33: {  	[tilespmem:s9+$0x2A00] =	vst v0  }
0x34: {  	[tilespmem:s9+$0x2A10] =	vst v0  }
0x35: {  	[tilespmem:s9+$0x2A20] =	vst v0  }
0x36: {  	[tilespmem:s9+$0x2A30] =	vst v0  }
0x37: {  	[tilespmem:s9+$0x2A40] =	vst v0  }
0x38: {  	[tilespmem:s9+$0x2A50] =	vst v0  }
0x39: {  	[tilespmem:s9+$0x2A60] =	vst v0  }
0x3a: {  	[spmem:s5] =	stream.linear.scatter [tilespmem:s21], [sflag:$0x7], $0x4000, $0x38;
	[tilespmem:$0x1EA00] =	vst v63  }
0x3b: {  	_ =	swait.ge [sflag:s22], $0x4000  }
0x3c: {  	[sflag:s22] =	ssyncset.done $0x0  }
0x3d: {  	s10 =	rddreg [dreg:$0x4];
	[sflag:s22] =	ssyncadd.s32 $0xFFFFC000  }
0x3e: {  	[spmem:s10] =	stream.linear.scatter [tilespmem:s21], [sflag:$0x7], $0x4000, $0x38;
	[tilespmem:$0x1EA00] =	vst v63  }
0x3f: {  	_ =	swait.ge [sflag:s22], $0x4000  }
0x40: {  	[sflag:s22] =	ssyncset.done $0x0  }
0x41: {  	s14 =	rddreg [dreg:$0x5];
	[sflag:s22] =	ssyncadd.s32 $0xFFFFC000  }
0x42: {  	[spmem:s14] =	stream.linear.scatter [tilespmem:s21], [sflag:$0x7], $0x4000, $0x38;
	[tilespmem:$0x1EA00] =	vst v63  }
0x43: {  	_ =	swait.ge [sflag:s22], $0x4000  }
0x44: {  	[sflag:s22] =	ssyncset.done $0x0  }
0x45: {  	s15 =	rddreg [dreg:$0x6];
	[sflag:s22] =	ssyncadd.s32 $0xFFFFC000  }
0x46: {  	[spmem:s15] =	stream.linear.scatter [tilespmem:s21], [sflag:$0x7], $0x4000, $0x38;
	[tilespmem:$0x1EA00] =	vst v63  }
0x47: {  	_ =	swait.ge [sflag:s22], $0x4000  }
0x48: {  	[sflag:s22] =	ssyncset.done $0x0  }
0x49: {  	s16 =	rddreg [dreg:$0x7];
	[sflag:s22] =	ssyncadd.s32 $0xFFFFC000  }
0x4a: {  	[spmem:s16] =	stream.linear.scatter [tilespmem:s21], [sflag:$0x7], $0x4000, $0x38;
	[tilespmem:$0x1EA00] =	vst v63  }
0x4b: {  	_ =	swait.ge [sflag:s22], $0x4000  }
0x4c: {  	[sflag:s22] =	ssyncset.done $0x0  }
0x4d: {  	s9 =	simm.s32 $0x0;
	s10 =	rddreg [dreg:$0x9];
	[sflag:s22] =	ssyncadd.s32 $0xFFFFC000  }
0x4e: {  	[tilespmem:s9], [sflag:$0x7] =	stream.linear.gather [hbm4b:s10+s9], $0x2800, $0x38;
	[tilespmem:$0x1EA00] =	vst v63  }
0x4f: {  	_ =	swait.ge [sflag:s22], $0x2800  }
0x50: {  	[sflag:s22] =	ssyncset.done $0x0  }
0x51: {  	[sflag:s22] =	ssyncadd.s32 $0xFFFFD800  }
0x52: {  	[bflag:$0x0] =	sbarrier.arrive $0xFFFF  }
0x53: {  	s17 =	rddreg [dreg:$0x8]  }
0x54: {  	[tilespmem:s23], [sflag:$0x3] =	stream.linear.gather [hbm4b:s17+s9], $0x80, $0x38;
	[tilespmem:$0x1EA00] =	vst v63  }
0x55: {  	s18 =	rddreg [dreg:$0xa]  }
0x56: {  	[tilespmem:s24], [sflag:$0x4] =	stream.linear.gather [hbm4b:s18+s9], $0x80, $0x38;
	[tilespmem:$0x1EA00] =	vst v63  }
0x57: {  	s19 =	rddreg [dreg:$0xb]  }
0x58: {  	[tilespmem:s25], [sflag:$0x5] =	stream.linear.gather [hbm4b:s19+s9], $0x80, $0x38;
	[tilespmem:$0x1EA00] =	vst v63  }
0x59: {  	s20 =	rddreg [dreg:$0xc]  }
0x5a: {  	[tilespmem:s26], [sflag:$0x6] =	stream.linear.gather [hbm4b:s20+s9], $0x80, $0x38;
	[tilespmem:$0x1EA00] =	vst v63  }
0x5b: {  	_ =	swait.ge [sflag:s28], $0x80  }
0x5c: {  	s18 =	smov.u32 s13;
	s19 =	smov.u32 s12;
	[sflag:s28] =	ssyncset.done $0x0  }
0x5d: {  	s20 =	smov.u32 s11;
	s17 =	rddreg [dreg:$0xf];
	[sflag:s28] =	ssyncadd.s32 $0xFFFFFF80  }
0x5e: {  	[tilespmem:s21], [sflag:$0x1] =	stream.indirect.gather [hbm4b:s1+s29], $0x80, s23, s29, $0xb8;
	[tilespmem:$0x1EA00] =	vst v63  }
.LBB2_4:
0x5f: {  	_ =	swait.ge [sflag:s30], $0x4000  }
0x60: {  	[sflag:s30] =	ssyncset.done $0x0  }
0x61: {  	[sflag:s30] =	ssyncadd.s32 $0xFFFFC000  }
0x62: {  	_ =	swait.ge [sflag:s31], $0x80  }
0x63: {  	[sflag:s31] =	ssyncset.done $0x0  }
0x64: {  	[sflag:s31] =	ssyncadd.s32 $0xFFFFFF80  }
0x65: {  	[tilespmem:s0], [sflag:$0x2] =	stream.indirect.gather [hbm4b:s1+s29], $0x80, s24, s29, $0xb8;
	[tilespmem:$0x1EA00] =	vst v63  }
0x66: {  	s15 =	sshra.s32 s9, $0x2  }
0x67: {  	[spmem:s3] =	stream.indirect.scatter.add.f32 [tilespmem:s21], [sflag:$0x7], $0x80, s15, s29, $0xb8;
	[tilespmem:$0x1EA00] =	vst v63  }
0x68: {  	_ =	swait.ge [sflag:s22], $0x4000  }
0x69: {  	p0 =	seq.s32 s9, $0x9800;
	[sflag:s22] =	ssyncset.done $0x0  }
0x6a: {  	s16 =	simm.s32 @!p0 $0x0;
	s14 =	simm.s32 @!p0 $0x2800;
	[sflag:s22] =	ssyncadd.s32 $0xFFFFC000  }
0x6b: {  	[tilespmem:s14], [sflag:$0x3] =	stream.linear.gather @!p0 [hbm4b:s20+s16], $0x80, $0x38;
	[tilespmem:$0x1EA00] =	vst v63  }
0x6c: {  	_ =	swait.ge [sflag:s2], $0x4000  }
0x6d: {  	[sflag:s2] =	ssyncset.done $0x0  }
0x6e: {  	[sflag:s2] =	ssyncadd.s32 $0xFFFFC000  }
0x6f: {  	_ =	swait.ge [sflag:s6], $0x80  }
0x70: {  	[sflag:s6] =	ssyncset.done $0x0  }
0x71: {  	[sflag:s6] =	ssyncadd.s32 $0xFFFFFF80  }
0x72: {  	[tilespmem:s21], [sflag:$0x1] =	stream.indirect.gather [hbm4b:s1+s29], $0x80, s25, s29, $0xb8;
	[tilespmem:$0x1EA00] =	vst v63  }
0x73: {  	s10 =	sadd.s32 $0x80, s15  }
0x74: {  	[spmem:s3] =	stream.indirect.scatter.add.f32 [tilespmem:s0], [sflag:$0x7], $0x80, s10, s29, $0xb8;
	[tilespmem:$0x1EA00] =	vst v63  }
0x75: {  	_ =	swait.ge [sflag:s22], $0x4000  }
0x76: {  	[sflag:s22] =	ssyncset.done $0x0  }
0x77: {  	s14 =	simm.s32 @!p0 $0x2880;
	[sflag:s22] =	ssyncadd.s32 $0xFFFFC000  }
0x78: {  	[tilespmem:s14], [sflag:$0x4] =	stream.linear.gather @!p0 [hbm4b:s19+s16], $0x80, $0x38;
	[tilespmem:$0x1EA00] =	vst v63  }
0x79: {  	_ =	swait.ge [sflag:s30], $0x4000  }
0x7a: {  	[sflag:s30] =	ssyncset.done $0x0  }
0x7b: {  	[sflag:s30] =	ssyncadd.s32 $0xFFFFC000  }
0x7c: {  	_ =	swait.ge [sflag:s7], $0x80  }
0x7d: {  	[sflag:s7] =	ssyncset.done $0x0  }
0x7e: {  	[sflag:s7] =	ssyncadd.s32 $0xFFFFFF80  }
0x7f: {  	[tilespmem:s0], [sflag:$0x2] =	stream.indirect.gather [hbm4b:s1+s29], $0x80, s26, s29, $0xb8;
	[tilespmem:$0x1EA00] =	vst v63  }
0x80: {  	s10 =	sadd.s32 $0x100, s15  }
0x81: {  	[spmem:s3] =	stream.indirect.scatter.add.f32 [tilespmem:s21], [sflag:$0x7], $0x80, s10, s29, $0xb8;
	[tilespmem:$0x1EA00] =	vst v63  }
0x82: {  	_ =	swait.ge [sflag:s22], $0x4000  }
0x83: {  	p1 =	sne.s32 s9, $0x9800;
	[sflag:s22] =	ssyncset.done $0x0  }
0x84: {  	s14 =	simm.s32 @p1 $0x0;
	s16 =	simm.s32 @p1 $0x2900;
	[sflag:s22] =	ssyncadd.s32 $0xFFFFC000  }
0x85: {  	[tilespmem:s16], [sflag:$0x5] =	stream.linear.gather @p1 [hbm4b:s18+s14], $0x80, $0x38;
	[tilespmem:$0x1EA00] =	vst v63  }
0x86: {  	s14 =	simm.s32 @p1 $0x2  }
0x87: {  	_ =	swait.ge @p1 [sflag:s14], $0x4000  }
0x88: {  	[sflag:s14] =	ssyncset.done @p1 $0x0  }
0x89: {  	[sflag:s14] =	ssyncadd.s32 @p1 $0xFFFFC000;
	s14 =	simm.s32 @p1 $0x3  }
0x8a: {  	_ =	swait.ge @p1 [sflag:s14], $0x80  }
0x8b: {  	s10 =	simm.s32 @p1 $0x2A00;
	[sflag:s14] =	ssyncset.done @p1 $0x0  }
0x8c: {  	s16 =	simm.s32 @p1 $0x2800;
	[sflag:s14] =	ssyncadd.s32 @p1 $0xFFFFFF80;
	s14 =	simm.s32 @p1 $0x80  }
0x8d: {  	[tilespmem:s10], [sflag:$0x1] =	stream.indirect.gather @p1 [hbm4b:s1+s14], $0x80, s16, s14, $0xb8;
	[tilespmem:$0x1EA00] =	vst v63  }
0x8e: {  	s10 =	simm.s32 @!p1 $0x2  }
0x8f: {  	_ =	swait.ge @!p1 [sflag:s10], $0x4000  }
0x90: {  	[sflag:s10] =	ssyncset.done @!p1 $0x0  }
.Ltmp3:
0x91: {  	s16 =	sadd.s32 $0x180, s15;
	[sflag:s10] =	ssyncadd.s32 @!p1 $0xFFFFC000;
	(pc) =	sbr.rel @p0 .LBB2_6-.Ltmp3, $4  }
0x92: {  	[spmem:s3] =	stream.indirect.scatter.add.f32 [tilespmem:s0], [sflag:$0x7], $0x80, s16, s29, $0xb8;
	[tilespmem:$0x1EA00] =	vst v63  }
0x93: {  	_ =	swait.ge [sflag:s22], $0x4000  }
0x94: {  	[sflag:s22] =	ssyncset.done $0x0  }
0x95: {  	[sflag:s22] =	ssyncadd.s32 $0xFFFFC000  }
.Ltmp4:
0x96: {  	(pc) =	sbr.rel .LBB2_4-.Ltmp4, $4  }
0x97: {  	_ = 	snop  }
0x98: {  	[tilespmem:s26], [sflag:$0x6] =	stream.linear.gather [hbm4b:s17+s4], $0x80, $0x38;
	[tilespmem:$0x1EA00] =	vst v63  }
0x99: {  	s9 =	sadd.s32 $0x800, s9;
	s17 =	sadd.s32 $0x40, s17  }
0x9a: {  	s18 =	sadd.s32 $0x40, s18;
	s19 =	sadd.s32 $0x40, s19;
	s20 =	sadd.s32 $0x40, s20  }
.LBB2_7:
0x9b: {  	_ =	sfence.sel $0x180000  }
0x9c: {  	[bflag:$0x0] =	sbarrier.arrive $0xFFFF  }
0x9d: {  	_ =	strace $0x90000050  }
0x9e: {  	s0 =	stileid.u32;
	[bflag:$0x2] =	sbarrier.arrive $0xFFFF  }
0x9f: {  	p0 =	sne.s32 s0, $0x0;
	s0 =	rddreg [dreg:$0x3]  }
0xa0: {  	s0 =	sadd.s32 @!p0 $0x100000, s0  }
0xa1: {  	[sflag:s0] =	ssyncadd.tile.s32 @!p0 $0x1;
	_ =	shalt  }
.Lfunc_end2:
_tile_overlayer_lowered:
.L_overlay_start_2:
0xa2: {  	(tag) =	ssettag $0x2  }
0xa3: {  	s0 =	rddreg [dreg:$0x0];
	s2 =	stileid.u32  }
0xa4: {  	s1 =	rddreg [dreg:$0x1];
	p0 =	sne.s32 s2, $0x0  }
0xa5: {  	s3 =	rddreg [dreg:$0x2];
	[bflag:$0x3] =	sbarrier.arrive $0xFFFF;
	s2 =	simm.s32 @!p0 $0x1C07  }
0xa6: {  	[timem:s3], [sflag:s2] =	dma.local @!p0 [hbm:s0], s1  }
0xa7: {  	s0 =	simm.s32 @!p0 $0x7  }
0xa8: {  	_ =	swait.ge @!p0 [sflag:s0], s1  }
0xa9: {  	s1 =	ssub.s32 @!p0 $0x0, s1;
	[sflag:s0] =	ssyncset.done @!p0 $0x0  }
0xaa: {  	[sflag:s0] =	ssyncadd.s32 @!p0 s1  }
0xab: {  	[bflag:$0x3] =	sbarrier.arrive $0xFFFF  }
0xac: {  	_ =	shalt  }

// kernel: kernel.26.cloned.1.call-start
scs
__scs_entry_jumppad:
0x0: {  	(pc) =	sbr.rel $0x88, $3  }
0x1: {  	(tag) =	ssettag $0x0;
	lr =	simm.s32 $0x1  }
0x2: {  	[smem:$0x3F95] =	sst lr;
	_ =	strace $0xD0000000  }
0x3: {  	_ = 	snop  }
0x4: {  	_ = 	snop  }
0x5: {  	_ = 	snop  }
0x6: {  	_ = 	snop  }
0x7: {  	_ = 	snop  }
__scs_overlays_trampoline_lowered:
0x8: {  	[smem:$0x3FA4] =	sst s0  }
0x9: {  	[smem:$0x3FA5] =	sst s1  }
0xa: {  	[smem:$0x3FA6] =	sst s2  }
0xb: {  	[smem:$0x3FA7] =	sst s3  }
0xc: {  	[smem:$0x3FA8] =	sst s4  }
0xd: {  	[smem:$0x3FA9] =	sst s5  }
0xe: {  	[smem:$0x3FAA] =	sst s6  }
0xf: {  	[smem:$0x3FAB] =	sst s7  }
0x10: {  	[smem:$0x3FAC] =	sst s8  }
0x11: {  	[smem:$0x3FAD] =	sst s9;
	s0 =	simm.s32 @!p0 $0x0  }
0x12: {  	s1 =	sld [smem:$0x3F93];
	s0 =	simm.s32 @p0 $0x1  }
0x13: {  	[smem:$0x3FAE] =	sst s0;
	s0 =	simm.s32 @!p1 $0x0  }
0x14: {  	s2 =	sld [smem:$0x3F92];
	s0 =	simm.s32 @p1 $0x1  }
0x15: {  	[smem:$0x3FAF] =	sst s0;
	s0 =	simm.s32 @!p2 $0x0  }
0x16: {  	s3 =	sld [smem:$0x3FDB];
	s0 =	simm.s32 @p2 $0x1  }
0x17: {  	s4 =	simm.s32 $0x1BF5;
	[smem:$0x3FB1] =	sst s0  }
0x18: {  	s0 =	sld [smem:$0x3F94];
	_ =	swait.ge [sflag:s4], $0x0  }
0x19: {  	s7 =	sld [smem:$0x3F95]  }
0x1a: {  	s8 =	sadd.s32 $0xFFFFE003, lr  }
0x1b: {  	s9 =	sadd.s32 $0xFFFFFEF7, lr;
	s5 =	simm.s32 $0xFFFFFFFF;
	p2 =	slt.u32 s8, $0xFFFFF086  }
0x1c: {  	p1 =	slt.u32 s9, $0xF7A;
	s5 =	simm.s32 @!p2 $0x0  }
0x1d: {  	s5 =	simm.s32 @p1 $0x1;
	p0 =	seq.s32 s7, s2  }
0x1e: {  	s7 =	smul.u32 @!p0 $0xF7A, s2;
	p2 =	seq.s32 @!p0 s5, $0x0  }
0x1f: {  	s9 =	smul.u32 $0xF7A, s1;
	s8 =	simm.s32 @!p0 $0x1BF5;
	p2 =	por !p2, p0  }
0x20: {  	[sflag:s8] =	ssyncset.s32 @!p0 $0xFFFFF086;
	s6 =	sadd.s32 @!p0 s3, s7;
	s7 =	simm.s32 @!p0 $0x108  }
0x21: {  	s3 =	sadd.s32 s3, s9;
	s6 =	sadd.s32 @!p0 $0x88, s6;
	s7 =	simm.s32 @p2 $0x1082  }
0x22: {  	[simem:s7], [sflag:s8] =	dma.local @!p0 [hbm:s6], $0xF7A  }
0x23: {  	s9 =	sor.u32 $0xD0000000, s2;
	s6 =	simm.s32 $0x108;
	_ =	swait.ge @!p0 [sflag:s8], $0x0  }
0x24: {  	s3 =	sadd.s32 $0x88, s3;
	s6 =	simm.s32 @!p1 $0x1082;
	[sflag:s4] =	ssyncset.s32 $0xFFFFF086  }
0x25: {  	[simem:s6], [sflag:s4] =	dma.local [hbm:s3], $0xF7A  }
0x26: {  	[smem:$0x3F95] =	sst s1;
	(tag) =	ssettag s2;
	_ =	strace s9  }
0x27: {  	s1 =	sld [smem:$0x3FA5]  }
0x28: {  	s2 =	sld [smem:$0x3FA6]  }
0x29: {  	s4 =	sld [smem:$0x3FA8]  }
0x2a: {  	p0 =	seq.s32 s5, $0x0;
	s5 =	sld [smem:$0x3FA9]  }
0x2b: {  	s6 =	sld [smem:$0x3FAA]  }
0x2c: {  	s7 =	sld [smem:$0x3FAB]  }
0x2d: {  	s3 =	simm.s32 $0x108;
	s8 =	sld [smem:$0x3FAC]  }
0x2e: {  	s3 =	simm.s32 @!p0 $0x1082;
	s9 =	sld [smem:$0x3FAD]  }
0x2f: {  	lr =	sadd.s32 s0, s3;
	s0 =	sld [smem:$0x3FA4]  }
0x30: {  	s3 =	sld [smem:$0x3FA7]  }
0x31: {  	[smem:$0x3FB0] =	sst s10  }
0x32: {  	s10 =	sld [smem:$0x3FAE];
	_ =	sdelay $0x3  }
0x33: {  	p0 =	seq.s32 s10, $0x1;
	s10 =	sld [smem:$0x3FB0];
	_ =	sdelay $0x3  }
0x34: {  	[smem:$0x3FB0] =	sst s10  }
0x35: {  	s10 =	sld [smem:$0x3FAF];
	_ =	sdelay $0x3  }
0x36: {  	p1 =	seq.s32 s10, $0x1;
	s10 =	sld [smem:$0x3FB0];
	_ =	sdelay $0x3  }
0x37: {  	[smem:$0x3FB0] =	sst s10  }
0x38: {  	s10 =	sld [smem:$0x3FB1]  }
0x39: {  	_ = 	snop;
	(pc) =	sbr.ind lr, $3  }
0x3a: {  	_ = 	snop  }
0x3b: {  	_ = 	snop  }
0x3c: {  	p2 =	seq.s32 s10, $0x1;
	s10 =	sld [smem:$0x3FB0]  }
0x3d: {  	_ =	shalt  }
0x3e: {  	_ =	shalt  }
0x3f: {  	_ =	shalt  }
0x40: {  	_ =	shalt  }
0x41: {  	_ =	shalt  }
0x42: {  	_ =	shalt  }
0x43: {  	_ =	shalt  }
0x44: {  	_ =	shalt  }
0x45: {  	_ =	shalt  }
0x46: {  	_ =	shalt  }
0x47: {  	_ =	shalt  }
0x48: {  	_ =	shalt  }
0x49: {  	_ =	shalt  }
0x4a: {  	_ =	shalt  }
0x4b: {  	_ =	shalt  }
0x4c: {  	_ =	shalt  }
0x4d: {  	_ =	shalt  }
0x4e: {  	_ =	shalt  }
0x4f: {  	_ =	shalt  }
0x50: {  	_ =	shalt  }
0x51: {  	_ =	shalt  }
0x52: {  	_ =	shalt  }
0x53: {  	_ =	shalt  }
0x54: {  	_ =	shalt  }
0x55: {  	_ =	shalt  }
0x56: {  	_ =	shalt  }
0x57: {  	_ =	shalt  }
0x58: {  	_ =	shalt  }
0x59: {  	_ =	shalt  }
0x5a: {  	_ =	shalt  }
0x5b: {  	_ =	shalt  }
0x5c: {  	_ =	shalt  }
0x5d: {  	_ =	shalt  }
0x5e: {  	_ =	shalt  }
0x5f: {  	_ =	shalt  }
0x60: {  	_ =	shalt  }
0x61: {  	_ =	shalt  }
0x62: {  	_ =	shalt  }
0x63: {  	_ =	shalt  }
0x64: {  	_ =	shalt  }
0x65: {  	_ =	shalt  }
0x66: {  	_ =	shalt  }
0x67: {  	_ =	shalt  }
0x68: {  	_ =	shalt  }
0x69: {  	_ =	shalt  }
0x6a: {  	_ =	shalt  }
0x6b: {  	_ =	shalt  }
0x6c: {  	_ =	shalt  }
0x6d: {  	_ =	shalt  }
0x6e: {  	_ =	shalt  }
0x6f: {  	_ =	shalt  }
0x70: {  	_ =	shalt  }
0x71: {  	_ =	shalt  }
0x72: {  	_ =	shalt  }
0x73: {  	_ =	shalt  }
0x74: {  	_ =	shalt  }
0x75: {  	_ =	shalt  }
0x76: {  	_ =	shalt  }
0x77: {  	_ =	shalt  }
0x78: {  	_ =	shalt  }
0x79: {  	_ =	shalt  }
0x7a: {  	_ =	shalt  }
0x7b: {  	_ =	shalt  }
0x7c: {  	_ =	shalt  }
0x7d: {  	_ =	shalt  }
0x7e: {  	_ =	shalt  }
0x7f: {  	_ =	shalt  }
0x80: {  	_ =	shalt  }
0x81: {  	_ =	shalt  }
0x82: {  	_ =	shalt  }
0x83: {  	_ =	shalt  }
0x84: {  	_ =	shalt  }
0x85: {  	_ =	shalt  }
0x86: {  	_ =	shalt  }
0x87: {  	_ =	shalt  }
.Lfunc_end0:
.L_simem_size_0:
called_computation.4_lowered:
.L_overlay_start_0:
0x88: {  	s2 =	sld [smem:$0x3FD9]  }
0x89: {  	s3 =	sld [smem:$0x3FFE];
	_ =	sdelay $0x1  }
0x8a: {  	s1 =	srdreg.scid  }
0x8b: {  	s0 =	sand.u32 $0x1, s1  }
0x8c: {  	s17 =	sshll.u32 s0, $0xA;
	s2 =	sadd.s32 s3, s2  }
0x8d: {  	s2 =	sadd.s32 s2, s17  }
0x8e: {  	[smem:$0x3FBC] =	sst s2  }
0x8f: {  	_ = 	snop  }
0x90: {  	s2 =	sld [smem:$0x3FD0];
	(tm) =	ssettm $0x1  }
0x91: {  	s18 =	sld [smem:$0x3FFB];
	_ =	sdelay $0x3  }
0x92: {  	_ =	strace s18  }
0x93: {  	s3 =	sld [smem:$0x3FFC];
	_ =	sdelay $0x3  }
0x94: {  	_ =	strace s3  }
0x95: {  	s3 =	sld [smem:$0x3FFD];
	_ =	sdelay $0x3  }
0x96: {  	_ =	strace s3  }
0x97: {  	_ =	strace $0x8FFFFFFF  }
0x98: {  	s19 =	sld [smem:$0x3FDB];
	_ =	sdelay $0x1  }
0x99: {  	s4 =	simm.s32 $_scs_section_size  }
0x9a: {  	s5 =	simm.s32 $_size__tile_overlayer_lowered;
	s6 =	simm.s32 $_tile_overlayer_lowered  }
0x9b: {  	s22 =	simm.s32 $0x1BFF;
	s21 =	sshll.u32 s6, $0x1;
	s3 =	sadd.s32 s4, s19  }
0x9c: {  	s7 =	simm.s32 $0x0;
	s20 =	sshll.u32 s5, $0x1;
	s5 =	sadd.s32 s21, s3  }
0x9d: {  	[timem:s7], [sflag:s22] =	dma.local [hbm:s5], s20  }
0x9e: {  	_ =	swait.ge [sflag:s22], s20  }
0x9f: {  	s4 =	ssub.s32 $0x0, s20;
	[sflag:s22] =	ssyncset.done $0x0  }
0xa0: {  	[sflag:s22] =	ssyncadd.s32 s4;
	_ =	sdelay $0x1  }
0xa1: {  	s23 =	simm.s32 $0x1B8B  }
0xa2: {  	_ =	swait.ge [sflag:s23], $0x1  }
0xa3: {  	[sflag:s23] =	ssyncset.done $0x0  }
0xa4: {  	s25 =	simm.s32 $0x1B8E;
	s24 =	sld [smem:$0x3FFE];
	[sflag:s23] =	ssyncadd.s32 $0xFFFFFFFF  }
0xa5: {  	s26 =	simm.s32 $execute0_lowered;
	[smem:$0x3FD2] =	sst s25  }
0xa6: {  	s5 =	sshll.u32 s26, $0x1;
	_ =	strace $0x80000052;
	[dreg:$0x1] =	wrdreg $0xFFFFFFFF  }
0xa7: {  	s28 =	simm.s32 $_size_execute0_lowered;
	s3 =	sadd.s32 s3, s5;
	[dreg:$0x0] =	wrdreg $0x0  }
0xa8: {  	s5 =	sshll.u32 s28, $0x1;
	[dreg:$0x2] =	wrdreg s3  }
0xa9: {  	[dreg:$0x3] =	wrdreg s5  }
0xaa: {  	[dreg:$0x4] =	wrdreg $0xC0  }
0xab: {  	_ =	task [dreg:s7], $0x5FFFF  }
0xac: {  	[dreg:$0x1] =	wrdreg $0xFFFFFFFF  }
0xad: {  	[dreg:$0x0] =	wrdreg $0x60  }
0xae: {  	[dreg:$0x2] =	wrdreg s2  }
0xaf: {  	[dreg:$0x3] =	wrdreg s24  }
0xb0: {  	[dreg:$0x4] =	wrdreg $0xAA000  }
0xb1: {  	[dreg:$0x5] =	wrdreg $0x9  }
0xb2: {  	_ =	task.clear_ibuf [dreg:s7], $0x6FFFF;
	_ =	strace $0x90000052  }
0xb3: {  	s29 =	simm.s32 $0x9;
	_ =	strace $0x80000054  }
0xb4: {  	_ =	swait.ge [sflag:s29], $0x1  }
0xb5: {  	[sflag:s29] =	ssyncadd.s32 $0xFFFFFFFF  }
0xb6: {  	_ =	strace $0x90000054  }
0xb7: {  	_ =	sfence  }
0xb8: {  	s30 =	sld [smem:$0x0];
	_ =	sdelay $0x2  }
0xb9: {  	s31 =	sshll.u32 s1, $0xD;
	s1 =	sshrl.u32 s1, $0x2  }
0xba: {  	s3 =	sand.u32 $0x4000, s31;
	s1 =	sadd.s32 s1, s30  }
0xbb: {  	s0 =	sor.u32 s3, s0;
	s1 =	sshll.u32 s1, $0x11  }
0xbc: {  	s0 =	sor.u32 s1, s0  }
0xbd: {  	s0 =	sadd.s32 $0x8F2B, s0  }
0xbe: {  	[sflag:s0] =	ssyncadd.remote.s32 $0x1  }
0xbf: {  	_ =	sfence.sel $0xFFFF  }
0xc0: {  	[dreg:$0x0] =	wrdreg $0xFFFFFFFF;
	(pc) =	sbr.abs _section_cstart, $3  }
0xc1: {  	[dreg:$0x1] =	wrdreg $0xFFFFFFFF  }
0xc2: {  	_ =	task.clear_ibuf [dreg:s7], $0x2FFFF;
	_ =	strace $0x9FFFFFFF  }
0xc3: {  	(tm) =	ssettm $0x7FFFFFFF  }
tec
execute0_lowered:
.L_overlay_start_1:
0x0: {  	(tag) =	ssettag $0x1  }
0x1: {  	s1 =	rddreg [dreg:$0x0]  }
0x2: {  	s0 =	rddreg [dreg:$0x1]  }
0x3: {  	s3 =	rddreg [dreg:$0x2]  }
0x4: {  	s2 =	srdreg.scid;
	s12 =	stileid.u32  }
0x5: {  	s4 =	simm.s32 $0x0;
	s28 =	simm.s32 $0x3;
	s7 =	smul.u32 $0x14000, s12  }
0x6: {  	s29 =	simm.s32 $0x80;
	s30 =	simm.s32 $0x1;
	s11 =	smul.u32 $0x50000, s12  }
0x7: {  	s31 =	simm.s32 $0x4;
	s2 =	sand.u32 $0x1, s2;
	s14 =	smul.u32 $0x2800, s12  }
0x8: {  	[smem:$0x7FF] =	sst s4;
	s5 =	sshll.u32 s2, $0x4;
	s6 =	smul.u32 $0x140000, s2  }
0x9: {  	s13 =	ssub.s32 $0x2, s2;
	s2 =	smul.u32 $0x28000, s2;
	s5 =	sor.u32 s12, s5  }
0xa: {  	s8 =	sadd.s32 $0x5F000, s0;
	s5 =	smul.u32 $0x2800, s5;
	s6 =	sadd.s32 s7, s6  }
0xb: {  	_ =	strace $0x80000053;
	s10 =	sshrl.u32 s6, $0x3;
	s6 =	sshrl.u32 s11, $0x2  }
0xc: {  	s2 =	sadd.s32 s14, s2;
	s26 =	sshrl.u32 s5, $0x3;
	s5 =	sadd.s32 s6, s3  }
0xd: {  	s21 =	sor.u32 $0x380, s2;
	s25 =	sor.u32 $0x300, s2;
	s15 =	sadd.s32 $0x4000, s5  }
0xe: {  	s6 =	sshrl.u32 s21, $0x3;
	s16 =	sadd.s32 $0x8000, s5;
	[dreg:$0x4] =	wrdreg s15  }
0xf: {  	s21 =	simm.s32 $0x2A00;
	s17 =	sadd.s32 $0xC000, s5;
	[dreg:$0x5] =	wrdreg s16  }
0x10: {  	s9 =	sadd.s32 s26, s0;
	s18 =	sadd.s32 $0x10000, s5;
	[dreg:$0x6] =	wrdreg s17  }
0x11: {  	s0 =	sadd.s32 s10, s0;
	s7 =	sadd.s32 s8, s26;
	[dreg:$0x7] =	wrdreg s18  }
0x12: {  	s10 =	sshrl.u32 s13, $0x1;
	s24 =	sadd.s32 s6, s8;
	[dreg:$0x8] =	wrdreg s7  }
0x13: {  	s26 =	sor.u32 $0x280, s2;
	s19 =	sadd.s32 $0x5000, s9;
	[dreg:$0xf] =	wrdreg s24  }
0x14: {  	s2 =	sor.u32 $0x200, s2;
	s20 =	sadd.s32 $0x10, s7;
	[dreg:$0x9] =	wrdreg s19  }
0x15: {  	s11 =	ssub.s32 s13, s10;
	s22 =	sadd.s32 $0x20, s7;
	[dreg:$0xa] =	wrdreg s20  }
0x16: {  	s7 =	sadd.s32 $0x30, s7;
	s0 =	sadd.s32 $0xF000, s0;
	[dreg:$0xb] =	wrdreg s22  }
0x17: {  	s6 =	sshrl.u32 s26, $0x3;
	s2 =	sshrl.u32 s2, $0x3;
	[dreg:$0xc] =	wrdreg s7  }
0x18: {  	s24 =	simm.s32 $0x2880;
	s26 =	simm.s32 $0x2980;
	[dreg:$0xd] =	wrdreg s0  }
.Ltmp0:
0x19: {  	s23 =	smax.u32 s11, $0x1;
	s0 =	sshrl.u32 s25, $0x3;
	(pc) =	sbr.rel .LBB2_1-.Ltmp0, $4  }
0x1a: {  	s12 =	sadd.s32 s6, s8;
	s11 =	sadd.s32 s2, s8;
	s22 =	simm.s32 $0x7  }
0x1b: {  	s25 =	simm.s32 $0x2900;
	s2 =	simm.s32 $0x2;
	s6 =	simm.s32 $0x5  }
0x1c: {  	s7 =	simm.s32 $0x6;
	[dreg:$0xe] =	wrdreg s23;
	s13 =	sadd.s32 s0, s8  }
0x1d: {  	v0 =	vimm.f32 $0.0e+00;
	s23 =	simm.s32 $0x2800;
	s0 =	simm.s32 $0x6A00;
	s8 =	simm.s32 $0x0  }
.LBB2_6:
0x1e: {  	s9 =	stileid.u32  }
0x1f: {  	[bflag:$0x0] =	sbarrier.arrive $0xFFFF;
	s9 =	sshll.u32 s9, $0x6  }
0x20: {  	s10 =	sshrl.u32 s5, $0x3;
	s14 =	rddreg [dreg:$0xd];
	s9 =	sor.u32 $0x1C07, s9  }
0x21: {  	[hbm:s14], [sflag:s9] =	dma.local [spmem:s10], $0x2800  }
0x22: {  	_ =	swait.ge [sflag:s22], $0x2800  }
0x23: {  	s8 =	sadd.s32 $0x1, s8;
	s20 =	rddreg [dreg:$0xe]  }
0x24: {  	p0 =	sne.s32 s8, s20  }
.Ltmp1:
0x25: {  	_ = 	snop;
	(pc) =	sbr.rel @!p0 .LBB2_7-.Ltmp1, $3  }
0x26: {  	_ =	sdelay $0x1  }
0x27: {  	[sflag:s22] =	ssyncset.done $0x0  }
0x28: {  	[sflag:s22] =	ssyncadd.s32 $0xFFFFD800  }
.LBB2_1:
0x29: {  	s9 =	simm.s32 $0x0;
	s17 =	simm.s32 $0x200  }
.LBB2_2:
0x2a: {  	p0 =	sne.s32 s17, $0xFE00;
	[tilespmem:s9+$0x2A70] =	vst v0  }
0x2b: {  	[tilespmem:s9+$0x2A00] =	vst v0  }
0x2c: {  	[tilespmem:s9+$0x2A10] =	vst v0  }
.Ltmp2:
0x2d: {  	[tilespmem:s9+$0x2A20] =	vst v0;
	(pc) =	sbr.rel @p0 .LBB2_2-.Ltmp2, $4  }
0x2e: {  	[tilespmem:s9+$0x2A30] =	vst v0  }
0x2f: {  	[tilespmem:s9+$0x2A40] =	vst v0  }
0x30: {  	[tilespmem:s9+$0x2A50] =	vst v0  }
0x31: {  	[tilespmem:s9+$0x2A60] =	vst v0;
	s9 =	sshra.s32 s17, $0x2;
	s17 =	sadd.s32 $0x200, s17  }
0x32: {  	[tilespmem:s9+$0x2A70] =	vst v0  }
0x33: {  	[tilespmem:s9+$0x2A00] =	vst v0  }
0x34: {  	[tilespmem:s9+$0x2A10] =	vst v0  }
0x35: {  	[tilespmem:s9+$0x2A20] =	vst v0  }
0x36: {  	[tilespmem:s9+$0x2A30] =	vst v0  }
0x37: {  	[tilespmem:s9+$0x2A40] =	vst v0  }
0x38: {  	[tilespmem:s9+$0x2A50] =	vst v0  }
0x39: {  	[tilespmem:s9+$0x2A60] =	vst v0  }
0x3a: {  	[spmem:s5] =	stream.linear.scatter [tilespmem:s21], [sflag:$0x7], $0x4000, $0x38;
	[tilespmem:$0x1EA00] =	vst v63  }
0x3b: {  	_ =	swait.ge [sflag:s22], $0x4000  }
0x3c: {  	[sflag:s22] =	ssyncset.done $0x0  }
0x3d: {  	s10 =	rddreg [dreg:$0x4];
	[sflag:s22] =	ssyncadd.s32 $0xFFFFC000  }
0x3e: {  	[spmem:s10] =	stream.linear.scatter [tilespmem:s21], [sflag:$0x7], $0x4000, $0x38;
	[tilespmem:$0x1EA00] =	vst v63  }
0x3f: {  	_ =	swait.ge [sflag:s22], $0x4000  }
0x40: {  	[sflag:s22] =	ssyncset.done $0x0  }
0x41: {  	s14 =	rddreg [dreg:$0x5];
	[sflag:s22] =	ssyncadd.s32 $0xFFFFC000  }
0x42: {  	[spmem:s14] =	stream.linear.scatter [tilespmem:s21], [sflag:$0x7], $0x4000, $0x38;
	[tilespmem:$0x1EA00] =	vst v63  }
0x43: {  	_ =	swait.ge [sflag:s22], $0x4000  }
0x44: {  	[sflag:s22] =	ssyncset.done $0x0  }
0x45: {  	s15 =	rddreg [dreg:$0x6];
	[sflag:s22] =	ssyncadd.s32 $0xFFFFC000  }
0x46: {  	[spmem:s15] =	stream.linear.scatter [tilespmem:s21], [sflag:$0x7], $0x4000, $0x38;
	[tilespmem:$0x1EA00] =	vst v63  }
0x47: {  	_ =	swait.ge [sflag:s22], $0x4000  }
0x48: {  	[sflag:s22] =	ssyncset.done $0x0  }
0x49: {  	s16 =	rddreg [dreg:$0x7];
	[sflag:s22] =	ssyncadd.s32 $0xFFFFC000  }
0x4a: {  	[spmem:s16] =	stream.linear.scatter [tilespmem:s21], [sflag:$0x7], $0x4000, $0x38;
	[tilespmem:$0x1EA00] =	vst v63  }
0x4b: {  	_ =	swait.ge [sflag:s22], $0x4000  }
0x4c: {  	[sflag:s22] =	ssyncset.done $0x0  }
0x4d: {  	s9 =	simm.s32 $0x0;
	s10 =	rddreg [dreg:$0x9];
	[sflag:s22] =	ssyncadd.s32 $0xFFFFC000  }
0x4e: {  	[tilespmem:s9], [sflag:$0x7] =	stream.linear.gather [hbm4b:s10+s9], $0x2800, $0x38;
	[tilespmem:$0x1EA00] =	vst v63  }
0x4f: {  	_ =	swait.ge [sflag:s22], $0x2800  }
0x50: {  	[sflag:s22] =	ssyncset.done $0x0  }
0x51: {  	[sflag:s22] =	ssyncadd.s32 $0xFFFFD800  }
0x52: {  	[bflag:$0x0] =	sbarrier.arrive $0xFFFF  }
0x53: {  	s17 =	rddreg [dreg:$0x8]  }
0x54: {  	[tilespmem:s23], [sflag:$0x3] =	stream.linear.gather [hbm4b:s17+s9], $0x80, $0x38;
	[tilespmem:$0x1EA00] =	vst v63  }
0x55: {  	s18 =	rddreg [dreg:$0xa]  }
0x56: {  	[tilespmem:s24], [sflag:$0x4] =	stream.linear.gather [hbm4b:s18+s9], $0x80, $0x38;
	[tilespmem:$0x1EA00] =	vst v63  }
0x57: {  	s19 =	rddreg [dreg:$0xb]  }
0x58: {  	[tilespmem:s25], [sflag:$0x5] =	stream.linear.gather [hbm4b:s19+s9], $0x80, $0x38;
	[tilespmem:$0x1EA00] =	vst v63  }
0x59: {  	s20 =	rddreg [dreg:$0xc]  }
0x5a: {  	[tilespmem:s26], [sflag:$0x6] =	stream.linear.gather [hbm4b:s20+s9], $0x80, $0x38;
	[tilespmem:$0x1EA00] =	vst v63  }
0x5b: {  	_ =	swait.ge [sflag:s28], $0x80  }
0x5c: {  	s18 =	smov.u32 s13;
	s19 =	smov.u32 s12;
	[sflag:s28] =	ssyncset.done $0x0  }
0x5d: {  	s20 =	smov.u32 s11;
	s17 =	rddreg [dreg:$0xf];
	[sflag:s28] =	ssyncadd.s32 $0xFFFFFF80  }
0x5e: {  	[tilespmem:s21], [sflag:$0x1] =	stream.indirect.gather [hbm4b:s1+s29], $0x80, s23, s29, $0xb8;
	[tilespmem:$0x1EA00] =	vst v63  }
.LBB2_4:
0x5f: {  	_ =	swait.ge [sflag:s30], $0x4000  }
0x60: {  	[sflag:s30] =	ssyncset.done $0x0  }
0x61: {  	[sflag:s30] =	ssyncadd.s32 $0xFFFFC000  }
0x62: {  	_ =	swait.ge [sflag:s31], $0x80  }
0x63: {  	[sflag:s31] =	ssyncset.done $0x0  }
0x64: {  	[sflag:s31] =	ssyncadd.s32 $0xFFFFFF80  }
0x65: {  	[tilespmem:s0], [sflag:$0x2] =	stream.indirect.gather [hbm4b:s1+s29], $0x80, s24, s29, $0xb8;
	[tilespmem:$0x1EA00] =	vst v63  }
0x66: {  	s15 =	sshra.s32 s9, $0x2  }
0x67: {  	[spmem:s3] =	stream.indirect.scatter.add.f32 [tilespmem:s21], [sflag:$0x7], $0x80, s15, s29, $0xb8;
	[tilespmem:$0x1EA00] =	vst v63  }
0x68: {  	_ =	swait.ge [sflag:s22], $0x4000  }
0x69: {  	p0 =	seq.s32 s9, $0x9800;
	[sflag:s22] =	ssyncset.done $0x0  }
0x6a: {  	s16 =	simm.s32 @!p0 $0x0;
	s14 =	simm.s32 @!p0 $0x2800;
	[sflag:s22] =	ssyncadd.s32 $0xFFFFC000  }
0x6b: {  	[tilespmem:s14], [sflag:$0x3] =	stream.linear.gather @!p0 [hbm4b:s20+s16], $0x80, $0x38;
	[tilespmem:$0x1EA00] =	vst v63  }
0x6c: {  	_ =	swait.ge [sflag:s2], $0x4000  }
0x6d: {  	[sflag:s2] =	ssyncset.done $0x0  }
0x6e: {  	[sflag:s2] =	ssyncadd.s32 $0xFFFFC000  }
0x6f: {  	_ =	swait.ge [sflag:s6], $0x80  }
0x70: {  	[sflag:s6] =	ssyncset.done $0x0  }
0x71: {  	[sflag:s6] =	ssyncadd.s32 $0xFFFFFF80  }
0x72: {  	[tilespmem:s21], [sflag:$0x1] =	stream.indirect.gather [hbm4b:s1+s29], $0x80, s25, s29, $0xb8;
	[tilespmem:$0x1EA00] =	vst v63  }
0x73: {  	s10 =	sadd.s32 $0x80, s15  }
0x74: {  	[spmem:s3] =	stream.indirect.scatter.add.f32 [tilespmem:s0], [sflag:$0x7], $0x80, s10, s29, $0xb8;
	[tilespmem:$0x1EA00] =	vst v63  }
0x75: {  	_ =	swait.ge [sflag:s22], $0x4000  }
0x76: {  	[sflag:s22] =	ssyncset.done $0x0  }
0x77: {  	s14 =	simm.s32 @!p0 $0x2880;
	[sflag:s22] =	ssyncadd.s32 $0xFFFFC000  }
0x78: {  	[tilespmem:s14], [sflag:$0x4] =	stream.linear.gather @!p0 [hbm4b:s19+s16], $0x80, $0x38;
	[tilespmem:$0x1EA00] =	vst v63  }
0x79: {  	_ =	swait.ge [sflag:s30], $0x4000  }
0x7a: {  	[sflag:s30] =	ssyncset.done $0x0  }
0x7b: {  	[sflag:s30] =	ssyncadd.s32 $0xFFFFC000  }
0x7c: {  	_ =	swait.ge [sflag:s7], $0x80  }
0x7d: {  	[sflag:s7] =	ssyncset.done $0x0  }
0x7e: {  	[sflag:s7] =	ssyncadd.s32 $0xFFFFFF80  }
0x7f: {  	[tilespmem:s0], [sflag:$0x2] =	stream.indirect.gather [hbm4b:s1+s29], $0x80, s26, s29, $0xb8;
	[tilespmem:$0x1EA00] =	vst v63  }
0x80: {  	s10 =	sadd.s32 $0x100, s15  }
0x81: {  	[spmem:s3] =	stream.indirect.scatter.add.f32 [tilespmem:s21], [sflag:$0x7], $0x80, s10, s29, $0xb8;
	[tilespmem:$0x1EA00] =	vst v63  }
0x82: {  	_ =	swait.ge [sflag:s22], $0x4000  }
0x83: {  	p1 =	sne.s32 s9, $0x9800;
	[sflag:s22] =	ssyncset.done $0x0  }
0x84: {  	s14 =	simm.s32 @p1 $0x0;
	s16 =	simm.s32 @p1 $0x2900;
	[sflag:s22] =	ssyncadd.s32 $0xFFFFC000  }
0x85: {  	[tilespmem:s16], [sflag:$0x5] =	stream.linear.gather @p1 [hbm4b:s18+s14], $0x80, $0x38;
	[tilespmem:$0x1EA00] =	vst v63  }
0x86: {  	s14 =	simm.s32 @p1 $0x2  }
0x87: {  	_ =	swait.ge @p1 [sflag:s14], $0x4000  }
0x88: {  	[sflag:s14] =	ssyncset.done @p1 $0x0  }
0x89: {  	[sflag:s14] =	ssyncadd.s32 @p1 $0xFFFFC000;
	s14 =	simm.s32 @p1 $0x3  }
0x8a: {  	_ =	swait.ge @p1 [sflag:s14], $0x80  }
0x8b: {  	s10 =	simm.s32 @p1 $0x2A00;
	[sflag:s14] =	ssyncset.done @p1 $0x0  }
0x8c: {  	s16 =	simm.s32 @p1 $0x2800;
	[sflag:s14] =	ssyncadd.s32 @p1 $0xFFFFFF80;
	s14 =	simm.s32 @p1 $0x80  }
0x8d: {  	[tilespmem:s10], [sflag:$0x1] =	stream.indirect.gather @p1 [hbm4b:s1+s14], $0x80, s16, s14, $0xb8;
	[tilespmem:$0x1EA00] =	vst v63  }
0x8e: {  	s10 =	simm.s32 @!p1 $0x2  }
0x8f: {  	_ =	swait.ge @!p1 [sflag:s10], $0x4000  }
0x90: {  	[sflag:s10] =	ssyncset.done @!p1 $0x0  }
.Ltmp3:
0x91: {  	s16 =	sadd.s32 $0x180, s15;
	[sflag:s10] =	ssyncadd.s32 @!p1 $0xFFFFC000;
	(pc) =	sbr.rel @p0 .LBB2_6-.Ltmp3, $4  }
0x92: {  	[spmem:s3] =	stream.indirect.scatter.add.f32 [tilespmem:s0], [sflag:$0x7], $0x80, s16, s29, $0xb8;
	[tilespmem:$0x1EA00] =	vst v63  }
0x93: {  	_ =	swait.ge [sflag:s22], $0x4000  }
0x94: {  	[sflag:s22] =	ssyncset.done $0x0  }
0x95: {  	[sflag:s22] =	ssyncadd.s32 $0xFFFFC000  }
.Ltmp4:
0x96: {  	(pc) =	sbr.rel .LBB2_4-.Ltmp4, $4  }
0x97: {  	_ = 	snop  }
0x98: {  	[tilespmem:s26], [sflag:$0x6] =	stream.linear.gather [hbm4b:s17+s4], $0x80, $0x38;
	[tilespmem:$0x1EA00] =	vst v63  }
0x99: {  	s9 =	sadd.s32 $0x800, s9;
	s17 =	sadd.s32 $0x40, s17  }
0x9a: {  	s18 =	sadd.s32 $0x40, s18;
	s19 =	sadd.s32 $0x40, s19;
	s20 =	sadd.s32 $0x40, s20  }
.LBB2_7:
0x9b: {  	_ =	sfence.sel $0x180000  }
0x9c: {  	[bflag:$0x0] =	sbarrier.arrive $0xFFFF  }
0x9d: {  	_ =	strace $0x90000053  }
0x9e: {  	s0 =	stileid.u32;
	[bflag:$0x2] =	sbarrier.arrive $0xFFFF  }
0x9f: {  	p0 =	sne.s32 s0, $0x0;
	s0 =	rddreg [dreg:$0x3]  }
0xa0: {  	s0 =	sadd.s32 @!p0 $0x100000, s0  }
0xa1: {  	[sflag:s0] =	ssyncadd.tile.s32 @!p0 $0x1;
	_ =	shalt  }
.Lfunc_end2:
_tile_overlayer_lowered:
.L_overlay_start_2:
0xa2: {  	(tag) =	ssettag $0x2  }
0xa3: {  	s0 =	rddreg [dreg:$0x0];
	s2 =	stileid.u32  }
0xa4: {  	s1 =	rddreg [dreg:$0x1];
	p0 =	sne.s32 s2, $0x0  }
0xa5: {  	s3 =	rddreg [dreg:$0x2];
	[bflag:$0x3] =	sbarrier.arrive $0xFFFF;
	s2 =	simm.s32 @!p0 $0x1C07  }
0xa6: {  	[timem:s3], [sflag:s2] =	dma.local @!p0 [hbm:s0], s1  }
0xa7: {  	s0 =	simm.s32 @!p0 $0x7  }
0xa8: {  	_ =	swait.ge @!p0 [sflag:s0], s1  }
0xa9: {  	s1 =	ssub.s32 @!p0 $0x0, s1;
	[sflag:s0] =	ssyncset.done @!p0 $0x0  }
0xaa: {  	[sflag:s0] =	ssyncadd.s32 @!p0 s1  }
0xab: {  	[bflag:$0x3] =	sbarrier.arrive $0xFFFF  }
0xac: {  	_ =	shalt  }

// kernel: kernel.29.cloned.1.call-start
scs
__scs_entry_jumppad:
0x0: {  	(pc) =	sbr.rel $0x88, $3  }
0x1: {  	(tag) =	ssettag $0x0;
	lr =	simm.s32 $0x1  }
0x2: {  	[smem:$0x3F95] =	sst lr;
	_ =	strace $0xD0000000  }
0x3: {  	_ = 	snop  }
0x4: {  	_ = 	snop  }
0x5: {  	_ = 	snop  }
0x6: {  	_ = 	snop  }
0x7: {  	_ = 	snop  }
__scs_overlays_trampoline_lowered:
0x8: {  	[smem:$0x3FA4] =	sst s0  }
0x9: {  	[smem:$0x3FA5] =	sst s1  }
0xa: {  	[smem:$0x3FA6] =	sst s2  }
0xb: {  	[smem:$0x3FA7] =	sst s3  }
0xc: {  	[smem:$0x3FA8] =	sst s4  }
0xd: {  	[smem:$0x3FA9] =	sst s5  }
0xe: {  	[smem:$0x3FAA] =	sst s6  }
0xf: {  	[smem:$0x3FAB] =	sst s7  }
0x10: {  	[smem:$0x3FAC] =	sst s8  }
0x11: {  	[smem:$0x3FAD] =	sst s9;
	s0 =	simm.s32 @!p0 $0x0  }
0x12: {  	s1 =	sld [smem:$0x3F93];
	s0 =	simm.s32 @p0 $0x1  }
0x13: {  	[smem:$0x3FAE] =	sst s0;
	s0 =	simm.s32 @!p1 $0x0  }
0x14: {  	s2 =	sld [smem:$0x3F92];
	s0 =	simm.s32 @p1 $0x1  }
0x15: {  	[smem:$0x3FAF] =	sst s0;
	s0 =	simm.s32 @!p2 $0x0  }
0x16: {  	s3 =	sld [smem:$0x3FDB];
	s0 =	simm.s32 @p2 $0x1  }
0x17: {  	s4 =	simm.s32 $0x1BF5;
	[smem:$0x3FB1] =	sst s0  }
0x18: {  	s0 =	sld [smem:$0x3F94];
	_ =	swait.ge [sflag:s4], $0x0  }
0x19: {  	s7 =	sld [smem:$0x3F95]  }
0x1a: {  	s8 =	sadd.s32 $0xFFFFE003, lr  }
0x1b: {  	s9 =	sadd.s32 $0xFFFFFEF7, lr;
	s5 =	simm.s32 $0xFFFFFFFF;
	p2 =	slt.u32 s8, $0xFFFFF086  }
0x1c: {  	p1 =	slt.u32 s9, $0xF7A;
	s5 =	simm.s32 @!p2 $0x0  }
0x1d: {  	s5 =	simm.s32 @p1 $0x1;
	p0 =	seq.s32 s7, s2  }
0x1e: {  	s7 =	smul.u32 @!p0 $0xF7A, s2;
	p2 =	seq.s32 @!p0 s5, $0x0  }
0x1f: {  	s9 =	smul.u32 $0xF7A, s1;
	s8 =	simm.s32 @!p0 $0x1BF5;
	p2 =	por !p2, p0  }
0x20: {  	[sflag:s8] =	ssyncset.s32 @!p0 $0xFFFFF086;
	s6 =	sadd.s32 @!p0 s3, s7;
	s7 =	simm.s32 @!p0 $0x108  }
0x21: {  	s3 =	sadd.s32 s3, s9;
	s6 =	sadd.s32 @!p0 $0x88, s6;
	s7 =	simm.s32 @p2 $0x1082  }
0x22: {  	[simem:s7], [sflag:s8] =	dma.local @!p0 [hbm:s6], $0xF7A  }
0x23: {  	s9 =	sor.u32 $0xD0000000, s2;
	s6 =	simm.s32 $0x108;
	_ =	swait.ge @!p0 [sflag:s8], $0x0  }
0x24: {  	s3 =	sadd.s32 $0x88, s3;
	s6 =	simm.s32 @!p1 $0x1082;
	[sflag:s4] =	ssyncset.s32 $0xFFFFF086  }
0x25: {  	[simem:s6], [sflag:s4] =	dma.local [hbm:s3], $0xF7A  }
0x26: {  	[smem:$0x3F95] =	sst s1;
	(tag) =	ssettag s2;
	_ =	strace s9  }
0x27: {  	s1 =	sld [smem:$0x3FA5]  }
0x28: {  	s2 =	sld [smem:$0x3FA6]  }
0x29: {  	s4 =	sld [smem:$0x3FA8]  }
0x2a: {  	p0 =	seq.s32 s5, $0x0;
	s5 =	sld [smem:$0x3FA9]  }
0x2b: {  	s6 =	sld [smem:$0x3FAA]  }
0x2c: {  	s7 =	sld [smem:$0x3FAB]  }
0x2d: {  	s3 =	simm.s32 $0x108;
	s8 =	sld [smem:$0x3FAC]  }
0x2e: {  	s3 =	simm.s32 @!p0 $0x1082;
	s9 =	sld [smem:$0x3FAD]  }
0x2f: {  	lr =	sadd.s32 s0, s3;
	s0 =	sld [smem:$0x3FA4]  }
0x30: {  	s3 =	sld [smem:$0x3FA7]  }
0x31: {  	[smem:$0x3FB0] =	sst s10  }
0x32: {  	s10 =	sld [smem:$0x3FAE];
	_ =	sdelay $0x3  }
0x33: {  	p0 =	seq.s32 s10, $0x1;
	s10 =	sld [smem:$0x3FB0];
	_ =	sdelay $0x3  }
0x34: {  	[smem:$0x3FB0] =	sst s10  }
0x35: {  	s10 =	sld [smem:$0x3FAF];
	_ =	sdelay $0x3  }
0x36: {  	p1 =	seq.s32 s10, $0x1;
	s10 =	sld [smem:$0x3FB0];
	_ =	sdelay $0x3  }
0x37: {  	[smem:$0x3FB0] =	sst s10  }
0x38: {  	s10 =	sld [smem:$0x3FB1]  }
0x39: {  	_ = 	snop;
	(pc) =	sbr.ind lr, $3  }
0x3a: {  	_ = 	snop  }
0x3b: {  	_ = 	snop  }
0x3c: {  	p2 =	seq.s32 s10, $0x1;
	s10 =	sld [smem:$0x3FB0]  }
0x3d: {  	_ =	shalt  }
0x3e: {  	_ =	shalt  }
0x3f: {  	_ =	shalt  }
0x40: {  	_ =	shalt  }
0x41: {  	_ =	shalt  }
0x42: {  	_ =	shalt  }
0x43: {  	_ =	shalt  }
0x44: {  	_ =	shalt  }
0x45: {  	_ =	shalt  }
0x46: {  	_ =	shalt  }
0x47: {  	_ =	shalt  }
0x48: {  	_ =	shalt  }
0x49: {  	_ =	shalt  }
0x4a: {  	_ =	shalt  }
0x4b: {  	_ =	shalt  }
0x4c: {  	_ =	shalt  }
0x4d: {  	_ =	shalt  }
0x4e: {  	_ =	shalt  }
0x4f: {  	_ =	shalt  }
0x50: {  	_ =	shalt  }
0x51: {  	_ =	shalt  }
0x52: {  	_ =	shalt  }
0x53: {  	_ =	shalt  }
0x54: {  	_ =	shalt  }
0x55: {  	_ =	shalt  }
0x56: {  	_ =	shalt  }
0x57: {  	_ =	shalt  }
0x58: {  	_ =	shalt  }
0x59: {  	_ =	shalt  }
0x5a: {  	_ =	shalt  }
0x5b: {  	_ =	shalt  }
0x5c: {  	_ =	shalt  }
0x5d: {  	_ =	shalt  }
0x5e: {  	_ =	shalt  }
0x5f: {  	_ =	shalt  }
0x60: {  	_ =	shalt  }
0x61: {  	_ =	shalt  }
0x62: {  	_ =	shalt  }
0x63: {  	_ =	shalt  }
0x64: {  	_ =	shalt  }
0x65: {  	_ =	shalt  }
0x66: {  	_ =	shalt  }
0x67: {  	_ =	shalt  }
0x68: {  	_ =	shalt  }
0x69: {  	_ =	shalt  }
0x6a: {  	_ =	shalt  }
0x6b: {  	_ =	shalt  }
0x6c: {  	_ =	shalt  }
0x6d: {  	_ =	shalt  }
0x6e: {  	_ =	shalt  }
0x6f: {  	_ =	shalt  }
0x70: {  	_ =	shalt  }
0x71: {  	_ =	shalt  }
0x72: {  	_ =	shalt  }
0x73: {  	_ =	shalt  }
0x74: {  	_ =	shalt  }
0x75: {  	_ =	shalt  }
0x76: {  	_ =	shalt  }
0x77: {  	_ =	shalt  }
0x78: {  	_ =	shalt  }
0x79: {  	_ =	shalt  }
0x7a: {  	_ =	shalt  }
0x7b: {  	_ =	shalt  }
0x7c: {  	_ =	shalt  }
0x7d: {  	_ =	shalt  }
0x7e: {  	_ =	shalt  }
0x7f: {  	_ =	shalt  }
0x80: {  	_ =	shalt  }
0x81: {  	_ =	shalt  }
0x82: {  	_ =	shalt  }
0x83: {  	_ =	shalt  }
0x84: {  	_ =	shalt  }
0x85: {  	_ =	shalt  }
0x86: {  	_ =	shalt  }
0x87: {  	_ =	shalt  }
.Lfunc_end0:
.L_simem_size_0:
called_computation.5_lowered:
.L_overlay_start_0:
0x88: {  	s2 =	sld [smem:$0x3FD9]  }
0x89: {  	s3 =	sld [smem:$0x3FFE];
	_ =	sdelay $0x1  }
0x8a: {  	s1 =	srdreg.scid  }
0x8b: {  	s0 =	sand.u32 $0x1, s1  }
0x8c: {  	s17 =	sshll.u32 s0, $0xA;
	s2 =	sadd.s32 s3, s2  }
0x8d: {  	s2 =	sadd.s32 s2, s17  }
0x8e: {  	[smem:$0x3FBC] =	sst s2  }
0x8f: {  	_ = 	snop  }
0x90: {  	s2 =	sld [smem:$0x3FD0];
	(tm) =	ssettm $0x1  }
0x91: {  	s18 =	sld [smem:$0x3FFB];
	_ =	sdelay $0x3  }
0x92: {  	_ =	strace s18  }
0x93: {  	s3 =	sld [smem:$0x3FFC];
	_ =	sdelay $0x3  }
0x94: {  	_ =	strace s3  }
0x95: {  	s3 =	sld [smem:$0x3FFD];
	_ =	sdelay $0x3  }
0x96: {  	_ =	strace s3  }
0x97: {  	_ =	strace $0x8FFFFFFF  }
0x98: {  	s19 =	sld [smem:$0x3FDB];
	_ =	sdelay $0x1  }
0x99: {  	s4 =	simm.s32 $_scs_section_size  }
0x9a: {  	s5 =	simm.s32 $_size__tile_overlayer_lowered;
	s6 =	simm.s32 $_tile_overlayer_lowered  }
0x9b: {  	s22 =	simm.s32 $0x1BFF;
	s21 =	sshll.u32 s6, $0x1;
	s3 =	sadd.s32 s4, s19  }
0x9c: {  	s7 =	simm.s32 $0x0;
	s20 =	sshll.u32 s5, $0x1;
	s5 =	sadd.s32 s21, s3  }
0x9d: {  	[timem:s7], [sflag:s22] =	dma.local [hbm:s5], s20  }
0x9e: {  	_ =	swait.ge [sflag:s22], s20  }
0x9f: {  	s4 =	ssub.s32 $0x0, s20;
	[sflag:s22] =	ssyncset.done $0x0  }
0xa0: {  	[sflag:s22] =	ssyncadd.s32 s4;
	_ =	sdelay $0x1  }
0xa1: {  	s23 =	simm.s32 $0x1B8B  }
0xa2: {  	_ =	swait.ge [sflag:s23], $0x1  }
0xa3: {  	[sflag:s23] =	ssyncset.done $0x0  }
0xa4: {  	s25 =	simm.s32 $0x1B8E;
	s24 =	sld [smem:$0x3FFE];
	[sflag:s23] =	ssyncadd.s32 $0xFFFFFFFF  }
0xa5: {  	s26 =	simm.s32 $execute0_lowered;
	[smem:$0x3FD2] =	sst s25  }
0xa6: {  	s5 =	sshll.u32 s26, $0x1;
	_ =	strace $0x80000055;
	[dreg:$0x1] =	wrdreg $0xFFFFFFFF  }
0xa7: {  	s28 =	simm.s32 $_size_execute0_lowered;
	s3 =	sadd.s32 s3, s5;
	[dreg:$0x0] =	wrdreg $0x0  }
0xa8: {  	s5 =	sshll.u32 s28, $0x1;
	[dreg:$0x2] =	wrdreg s3  }
0xa9: {  	[dreg:$0x3] =	wrdreg s5  }
0xaa: {  	[dreg:$0x4] =	wrdreg $0xC0  }
0xab: {  	_ =	task [dreg:s7], $0x5FFFF  }
0xac: {  	[dreg:$0x1] =	wrdreg $0xFFFFFFFF  }
0xad: {  	[dreg:$0x0] =	wrdreg $0x60  }
0xae: {  	[dreg:$0x2] =	wrdreg s2  }
0xaf: {  	[dreg:$0x3] =	wrdreg s24  }
0xb0: {  	[dreg:$0x4] =	wrdreg $0xAA000  }
0xb1: {  	[dreg:$0x5] =	wrdreg $0x9  }
0xb2: {  	_ =	task.clear_ibuf [dreg:s7], $0x6FFFF;
	_ =	strace $0x90000055  }
0xb3: {  	s29 =	simm.s32 $0x9;
	_ =	strace $0x80000057  }
0xb4: {  	_ =	swait.ge [sflag:s29], $0x1  }
0xb5: {  	[sflag:s29] =	ssyncadd.s32 $0xFFFFFFFF  }
0xb6: {  	_ =	strace $0x90000057  }
0xb7: {  	_ =	sfence  }
0xb8: {  	s30 =	sld [smem:$0x0];
	_ =	sdelay $0x2  }
0xb9: {  	s31 =	sshll.u32 s1, $0xD;
	s1 =	sshrl.u32 s1, $0x2  }
0xba: {  	s3 =	sand.u32 $0x4000, s31;
	s1 =	sadd.s32 s1, s30  }
0xbb: {  	s0 =	sor.u32 s3, s0;
	s1 =	sshll.u32 s1, $0x11  }
0xbc: {  	s0 =	sor.u32 s1, s0  }
0xbd: {  	s0 =	sadd.s32 $0x8F2B, s0  }
0xbe: {  	[sflag:s0] =	ssyncadd.remote.s32 $0x1  }
0xbf: {  	_ =	sfence.sel $0xFFFF  }
0xc0: {  	[dreg:$0x0] =	wrdreg $0xFFFFFFFF;
	(pc) =	sbr.abs _section_cstart, $3  }
0xc1: {  	[dreg:$0x1] =	wrdreg $0xFFFFFFFF  }
0xc2: {  	_ =	task.clear_ibuf [dreg:s7], $0x2FFFF;
	_ =	strace $0x9FFFFFFF  }
0xc3: {  	(tm) =	ssettm $0x7FFFFFFF  }
tec
execute0_lowered:
.L_overlay_start_1:
0x0: {  	(tag) =	ssettag $0x1  }
0x1: {  	s1 =	rddreg [dreg:$0x0]  }
0x2: {  	s0 =	rddreg [dreg:$0x1]  }
0x3: {  	s3 =	rddreg [dreg:$0x2]  }
0x4: {  	s2 =	srdreg.scid;
	s12 =	stileid.u32  }
0x5: {  	s4 =	simm.s32 $0x0;
	s28 =	simm.s32 $0x3;
	s7 =	smul.u32 $0x14000, s12  }
0x6: {  	s29 =	simm.s32 $0x80;
	s30 =	simm.s32 $0x1;
	s11 =	smul.u32 $0x50000, s12  }
0x7: {  	s31 =	simm.s32 $0x4;
	s2 =	sand.u32 $0x1, s2;
	s14 =	smul.u32 $0x2800, s12  }
0x8: {  	[smem:$0x7FF] =	sst s4;
	s5 =	sshll.u32 s2, $0x4;
	s6 =	smul.u32 $0x140000, s2  }
0x9: {  	s13 =	ssub.s32 $0x2, s2;
	s2 =	smul.u32 $0x28000, s2;
	s5 =	sor.u32 s12, s5  }
0xa: {  	s8 =	sadd.s32 $0x5F000, s0;
	s5 =	smul.u32 $0x2800, s5;
	s6 =	sadd.s32 s7, s6  }
0xb: {  	_ =	strace $0x80000056;
	s10 =	sshrl.u32 s6, $0x3;
	s6 =	sshrl.u32 s11, $0x2  }
0xc: {  	s2 =	sadd.s32 s14, s2;
	s26 =	sshrl.u32 s5, $0x3;
	s5 =	sadd.s32 s6, s3  }
0xd: {  	s21 =	sor.u32 $0x380, s2;
	s25 =	sor.u32 $0x300, s2;
	s15 =	sadd.s32 $0x4000, s5  }
0xe: {  	s6 =	sshrl.u32 s21, $0x3;
	s16 =	sadd.s32 $0x8000, s5;
	[dreg:$0x4] =	wrdreg s15  }
0xf: {  	s21 =	simm.s32 $0x2A00;
	s17 =	sadd.s32 $0xC000, s5;
	[dreg:$0x5] =	wrdreg s16  }
0x10: {  	s9 =	sadd.s32 s26, s0;
	s18 =	sadd.s32 $0x10000, s5;
	[dreg:$0x6] =	wrdreg s17  }
0x11: {  	s0 =	sadd.s32 s10, s0;
	s7 =	sadd.s32 s8, s26;
	[dreg:$0x7] =	wrdreg s18  }
0x12: {  	s10 =	sshrl.u32 s13, $0x1;
	s24 =	sadd.s32 s6, s8;
	[dreg:$0x8] =	wrdreg s7  }
0x13: {  	s26 =	sor.u32 $0x280, s2;
	s19 =	sadd.s32 $0x5000, s9;
	[dreg:$0xf] =	wrdreg s24  }
0x14: {  	s2 =	sor.u32 $0x200, s2;
	s20 =	sadd.s32 $0x10, s7;
	[dreg:$0x9] =	wrdreg s19  }
0x15: {  	s11 =	ssub.s32 s13, s10;
	s22 =	sadd.s32 $0x20, s7;
	[dreg:$0xa] =	wrdreg s20  }
0x16: {  	s7 =	sadd.s32 $0x30, s7;
	s0 =	sadd.s32 $0xF000, s0;
	[dreg:$0xb] =	wrdreg s22  }
0x17: {  	s6 =	sshrl.u32 s26, $0x3;
	s2 =	sshrl.u32 s2, $0x3;
	[dreg:$0xc] =	wrdreg s7  }
0x18: {  	s24 =	simm.s32 $0x2880;
	s26 =	simm.s32 $0x2980;
	[dreg:$0xd] =	wrdreg s0  }
.Ltmp0:
0x19: {  	s23 =	smax.u32 s11, $0x1;
	s0 =	sshrl.u32 s25, $0x3;
	(pc) =	sbr.rel .LBB2_1-.Ltmp0, $4  }
0x1a: {  	s12 =	sadd.s32 s6, s8;
	s11 =	sadd.s32 s2, s8;
	s22 =	simm.s32 $0x7  }
0x1b: {  	s25 =	simm.s32 $0x2900;
	s2 =	simm.s32 $0x2;
	s6 =	simm.s32 $0x5  }
0x1c: {  	s7 =	simm.s32 $0x6;
	[dreg:$0xe] =	wrdreg s23;
	s13 =	sadd.s32 s0, s8  }
0x1d: {  	v0 =	vimm.f32 $0.0e+00;
	s23 =	simm.s32 $0x2800;
	s0 =	simm.s32 $0x6A00;
	s8 =	simm.s32 $0x0  }
.LBB2_6:
0x1e: {  	s9 =	stileid.u32  }
0x1f: {  	[bflag:$0x0] =	sbarrier.arrive $0xFFFF;
	s9 =	sshll.u32 s9, $0x6  }
0x20: {  	s10 =	sshrl.u32 s5, $0x3;
	s14 =	rddreg [dreg:$0xd];
	s9 =	sor.u32 $0x1C07, s9  }
0x21: {  	[hbm:s14], [sflag:s9] =	dma.local [spmem:s10], $0x2800  }
0x22: {  	_ =	swait.ge [sflag:s22], $0x2800  }
0x23: {  	s8 =	sadd.s32 $0x1, s8;
	s20 =	rddreg [dreg:$0xe]  }
0x24: {  	p0 =	sne.s32 s8, s20  }
.Ltmp1:
0x25: {  	_ = 	snop;
	(pc) =	sbr.rel @!p0 .LBB2_7-.Ltmp1, $3  }
0x26: {  	_ =	sdelay $0x1  }
0x27: {  	[sflag:s22] =	ssyncset.done $0x0  }
0x28: {  	[sflag:s22] =	ssyncadd.s32 $0xFFFFD800  }
.LBB2_1:
0x29: {  	s9 =	simm.s32 $0x0;
	s17 =	simm.s32 $0x200  }
.LBB2_2:
0x2a: {  	p0 =	sne.s32 s17, $0xFE00;
	[tilespmem:s9+$0x2A70] =	vst v0  }
0x2b: {  	[tilespmem:s9+$0x2A00] =	vst v0  }
0x2c: {  	[tilespmem:s9+$0x2A10] =	vst v0  }
.Ltmp2:
0x2d: {  	[tilespmem:s9+$0x2A20] =	vst v0;
	(pc) =	sbr.rel @p0 .LBB2_2-.Ltmp2, $4  }
0x2e: {  	[tilespmem:s9+$0x2A30] =	vst v0  }
0x2f: {  	[tilespmem:s9+$0x2A40] =	vst v0  }
0x30: {  	[tilespmem:s9+$0x2A50] =	vst v0  }
0x31: {  	[tilespmem:s9+$0x2A60] =	vst v0;
	s9 =	sshra.s32 s17, $0x2;
	s17 =	sadd.s32 $0x200, s17  }
0x32: {  	[tilespmem:s9+$0x2A70] =	vst v0  }
0x33: {  	[tilespmem:s9+$0x2A00] =	vst v0  }
0x34: {  	[tilespmem:s9+$0x2A10] =	vst v0  }
0x35: {  	[tilespmem:s9+$0x2A20] =	vst v0  }
0x36: {  	[tilespmem:s9+$0x2A30] =	vst v0  }
0x37: {  	[tilespmem:s9+$0x2A40] =	vst v0  }
0x38: {  	[tilespmem:s9+$0x2A50] =	vst v0  }
0x39: {  	[tilespmem:s9+$0x2A60] =	vst v0  }
0x3a: {  	[spmem:s5] =	stream.linear.scatter [tilespmem:s21], [sflag:$0x7], $0x4000, $0x38;
	[tilespmem:$0x1EA00] =	vst v63  }
0x3b: {  	_ =	swait.ge [sflag:s22], $0x4000  }
0x3c: {  	[sflag:s22] =	ssyncset.done $0x0  }
0x3d: {  	s10 =	rddreg [dreg:$0x4];
	[sflag:s22] =	ssyncadd.s32 $0xFFFFC000  }
0x3e: {  	[spmem:s10] =	stream.linear.scatter [tilespmem:s21], [sflag:$0x7], $0x4000, $0x38;
	[tilespmem:$0x1EA00] =	vst v63  }
0x3f: {  	_ =	swait.ge [sflag:s22], $0x4000  }
0x40: {  	[sflag:s22] =	ssyncset.done $0x0  }
0x41: {  	s14 =	rddreg [dreg:$0x5];
	[sflag:s22] =	ssyncadd.s32 $0xFFFFC000  }
0x42: {  	[spmem:s14] =	stream.linear.scatter [tilespmem:s21], [sflag:$0x7], $0x4000, $0x38;
	[tilespmem:$0x1EA00] =	vst v63  }
0x43: {  	_ =	swait.ge [sflag:s22], $0x4000  }
0x44: {  	[sflag:s22] =	ssyncset.done $0x0  }
0x45: {  	s15 =	rddreg [dreg:$0x6];
	[sflag:s22] =	ssyncadd.s32 $0xFFFFC000  }
0x46: {  	[spmem:s15] =	stream.linear.scatter [tilespmem:s21], [sflag:$0x7], $0x4000, $0x38;
	[tilespmem:$0x1EA00] =	vst v63  }
0x47: {  	_ =	swait.ge [sflag:s22], $0x4000  }
0x48: {  	[sflag:s22] =	ssyncset.done $0x0  }
0x49: {  	s16 =	rddreg [dreg:$0x7];
	[sflag:s22] =	ssyncadd.s32 $0xFFFFC000  }
0x4a: {  	[spmem:s16] =	stream.linear.scatter [tilespmem:s21], [sflag:$0x7], $0x4000, $0x38;
	[tilespmem:$0x1EA00] =	vst v63  }
0x4b: {  	_ =	swait.ge [sflag:s22], $0x4000  }
0x4c: {  	[sflag:s22] =	ssyncset.done $0x0  }
0x4d: {  	s9 =	simm.s32 $0x0;
	s10 =	rddreg [dreg:$0x9];
	[sflag:s22] =	ssyncadd.s32 $0xFFFFC000  }
0x4e: {  	[tilespmem:s9], [sflag:$0x7] =	stream.linear.gather [hbm4b:s10+s9], $0x2800, $0x38;
	[tilespmem:$0x1EA00] =	vst v63  }
0x4f: {  	_ =	swait.ge [sflag:s22], $0x2800  }
0x50: {  	[sflag:s22] =	ssyncset.done $0x0  }
0x51: {  	[sflag:s22] =	ssyncadd.s32 $0xFFFFD800  }
0x52: {  	[bflag:$0x0] =	sbarrier.arrive $0xFFFF  }
0x53: {  	s17 =	rddreg [dreg:$0x8]  }
0x54: {  	[tilespmem:s23], [sflag:$0x3] =	stream.linear.gather [hbm4b:s17+s9], $0x80, $0x38;
	[tilespmem:$0x1EA00] =	vst v63  }
0x55: {  	s18 =	rddreg [dreg:$0xa]  }
0x56: {  	[tilespmem:s24], [sflag:$0x4] =	stream.linear.gather [hbm4b:s18+s9], $0x80, $0x38;
	[tilespmem:$0x1EA00] =	vst v63  }
0x57: {  	s19 =	rddreg [dreg:$0xb]  }
0x58: {  	[tilespmem:s25], [sflag:$0x5] =	stream.linear.gather [hbm4b:s19+s9], $0x80, $0x38;
	[tilespmem:$0x1EA00] =	vst v63  }
0x59: {  	s20 =	rddreg [dreg:$0xc]  }
0x5a: {  	[tilespmem:s26], [sflag:$0x6] =	stream.linear.gather [hbm4b:s20+s9], $0x80, $0x38;
	[tilespmem:$0x1EA00] =	vst v63  }
0x5b: {  	_ =	swait.ge [sflag:s28], $0x80  }
0x5c: {  	s18 =	smov.u32 s13;
	s19 =	smov.u32 s12;
	[sflag:s28] =	ssyncset.done $0x0  }
0x5d: {  	s20 =	smov.u32 s11;
	s17 =	rddreg [dreg:$0xf];
	[sflag:s28] =	ssyncadd.s32 $0xFFFFFF80  }
0x5e: {  	[tilespmem:s21], [sflag:$0x1] =	stream.indirect.gather [hbm4b:s1+s29], $0x80, s23, s29, $0xb8;
	[tilespmem:$0x1EA00] =	vst v63  }
.LBB2_4:
0x5f: {  	_ =	swait.ge [sflag:s30], $0x4000  }
0x60: {  	[sflag:s30] =	ssyncset.done $0x0  }
0x61: {  	[sflag:s30] =	ssyncadd.s32 $0xFFFFC000  }
0x62: {  	_ =	swait.ge [sflag:s31], $0x80  }
0x63: {  	[sflag:s31] =	ssyncset.done $0x0  }
0x64: {  	[sflag:s31] =	ssyncadd.s32 $0xFFFFFF80  }
0x65: {  	[tilespmem:s0], [sflag:$0x2] =	stream.indirect.gather [hbm4b:s1+s29], $0x80, s24, s29, $0xb8;
	[tilespmem:$0x1EA00] =	vst v63  }
0x66: {  	s15 =	sshra.s32 s9, $0x2  }
0x67: {  	[spmem:s3] =	stream.indirect.scatter.add.f32 [tilespmem:s21], [sflag:$0x7], $0x80, s15, s29, $0xb8;
	[tilespmem:$0x1EA00] =	vst v63  }
0x68: {  	_ =	swait.ge [sflag:s22], $0x4000  }
0x69: {  	p0 =	seq.s32 s9, $0x9800;
	[sflag:s22] =	ssyncset.done $0x0  }
0x6a: {  	s16 =	simm.s32 @!p0 $0x0;
	s14 =	simm.s32 @!p0 $0x2800;
	[sflag:s22] =	ssyncadd.s32 $0xFFFFC000  }
0x6b: {  	[tilespmem:s14], [sflag:$0x3] =	stream.linear.gather @!p0 [hbm4b:s20+s16], $0x80, $0x38;
	[tilespmem:$0x1EA00] =	vst v63  }
0x6c: {  	_ =	swait.ge [sflag:s2], $0x4000  }
0x6d: {  	[sflag:s2] =	ssyncset.done $0x0  }
0x6e: {  	[sflag:s2] =	ssyncadd.s32 $0xFFFFC000  }
0x6f: {  	_ =	swait.ge [sflag:s6], $0x80  }
0x70: {  	[sflag:s6] =	ssyncset.done $0x0  }
0x71: {  	[sflag:s6] =	ssyncadd.s32 $0xFFFFFF80  }
0x72: {  	[tilespmem:s21], [sflag:$0x1] =	stream.indirect.gather [hbm4b:s1+s29], $0x80, s25, s29, $0xb8;
	[tilespmem:$0x1EA00] =	vst v63  }
0x73: {  	s10 =	sadd.s32 $0x80, s15  }
0x74: {  	[spmem:s3] =	stream.indirect.scatter.add.f32 [tilespmem:s0], [sflag:$0x7], $0x80, s10, s29, $0xb8;
	[tilespmem:$0x1EA00] =	vst v63  }
0x75: {  	_ =	swait.ge [sflag:s22], $0x4000  }
0x76: {  	[sflag:s22] =	ssyncset.done $0x0  }
0x77: {  	s14 =	simm.s32 @!p0 $0x2880;
	[sflag:s22] =	ssyncadd.s32 $0xFFFFC000  }
0x78: {  	[tilespmem:s14], [sflag:$0x4] =	stream.linear.gather @!p0 [hbm4b:s19+s16], $0x80, $0x38;
	[tilespmem:$0x1EA00] =	vst v63  }
0x79: {  	_ =	swait.ge [sflag:s30], $0x4000  }
0x7a: {  	[sflag:s30] =	ssyncset.done $0x0  }
0x7b: {  	[sflag:s30] =	ssyncadd.s32 $0xFFFFC000  }
0x7c: {  	_ =	swait.ge [sflag:s7], $0x80  }
0x7d: {  	[sflag:s7] =	ssyncset.done $0x0  }
0x7e: {  	[sflag:s7] =	ssyncadd.s32 $0xFFFFFF80  }
0x7f: {  	[tilespmem:s0], [sflag:$0x2] =	stream.indirect.gather [hbm4b:s1+s29], $0x80, s26, s29, $0xb8;
	[tilespmem:$0x1EA00] =	vst v63  }
0x80: {  	s10 =	sadd.s32 $0x100, s15  }
0x81: {  	[spmem:s3] =	stream.indirect.scatter.add.f32 [tilespmem:s21], [sflag:$0x7], $0x80, s10, s29, $0xb8;
	[tilespmem:$0x1EA00] =	vst v63  }
0x82: {  	_ =	swait.ge [sflag:s22], $0x4000  }
0x83: {  	p1 =	sne.s32 s9, $0x9800;
	[sflag:s22] =	ssyncset.done $0x0  }
0x84: {  	s14 =	simm.s32 @p1 $0x0;
	s16 =	simm.s32 @p1 $0x2900;
	[sflag:s22] =	ssyncadd.s32 $0xFFFFC000  }
0x85: {  	[tilespmem:s16], [sflag:$0x5] =	stream.linear.gather @p1 [hbm4b:s18+s14], $0x80, $0x38;
	[tilespmem:$0x1EA00] =	vst v63  }
0x86: {  	s14 =	simm.s32 @p1 $0x2  }
0x87: {  	_ =	swait.ge @p1 [sflag:s14], $0x4000  }
0x88: {  	[sflag:s14] =	ssyncset.done @p1 $0x0  }
0x89: {  	[sflag:s14] =	ssyncadd.s32 @p1 $0xFFFFC000;
	s14 =	simm.s32 @p1 $0x3  }
0x8a: {  	_ =	swait.ge @p1 [sflag:s14], $0x80  }
0x8b: {  	s10 =	simm.s32 @p1 $0x2A00;
	[sflag:s14] =	ssyncset.done @p1 $0x0  }
0x8c: {  	s16 =	simm.s32 @p1 $0x2800;
	[sflag:s14] =	ssyncadd.s32 @p1 $0xFFFFFF80;
	s14 =	simm.s32 @p1 $0x80  }
0x8d: {  	[tilespmem:s10], [sflag:$0x1] =	stream.indirect.gather @p1 [hbm4b:s1+s14], $0x80, s16, s14, $0xb8;
	[tilespmem:$0x1EA00] =	vst v63  }
0x8e: {  	s10 =	simm.s32 @!p1 $0x2  }
0x8f: {  	_ =	swait.ge @!p1 [sflag:s10], $0x4000  }
0x90: {  	[sflag:s10] =	ssyncset.done @!p1 $0x0  }
.Ltmp3:
0x91: {  	s16 =	sadd.s32 $0x180, s15;
	[sflag:s10] =	ssyncadd.s32 @!p1 $0xFFFFC000;
	(pc) =	sbr.rel @p0 .LBB2_6-.Ltmp3, $4  }
0x92: {  	[spmem:s3] =	stream.indirect.scatter.add.f32 [tilespmem:s0], [sflag:$0x7], $0x80, s16, s29, $0xb8;
	[tilespmem:$0x1EA00] =	vst v63  }
0x93: {  	_ =	swait.ge [sflag:s22], $0x4000  }
0x94: {  	[sflag:s22] =	ssyncset.done $0x0  }
0x95: {  	[sflag:s22] =	ssyncadd.s32 $0xFFFFC000  }
.Ltmp4:
0x96: {  	(pc) =	sbr.rel .LBB2_4-.Ltmp4, $4  }
0x97: {  	_ = 	snop  }
0x98: {  	[tilespmem:s26], [sflag:$0x6] =	stream.linear.gather [hbm4b:s17+s4], $0x80, $0x38;
	[tilespmem:$0x1EA00] =	vst v63  }
0x99: {  	s9 =	sadd.s32 $0x800, s9;
	s17 =	sadd.s32 $0x40, s17  }
0x9a: {  	s18 =	sadd.s32 $0x40, s18;
	s19 =	sadd.s32 $0x40, s19;
	s20 =	sadd.s32 $0x40, s20  }
.LBB2_7:
0x9b: {  	_ =	sfence.sel $0x180000  }
0x9c: {  	[bflag:$0x0] =	sbarrier.arrive $0xFFFF  }
0x9d: {  	_ =	strace $0x90000056  }
0x9e: {  	s0 =	stileid.u32;
	[bflag:$0x2] =	sbarrier.arrive $0xFFFF  }
0x9f: {  	p0 =	sne.s32 s0, $0x0;
	s0 =	rddreg [dreg:$0x3]  }
0xa0: {  	s0 =	sadd.s32 @!p0 $0x100000, s0  }
0xa1: {  	[sflag:s0] =	ssyncadd.tile.s32 @!p0 $0x1;
	_ =	shalt  }
.Lfunc_end2:
_tile_overlayer_lowered:
.L_overlay_start_2:
0xa2: {  	(tag) =	ssettag $0x2  }
0xa3: {  	s0 =	rddreg [dreg:$0x0];
	s2 =	stileid.u32  }
0xa4: {  	s1 =	rddreg [dreg:$0x1];
	p0 =	sne.s32 s2, $0x0  }
0xa5: {  	s3 =	rddreg [dreg:$0x2];
	[bflag:$0x3] =	sbarrier.arrive $0xFFFF;
	s2 =	simm.s32 @!p0 $0x1C07  }
0xa6: {  	[timem:s3], [sflag:s2] =	dma.local @!p0 [hbm:s0], s1  }
0xa7: {  	s0 =	simm.s32 @!p0 $0x7  }
0xa8: {  	_ =	swait.ge @!p0 [sflag:s0], s1  }
0xa9: {  	s1 =	ssub.s32 @!p0 $0x0, s1;
	[sflag:s0] =	ssyncset.done @!p0 $0x0  }
0xaa: {  	[sflag:s0] =	ssyncadd.s32 @!p0 s1  }
0xab: {  	[bflag:$0x3] =	sbarrier.arrive $0xFFFF  }
0xac: {  	_ =	shalt  }

</sc_bundles>
